<compile_context>
chip_gen: v7x
topology: tpu7x:2x2x1
jax: 0.10.2.dev20260603
libtpu: 0.0.44.dev20260713+nightly
codegen_flags: <defaults>
</compile_context>

<pallas_src>
import functools

import jax
import jax.numpy as jnp
from jax import lax
from jax.experimental import pallas as pl
from jax.experimental.pallas import tpu as pltpu
from jax.experimental.pallas import tpu_sc as plsc

_NS = 4
_LG = 8
_GW = 256
_ROWS = 8 * 2048
_COLS = _LG * _GW
_OUTW = _NS * _LG

_NC = 2
_NSUB = 16
_NW = _NC * _NSUB
_ROWS_PER_W = _ROWS // _NW
_CHUNK = 16
_NCHUNK = _ROWS_PER_W // _CHUNK
_ILP = 4
_SPAN = _GW // _ILP


def _insert(m, x):
    m0, m1, m2, m3 = m
    t0 = jnp.minimum(m0, x)
    m0 = jnp.maximum(m0, x)
    t1 = jnp.minimum(m1, t0)
    m1 = jnp.maximum(m1, t0)
    t2 = jnp.minimum(m2, t1)
    m2 = jnp.maximum(m2, t1)
    m3 = jnp.maximum(m3, t2)
    return (m0, m1, m2, m3)


def _merge4(a, b):
    a0, a1, a2, a3 = a
    b0, b1, b2, b3 = b
    c0 = jnp.maximum(a0, b0)
    c1 = jnp.maximum(jnp.maximum(a1, b1), jnp.minimum(a0, b0))
    c2 = jnp.maximum(
        jnp.maximum(a2, b2),
        jnp.maximum(jnp.minimum(a1, b0), jnp.minimum(a0, b1)),
    )
    c3 = jnp.maximum(
        jnp.maximum(a3, b3),
        jnp.maximum(
            jnp.minimum(a2, b0),
            jnp.maximum(jnp.minimum(a1, b1), jnp.minimum(a0, b2)),
        ),
    )
    return (c0, c1, c2, c3)


_UNROLL = 4


_WPB = 2048 // _ROWS_PER_W


def _body(in_hbm, out_hbm, buf0, buf1, obuf, sem0, sem1):
    wid = lax.axis_index("s") * _NC + lax.axis_index("c")
    b = wid // _WPB
    r0 = (wid % _WPB) * _ROWS_PER_W
    rows_iota = lax.broadcasted_iota(jnp.int32, (16,), 0)
    neg = jnp.full((16,), -jnp.inf, jnp.float32)

    def in_slice(c):
        return in_hbm.at[b, pl.ds(r0 + c * _CHUNK, _CHUNK)]

    def compute_chunk(buf, c):
        orow = c * _CHUNK
        for g in range(_LG):
            g0 = g * _GW

            def elem_body(j, ms):
                off = (rows_iota ^ j) & (_SPAN - 1)
                col = g0 + off
                out = []
                for s in range(_ILP):
                    x = plsc.load_gather(buf, [rows_iota, col + (s * _SPAN)])
                    out.append(_insert(ms[s], x))
                return tuple(out)

            init = tuple((neg, neg, neg, neg) for _ in range(_ILP))
            ms = plsc.parallel_loop(
                0, _SPAN, 1, unroll=_UNROLL, carry=init)(elem_body)
            ms = list(ms)
            while len(ms) > 1:
                ms = [_merge4(ms[i], ms[i + 1])
                      for i in range(0, len(ms), 2)]
            m = ms[0]
            for k in range(_NS):
                plsc.store_scatter(
                    obuf,
                    [(rows_iota + orow) * _OUTW + (g * _NS + k)],
                    m[k])

    pltpu.async_copy(in_slice(0), buf0, sem0)

    def loop_body(t, carry):
        c0 = 2 * t
        pltpu.async_copy(in_slice(c0 + 1), buf1, sem1)
        pltpu.make_async_copy(in_slice(c0), buf0, sem0).wait()
        compute_chunk(buf0, c0)

        @pl.when(t < _NCHUNK // 2 - 1)
        def _():
            pltpu.async_copy(in_slice(c0 + 2), buf0, sem0)

        pltpu.make_async_copy(in_slice(c0 + 1), buf1, sem1).wait()
        compute_chunk(buf1, c0 + 1)
        return carry

    lax.fori_loop(0, _NCHUNK // 2, loop_body, 0)
    row0 = b * 2048 + r0
    pltpu.sync_copy(
        obuf, out_hbm.at[pl.ds(row0 * _OUTW, _ROWS_PER_W * _OUTW)])


@functools.cache
def _sc_call():
    return pl.kernel(
        _body,
        out_type=jax.ShapeDtypeStruct((_ROWS * _OUTW,), jnp.float32),
        mesh=plsc.VectorSubcoreMesh(
            core_axis_name="c", subcore_axis_name="s",
            num_cores=_NC, num_subcores=_NSUB,
        ),
        scratch_types=[
            pltpu.VMEM((_CHUNK, _COLS), jnp.float32),
            pltpu.VMEM((_CHUNK, _COLS), jnp.float32),
            pltpu.VMEM((_ROWS_PER_W * _OUTW,), jnp.float32),
            pltpu.SemaphoreType.DMA,
            pltpu.SemaphoreType.DMA,
        ],
        compiler_params=pltpu.CompilerParams(
            use_tc_tiling_on_sc=True, needs_layout_passes=False),
    )


@jax.jit
def kernel(inputs):
    y = _sc_call()(inputs)
    return y.reshape(8, 2048, _OUTW)

# --- scband reference (transcript-rebuilt; emitter-appended) ---
"""Pipeline reference for scband-row-wise-max-pooling-72481868087508 (READ-ONLY COPY).

The authoritative reference and input builder live on the scoring server;
editing this copy changes nothing except your own understanding.
"""

import jax, jax.numpy as jnp
import numpy as np

NS = 4
LG = 8
FIRSTK = 256


def setup_inputs(seed: int = 0) -> dict:
    key = jax.random.key(seed)
    inputs = jax.random.normal(key, (8, 2048, LG * FIRSTK), dtype=jnp.float32)
    return {"inputs": inputs}


def reference(inputs):
    # Row_wise_max_pooling: per-group top-k over last axis, then concat.
    parts = []
    for i in range(1, LG + 1):
        sl = inputs[:, :, FIRSTK * (i - 1):FIRSTK * i]
        vals, _ = jax.lax.top_k(sl, NS)
        parts.append(vals)
    return jnp.concatenate(parts, axis=-1)

if __name__ == "__main__":
    import jax
    _d = setup_inputs()
    print(jax.jit(kernel)(*tuple(_d.values())))

</pallas_src>

<mosaic_0001>
#map = affine_map<(d0, d1) -> (0, 0, 0)>
#map1 = affine_map<(d0, d1) -> (0)>
module attributes {stable_mosaic.version = 14 : i64} {
  func.func @_body(%arg0: i32, %arg1: i32, %arg2: memref<8x2048x2048xf32, #tpu.memory_space<hbm>>, %arg3: memref<524288xf32, #tpu.memory_space<hbm>>, %arg4: memref<16x2048xf32, #tpu.memory_space<vmem>>, %arg5: memref<16x2048xf32, #tpu.memory_space<vmem>>, %arg6: memref<16384xf32, #tpu.memory_space<vmem>>, %arg7: memref<!tpu.dma_semaphore, #tpu.memory_space<semaphore_mem>>, %arg8: memref<!tpu.dma_semaphore, #tpu.memory_space<semaphore_mem>>) attributes {dimension_semantics = [#tpu.dimension_semantics<core_parallel>, #tpu.dimension_semantics<subcore_parallel>], iteration_bounds = array<i64: 2, 16>, scalar_prefetch = 0 : i64, scratch_operands = 5 : i64, tpu.core_type = #tpu.core_type<sc_vector_subcore>, window_params = [{transform_indices = #map}, {transform_indices = #map1}]} {
    %mul3A = arith.constant 2 : i32
    %mul3A_0 = arith.muli %arg1, %mul3A : i32
    %add3A = arith.addi %mul3A_0, %arg0 : i32
    %jit3A = arith.constant 4 : i32
    %div3A = arith.divsi %add3A, %jit3A : i32
    %sign3A = arith.constant 0 : i32
    %sign3A_1 = arith.cmpi sgt, %add3A, %sign3A : i32
    %sign3A_2 = arith.extui %sign3A_1 : i1 to i32
    %sign3A_3 = arith.constant 0 : i32
    %sign3A_4 = arith.cmpi slt, %add3A, %sign3A_3 : i32
    %sign3A_5 = arith.extui %sign3A_4 : i1 to i32
    %sign3A_6 = arith.subi %sign3A_2, %sign3A_5 : i32
    %sign3A_7 = arith.constant 0 : i32
    %sign3A_8 = arith.cmpi sgt, %jit3A, %sign3A_7 : i32
    %sign3A_9 = arith.extui %sign3A_8 : i1 to i32
    %sign3A_10 = arith.constant 0 : i32
    %sign3A_11 = arith.cmpi slt, %jit3A, %sign3A_10 : i32
    %sign3A_12 = arith.extui %sign3A_11 : i1 to i32
    %sign3A_13 = arith.subi %sign3A_9, %sign3A_12 : i32
    %ne3A = arith.cmpi ne, %sign3A_6, %sign3A_13 : i32
    %rem3A = arith.remsi %add3A, %jit3A : i32
    %ne3A_14 = arith.constant 0 : i32
    %ne3A_15 = arith.cmpi ne, %rem3A, %ne3A_14 : i32
    %and3A = arith.andi %ne3A, %ne3A_15 : i1
    %sub3A = arith.constant 1 : i32
    %sub3A_16 = arith.subi %div3A, %sub3A : i32
    %select_n3A = arith.select %and3A, %sub3A_16, %div3A : i32
    %jit3A_17 = arith.constant 4 : i32
    %eq3A = arith.constant 0 : i32
    %eq3A_18 = arith.cmpi eq, %jit3A_17, %eq3A : i32
    %jit3A_19 = arith.constant 1 : i32
    %select_n3A_20 = arith.select %eq3A_18, %jit3A_19, %jit3A_17 : i32
    %rem3A_21 = arith.remsi %add3A, %select_n3A_20 : i32
    %ne3A_22 = arith.constant 0 : i32
    %ne3A_23 = arith.cmpi ne, %rem3A_21, %ne3A_22 : i32
    %lt3A = arith.constant 0 : i32
    %lt3A_24 = arith.cmpi slt, %rem3A_21, %lt3A : i32
    %lt3A_25 = arith.constant 0 : i32
    %lt3A_26 = arith.cmpi slt, %select_n3A_20, %lt3A_25 : i32
    %ne3A_27 = arith.xori %lt3A_24, %lt3A_26 : i1
    %and3A_28 = arith.andi %ne3A_27, %ne3A_23 : i1
    %add3A_29 = arith.addi %rem3A_21, %select_n3A_20 : i32
    %select_n3A_30 = arith.select %and3A_28, %add3A_29, %rem3A_21 : i32
    %mul3A_31 = arith.constant 512 : i32
    %mul3A_32 = arith.muli %select_n3A_30, %mul3A_31 : i32
    %iota3A = tpu.iota {dimensions = array<i32: 0>} : vector<16xi32>
    %broadcast_in_dim3A = arith.constant 0xFF800000 : f32
    %broadcast_in_dim3A_33 = vector.broadcast %broadcast_in_dim3A : f32 to vector<16xf32>
    %add3A_34 = arith.constant 0 : i32
    %add3A_35 = arith.addi %mul3A_32, %add3A_34 : i32
    %dma_start3A = arith.constant 0 : i32
    %dma_start3A_36 = tpu.memref_slice %arg2[%select_n3A, %add3A_35, %dma_start3A] : memref<8x2048x2048xf32, #tpu.memory_space<hbm>> -> memref<1x16x2048xf32, #tpu.memory_space<hbm>>
    %dma_start3A_37 = tpu.memref_squeeze %dma_start3A_36 : memref<1x16x2048xf32, #tpu.memory_space<hbm>> -> memref<16x2048xf32, #tpu.memory_space<hbm>>
    %dma_start3A_38 = arith.constant 0 : i32
    %dma_start3A_39 = tpu.memref_slice %arg2[%select_n3A, %add3A_35, %dma_start3A_38] : memref<8x2048x2048xf32, #tpu.memory_space<hbm>> -> memref<1x16x2048xf32, #tpu.memory_space<hbm>>
    %dma_start3A_40 = tpu.memref_squeeze %dma_start3A_39 : memref<1x16x2048xf32, #tpu.memory_space<hbm>> -> memref<16x2048xf32, #tpu.memory_space<hbm>>
    tpu.enqueue_dma source(%dma_start3A_40 : memref<16x2048xf32, #tpu.memory_space<hbm>>) target(%arg4 : memref<16x2048xf32, #tpu.memory_space<vmem>>) target_semaphore(%arg7 : memref<!tpu.dma_semaphore, #tpu.memory_space<semaphore_mem>>)
    %scan3A = arith.constant 0 : i32
    %scan3A_41 = arith.constant 0 : i32
    %scan3A_42 = arith.constant 16 : i32
    %scan3A_43 = arith.addi %scan3A_41, %scan3A_42 : i32
    %scan3A_44 = arith.constant 1 : i32
    scf.for %scan3A_51 = %scan3A_41 to %scan3A_43 step %scan3A_44  : i32 {
      %mul3A_52 = arith.constant 2 : i32
      %mul3A_53 = arith.muli %mul3A_52, %scan3A_51 : i32
      %add3A_54 = arith.constant 1 : i32
      %add3A_55 = arith.addi %mul3A_53, %add3A_54 : i32
      %mul3A_56 = arith.constant 16 : i32
      %mul3A_57 = arith.muli %add3A_55, %mul3A_56 : i32
      %add3A_58 = arith.addi %mul3A_32, %mul3A_57 : i32
      %dma_start3A_59 = arith.constant 0 : i32
      %dma_start3A_60 = tpu.memref_slice %arg2[%select_n3A, %add3A_58, %dma_start3A_59] : memref<8x2048x2048xf32, #tpu.memory_space<hbm>> -> memref<1x16x2048xf32, #tpu.memory_space<hbm>>
      %dma_start3A_61 = tpu.memref_squeeze %dma_start3A_60 : memref<1x16x2048xf32, #tpu.memory_space<hbm>> -> memref<16x2048xf32, #tpu.memory_space<hbm>>
      %dma_start3A_62 = arith.constant 0 : i32
      %dma_start3A_63 = tpu.memref_slice %arg2[%select_n3A, %add3A_58, %dma_start3A_62] : memref<8x2048x2048xf32, #tpu.memory_space<hbm>> -> memref<1x16x2048xf32, #tpu.memory_space<hbm>>
      %dma_start3A_64 = tpu.memref_squeeze %dma_start3A_63 : memref<1x16x2048xf32, #tpu.memory_space<hbm>> -> memref<16x2048xf32, #tpu.memory_space<hbm>>
      tpu.enqueue_dma source(%dma_start3A_64 : memref<16x2048xf32, #tpu.memory_space<hbm>>) target(%arg5 : memref<16x2048xf32, #tpu.memory_space<vmem>>) target_semaphore(%arg8 : memref<!tpu.dma_semaphore, #tpu.memory_space<semaphore_mem>>)
      %mul3A_65 = arith.constant 16 : i32
      %mul3A_66 = arith.muli %mul3A_53, %mul3A_65 : i32
      %add3A_67 = arith.addi %mul3A_32, %mul3A_66 : i32
      %dma_wait3A = arith.constant 0 : i32
      %dma_wait3A_68 = tpu.memref_slice %arg2[%select_n3A, %add3A_67, %dma_wait3A] : memref<8x2048x2048xf32, #tpu.memory_space<hbm>> -> memref<1x16x2048xf32, #tpu.memory_space<hbm>>
      %dma_wait3A_69 = tpu.memref_squeeze %dma_wait3A_68 : memref<1x16x2048xf32, #tpu.memory_space<hbm>> -> memref<16x2048xf32, #tpu.memory_space<hbm>>
      %dma_wait3A_70 = arith.constant 0 : i32
      %dma_wait3A_71 = tpu.memref_slice %arg2[%select_n3A, %add3A_67, %dma_wait3A_70] : memref<8x2048x2048xf32, #tpu.memory_space<hbm>> -> memref<1x16x2048xf32, #tpu.memory_space<hbm>>
      %dma_wait3A_72 = tpu.memref_squeeze %dma_wait3A_71 : memref<1x16x2048xf32, #tpu.memory_space<hbm>> -> memref<16x2048xf32, #tpu.memory_space<hbm>>
      tpu.wait_dma2 semaphore(%arg7 : memref<!tpu.dma_semaphore, #tpu.memory_space<semaphore_mem>>) src(%dma_wait3A_72 : memref<16x2048xf32, #tpu.memory_space<hbm>>) dst(%arg4 : memref<16x2048xf32, #tpu.memory_space<vmem>>)
      %mul3A_73 = arith.constant 16 : i32
      %mul3A_74 = arith.muli %mul3A_53, %mul3A_73 : i32
      %parallel_loop3A = arith.constant 0 : i32
      %parallel_loop3A_75 = arith.constant 64 : i32
      %parallel_loop3A_76 = arith.constant 1 : i32
      %parallel_loop3A_77:16 = scf.for %parallel_loop3A_1434 = %parallel_loop3A to %parallel_loop3A_75 step %parallel_loop3A_76 iter_args(%parallel_loop3A_1435 = %broadcast_in_dim3A_33, %parallel_loop3A_1436 = %broadcast_in_dim3A_33, %parallel_loop3A_1437 = %broadcast_in_dim3A_33, %parallel_loop3A_1438 = %broadcast_in_dim3A_33, %parallel_loop3A_1439 = %broadcast_in_dim3A_33, %parallel_loop3A_1440 = %broadcast_in_dim3A_33, %parallel_loop3A_1441 = %broadcast_in_dim3A_33, %parallel_loop3A_1442 = %broadcast_in_dim3A_33, %parallel_loop3A_1443 = %broadcast_in_dim3A_33, %parallel_loop3A_1444 = %broadcast_in_dim3A_33, %parallel_loop3A_1445 = %broadcast_in_dim3A_33, %parallel_loop3A_1446 = %broadcast_in_dim3A_33, %parallel_loop3A_1447 = %broadcast_in_dim3A_33, %parallel_loop3A_1448 = %broadcast_in_dim3A_33, %parallel_loop3A_1449 = %broadcast_in_dim3A_33, %parallel_loop3A_1450 = %broadcast_in_dim3A_33) -> (vector<16xf32>, vector<16xf32>, vector<16xf32>, vector<16xf32>, vector<16xf32>, vector<16xf32>, vector<16xf32>, vector<16xf32>, vector<16xf32>, vector<16xf32>, vector<16xf32>, vector<16xf32>, vector<16xf32>, vector<16xf32>, vector<16xf32>, vector<16xf32>)  : i32 {
        %parallel_loop3A_1451 = vector.broadcast %parallel_loop3A_1434 : i32 to vector<16xi32>
        %parallel_loop3A_1452 = arith.xori %iota3A, %parallel_loop3A_1451 : vector<16xi32>
        %parallel_loop3A_1453 = arith.constant 63 : i32
        %parallel_loop3A_1454 = vector.broadcast %parallel_loop3A_1453 : i32 to vector<16xi32>
        %parallel_loop3A_1455 = arith.andi %parallel_loop3A_1452, %parallel_loop3A_1454 : vector<16xi32>
        %parallel_loop3A_1456 = arith.constant 0 : i32
        %parallel_loop3A_1457 = vector.broadcast %parallel_loop3A_1456 : i32 to vector<16xi32>
        %parallel_loop3A_1458 = arith.addi %parallel_loop3A_1457, %parallel_loop3A_1455 : vector<16xi32>
        %parallel_loop3A_1459 = arith.constant 0 : i32
        %parallel_loop3A_1460 = vector.broadcast %parallel_loop3A_1459 : i32 to vector<16xi32>
        %parallel_loop3A_1461 = arith.addi %parallel_loop3A_1458, %parallel_loop3A_1460 : vector<16xi32>
        %parallel_loop3A_1462 = tpu.vector_load_idx %arg4[%iota3A, %parallel_loop3A_1461] : memref<16x2048xf32, #tpu.memory_space<vmem>>[vector<16xi32>, vector<16xi32>], vector<16xf32>,
        %parallel_loop3A_1463 = arith.minimumf %parallel_loop3A_1435, %parallel_loop3A_1462 : vector<16xf32>
        %parallel_loop3A_1464 = arith.maximumf %parallel_loop3A_1435, %parallel_loop3A_1462 : vector<16xf32>
        %parallel_loop3A_1465 = arith.minimumf %parallel_loop3A_1436, %parallel_loop3A_1463 : vector<16xf32>
        %parallel_loop3A_1466 = arith.maximumf %parallel_loop3A_1436, %parallel_loop3A_1463 : vector<16xf32>
        %parallel_loop3A_1467 = arith.minimumf %parallel_loop3A_1437, %parallel_loop3A_1465 : vector<16xf32>
        %parallel_loop3A_1468 = arith.maximumf %parallel_loop3A_1437, %parallel_loop3A_1465 : vector<16xf32>
        %parallel_loop3A_1469 = arith.maximumf %parallel_loop3A_1438, %parallel_loop3A_1467 : vector<16xf32>
        %parallel_loop3A_1470 = arith.constant 64 : i32
        %parallel_loop3A_1471 = vector.broadcast %parallel_loop3A_1470 : i32 to vector<16xi32>
        %parallel_loop3A_1472 = arith.addi %parallel_loop3A_1458, %parallel_loop3A_1471 : vector<16xi32>
        %parallel_loop3A_1473 = tpu.vector_load_idx %arg4[%iota3A, %parallel_loop3A_1472] : memref<16x2048xf32, #tpu.memory_space<vmem>>[vector<16xi32>, vector<16xi32>], vector<16xf32>,
        %parallel_loop3A_1474 = arith.minimumf %parallel_loop3A_1439, %parallel_loop3A_1473 : vector<16xf32>
        %parallel_loop3A_1475 = arith.maximumf %parallel_loop3A_1439, %parallel_loop3A_1473 : vector<16xf32>
        %parallel_loop3A_1476 = arith.minimumf %parallel_loop3A_1440, %parallel_loop3A_1474 : vector<16xf32>
        %parallel_loop3A_1477 = arith.maximumf %parallel_loop3A_1440, %parallel_loop3A_1474 : vector<16xf32>
        %parallel_loop3A_1478 = arith.minimumf %parallel_loop3A_1441, %parallel_loop3A_1476 : vector<16xf32>
        %parallel_loop3A_1479 = arith.maximumf %parallel_loop3A_1441, %parallel_loop3A_1476 : vector<16xf32>
        %parallel_loop3A_1480 = arith.maximumf %parallel_loop3A_1442, %parallel_loop3A_1478 : vector<16xf32>
        %parallel_loop3A_1481 = arith.constant 128 : i32
        %parallel_loop3A_1482 = vector.broadcast %parallel_loop3A_1481 : i32 to vector<16xi32>
        %parallel_loop3A_1483 = arith.addi %parallel_loop3A_1458, %parallel_loop3A_1482 : vector<16xi32>
        %parallel_loop3A_1484 = tpu.vector_load_idx %arg4[%iota3A, %parallel_loop3A_1483] : memref<16x2048xf32, #tpu.memory_space<vmem>>[vector<16xi32>, vector<16xi32>], vector<16xf32>,
        %parallel_loop3A_1485 = arith.minimumf %parallel_loop3A_1443, %parallel_loop3A_1484 : vector<16xf32>
        %parallel_loop3A_1486 = arith.maximumf %parallel_loop3A_1443, %parallel_loop3A_1484 : vector<16xf32>
        %parallel_loop3A_1487 = arith.minimumf %parallel_loop3A_1444, %parallel_loop3A_1485 : vector<16xf32>
        %parallel_loop3A_1488 = arith.maximumf %parallel_loop3A_1444, %parallel_loop3A_1485 : vector<16xf32>
        %parallel_loop3A_1489 = arith.minimumf %parallel_loop3A_1445, %parallel_loop3A_1487 : vector<16xf32>
        %parallel_loop3A_1490 = arith.maximumf %parallel_loop3A_1445, %parallel_loop3A_1487 : vector<16xf32>
        %parallel_loop3A_1491 = arith.maximumf %parallel_loop3A_1446, %parallel_loop3A_1489 : vector<16xf32>
        %parallel_loop3A_1492 = arith.constant 192 : i32
        %parallel_loop3A_1493 = vector.broadcast %parallel_loop3A_1492 : i32 to vector<16xi32>
        %parallel_loop3A_1494 = arith.addi %parallel_loop3A_1458, %parallel_loop3A_1493 : vector<16xi32>
        %parallel_loop3A_1495 = tpu.vector_load_idx %arg4[%iota3A, %parallel_loop3A_1494] : memref<16x2048xf32, #tpu.memory_space<vmem>>[vector<16xi32>, vector<16xi32>], vector<16xf32>,
        %parallel_loop3A_1496 = arith.minimumf %parallel_loop3A_1447, %parallel_loop3A_1495 : vector<16xf32>
        %parallel_loop3A_1497 = arith.maximumf %parallel_loop3A_1447, %parallel_loop3A_1495 : vector<16xf32>
        %parallel_loop3A_1498 = arith.minimumf %parallel_loop3A_1448, %parallel_loop3A_1496 : vector<16xf32>
        %parallel_loop3A_1499 = arith.maximumf %parallel_loop3A_1448, %parallel_loop3A_1496 : vector<16xf32>
        %parallel_loop3A_1500 = arith.minimumf %parallel_loop3A_1449, %parallel_loop3A_1498 : vector<16xf32>
        %parallel_loop3A_1501 = arith.maximumf %parallel_loop3A_1449, %parallel_loop3A_1498 : vector<16xf32>
        %parallel_loop3A_1502 = arith.maximumf %parallel_loop3A_1450, %parallel_loop3A_1500 : vector<16xf32>
        scf.yield %parallel_loop3A_1464, %parallel_loop3A_1466, %parallel_loop3A_1468, %parallel_loop3A_1469, %parallel_loop3A_1475, %parallel_loop3A_1477, %parallel_loop3A_1479, %parallel_loop3A_1480, %parallel_loop3A_1486, %parallel_loop3A_1488, %parallel_loop3A_1490, %parallel_loop3A_1491, %parallel_loop3A_1497, %parallel_loop3A_1499, %parallel_loop3A_1501, %parallel_loop3A_1502 : vector<16xf32>, vector<16xf32>, vector<16xf32>, vector<16xf32>, vector<16xf32>, vector<16xf32>, vector<16xf32>, vector<16xf32>, vector<16xf32>, vector<16xf32>, vector<16xf32>, vector<16xf32>, vector<16xf32>, vector<16xf32>, vector<16xf32>, vector<16xf32>
      } {sc.loop_unroll_factor = 4 : i64, sc.parallel_access}
      %max3A = arith.maximumf %parallel_loop3A_77#0, %parallel_loop3A_77#4 : vector<16xf32>
      %max3A_78 = arith.maximumf %parallel_loop3A_77#1, %parallel_loop3A_77#5 : vector<16xf32>
      %min3A = arith.minimumf %parallel_loop3A_77#0, %parallel_loop3A_77#4 : vector<16xf32>
      %max3A_79 = arith.maximumf %max3A_78, %min3A : vector<16xf32>
      %max3A_80 = arith.maximumf %parallel_loop3A_77#2, %parallel_loop3A_77#6 : vector<16xf32>
      %min3A_81 = arith.minimumf %parallel_loop3A_77#1, %parallel_loop3A_77#4 : vector<16xf32>
      %min3A_82 = arith.minimumf %parallel_loop3A_77#0, %parallel_loop3A_77#5 : vector<16xf32>
      %max3A_83 = arith.maximumf %min3A_81, %min3A_82 : vector<16xf32>
      %max3A_84 = arith.maximumf %max3A_80, %max3A_83 : vector<16xf32>
      %max3A_85 = arith.maximumf %parallel_loop3A_77#3, %parallel_loop3A_77#7 : vector<16xf32>
      %min3A_86 = arith.minimumf %parallel_loop3A_77#2, %parallel_loop3A_77#4 : vector<16xf32>
      %min3A_87 = arith.minimumf %parallel_loop3A_77#1, %parallel_loop3A_77#5 : vector<16xf32>
      %min3A_88 = arith.minimumf %parallel_loop3A_77#0, %parallel_loop3A_77#6 : vector<16xf32>
      %max3A_89 = arith.maximumf %min3A_87, %min3A_88 : vector<16xf32>
      %max3A_90 = arith.maximumf %min3A_86, %max3A_89 : vector<16xf32>
      %max3A_91 = arith.maximumf %max3A_85, %max3A_90 : vector<16xf32>
      %max3A_92 = arith.maximumf %parallel_loop3A_77#8, %parallel_loop3A_77#12 : vector<16xf32>
      %max3A_93 = arith.maximumf %parallel_loop3A_77#9, %parallel_loop3A_77#13 : vector<16xf32>
      %min3A_94 = arith.minimumf %parallel_loop3A_77#8, %parallel_loop3A_77#12 : vector<16xf32>
      %max3A_95 = arith.maximumf %max3A_93, %min3A_94 : vector<16xf32>
      %max3A_96 = arith.maximumf %parallel_loop3A_77#10, %parallel_loop3A_77#14 : vector<16xf32>
      %min3A_97 = arith.minimumf %parallel_loop3A_77#9, %parallel_loop3A_77#12 : vector<16xf32>
      %min3A_98 = arith.minimumf %parallel_loop3A_77#8, %parallel_loop3A_77#13 : vector<16xf32>
      %max3A_99 = arith.maximumf %min3A_97, %min3A_98 : vector<16xf32>
      %max3A_100 = arith.maximumf %max3A_96, %max3A_99 : vector<16xf32>
      %max3A_101 = arith.maximumf %parallel_loop3A_77#11, %parallel_loop3A_77#15 : vector<16xf32>
      %min3A_102 = arith.minimumf %parallel_loop3A_77#10, %parallel_loop3A_77#12 : vector<16xf32>
      %min3A_103 = arith.minimumf %parallel_loop3A_77#9, %parallel_loop3A_77#13 : vector<16xf32>
      %min3A_104 = arith.minimumf %parallel_loop3A_77#8, %parallel_loop3A_77#14 : vector<16xf32>
      %max3A_105 = arith.maximumf %min3A_103, %min3A_104 : vector<16xf32>
      %max3A_106 = arith.maximumf %min3A_102, %max3A_105 : vector<16xf32>
      %max3A_107 = arith.maximumf %max3A_101, %max3A_106 : vector<16xf32>
      %max3A_108 = arith.maximumf %max3A, %max3A_92 : vector<16xf32>
      %max3A_109 = arith.maximumf %max3A_79, %max3A_95 : vector<16xf32>
      %min3A_110 = arith.minimumf %max3A, %max3A_92 : vector<16xf32>
      %max3A_111 = arith.maximumf %max3A_109, %min3A_110 : vector<16xf32>
      %max3A_112 = arith.maximumf %max3A_84, %max3A_100 : vector<16xf32>
      %min3A_113 = arith.minimumf %max3A_79, %max3A_92 : vector<16xf32>
      %min3A_114 = arith.minimumf %max3A, %max3A_95 : vector<16xf32>
      %max3A_115 = arith.maximumf %min3A_113, %min3A_114 : vector<16xf32>
      %max3A_116 = arith.maximumf %max3A_112, %max3A_115 : vector<16xf32>
      %max3A_117 = arith.maximumf %max3A_91, %max3A_107 : vector<16xf32>
      %min3A_118 = arith.minimumf %max3A_84, %max3A_92 : vector<16xf32>
      %min3A_119 = arith.minimumf %max3A_79, %max3A_95 : vector<16xf32>
      %min3A_120 = arith.minimumf %max3A, %max3A_100 : vector<16xf32>
      %max3A_121 = arith.maximumf %min3A_119, %min3A_120 : vector<16xf32>
      %max3A_122 = arith.maximumf %min3A_118, %max3A_121 : vector<16xf32>
      %max3A_123 = arith.maximumf %max3A_117, %max3A_122 : vector<16xf32>
      %add3A_124 = vector.broadcast %mul3A_74 : i32 to vector<16xi32>
      %add3A_125 = arith.addi %iota3A, %add3A_124 : vector<16xi32>
      %mul3A_126 = arith.constant 32 : i32
      %mul3A_127 = vector.broadcast %mul3A_126 : i32 to vector<16xi32>
      %mul3A_128 = arith.muli %add3A_125, %mul3A_127 : vector<16xi32>
      %add3A_129 = arith.constant 0 : i32
      %add3A_130 = vector.broadcast %add3A_129 : i32 to vector<16xi32>
      %add3A_131 = arith.addi %mul3A_128, %add3A_130 : vector<16xi32>
      tpu.vector_store_idx %arg6[%add3A_131], %max3A_108 : memref<16384xf32, #tpu.memory_space<vmem>>[vector<16xi32>], vector<16xf32>,
      %add3A_132 = vector.broadcast %mul3A_74 : i32 to vector<16xi32>
      %add3A_133 = arith.addi %iota3A, %add3A_132 : vector<16xi32>
      %mul3A_134 = arith.constant 32 : i32
      %mul3A_135 = vector.broadcast %mul3A_134 : i32 to vector<16xi32>
      %mul3A_136 = arith.muli %add3A_133, %mul3A_135 : vector<16xi32>
      %add3A_137 = arith.constant 1 : i32
      %add3A_138 = vector.broadcast %add3A_137 : i32 to vector<16xi32>
      %add3A_139 = arith.addi %mul3A_136, %add3A_138 : vector<16xi32>
      tpu.vector_store_idx %arg6[%add3A_139], %max3A_111 : memref<16384xf32, #tpu.memory_space<vmem>>[vector<16xi32>], vector<16xf32>,
      %add3A_140 = vector.broadcast %mul3A_74 : i32 to vector<16xi32>
      %add3A_141 = arith.addi %iota3A, %add3A_140 : vector<16xi32>
      %mul3A_142 = arith.constant 32 : i32
      %mul3A_143 = vector.broadcast %mul3A_142 : i32 to vector<16xi32>
      %mul3A_144 = arith.muli %add3A_141, %mul3A_143 : vector<16xi32>
      %add3A_145 = arith.constant 2 : i32
      %add3A_146 = vector.broadcast %add3A_145 : i32 to vector<16xi32>
      %add3A_147 = arith.addi %mul3A_144, %add3A_146 : vector<16xi32>
      tpu.vector_store_idx %arg6[%add3A_147], %max3A_116 : memref<16384xf32, #tpu.memory_space<vmem>>[vector<16xi32>], vector<16xf32>,
      %add3A_148 = vector.broadcast %mul3A_74 : i32 to vector<16xi32>
      %add3A_149 = arith.addi %iota3A, %add3A_148 : vector<16xi32>
      %mul3A_150 = arith.constant 32 : i32
      %mul3A_151 = vector.broadcast %mul3A_150 : i32 to vector<16xi32>
      %mul3A_152 = arith.muli %add3A_149, %mul3A_151 : vector<16xi32>
      %add3A_153 = arith.constant 3 : i32
      %add3A_154 = vector.broadcast %add3A_153 : i32 to vector<16xi32>
      %add3A_155 = arith.addi %mul3A_152, %add3A_154 : vector<16xi32>
      tpu.vector_store_idx %arg6[%add3A_155], %max3A_123 : memref<16384xf32, #tpu.memory_space<vmem>>[vector<16xi32>], vector<16xf32>,
      %parallel_loop3A_156 = arith.constant 0 : i32
      %parallel_loop3A_157 = arith.constant 64 : i32
      %parallel_loop3A_158 = arith.constant 1 : i32
      %parallel_loop3A_159:16 = scf.for %parallel_loop3A_1434 = %parallel_loop3A_156 to %parallel_loop3A_157 step %parallel_loop3A_158 iter_args(%parallel_loop3A_1435 = %broadcast_in_dim3A_33, %parallel_loop3A_1436 = %broadcast_in_dim3A_33, %parallel_loop3A_1437 = %broadcast_in_dim3A_33, %parallel_loop3A_1438 = %broadcast_in_dim3A_33, %parallel_loop3A_1439 = %broadcast_in_dim3A_33, %parallel_loop3A_1440 = %broadcast_in_dim3A_33, %parallel_loop3A_1441 = %broadcast_in_dim3A_33, %parallel_loop3A_1442 = %broadcast_in_dim3A_33, %parallel_loop3A_1443 = %broadcast_in_dim3A_33, %parallel_loop3A_1444 = %broadcast_in_dim3A_33, %parallel_loop3A_1445 = %broadcast_in_dim3A_33, %parallel_loop3A_1446 = %broadcast_in_dim3A_33, %parallel_loop3A_1447 = %broadcast_in_dim3A_33, %parallel_loop3A_1448 = %broadcast_in_dim3A_33, %parallel_loop3A_1449 = %broadcast_in_dim3A_33, %parallel_loop3A_1450 = %broadcast_in_dim3A_33) -> (vector<16xf32>, vector<16xf32>, vector<16xf32>, vector<16xf32>, vector<16xf32>, vector<16xf32>, vector<16xf32>, vector<16xf32>, vector<16xf32>, vector<16xf32>, vector<16xf32>, vector<16xf32>, vector<16xf32>, vector<16xf32>, vector<16xf32>, vector<16xf32>)  : i32 {
        %parallel_loop3A_1451 = vector.broadcast %parallel_loop3A_1434 : i32 to vector<16xi32>
        %parallel_loop3A_1452 = arith.xori %iota3A, %parallel_loop3A_1451 : vector<16xi32>
        %parallel_loop3A_1453 = arith.constant 63 : i32
        %parallel_loop3A_1454 = vector.broadcast %parallel_loop3A_1453 : i32 to vector<16xi32>
        %parallel_loop3A_1455 = arith.andi %parallel_loop3A_1452, %parallel_loop3A_1454 : vector<16xi32>
        %parallel_loop3A_1456 = arith.constant 256 : i32
        %parallel_loop3A_1457 = vector.broadcast %parallel_loop3A_1456 : i32 to vector<16xi32>
        %parallel_loop3A_1458 = arith.addi %parallel_loop3A_1457, %parallel_loop3A_1455 : vector<16xi32>
        %parallel_loop3A_1459 = arith.constant 0 : i32
        %parallel_loop3A_1460 = vector.broadcast %parallel_loop3A_1459 : i32 to vector<16xi32>
        %parallel_loop3A_1461 = arith.addi %parallel_loop3A_1458, %parallel_loop3A_1460 : vector<16xi32>
        %parallel_loop3A_1462 = tpu.vector_load_idx %arg4[%iota3A, %parallel_loop3A_1461] : memref<16x2048xf32, #tpu.memory_space<vmem>>[vector<16xi32>, vector<16xi32>], vector<16xf32>,
        %parallel_loop3A_1463 = arith.minimumf %parallel_loop3A_1435, %parallel_loop3A_1462 : vector<16xf32>
        %parallel_loop3A_1464 = arith.maximumf %parallel_loop3A_1435, %parallel_loop3A_1462 : vector<16xf32>
        %parallel_loop3A_1465 = arith.minimumf %parallel_loop3A_1436, %parallel_loop3A_1463 : vector<16xf32>
        %parallel_loop3A_1466 = arith.maximumf %parallel_loop3A_1436, %parallel_loop3A_1463 : vector<16xf32>
        %parallel_loop3A_1467 = arith.minimumf %parallel_loop3A_1437, %parallel_loop3A_1465 : vector<16xf32>
        %parallel_loop3A_1468 = arith.maximumf %parallel_loop3A_1437, %parallel_loop3A_1465 : vector<16xf32>
        %parallel_loop3A_1469 = arith.maximumf %parallel_loop3A_1438, %parallel_loop3A_1467 : vector<16xf32>
        %parallel_loop3A_1470 = arith.constant 64 : i32
        %parallel_loop3A_1471 = vector.broadcast %parallel_loop3A_1470 : i32 to vector<16xi32>
        %parallel_loop3A_1472 = arith.addi %parallel_loop3A_1458, %parallel_loop3A_1471 : vector<16xi32>
        %parallel_loop3A_1473 = tpu.vector_load_idx %arg4[%iota3A, %parallel_loop3A_1472] : memref<16x2048xf32, #tpu.memory_space<vmem>>[vector<16xi32>, vector<16xi32>], vector<16xf32>,
        %parallel_loop3A_1474 = arith.minimumf %parallel_loop3A_1439, %parallel_loop3A_1473 : vector<16xf32>
        %parallel_loop3A_1475 = arith.maximumf %parallel_loop3A_1439, %parallel_loop3A_1473 : vector<16xf32>
        %parallel_loop3A_1476 = arith.minimumf %parallel_loop3A_1440, %parallel_loop3A_1474 : vector<16xf32>
        %parallel_loop3A_1477 = arith.maximumf %parallel_loop3A_1440, %parallel_loop3A_1474 : vector<16xf32>
        %parallel_loop3A_1478 = arith.minimumf %parallel_loop3A_1441, %parallel_loop3A_1476 : vector<16xf32>
        %parallel_loop3A_1479 = arith.maximumf %parallel_loop3A_1441, %parallel_loop3A_1476 : vector<16xf32>
        %parallel_loop3A_1480 = arith.maximumf %parallel_loop3A_1442, %parallel_loop3A_1478 : vector<16xf32>
        %parallel_loop3A_1481 = arith.constant 128 : i32
        %parallel_loop3A_1482 = vector.broadcast %parallel_loop3A_1481 : i32 to vector<16xi32>
        %parallel_loop3A_1483 = arith.addi %parallel_loop3A_1458, %parallel_loop3A_1482 : vector<16xi32>
        %parallel_loop3A_1484 = tpu.vector_load_idx %arg4[%iota3A, %parallel_loop3A_1483] : memref<16x2048xf32, #tpu.memory_space<vmem>>[vector<16xi32>, vector<16xi32>], vector<16xf32>,
        %parallel_loop3A_1485 = arith.minimumf %parallel_loop3A_1443, %parallel_loop3A_1484 : vector<16xf32>
        %parallel_loop3A_1486 = arith.maximumf %parallel_loop3A_1443, %parallel_loop3A_1484 : vector<16xf32>
        %parallel_loop3A_1487 = arith.minimumf %parallel_loop3A_1444, %parallel_loop3A_1485 : vector<16xf32>
        %parallel_loop3A_1488 = arith.maximumf %parallel_loop3A_1444, %parallel_loop3A_1485 : vector<16xf32>
        %parallel_loop3A_1489 = arith.minimumf %parallel_loop3A_1445, %parallel_loop3A_1487 : vector<16xf32>
        %parallel_loop3A_1490 = arith.maximumf %parallel_loop3A_1445, %parallel_loop3A_1487 : vector<16xf32>
        %parallel_loop3A_1491 = arith.maximumf %parallel_loop3A_1446, %parallel_loop3A_1489 : vector<16xf32>
        %parallel_loop3A_1492 = arith.constant 192 : i32
        %parallel_loop3A_1493 = vector.broadcast %parallel_loop3A_1492 : i32 to vector<16xi32>
        %parallel_loop3A_1494 = arith.addi %parallel_loop3A_1458, %parallel_loop3A_1493 : vector<16xi32>
        %parallel_loop3A_1495 = tpu.vector_load_idx %arg4[%iota3A, %parallel_loop3A_1494] : memref<16x2048xf32, #tpu.memory_space<vmem>>[vector<16xi32>, vector<16xi32>], vector<16xf32>,
        %parallel_loop3A_1496 = arith.minimumf %parallel_loop3A_1447, %parallel_loop3A_1495 : vector<16xf32>
        %parallel_loop3A_1497 = arith.maximumf %parallel_loop3A_1447, %parallel_loop3A_1495 : vector<16xf32>
        %parallel_loop3A_1498 = arith.minimumf %parallel_loop3A_1448, %parallel_loop3A_1496 : vector<16xf32>
        %parallel_loop3A_1499 = arith.maximumf %parallel_loop3A_1448, %parallel_loop3A_1496 : vector<16xf32>
        %parallel_loop3A_1500 = arith.minimumf %parallel_loop3A_1449, %parallel_loop3A_1498 : vector<16xf32>
        %parallel_loop3A_1501 = arith.maximumf %parallel_loop3A_1449, %parallel_loop3A_1498 : vector<16xf32>
        %parallel_loop3A_1502 = arith.maximumf %parallel_loop3A_1450, %parallel_loop3A_1500 : vector<16xf32>
        scf.yield %parallel_loop3A_1464, %parallel_loop3A_1466, %parallel_loop3A_1468, %parallel_loop3A_1469, %parallel_loop3A_1475, %parallel_loop3A_1477, %parallel_loop3A_1479, %parallel_loop3A_1480, %parallel_loop3A_1486, %parallel_loop3A_1488, %parallel_loop3A_1490, %parallel_loop3A_1491, %parallel_loop3A_1497, %parallel_loop3A_1499, %parallel_loop3A_1501, %parallel_loop3A_1502 : vector<16xf32>, vector<16xf32>, vector<16xf32>, vector<16xf32>, vector<16xf32>, vector<16xf32>, vector<16xf32>, vector<16xf32>, vector<16xf32>, vector<16xf32>, vector<16xf32>, vector<16xf32>, vector<16xf32>, vector<16xf32>, vector<16xf32>, vector<16xf32>
      } {sc.loop_unroll_factor = 4 : i64, sc.parallel_access}
      %max3A_160 = arith.maximumf %parallel_loop3A_159#0, %parallel_loop3A_159#4 : vector<16xf32>
      %max3A_161 = arith.maximumf %parallel_loop3A_159#1, %parallel_loop3A_159#5 : vector<16xf32>
      %min3A_162 = arith.minimumf %parallel_loop3A_159#0, %parallel_loop3A_159#4 : vector<16xf32>
      %max3A_163 = arith.maximumf %max3A_161, %min3A_162 : vector<16xf32>
      %max3A_164 = arith.maximumf %parallel_loop3A_159#2, %parallel_loop3A_159#6 : vector<16xf32>
      %min3A_165 = arith.minimumf %parallel_loop3A_159#1, %parallel_loop3A_159#4 : vector<16xf32>
      %min3A_166 = arith.minimumf %parallel_loop3A_159#0, %parallel_loop3A_159#5 : vector<16xf32>
      %max3A_167 = arith.maximumf %min3A_165, %min3A_166 : vector<16xf32>
      %max3A_168 = arith.maximumf %max3A_164, %max3A_167 : vector<16xf32>
      %max3A_169 = arith.maximumf %parallel_loop3A_159#3, %parallel_loop3A_159#7 : vector<16xf32>
      %min3A_170 = arith.minimumf %parallel_loop3A_159#2, %parallel_loop3A_159#4 : vector<16xf32>
      %min3A_171 = arith.minimumf %parallel_loop3A_159#1, %parallel_loop3A_159#5 : vector<16xf32>
      %min3A_172 = arith.minimumf %parallel_loop3A_159#0, %parallel_loop3A_159#6 : vector<16xf32>
      %max3A_173 = arith.maximumf %min3A_171, %min3A_172 : vector<16xf32>
      %max3A_174 = arith.maximumf %min3A_170, %max3A_173 : vector<16xf32>
      %max3A_175 = arith.maximumf %max3A_169, %max3A_174 : vector<16xf32>
      %max3A_176 = arith.maximumf %parallel_loop3A_159#8, %parallel_loop3A_159#12 : vector<16xf32>
      %max3A_177 = arith.maximumf %parallel_loop3A_159#9, %parallel_loop3A_159#13 : vector<16xf32>
      %min3A_178 = arith.minimumf %parallel_loop3A_159#8, %parallel_loop3A_159#12 : vector<16xf32>
      %max3A_179 = arith.maximumf %max3A_177, %min3A_178 : vector<16xf32>
      %max3A_180 = arith.maximumf %parallel_loop3A_159#10, %parallel_loop3A_159#14 : vector<16xf32>
      %min3A_181 = arith.minimumf %parallel_loop3A_159#9, %parallel_loop3A_159#12 : vector<16xf32>
      %min3A_182 = arith.minimumf %parallel_loop3A_159#8, %parallel_loop3A_159#13 : vector<16xf32>
      %max3A_183 = arith.maximumf %min3A_181, %min3A_182 : vector<16xf32>
      %max3A_184 = arith.maximumf %max3A_180, %max3A_183 : vector<16xf32>
      %max3A_185 = arith.maximumf %parallel_loop3A_159#11, %parallel_loop3A_159#15 : vector<16xf32>
      %min3A_186 = arith.minimumf %parallel_loop3A_159#10, %parallel_loop3A_159#12 : vector<16xf32>
      %min3A_187 = arith.minimumf %parallel_loop3A_159#9, %parallel_loop3A_159#13 : vector<16xf32>
      %min3A_188 = arith.minimumf %parallel_loop3A_159#8, %parallel_loop3A_159#14 : vector<16xf32>
      %max3A_189 = arith.maximumf %min3A_187, %min3A_188 : vector<16xf32>
      %max3A_190 = arith.maximumf %min3A_186, %max3A_189 : vector<16xf32>
      %max3A_191 = arith.maximumf %max3A_185, %max3A_190 : vector<16xf32>
      %max3A_192 = arith.maximumf %max3A_160, %max3A_176 : vector<16xf32>
      %max3A_193 = arith.maximumf %max3A_163, %max3A_179 : vector<16xf32>
      %min3A_194 = arith.minimumf %max3A_160, %max3A_176 : vector<16xf32>
      %max3A_195 = arith.maximumf %max3A_193, %min3A_194 : vector<16xf32>
      %max3A_196 = arith.maximumf %max3A_168, %max3A_184 : vector<16xf32>
      %min3A_197 = arith.minimumf %max3A_163, %max3A_176 : vector<16xf32>
      %min3A_198 = arith.minimumf %max3A_160, %max3A_179 : vector<16xf32>
      %max3A_199 = arith.maximumf %min3A_197, %min3A_198 : vector<16xf32>
      %max3A_200 = arith.maximumf %max3A_196, %max3A_199 : vector<16xf32>
      %max3A_201 = arith.maximumf %max3A_175, %max3A_191 : vector<16xf32>
      %min3A_202 = arith.minimumf %max3A_168, %max3A_176 : vector<16xf32>
      %min3A_203 = arith.minimumf %max3A_163, %max3A_179 : vector<16xf32>
      %min3A_204 = arith.minimumf %max3A_160, %max3A_184 : vector<16xf32>
      %max3A_205 = arith.maximumf %min3A_203, %min3A_204 : vector<16xf32>
      %max3A_206 = arith.maximumf %min3A_202, %max3A_205 : vector<16xf32>
      %max3A_207 = arith.maximumf %max3A_201, %max3A_206 : vector<16xf32>
      %add3A_208 = vector.broadcast %mul3A_74 : i32 to vector<16xi32>
      %add3A_209 = arith.addi %iota3A, %add3A_208 : vector<16xi32>
      %mul3A_210 = arith.constant 32 : i32
      %mul3A_211 = vector.broadcast %mul3A_210 : i32 to vector<16xi32>
      %mul3A_212 = arith.muli %add3A_209, %mul3A_211 : vector<16xi32>
      %add3A_213 = arith.constant 4 : i32
      %add3A_214 = vector.broadcast %add3A_213 : i32 to vector<16xi32>
      %add3A_215 = arith.addi %mul3A_212, %add3A_214 : vector<16xi32>
      tpu.vector_store_idx %arg6[%add3A_215], %max3A_192 : memref<16384xf32, #tpu.memory_space<vmem>>[vector<16xi32>], vector<16xf32>,
      %add3A_216 = vector.broadcast %mul3A_74 : i32 to vector<16xi32>
      %add3A_217 = arith.addi %iota3A, %add3A_216 : vector<16xi32>
      %mul3A_218 = arith.constant 32 : i32
      %mul3A_219 = vector.broadcast %mul3A_218 : i32 to vector<16xi32>
      %mul3A_220 = arith.muli %add3A_217, %mul3A_219 : vector<16xi32>
      %add3A_221 = arith.constant 5 : i32
      %add3A_222 = vector.broadcast %add3A_221 : i32 to vector<16xi32>
      %add3A_223 = arith.addi %mul3A_220, %add3A_222 : vector<16xi32>
      tpu.vector_store_idx %arg6[%add3A_223], %max3A_195 : memref<16384xf32, #tpu.memory_space<vmem>>[vector<16xi32>], vector<16xf32>,
      %add3A_224 = vector.broadcast %mul3A_74 : i32 to vector<16xi32>
      %add3A_225 = arith.addi %iota3A, %add3A_224 : vector<16xi32>
      %mul3A_226 = arith.constant 32 : i32
      %mul3A_227 = vector.broadcast %mul3A_226 : i32 to vector<16xi32>
      %mul3A_228 = arith.muli %add3A_225, %mul3A_227 : vector<16xi32>
      %add3A_229 = arith.constant 6 : i32
      %add3A_230 = vector.broadcast %add3A_229 : i32 to vector<16xi32>
      %add3A_231 = arith.addi %mul3A_228, %add3A_230 : vector<16xi32>
      tpu.vector_store_idx %arg6[%add3A_231], %max3A_200 : memref<16384xf32, #tpu.memory_space<vmem>>[vector<16xi32>], vector<16xf32>,
      %add3A_232 = vector.broadcast %mul3A_74 : i32 to vector<16xi32>
      %add3A_233 = arith.addi %iota3A, %add3A_232 : vector<16xi32>
      %mul3A_234 = arith.constant 32 : i32
      %mul3A_235 = vector.broadcast %mul3A_234 : i32 to vector<16xi32>
      %mul3A_236 = arith.muli %add3A_233, %mul3A_235 : vector<16xi32>
      %add3A_237 = arith.constant 7 : i32
      %add3A_238 = vector.broadcast %add3A_237 : i32 to vector<16xi32>
      %add3A_239 = arith.addi %mul3A_236, %add3A_238 : vector<16xi32>
      tpu.vector_store_idx %arg6[%add3A_239], %max3A_207 : memref<16384xf32, #tpu.memory_space<vmem>>[vector<16xi32>], vector<16xf32>,
      %parallel_loop3A_240 = arith.constant 0 : i32
      %parallel_loop3A_241 = arith.constant 64 : i32
      %parallel_loop3A_242 = arith.constant 1 : i32
      %parallel_loop3A_243:16 = scf.for %parallel_loop3A_1434 = %parallel_loop3A_240 to %parallel_loop3A_241 step %parallel_loop3A_242 iter_args(%parallel_loop3A_1435 = %broadcast_in_dim3A_33, %parallel_loop3A_1436 = %broadcast_in_dim3A_33, %parallel_loop3A_1437 = %broadcast_in_dim3A_33, %parallel_loop3A_1438 = %broadcast_in_dim3A_33, %parallel_loop3A_1439 = %broadcast_in_dim3A_33, %parallel_loop3A_1440 = %broadcast_in_dim3A_33, %parallel_loop3A_1441 = %broadcast_in_dim3A_33, %parallel_loop3A_1442 = %broadcast_in_dim3A_33, %parallel_loop3A_1443 = %broadcast_in_dim3A_33, %parallel_loop3A_1444 = %broadcast_in_dim3A_33, %parallel_loop3A_1445 = %broadcast_in_dim3A_33, %parallel_loop3A_1446 = %broadcast_in_dim3A_33, %parallel_loop3A_1447 = %broadcast_in_dim3A_33, %parallel_loop3A_1448 = %broadcast_in_dim3A_33, %parallel_loop3A_1449 = %broadcast_in_dim3A_33, %parallel_loop3A_1450 = %broadcast_in_dim3A_33) -> (vector<16xf32>, vector<16xf32>, vector<16xf32>, vector<16xf32>, vector<16xf32>, vector<16xf32>, vector<16xf32>, vector<16xf32>, vector<16xf32>, vector<16xf32>, vector<16xf32>, vector<16xf32>, vector<16xf32>, vector<16xf32>, vector<16xf32>, vector<16xf32>)  : i32 {
        %parallel_loop3A_1451 = vector.broadcast %parallel_loop3A_1434 : i32 to vector<16xi32>
        %parallel_loop3A_1452 = arith.xori %iota3A, %parallel_loop3A_1451 : vector<16xi32>
        %parallel_loop3A_1453 = arith.constant 63 : i32
        %parallel_loop3A_1454 = vector.broadcast %parallel_loop3A_1453 : i32 to vector<16xi32>
        %parallel_loop3A_1455 = arith.andi %parallel_loop3A_1452, %parallel_loop3A_1454 : vector<16xi32>
        %parallel_loop3A_1456 = arith.constant 512 : i32
        %parallel_loop3A_1457 = vector.broadcast %parallel_loop3A_1456 : i32 to vector<16xi32>
        %parallel_loop3A_1458 = arith.addi %parallel_loop3A_1457, %parallel_loop3A_1455 : vector<16xi32>
        %parallel_loop3A_1459 = arith.constant 0 : i32
        %parallel_loop3A_1460 = vector.broadcast %parallel_loop3A_1459 : i32 to vector<16xi32>
        %parallel_loop3A_1461 = arith.addi %parallel_loop3A_1458, %parallel_loop3A_1460 : vector<16xi32>
        %parallel_loop3A_1462 = tpu.vector_load_idx %arg4[%iota3A, %parallel_loop3A_1461] : memref<16x2048xf32, #tpu.memory_space<vmem>>[vector<16xi32>, vector<16xi32>], vector<16xf32>,
        %parallel_loop3A_1463 = arith.minimumf %parallel_loop3A_1435, %parallel_loop3A_1462 : vector<16xf32>
        %parallel_loop3A_1464 = arith.maximumf %parallel_loop3A_1435, %parallel_loop3A_1462 : vector<16xf32>
        %parallel_loop3A_1465 = arith.minimumf %parallel_loop3A_1436, %parallel_loop3A_1463 : vector<16xf32>
        %parallel_loop3A_1466 = arith.maximumf %parallel_loop3A_1436, %parallel_loop3A_1463 : vector<16xf32>
        %parallel_loop3A_1467 = arith.minimumf %parallel_loop3A_1437, %parallel_loop3A_1465 : vector<16xf32>
        %parallel_loop3A_1468 = arith.maximumf %parallel_loop3A_1437, %parallel_loop3A_1465 : vector<16xf32>
        %parallel_loop3A_1469 = arith.maximumf %parallel_loop3A_1438, %parallel_loop3A_1467 : vector<16xf32>
        %parallel_loop3A_1470 = arith.constant 64 : i32
        %parallel_loop3A_1471 = vector.broadcast %parallel_loop3A_1470 : i32 to vector<16xi32>
        %parallel_loop3A_1472 = arith.addi %parallel_loop3A_1458, %parallel_loop3A_1471 : vector<16xi32>
        %parallel_loop3A_1473 = tpu.vector_load_idx %arg4[%iota3A, %parallel_loop3A_1472] : memref<16x2048xf32, #tpu.memory_space<vmem>>[vector<16xi32>, vector<16xi32>], vector<16xf32>,
        %parallel_loop3A_1474 = arith.minimumf %parallel_loop3A_1439, %parallel_loop3A_1473 : vector<16xf32>
        %parallel_loop3A_1475 = arith.maximumf %parallel_loop3A_1439, %parallel_loop3A_1473 : vector<16xf32>
        %parallel_loop3A_1476 = arith.minimumf %parallel_loop3A_1440, %parallel_loop3A_1474 : vector<16xf32>
        %parallel_loop3A_1477 = arith.maximumf %parallel_loop3A_1440, %parallel_loop3A_1474 : vector<16xf32>
        %parallel_loop3A_1478 = arith.minimumf %parallel_loop3A_1441, %parallel_loop3A_1476 : vector<16xf32>
        %parallel_loop3A_1479 = arith.maximumf %parallel_loop3A_1441, %parallel_loop3A_1476 : vector<16xf32>
        %parallel_loop3A_1480 = arith.maximumf %parallel_loop3A_1442, %parallel_loop3A_1478 : vector<16xf32>
        %parallel_loop3A_1481 = arith.constant 128 : i32
        %parallel_loop3A_1482 = vector.broadcast %parallel_loop3A_1481 : i32 to vector<16xi32>
        %parallel_loop3A_1483 = arith.addi %parallel_loop3A_1458, %parallel_loop3A_1482 : vector<16xi32>
        %parallel_loop3A_1484 = tpu.vector_load_idx %arg4[%iota3A, %parallel_loop3A_1483] : memref<16x2048xf32, #tpu.memory_space<vmem>>[vector<16xi32>, vector<16xi32>], vector<16xf32>,
        %parallel_loop3A_1485 = arith.minimumf %parallel_loop3A_1443, %parallel_loop3A_1484 : vector<16xf32>
        %parallel_loop3A_1486 = arith.maximumf %parallel_loop3A_1443, %parallel_loop3A_1484 : vector<16xf32>
        %parallel_loop3A_1487 = arith.minimumf %parallel_loop3A_1444, %parallel_loop3A_1485 : vector<16xf32>
        %parallel_loop3A_1488 = arith.maximumf %parallel_loop3A_1444, %parallel_loop3A_1485 : vector<16xf32>
        %parallel_loop3A_1489 = arith.minimumf %parallel_loop3A_1445, %parallel_loop3A_1487 : vector<16xf32>
        %parallel_loop3A_1490 = arith.maximumf %parallel_loop3A_1445, %parallel_loop3A_1487 : vector<16xf32>
        %parallel_loop3A_1491 = arith.maximumf %parallel_loop3A_1446, %parallel_loop3A_1489 : vector<16xf32>
        %parallel_loop3A_1492 = arith.constant 192 : i32
        %parallel_loop3A_1493 = vector.broadcast %parallel_loop3A_1492 : i32 to vector<16xi32>
        %parallel_loop3A_1494 = arith.addi %parallel_loop3A_1458, %parallel_loop3A_1493 : vector<16xi32>
        %parallel_loop3A_1495 = tpu.vector_load_idx %arg4[%iota3A, %parallel_loop3A_1494] : memref<16x2048xf32, #tpu.memory_space<vmem>>[vector<16xi32>, vector<16xi32>], vector<16xf32>,
        %parallel_loop3A_1496 = arith.minimumf %parallel_loop3A_1447, %parallel_loop3A_1495 : vector<16xf32>
        %parallel_loop3A_1497 = arith.maximumf %parallel_loop3A_1447, %parallel_loop3A_1495 : vector<16xf32>
        %parallel_loop3A_1498 = arith.minimumf %parallel_loop3A_1448, %parallel_loop3A_1496 : vector<16xf32>
        %parallel_loop3A_1499 = arith.maximumf %parallel_loop3A_1448, %parallel_loop3A_1496 : vector<16xf32>
        %parallel_loop3A_1500 = arith.minimumf %parallel_loop3A_1449, %parallel_loop3A_1498 : vector<16xf32>
        %parallel_loop3A_1501 = arith.maximumf %parallel_loop3A_1449, %parallel_loop3A_1498 : vector<16xf32>
        %parallel_loop3A_1502 = arith.maximumf %parallel_loop3A_1450, %parallel_loop3A_1500 : vector<16xf32>
        scf.yield %parallel_loop3A_1464, %parallel_loop3A_1466, %parallel_loop3A_1468, %parallel_loop3A_1469, %parallel_loop3A_1475, %parallel_loop3A_1477, %parallel_loop3A_1479, %parallel_loop3A_1480, %parallel_loop3A_1486, %parallel_loop3A_1488, %parallel_loop3A_1490, %parallel_loop3A_1491, %parallel_loop3A_1497, %parallel_loop3A_1499, %parallel_loop3A_1501, %parallel_loop3A_1502 : vector<16xf32>, vector<16xf32>, vector<16xf32>, vector<16xf32>, vector<16xf32>, vector<16xf32>, vector<16xf32>, vector<16xf32>, vector<16xf32>, vector<16xf32>, vector<16xf32>, vector<16xf32>, vector<16xf32>, vector<16xf32>, vector<16xf32>, vector<16xf32>
      } {sc.loop_unroll_factor = 4 : i64, sc.parallel_access}
      %max3A_244 = arith.maximumf %parallel_loop3A_243#0, %parallel_loop3A_243#4 : vector<16xf32>
      %max3A_245 = arith.maximumf %parallel_loop3A_243#1, %parallel_loop3A_243#5 : vector<16xf32>
      %min3A_246 = arith.minimumf %parallel_loop3A_243#0, %parallel_loop3A_243#4 : vector<16xf32>
      %max3A_247 = arith.maximumf %max3A_245, %min3A_246 : vector<16xf32>
      %max3A_248 = arith.maximumf %parallel_loop3A_243#2, %parallel_loop3A_243#6 : vector<16xf32>
      %min3A_249 = arith.minimumf %parallel_loop3A_243#1, %parallel_loop3A_243#4 : vector<16xf32>
      %min3A_250 = arith.minimumf %parallel_loop3A_243#0, %parallel_loop3A_243#5 : vector<16xf32>
      %max3A_251 = arith.maximumf %min3A_249, %min3A_250 : vector<16xf32>
      %max3A_252 = arith.maximumf %max3A_248, %max3A_251 : vector<16xf32>
      %max3A_253 = arith.maximumf %parallel_loop3A_243#3, %parallel_loop3A_243#7 : vector<16xf32>
      %min3A_254 = arith.minimumf %parallel_loop3A_243#2, %parallel_loop3A_243#4 : vector<16xf32>
      %min3A_255 = arith.minimumf %parallel_loop3A_243#1, %parallel_loop3A_243#5 : vector<16xf32>
      %min3A_256 = arith.minimumf %parallel_loop3A_243#0, %parallel_loop3A_243#6 : vector<16xf32>
      %max3A_257 = arith.maximumf %min3A_255, %min3A_256 : vector<16xf32>
      %max3A_258 = arith.maximumf %min3A_254, %max3A_257 : vector<16xf32>
      %max3A_259 = arith.maximumf %max3A_253, %max3A_258 : vector<16xf32>
      %max3A_260 = arith.maximumf %parallel_loop3A_243#8, %parallel_loop3A_243#12 : vector<16xf32>
      %max3A_261 = arith.maximumf %parallel_loop3A_243#9, %parallel_loop3A_243#13 : vector<16xf32>
      %min3A_262 = arith.minimumf %parallel_loop3A_243#8, %parallel_loop3A_243#12 : vector<16xf32>
      %max3A_263 = arith.maximumf %max3A_261, %min3A_262 : vector<16xf32>
      %max3A_264 = arith.maximumf %parallel_loop3A_243#10, %parallel_loop3A_243#14 : vector<16xf32>
      %min3A_265 = arith.minimumf %parallel_loop3A_243#9, %parallel_loop3A_243#12 : vector<16xf32>
      %min3A_266 = arith.minimumf %parallel_loop3A_243#8, %parallel_loop3A_243#13 : vector<16xf32>
      %max3A_267 = arith.maximumf %min3A_265, %min3A_266 : vector<16xf32>
      %max3A_268 = arith.maximumf %max3A_264, %max3A_267 : vector<16xf32>
      %max3A_269 = arith.maximumf %parallel_loop3A_243#11, %parallel_loop3A_243#15 : vector<16xf32>
      %min3A_270 = arith.minimumf %parallel_loop3A_243#10, %parallel_loop3A_243#12 : vector<16xf32>
      %min3A_271 = arith.minimumf %parallel_loop3A_243#9, %parallel_loop3A_243#13 : vector<16xf32>
      %min3A_272 = arith.minimumf %parallel_loop3A_243#8, %parallel_loop3A_243#14 : vector<16xf32>
      %max3A_273 = arith.maximumf %min3A_271, %min3A_272 : vector<16xf32>
      %max3A_274 = arith.maximumf %min3A_270, %max3A_273 : vector<16xf32>
      %max3A_275 = arith.maximumf %max3A_269, %max3A_274 : vector<16xf32>
      %max3A_276 = arith.maximumf %max3A_244, %max3A_260 : vector<16xf32>
      %max3A_277 = arith.maximumf %max3A_247, %max3A_263 : vector<16xf32>
      %min3A_278 = arith.minimumf %max3A_244, %max3A_260 : vector<16xf32>
      %max3A_279 = arith.maximumf %max3A_277, %min3A_278 : vector<16xf32>
      %max3A_280 = arith.maximumf %max3A_252, %max3A_268 : vector<16xf32>
      %min3A_281 = arith.minimumf %max3A_247, %max3A_260 : vector<16xf32>
      %min3A_282 = arith.minimumf %max3A_244, %max3A_263 : vector<16xf32>
      %max3A_283 = arith.maximumf %min3A_281, %min3A_282 : vector<16xf32>
      %max3A_284 = arith.maximumf %max3A_280, %max3A_283 : vector<16xf32>
      %max3A_285 = arith.maximumf %max3A_259, %max3A_275 : vector<16xf32>
      %min3A_286 = arith.minimumf %max3A_252, %max3A_260 : vector<16xf32>
      %min3A_287 = arith.minimumf %max3A_247, %max3A_263 : vector<16xf32>
      %min3A_288 = arith.minimumf %max3A_244, %max3A_268 : vector<16xf32>
      %max3A_289 = arith.maximumf %min3A_287, %min3A_288 : vector<16xf32>
      %max3A_290 = arith.maximumf %min3A_286, %max3A_289 : vector<16xf32>
      %max3A_291 = arith.maximumf %max3A_285, %max3A_290 : vector<16xf32>
      %add3A_292 = vector.broadcast %mul3A_74 : i32 to vector<16xi32>
      %add3A_293 = arith.addi %iota3A, %add3A_292 : vector<16xi32>
      %mul3A_294 = arith.constant 32 : i32
      %mul3A_295 = vector.broadcast %mul3A_294 : i32 to vector<16xi32>
      %mul3A_296 = arith.muli %add3A_293, %mul3A_295 : vector<16xi32>
      %add3A_297 = arith.constant 8 : i32
      %add3A_298 = vector.broadcast %add3A_297 : i32 to vector<16xi32>
      %add3A_299 = arith.addi %mul3A_296, %add3A_298 : vector<16xi32>
      tpu.vector_store_idx %arg6[%add3A_299], %max3A_276 : memref<16384xf32, #tpu.memory_space<vmem>>[vector<16xi32>], vector<16xf32>,
      %add3A_300 = vector.broadcast %mul3A_74 : i32 to vector<16xi32>
      %add3A_301 = arith.addi %iota3A, %add3A_300 : vector<16xi32>
      %mul3A_302 = arith.constant 32 : i32
      %mul3A_303 = vector.broadcast %mul3A_302 : i32 to vector<16xi32>
      %mul3A_304 = arith.muli %add3A_301, %mul3A_303 : vector<16xi32>
      %add3A_305 = arith.constant 9 : i32
      %add3A_306 = vector.broadcast %add3A_305 : i32 to vector<16xi32>
      %add3A_307 = arith.addi %mul3A_304, %add3A_306 : vector<16xi32>
      tpu.vector_store_idx %arg6[%add3A_307], %max3A_279 : memref<16384xf32, #tpu.memory_space<vmem>>[vector<16xi32>], vector<16xf32>,
      %add3A_308 = vector.broadcast %mul3A_74 : i32 to vector<16xi32>
      %add3A_309 = arith.addi %iota3A, %add3A_308 : vector<16xi32>
      %mul3A_310 = arith.constant 32 : i32
      %mul3A_311 = vector.broadcast %mul3A_310 : i32 to vector<16xi32>
      %mul3A_312 = arith.muli %add3A_309, %mul3A_311 : vector<16xi32>
      %add3A_313 = arith.constant 10 : i32
      %add3A_314 = vector.broadcast %add3A_313 : i32 to vector<16xi32>
      %add3A_315 = arith.addi %mul3A_312, %add3A_314 : vector<16xi32>
      tpu.vector_store_idx %arg6[%add3A_315], %max3A_284 : memref<16384xf32, #tpu.memory_space<vmem>>[vector<16xi32>], vector<16xf32>,
      %add3A_316 = vector.broadcast %mul3A_74 : i32 to vector<16xi32>
      %add3A_317 = arith.addi %iota3A, %add3A_316 : vector<16xi32>
      %mul3A_318 = arith.constant 32 : i32
      %mul3A_319 = vector.broadcast %mul3A_318 : i32 to vector<16xi32>
      %mul3A_320 = arith.muli %add3A_317, %mul3A_319 : vector<16xi32>
      %add3A_321 = arith.constant 11 : i32
      %add3A_322 = vector.broadcast %add3A_321 : i32 to vector<16xi32>
      %add3A_323 = arith.addi %mul3A_320, %add3A_322 : vector<16xi32>
      tpu.vector_store_idx %arg6[%add3A_323], %max3A_291 : memref<16384xf32, #tpu.memory_space<vmem>>[vector<16xi32>], vector<16xf32>,
      %parallel_loop3A_324 = arith.constant 0 : i32
      %parallel_loop3A_325 = arith.constant 64 : i32
      %parallel_loop3A_326 = arith.constant 1 : i32
      %parallel_loop3A_327:16 = scf.for %parallel_loop3A_1434 = %parallel_loop3A_324 to %parallel_loop3A_325 step %parallel_loop3A_326 iter_args(%parallel_loop3A_1435 = %broadcast_in_dim3A_33, %parallel_loop3A_1436 = %broadcast_in_dim3A_33, %parallel_loop3A_1437 = %broadcast_in_dim3A_33, %parallel_loop3A_1438 = %broadcast_in_dim3A_33, %parallel_loop3A_1439 = %broadcast_in_dim3A_33, %parallel_loop3A_1440 = %broadcast_in_dim3A_33, %parallel_loop3A_1441 = %broadcast_in_dim3A_33, %parallel_loop3A_1442 = %broadcast_in_dim3A_33, %parallel_loop3A_1443 = %broadcast_in_dim3A_33, %parallel_loop3A_1444 = %broadcast_in_dim3A_33, %parallel_loop3A_1445 = %broadcast_in_dim3A_33, %parallel_loop3A_1446 = %broadcast_in_dim3A_33, %parallel_loop3A_1447 = %broadcast_in_dim3A_33, %parallel_loop3A_1448 = %broadcast_in_dim3A_33, %parallel_loop3A_1449 = %broadcast_in_dim3A_33, %parallel_loop3A_1450 = %broadcast_in_dim3A_33) -> (vector<16xf32>, vector<16xf32>, vector<16xf32>, vector<16xf32>, vector<16xf32>, vector<16xf32>, vector<16xf32>, vector<16xf32>, vector<16xf32>, vector<16xf32>, vector<16xf32>, vector<16xf32>, vector<16xf32>, vector<16xf32>, vector<16xf32>, vector<16xf32>)  : i32 {
        %parallel_loop3A_1451 = vector.broadcast %parallel_loop3A_1434 : i32 to vector<16xi32>
        %parallel_loop3A_1452 = arith.xori %iota3A, %parallel_loop3A_1451 : vector<16xi32>
        %parallel_loop3A_1453 = arith.constant 63 : i32
        %parallel_loop3A_1454 = vector.broadcast %parallel_loop3A_1453 : i32 to vector<16xi32>
        %parallel_loop3A_1455 = arith.andi %parallel_loop3A_1452, %parallel_loop3A_1454 : vector<16xi32>
        %parallel_loop3A_1456 = arith.constant 768 : i32
        %parallel_loop3A_1457 = vector.broadcast %parallel_loop3A_1456 : i32 to vector<16xi32>
        %parallel_loop3A_1458 = arith.addi %parallel_loop3A_1457, %parallel_loop3A_1455 : vector<16xi32>
        %parallel_loop3A_1459 = arith.constant 0 : i32
        %parallel_loop3A_1460 = vector.broadcast %parallel_loop3A_1459 : i32 to vector<16xi32>
        %parallel_loop3A_1461 = arith.addi %parallel_loop3A_1458, %parallel_loop3A_1460 : vector<16xi32>
        %parallel_loop3A_1462 = tpu.vector_load_idx %arg4[%iota3A, %parallel_loop3A_1461] : memref<16x2048xf32, #tpu.memory_space<vmem>>[vector<16xi32>, vector<16xi32>], vector<16xf32>,
        %parallel_loop3A_1463 = arith.minimumf %parallel_loop3A_1435, %parallel_loop3A_1462 : vector<16xf32>
        %parallel_loop3A_1464 = arith.maximumf %parallel_loop3A_1435, %parallel_loop3A_1462 : vector<16xf32>
        %parallel_loop3A_1465 = arith.minimumf %parallel_loop3A_1436, %parallel_loop3A_1463 : vector<16xf32>
        %parallel_loop3A_1466 = arith.maximumf %parallel_loop3A_1436, %parallel_loop3A_1463 : vector<16xf32>
        %parallel_loop3A_1467 = arith.minimumf %parallel_loop3A_1437, %parallel_loop3A_1465 : vector<16xf32>
        %parallel_loop3A_1468 = arith.maximumf %parallel_loop3A_1437, %parallel_loop3A_1465 : vector<16xf32>
        %parallel_loop3A_1469 = arith.maximumf %parallel_loop3A_1438, %parallel_loop3A_1467 : vector<16xf32>
        %parallel_loop3A_1470 = arith.constant 64 : i32
        %parallel_loop3A_1471 = vector.broadcast %parallel_loop3A_1470 : i32 to vector<16xi32>
        %parallel_loop3A_1472 = arith.addi %parallel_loop3A_1458, %parallel_loop3A_1471 : vector<16xi32>
        %parallel_loop3A_1473 = tpu.vector_load_idx %arg4[%iota3A, %parallel_loop3A_1472] : memref<16x2048xf32, #tpu.memory_space<vmem>>[vector<16xi32>, vector<16xi32>], vector<16xf32>,
        %parallel_loop3A_1474 = arith.minimumf %parallel_loop3A_1439, %parallel_loop3A_1473 : vector<16xf32>
        %parallel_loop3A_1475 = arith.maximumf %parallel_loop3A_1439, %parallel_loop3A_1473 : vector<16xf32>
        %parallel_loop3A_1476 = arith.minimumf %parallel_loop3A_1440, %parallel_loop3A_1474 : vector<16xf32>
        %parallel_loop3A_1477 = arith.maximumf %parallel_loop3A_1440, %parallel_loop3A_1474 : vector<16xf32>
        %parallel_loop3A_1478 = arith.minimumf %parallel_loop3A_1441, %parallel_loop3A_1476 : vector<16xf32>
        %parallel_loop3A_1479 = arith.maximumf %parallel_loop3A_1441, %parallel_loop3A_1476 : vector<16xf32>
        %parallel_loop3A_1480 = arith.maximumf %parallel_loop3A_1442, %parallel_loop3A_1478 : vector<16xf32>
        %parallel_loop3A_1481 = arith.constant 128 : i32
        %parallel_loop3A_1482 = vector.broadcast %parallel_loop3A_1481 : i32 to vector<16xi32>
        %parallel_loop3A_1483 = arith.addi %parallel_loop3A_1458, %parallel_loop3A_1482 : vector<16xi32>
        %parallel_loop3A_1484 = tpu.vector_load_idx %arg4[%iota3A, %parallel_loop3A_1483] : memref<16x2048xf32, #tpu.memory_space<vmem>>[vector<16xi32>, vector<16xi32>], vector<16xf32>,
        %parallel_loop3A_1485 = arith.minimumf %parallel_loop3A_1443, %parallel_loop3A_1484 : vector<16xf32>
        %parallel_loop3A_1486 = arith.maximumf %parallel_loop3A_1443, %parallel_loop3A_1484 : vector<16xf32>
        %parallel_loop3A_1487 = arith.minimumf %parallel_loop3A_1444, %parallel_loop3A_1485 : vector<16xf32>
        %parallel_loop3A_1488 = arith.maximumf %parallel_loop3A_1444, %parallel_loop3A_1485 : vector<16xf32>
        %parallel_loop3A_1489 = arith.minimumf %parallel_loop3A_1445, %parallel_loop3A_1487 : vector<16xf32>
        %parallel_loop3A_1490 = arith.maximumf %parallel_loop3A_1445, %parallel_loop3A_1487 : vector<16xf32>
        %parallel_loop3A_1491 = arith.maximumf %parallel_loop3A_1446, %parallel_loop3A_1489 : vector<16xf32>
        %parallel_loop3A_1492 = arith.constant 192 : i32
        %parallel_loop3A_1493 = vector.broadcast %parallel_loop3A_1492 : i32 to vector<16xi32>
        %parallel_loop3A_1494 = arith.addi %parallel_loop3A_1458, %parallel_loop3A_1493 : vector<16xi32>
        %parallel_loop3A_1495 = tpu.vector_load_idx %arg4[%iota3A, %parallel_loop3A_1494] : memref<16x2048xf32, #tpu.memory_space<vmem>>[vector<16xi32>, vector<16xi32>], vector<16xf32>,
        %parallel_loop3A_1496 = arith.minimumf %parallel_loop3A_1447, %parallel_loop3A_1495 : vector<16xf32>
        %parallel_loop3A_1497 = arith.maximumf %parallel_loop3A_1447, %parallel_loop3A_1495 : vector<16xf32>
        %parallel_loop3A_1498 = arith.minimumf %parallel_loop3A_1448, %parallel_loop3A_1496 : vector<16xf32>
        %parallel_loop3A_1499 = arith.maximumf %parallel_loop3A_1448, %parallel_loop3A_1496 : vector<16xf32>
        %parallel_loop3A_1500 = arith.minimumf %parallel_loop3A_1449, %parallel_loop3A_1498 : vector<16xf32>
        %parallel_loop3A_1501 = arith.maximumf %parallel_loop3A_1449, %parallel_loop3A_1498 : vector<16xf32>
        %parallel_loop3A_1502 = arith.maximumf %parallel_loop3A_1450, %parallel_loop3A_1500 : vector<16xf32>
        scf.yield %parallel_loop3A_1464, %parallel_loop3A_1466, %parallel_loop3A_1468, %parallel_loop3A_1469, %parallel_loop3A_1475, %parallel_loop3A_1477, %parallel_loop3A_1479, %parallel_loop3A_1480, %parallel_loop3A_1486, %parallel_loop3A_1488, %parallel_loop3A_1490, %parallel_loop3A_1491, %parallel_loop3A_1497, %parallel_loop3A_1499, %parallel_loop3A_1501, %parallel_loop3A_1502 : vector<16xf32>, vector<16xf32>, vector<16xf32>, vector<16xf32>, vector<16xf32>, vector<16xf32>, vector<16xf32>, vector<16xf32>, vector<16xf32>, vector<16xf32>, vector<16xf32>, vector<16xf32>, vector<16xf32>, vector<16xf32>, vector<16xf32>, vector<16xf32>
      } {sc.loop_unroll_factor = 4 : i64, sc.parallel_access}
      %max3A_328 = arith.maximumf %parallel_loop3A_327#0, %parallel_loop3A_327#4 : vector<16xf32>
      %max3A_329 = arith.maximumf %parallel_loop3A_327#1, %parallel_loop3A_327#5 : vector<16xf32>
      %min3A_330 = arith.minimumf %parallel_loop3A_327#0, %parallel_loop3A_327#4 : vector<16xf32>
      %max3A_331 = arith.maximumf %max3A_329, %min3A_330 : vector<16xf32>
      %max3A_332 = arith.maximumf %parallel_loop3A_327#2, %parallel_loop3A_327#6 : vector<16xf32>
      %min3A_333 = arith.minimumf %parallel_loop3A_327#1, %parallel_loop3A_327#4 : vector<16xf32>
      %min3A_334 = arith.minimumf %parallel_loop3A_327#0, %parallel_loop3A_327#5 : vector<16xf32>
      %max3A_335 = arith.maximumf %min3A_333, %min3A_334 : vector<16xf32>
      %max3A_336 = arith.maximumf %max3A_332, %max3A_335 : vector<16xf32>
      %max3A_337 = arith.maximumf %parallel_loop3A_327#3, %parallel_loop3A_327#7 : vector<16xf32>
      %min3A_338 = arith.minimumf %parallel_loop3A_327#2, %parallel_loop3A_327#4 : vector<16xf32>
      %min3A_339 = arith.minimumf %parallel_loop3A_327#1, %parallel_loop3A_327#5 : vector<16xf32>
      %min3A_340 = arith.minimumf %parallel_loop3A_327#0, %parallel_loop3A_327#6 : vector<16xf32>
      %max3A_341 = arith.maximumf %min3A_339, %min3A_340 : vector<16xf32>
      %max3A_342 = arith.maximumf %min3A_338, %max3A_341 : vector<16xf32>
      %max3A_343 = arith.maximumf %max3A_337, %max3A_342 : vector<16xf32>
      %max3A_344 = arith.maximumf %parallel_loop3A_327#8, %parallel_loop3A_327#12 : vector<16xf32>
      %max3A_345 = arith.maximumf %parallel_loop3A_327#9, %parallel_loop3A_327#13 : vector<16xf32>
      %min3A_346 = arith.minimumf %parallel_loop3A_327#8, %parallel_loop3A_327#12 : vector<16xf32>
      %max3A_347 = arith.maximumf %max3A_345, %min3A_346 : vector<16xf32>
      %max3A_348 = arith.maximumf %parallel_loop3A_327#10, %parallel_loop3A_327#14 : vector<16xf32>
      %min3A_349 = arith.minimumf %parallel_loop3A_327#9, %parallel_loop3A_327#12 : vector<16xf32>
      %min3A_350 = arith.minimumf %parallel_loop3A_327#8, %parallel_loop3A_327#13 : vector<16xf32>
      %max3A_351 = arith.maximumf %min3A_349, %min3A_350 : vector<16xf32>
      %max3A_352 = arith.maximumf %max3A_348, %max3A_351 : vector<16xf32>
      %max3A_353 = arith.maximumf %parallel_loop3A_327#11, %parallel_loop3A_327#15 : vector<16xf32>
      %min3A_354 = arith.minimumf %parallel_loop3A_327#10, %parallel_loop3A_327#12 : vector<16xf32>
      %min3A_355 = arith.minimumf %parallel_loop3A_327#9, %parallel_loop3A_327#13 : vector<16xf32>
      %min3A_356 = arith.minimumf %parallel_loop3A_327#8, %parallel_loop3A_327#14 : vector<16xf32>
      %max3A_357 = arith.maximumf %min3A_355, %min3A_356 : vector<16xf32>
      %max3A_358 = arith.maximumf %min3A_354, %max3A_357 : vector<16xf32>
      %max3A_359 = arith.maximumf %max3A_353, %max3A_358 : vector<16xf32>
      %max3A_360 = arith.maximumf %max3A_328, %max3A_344 : vector<16xf32>
      %max3A_361 = arith.maximumf %max3A_331, %max3A_347 : vector<16xf32>
      %min3A_362 = arith.minimumf %max3A_328, %max3A_344 : vector<16xf32>
      %max3A_363 = arith.maximumf %max3A_361, %min3A_362 : vector<16xf32>
      %max3A_364 = arith.maximumf %max3A_336, %max3A_352 : vector<16xf32>
      %min3A_365 = arith.minimumf %max3A_331, %max3A_344 : vector<16xf32>
      %min3A_366 = arith.minimumf %max3A_328, %max3A_347 : vector<16xf32>
      %max3A_367 = arith.maximumf %min3A_365, %min3A_366 : vector<16xf32>
      %max3A_368 = arith.maximumf %max3A_364, %max3A_367 : vector<16xf32>
      %max3A_369 = arith.maximumf %max3A_343, %max3A_359 : vector<16xf32>
      %min3A_370 = arith.minimumf %max3A_336, %max3A_344 : vector<16xf32>
      %min3A_371 = arith.minimumf %max3A_331, %max3A_347 : vector<16xf32>
      %min3A_372 = arith.minimumf %max3A_328, %max3A_352 : vector<16xf32>
      %max3A_373 = arith.maximumf %min3A_371, %min3A_372 : vector<16xf32>
      %max3A_374 = arith.maximumf %min3A_370, %max3A_373 : vector<16xf32>
      %max3A_375 = arith.maximumf %max3A_369, %max3A_374 : vector<16xf32>
      %add3A_376 = vector.broadcast %mul3A_74 : i32 to vector<16xi32>
      %add3A_377 = arith.addi %iota3A, %add3A_376 : vector<16xi32>
      %mul3A_378 = arith.constant 32 : i32
      %mul3A_379 = vector.broadcast %mul3A_378 : i32 to vector<16xi32>
      %mul3A_380 = arith.muli %add3A_377, %mul3A_379 : vector<16xi32>
      %add3A_381 = arith.constant 12 : i32
      %add3A_382 = vector.broadcast %add3A_381 : i32 to vector<16xi32>
      %add3A_383 = arith.addi %mul3A_380, %add3A_382 : vector<16xi32>
      tpu.vector_store_idx %arg6[%add3A_383], %max3A_360 : memref<16384xf32, #tpu.memory_space<vmem>>[vector<16xi32>], vector<16xf32>,
      %add3A_384 = vector.broadcast %mul3A_74 : i32 to vector<16xi32>
      %add3A_385 = arith.addi %iota3A, %add3A_384 : vector<16xi32>
      %mul3A_386 = arith.constant 32 : i32
      %mul3A_387 = vector.broadcast %mul3A_386 : i32 to vector<16xi32>
      %mul3A_388 = arith.muli %add3A_385, %mul3A_387 : vector<16xi32>
      %add3A_389 = arith.constant 13 : i32
      %add3A_390 = vector.broadcast %add3A_389 : i32 to vector<16xi32>
      %add3A_391 = arith.addi %mul3A_388, %add3A_390 : vector<16xi32>
      tpu.vector_store_idx %arg6[%add3A_391], %max3A_363 : memref<16384xf32, #tpu.memory_space<vmem>>[vector<16xi32>], vector<16xf32>,
      %add3A_392 = vector.broadcast %mul3A_74 : i32 to vector<16xi32>
      %add3A_393 = arith.addi %iota3A, %add3A_392 : vector<16xi32>
      %mul3A_394 = arith.constant 32 : i32
      %mul3A_395 = vector.broadcast %mul3A_394 : i32 to vector<16xi32>
      %mul3A_396 = arith.muli %add3A_393, %mul3A_395 : vector<16xi32>
      %add3A_397 = arith.constant 14 : i32
      %add3A_398 = vector.broadcast %add3A_397 : i32 to vector<16xi32>
      %add3A_399 = arith.addi %mul3A_396, %add3A_398 : vector<16xi32>
      tpu.vector_store_idx %arg6[%add3A_399], %max3A_368 : memref<16384xf32, #tpu.memory_space<vmem>>[vector<16xi32>], vector<16xf32>,
      %add3A_400 = vector.broadcast %mul3A_74 : i32 to vector<16xi32>
      %add3A_401 = arith.addi %iota3A, %add3A_400 : vector<16xi32>
      %mul3A_402 = arith.constant 32 : i32
      %mul3A_403 = vector.broadcast %mul3A_402 : i32 to vector<16xi32>
      %mul3A_404 = arith.muli %add3A_401, %mul3A_403 : vector<16xi32>
      %add3A_405 = arith.constant 15 : i32
      %add3A_406 = vector.broadcast %add3A_405 : i32 to vector<16xi32>
      %add3A_407 = arith.addi %mul3A_404, %add3A_406 : vector<16xi32>
      tpu.vector_store_idx %arg6[%add3A_407], %max3A_375 : memref<16384xf32, #tpu.memory_space<vmem>>[vector<16xi32>], vector<16xf32>,
      %parallel_loop3A_408 = arith.constant 0 : i32
      %parallel_loop3A_409 = arith.constant 64 : i32
      %parallel_loop3A_410 = arith.constant 1 : i32
      %parallel_loop3A_411:16 = scf.for %parallel_loop3A_1434 = %parallel_loop3A_408 to %parallel_loop3A_409 step %parallel_loop3A_410 iter_args(%parallel_loop3A_1435 = %broadcast_in_dim3A_33, %parallel_loop3A_1436 = %broadcast_in_dim3A_33, %parallel_loop3A_1437 = %broadcast_in_dim3A_33, %parallel_loop3A_1438 = %broadcast_in_dim3A_33, %parallel_loop3A_1439 = %broadcast_in_dim3A_33, %parallel_loop3A_1440 = %broadcast_in_dim3A_33, %parallel_loop3A_1441 = %broadcast_in_dim3A_33, %parallel_loop3A_1442 = %broadcast_in_dim3A_33, %parallel_loop3A_1443 = %broadcast_in_dim3A_33, %parallel_loop3A_1444 = %broadcast_in_dim3A_33, %parallel_loop3A_1445 = %broadcast_in_dim3A_33, %parallel_loop3A_1446 = %broadcast_in_dim3A_33, %parallel_loop3A_1447 = %broadcast_in_dim3A_33, %parallel_loop3A_1448 = %broadcast_in_dim3A_33, %parallel_loop3A_1449 = %broadcast_in_dim3A_33, %parallel_loop3A_1450 = %broadcast_in_dim3A_33) -> (vector<16xf32>, vector<16xf32>, vector<16xf32>, vector<16xf32>, vector<16xf32>, vector<16xf32>, vector<16xf32>, vector<16xf32>, vector<16xf32>, vector<16xf32>, vector<16xf32>, vector<16xf32>, vector<16xf32>, vector<16xf32>, vector<16xf32>, vector<16xf32>)  : i32 {
        %parallel_loop3A_1451 = vector.broadcast %parallel_loop3A_1434 : i32 to vector<16xi32>
        %parallel_loop3A_1452 = arith.xori %iota3A, %parallel_loop3A_1451 : vector<16xi32>
        %parallel_loop3A_1453 = arith.constant 63 : i32
        %parallel_loop3A_1454 = vector.broadcast %parallel_loop3A_1453 : i32 to vector<16xi32>
        %parallel_loop3A_1455 = arith.andi %parallel_loop3A_1452, %parallel_loop3A_1454 : vector<16xi32>
        %parallel_loop3A_1456 = arith.constant 1024 : i32
        %parallel_loop3A_1457 = vector.broadcast %parallel_loop3A_1456 : i32 to vector<16xi32>
        %parallel_loop3A_1458 = arith.addi %parallel_loop3A_1457, %parallel_loop3A_1455 : vector<16xi32>
        %parallel_loop3A_1459 = arith.constant 0 : i32
        %parallel_loop3A_1460 = vector.broadcast %parallel_loop3A_1459 : i32 to vector<16xi32>
        %parallel_loop3A_1461 = arith.addi %parallel_loop3A_1458, %parallel_loop3A_1460 : vector<16xi32>
        %parallel_loop3A_1462 = tpu.vector_load_idx %arg4[%iota3A, %parallel_loop3A_1461] : memref<16x2048xf32, #tpu.memory_space<vmem>>[vector<16xi32>, vector<16xi32>], vector<16xf32>,
        %parallel_loop3A_1463 = arith.minimumf %parallel_loop3A_1435, %parallel_loop3A_1462 : vector<16xf32>
        %parallel_loop3A_1464 = arith.maximumf %parallel_loop3A_1435, %parallel_loop3A_1462 : vector<16xf32>
        %parallel_loop3A_1465 = arith.minimumf %parallel_loop3A_1436, %parallel_loop3A_1463 : vector<16xf32>
        %parallel_loop3A_1466 = arith.maximumf %parallel_loop3A_1436, %parallel_loop3A_1463 : vector<16xf32>
        %parallel_loop3A_1467 = arith.minimumf %parallel_loop3A_1437, %parallel_loop3A_1465 : vector<16xf32>
        %parallel_loop3A_1468 = arith.maximumf %parallel_loop3A_1437, %parallel_loop3A_1465 : vector<16xf32>
        %parallel_loop3A_1469 = arith.maximumf %parallel_loop3A_1438, %parallel_loop3A_1467 : vector<16xf32>
        %parallel_loop3A_1470 = arith.constant 64 : i32
        %parallel_loop3A_1471 = vector.broadcast %parallel_loop3A_1470 : i32 to vector<16xi32>
        %parallel_loop3A_1472 = arith.addi %parallel_loop3A_1458, %parallel_loop3A_1471 : vector<16xi32>
        %parallel_loop3A_1473 = tpu.vector_load_idx %arg4[%iota3A, %parallel_loop3A_1472] : memref<16x2048xf32, #tpu.memory_space<vmem>>[vector<16xi32>, vector<16xi32>], vector<16xf32>,
        %parallel_loop3A_1474 = arith.minimumf %parallel_loop3A_1439, %parallel_loop3A_1473 : vector<16xf32>
        %parallel_loop3A_1475 = arith.maximumf %parallel_loop3A_1439, %parallel_loop3A_1473 : vector<16xf32>
        %parallel_loop3A_1476 = arith.minimumf %parallel_loop3A_1440, %parallel_loop3A_1474 : vector<16xf32>
        %parallel_loop3A_1477 = arith.maximumf %parallel_loop3A_1440, %parallel_loop3A_1474 : vector<16xf32>
        %parallel_loop3A_1478 = arith.minimumf %parallel_loop3A_1441, %parallel_loop3A_1476 : vector<16xf32>
        %parallel_loop3A_1479 = arith.maximumf %parallel_loop3A_1441, %parallel_loop3A_1476 : vector<16xf32>
        %parallel_loop3A_1480 = arith.maximumf %parallel_loop3A_1442, %parallel_loop3A_1478 : vector<16xf32>
        %parallel_loop3A_1481 = arith.constant 128 : i32
        %parallel_loop3A_1482 = vector.broadcast %parallel_loop3A_1481 : i32 to vector<16xi32>
        %parallel_loop3A_1483 = arith.addi %parallel_loop3A_1458, %parallel_loop3A_1482 : vector<16xi32>
        %parallel_loop3A_1484 = tpu.vector_load_idx %arg4[%iota3A, %parallel_loop3A_1483] : memref<16x2048xf32, #tpu.memory_space<vmem>>[vector<16xi32>, vector<16xi32>], vector<16xf32>,
        %parallel_loop3A_1485 = arith.minimumf %parallel_loop3A_1443, %parallel_loop3A_1484 : vector<16xf32>
        %parallel_loop3A_1486 = arith.maximumf %parallel_loop3A_1443, %parallel_loop3A_1484 : vector<16xf32>
        %parallel_loop3A_1487 = arith.minimumf %parallel_loop3A_1444, %parallel_loop3A_1485 : vector<16xf32>
        %parallel_loop3A_1488 = arith.maximumf %parallel_loop3A_1444, %parallel_loop3A_1485 : vector<16xf32>
        %parallel_loop3A_1489 = arith.minimumf %parallel_loop3A_1445, %parallel_loop3A_1487 : vector<16xf32>
        %parallel_loop3A_1490 = arith.maximumf %parallel_loop3A_1445, %parallel_loop3A_1487 : vector<16xf32>
        %parallel_loop3A_1491 = arith.maximumf %parallel_loop3A_1446, %parallel_loop3A_1489 : vector<16xf32>
        %parallel_loop3A_1492 = arith.constant 192 : i32
        %parallel_loop3A_1493 = vector.broadcast %parallel_loop3A_1492 : i32 to vector<16xi32>
        %parallel_loop3A_1494 = arith.addi %parallel_loop3A_1458, %parallel_loop3A_1493 : vector<16xi32>
        %parallel_loop3A_1495 = tpu.vector_load_idx %arg4[%iota3A, %parallel_loop3A_1494] : memref<16x2048xf32, #tpu.memory_space<vmem>>[vector<16xi32>, vector<16xi32>], vector<16xf32>,
        %parallel_loop3A_1496 = arith.minimumf %parallel_loop3A_1447, %parallel_loop3A_1495 : vector<16xf32>
        %parallel_loop3A_1497 = arith.maximumf %parallel_loop3A_1447, %parallel_loop3A_1495 : vector<16xf32>
        %parallel_loop3A_1498 = arith.minimumf %parallel_loop3A_1448, %parallel_loop3A_1496 : vector<16xf32>
        %parallel_loop3A_1499 = arith.maximumf %parallel_loop3A_1448, %parallel_loop3A_1496 : vector<16xf32>
        %parallel_loop3A_1500 = arith.minimumf %parallel_loop3A_1449, %parallel_loop3A_1498 : vector<16xf32>
        %parallel_loop3A_1501 = arith.maximumf %parallel_loop3A_1449, %parallel_loop3A_1498 : vector<16xf32>
        %parallel_loop3A_1502 = arith.maximumf %parallel_loop3A_1450, %parallel_loop3A_1500 : vector<16xf32>
        scf.yield %parallel_loop3A_1464, %parallel_loop3A_1466, %parallel_loop3A_1468, %parallel_loop3A_1469, %parallel_loop3A_1475, %parallel_loop3A_1477, %parallel_loop3A_1479, %parallel_loop3A_1480, %parallel_loop3A_1486, %parallel_loop3A_1488, %parallel_loop3A_1490, %parallel_loop3A_1491, %parallel_loop3A_1497, %parallel_loop3A_1499, %parallel_loop3A_1501, %parallel_loop3A_1502 : vector<16xf32>, vector<16xf32>, vector<16xf32>, vector<16xf32>, vector<16xf32>, vector<16xf32>, vector<16xf32>, vector<16xf32>, vector<16xf32>, vector<16xf32>, vector<16xf32>, vector<16xf32>, vector<16xf32>, vector<16xf32>, vector<16xf32>, vector<16xf32>
      } {sc.loop_unroll_factor = 4 : i64, sc.parallel_access}
      %max3A_412 = arith.maximumf %parallel_loop3A_411#0, %parallel_loop3A_411#4 : vector<16xf32>
      %max3A_413 = arith.maximumf %parallel_loop3A_411#1, %parallel_loop3A_411#5 : vector<16xf32>
      %min3A_414 = arith.minimumf %parallel_loop3A_411#0, %parallel_loop3A_411#4 : vector<16xf32>
      %max3A_415 = arith.maximumf %max3A_413, %min3A_414 : vector<16xf32>
      %max3A_416 = arith.maximumf %parallel_loop3A_411#2, %parallel_loop3A_411#6 : vector<16xf32>
      %min3A_417 = arith.minimumf %parallel_loop3A_411#1, %parallel_loop3A_411#4 : vector<16xf32>
      %min3A_418 = arith.minimumf %parallel_loop3A_411#0, %parallel_loop3A_411#5 : vector<16xf32>
      %max3A_419 = arith.maximumf %min3A_417, %min3A_418 : vector<16xf32>
      %max3A_420 = arith.maximumf %max3A_416, %max3A_419 : vector<16xf32>
      %max3A_421 = arith.maximumf %parallel_loop3A_411#3, %parallel_loop3A_411#7 : vector<16xf32>
      %min3A_422 = arith.minimumf %parallel_loop3A_411#2, %parallel_loop3A_411#4 : vector<16xf32>
      %min3A_423 = arith.minimumf %parallel_loop3A_411#1, %parallel_loop3A_411#5 : vector<16xf32>
      %min3A_424 = arith.minimumf %parallel_loop3A_411#0, %parallel_loop3A_411#6 : vector<16xf32>
      %max3A_425 = arith.maximumf %min3A_423, %min3A_424 : vector<16xf32>
      %max3A_426 = arith.maximumf %min3A_422, %max3A_425 : vector<16xf32>
      %max3A_427 = arith.maximumf %max3A_421, %max3A_426 : vector<16xf32>
      %max3A_428 = arith.maximumf %parallel_loop3A_411#8, %parallel_loop3A_411#12 : vector<16xf32>
      %max3A_429 = arith.maximumf %parallel_loop3A_411#9, %parallel_loop3A_411#13 : vector<16xf32>
      %min3A_430 = arith.minimumf %parallel_loop3A_411#8, %parallel_loop3A_411#12 : vector<16xf32>
      %max3A_431 = arith.maximumf %max3A_429, %min3A_430 : vector<16xf32>
      %max3A_432 = arith.maximumf %parallel_loop3A_411#10, %parallel_loop3A_411#14 : vector<16xf32>
      %min3A_433 = arith.minimumf %parallel_loop3A_411#9, %parallel_loop3A_411#12 : vector<16xf32>
      %min3A_434 = arith.minimumf %parallel_loop3A_411#8, %parallel_loop3A_411#13 : vector<16xf32>
      %max3A_435 = arith.maximumf %min3A_433, %min3A_434 : vector<16xf32>
      %max3A_436 = arith.maximumf %max3A_432, %max3A_435 : vector<16xf32>
      %max3A_437 = arith.maximumf %parallel_loop3A_411#11, %parallel_loop3A_411#15 : vector<16xf32>
      %min3A_438 = arith.minimumf %parallel_loop3A_411#10, %parallel_loop3A_411#12 : vector<16xf32>
      %min3A_439 = arith.minimumf %parallel_loop3A_411#9, %parallel_loop3A_411#13 : vector<16xf32>
      %min3A_440 = arith.minimumf %parallel_loop3A_411#8, %parallel_loop3A_411#14 : vector<16xf32>
      %max3A_441 = arith.maximumf %min3A_439, %min3A_440 : vector<16xf32>
      %max3A_442 = arith.maximumf %min3A_438, %max3A_441 : vector<16xf32>
      %max3A_443 = arith.maximumf %max3A_437, %max3A_442 : vector<16xf32>
      %max3A_444 = arith.maximumf %max3A_412, %max3A_428 : vector<16xf32>
      %max3A_445 = arith.maximumf %max3A_415, %max3A_431 : vector<16xf32>
      %min3A_446 = arith.minimumf %max3A_412, %max3A_428 : vector<16xf32>
      %max3A_447 = arith.maximumf %max3A_445, %min3A_446 : vector<16xf32>
      %max3A_448 = arith.maximumf %max3A_420, %max3A_436 : vector<16xf32>
      %min3A_449 = arith.minimumf %max3A_415, %max3A_428 : vector<16xf32>
      %min3A_450 = arith.minimumf %max3A_412, %max3A_431 : vector<16xf32>
      %max3A_451 = arith.maximumf %min3A_449, %min3A_450 : vector<16xf32>
      %max3A_452 = arith.maximumf %max3A_448, %max3A_451 : vector<16xf32>
      %max3A_453 = arith.maximumf %max3A_427, %max3A_443 : vector<16xf32>
      %min3A_454 = arith.minimumf %max3A_420, %max3A_428 : vector<16xf32>
      %min3A_455 = arith.minimumf %max3A_415, %max3A_431 : vector<16xf32>
      %min3A_456 = arith.minimumf %max3A_412, %max3A_436 : vector<16xf32>
      %max3A_457 = arith.maximumf %min3A_455, %min3A_456 : vector<16xf32>
      %max3A_458 = arith.maximumf %min3A_454, %max3A_457 : vector<16xf32>
      %max3A_459 = arith.maximumf %max3A_453, %max3A_458 : vector<16xf32>
      %add3A_460 = vector.broadcast %mul3A_74 : i32 to vector<16xi32>
      %add3A_461 = arith.addi %iota3A, %add3A_460 : vector<16xi32>
      %mul3A_462 = arith.constant 32 : i32
      %mul3A_463 = vector.broadcast %mul3A_462 : i32 to vector<16xi32>
      %mul3A_464 = arith.muli %add3A_461, %mul3A_463 : vector<16xi32>
      %add3A_465 = arith.constant 16 : i32
      %add3A_466 = vector.broadcast %add3A_465 : i32 to vector<16xi32>
      %add3A_467 = arith.addi %mul3A_464, %add3A_466 : vector<16xi32>
      tpu.vector_store_idx %arg6[%add3A_467], %max3A_444 : memref<16384xf32, #tpu.memory_space<vmem>>[vector<16xi32>], vector<16xf32>,
      %add3A_468 = vector.broadcast %mul3A_74 : i32 to vector<16xi32>
      %add3A_469 = arith.addi %iota3A, %add3A_468 : vector<16xi32>
      %mul3A_470 = arith.constant 32 : i32
      %mul3A_471 = vector.broadcast %mul3A_470 : i32 to vector<16xi32>
      %mul3A_472 = arith.muli %add3A_469, %mul3A_471 : vector<16xi32>
      %add3A_473 = arith.constant 17 : i32
      %add3A_474 = vector.broadcast %add3A_473 : i32 to vector<16xi32>
      %add3A_475 = arith.addi %mul3A_472, %add3A_474 : vector<16xi32>
      tpu.vector_store_idx %arg6[%add3A_475], %max3A_447 : memref<16384xf32, #tpu.memory_space<vmem>>[vector<16xi32>], vector<16xf32>,
      %add3A_476 = vector.broadcast %mul3A_74 : i32 to vector<16xi32>
      %add3A_477 = arith.addi %iota3A, %add3A_476 : vector<16xi32>
      %mul3A_478 = arith.constant 32 : i32
      %mul3A_479 = vector.broadcast %mul3A_478 : i32 to vector<16xi32>
      %mul3A_480 = arith.muli %add3A_477, %mul3A_479 : vector<16xi32>
      %add3A_481 = arith.constant 18 : i32
      %add3A_482 = vector.broadcast %add3A_481 : i32 to vector<16xi32>
      %add3A_483 = arith.addi %mul3A_480, %add3A_482 : vector<16xi32>
      tpu.vector_store_idx %arg6[%add3A_483], %max3A_452 : memref<16384xf32, #tpu.memory_space<vmem>>[vector<16xi32>], vector<16xf32>,
      %add3A_484 = vector.broadcast %mul3A_74 : i32 to vector<16xi32>
      %add3A_485 = arith.addi %iota3A, %add3A_484 : vector<16xi32>
      %mul3A_486 = arith.constant 32 : i32
      %mul3A_487 = vector.broadcast %mul3A_486 : i32 to vector<16xi32>
      %mul3A_488 = arith.muli %add3A_485, %mul3A_487 : vector<16xi32>
      %add3A_489 = arith.constant 19 : i32
      %add3A_490 = vector.broadcast %add3A_489 : i32 to vector<16xi32>
      %add3A_491 = arith.addi %mul3A_488, %add3A_490 : vector<16xi32>
      tpu.vector_store_idx %arg6[%add3A_491], %max3A_459 : memref<16384xf32, #tpu.memory_space<vmem>>[vector<16xi32>], vector<16xf32>,
      %parallel_loop3A_492 = arith.constant 0 : i32
      %parallel_loop3A_493 = arith.constant 64 : i32
      %parallel_loop3A_494 = arith.constant 1 : i32
      %parallel_loop3A_495:16 = scf.for %parallel_loop3A_1434 = %parallel_loop3A_492 to %parallel_loop3A_493 step %parallel_loop3A_494 iter_args(%parallel_loop3A_1435 = %broadcast_in_dim3A_33, %parallel_loop3A_1436 = %broadcast_in_dim3A_33, %parallel_loop3A_1437 = %broadcast_in_dim3A_33, %parallel_loop3A_1438 = %broadcast_in_dim3A_33, %parallel_loop3A_1439 = %broadcast_in_dim3A_33, %parallel_loop3A_1440 = %broadcast_in_dim3A_33, %parallel_loop3A_1441 = %broadcast_in_dim3A_33, %parallel_loop3A_1442 = %broadcast_in_dim3A_33, %parallel_loop3A_1443 = %broadcast_in_dim3A_33, %parallel_loop3A_1444 = %broadcast_in_dim3A_33, %parallel_loop3A_1445 = %broadcast_in_dim3A_33, %parallel_loop3A_1446 = %broadcast_in_dim3A_33, %parallel_loop3A_1447 = %broadcast_in_dim3A_33, %parallel_loop3A_1448 = %broadcast_in_dim3A_33, %parallel_loop3A_1449 = %broadcast_in_dim3A_33, %parallel_loop3A_1450 = %broadcast_in_dim3A_33) -> (vector<16xf32>, vector<16xf32>, vector<16xf32>, vector<16xf32>, vector<16xf32>, vector<16xf32>, vector<16xf32>, vector<16xf32>, vector<16xf32>, vector<16xf32>, vector<16xf32>, vector<16xf32>, vector<16xf32>, vector<16xf32>, vector<16xf32>, vector<16xf32>)  : i32 {
        %parallel_loop3A_1451 = vector.broadcast %parallel_loop3A_1434 : i32 to vector<16xi32>
        %parallel_loop3A_1452 = arith.xori %iota3A, %parallel_loop3A_1451 : vector<16xi32>
        %parallel_loop3A_1453 = arith.constant 63 : i32
        %parallel_loop3A_1454 = vector.broadcast %parallel_loop3A_1453 : i32 to vector<16xi32>
        %parallel_loop3A_1455 = arith.andi %parallel_loop3A_1452, %parallel_loop3A_1454 : vector<16xi32>
        %parallel_loop3A_1456 = arith.constant 1280 : i32
        %parallel_loop3A_1457 = vector.broadcast %parallel_loop3A_1456 : i32 to vector<16xi32>
        %parallel_loop3A_1458 = arith.addi %parallel_loop3A_1457, %parallel_loop3A_1455 : vector<16xi32>
        %parallel_loop3A_1459 = arith.constant 0 : i32
        %parallel_loop3A_1460 = vector.broadcast %parallel_loop3A_1459 : i32 to vector<16xi32>
        %parallel_loop3A_1461 = arith.addi %parallel_loop3A_1458, %parallel_loop3A_1460 : vector<16xi32>
        %parallel_loop3A_1462 = tpu.vector_load_idx %arg4[%iota3A, %parallel_loop3A_1461] : memref<16x2048xf32, #tpu.memory_space<vmem>>[vector<16xi32>, vector<16xi32>], vector<16xf32>,
        %parallel_loop3A_1463 = arith.minimumf %parallel_loop3A_1435, %parallel_loop3A_1462 : vector<16xf32>
        %parallel_loop3A_1464 = arith.maximumf %parallel_loop3A_1435, %parallel_loop3A_1462 : vector<16xf32>
        %parallel_loop3A_1465 = arith.minimumf %parallel_loop3A_1436, %parallel_loop3A_1463 : vector<16xf32>
        %parallel_loop3A_1466 = arith.maximumf %parallel_loop3A_1436, %parallel_loop3A_1463 : vector<16xf32>
        %parallel_loop3A_1467 = arith.minimumf %parallel_loop3A_1437, %parallel_loop3A_1465 : vector<16xf32>
        %parallel_loop3A_1468 = arith.maximumf %parallel_loop3A_1437, %parallel_loop3A_1465 : vector<16xf32>
        %parallel_loop3A_1469 = arith.maximumf %parallel_loop3A_1438, %parallel_loop3A_1467 : vector<16xf32>
        %parallel_loop3A_1470 = arith.constant 64 : i32
        %parallel_loop3A_1471 = vector.broadcast %parallel_loop3A_1470 : i32 to vector<16xi32>
        %parallel_loop3A_1472 = arith.addi %parallel_loop3A_1458, %parallel_loop3A_1471 : vector<16xi32>
        %parallel_loop3A_1473 = tpu.vector_load_idx %arg4[%iota3A, %parallel_loop3A_1472] : memref<16x2048xf32, #tpu.memory_space<vmem>>[vector<16xi32>, vector<16xi32>], vector<16xf32>,
        %parallel_loop3A_1474 = arith.minimumf %parallel_loop3A_1439, %parallel_loop3A_1473 : vector<16xf32>
        %parallel_loop3A_1475 = arith.maximumf %parallel_loop3A_1439, %parallel_loop3A_1473 : vector<16xf32>
        %parallel_loop3A_1476 = arith.minimumf %parallel_loop3A_1440, %parallel_loop3A_1474 : vector<16xf32>
        %parallel_loop3A_1477 = arith.maximumf %parallel_loop3A_1440, %parallel_loop3A_1474 : vector<16xf32>
        %parallel_loop3A_1478 = arith.minimumf %parallel_loop3A_1441, %parallel_loop3A_1476 : vector<16xf32>
        %parallel_loop3A_1479 = arith.maximumf %parallel_loop3A_1441, %parallel_loop3A_1476 : vector<16xf32>
        %parallel_loop3A_1480 = arith.maximumf %parallel_loop3A_1442, %parallel_loop3A_1478 : vector<16xf32>
        %parallel_loop3A_1481 = arith.constant 128 : i32
        %parallel_loop3A_1482 = vector.broadcast %parallel_loop3A_1481 : i32 to vector<16xi32>
        %parallel_loop3A_1483 = arith.addi %parallel_loop3A_1458, %parallel_loop3A_1482 : vector<16xi32>
        %parallel_loop3A_1484 = tpu.vector_load_idx %arg4[%iota3A, %parallel_loop3A_1483] : memref<16x2048xf32, #tpu.memory_space<vmem>>[vector<16xi32>, vector<16xi32>], vector<16xf32>,
        %parallel_loop3A_1485 = arith.minimumf %parallel_loop3A_1443, %parallel_loop3A_1484 : vector<16xf32>
        %parallel_loop3A_1486 = arith.maximumf %parallel_loop3A_1443, %parallel_loop3A_1484 : vector<16xf32>
        %parallel_loop3A_1487 = arith.minimumf %parallel_loop3A_1444, %parallel_loop3A_1485 : vector<16xf32>
        %parallel_loop3A_1488 = arith.maximumf %parallel_loop3A_1444, %parallel_loop3A_1485 : vector<16xf32>
        %parallel_loop3A_1489 = arith.minimumf %parallel_loop3A_1445, %parallel_loop3A_1487 : vector<16xf32>
        %parallel_loop3A_1490 = arith.maximumf %parallel_loop3A_1445, %parallel_loop3A_1487 : vector<16xf32>
        %parallel_loop3A_1491 = arith.maximumf %parallel_loop3A_1446, %parallel_loop3A_1489 : vector<16xf32>
        %parallel_loop3A_1492 = arith.constant 192 : i32
        %parallel_loop3A_1493 = vector.broadcast %parallel_loop3A_1492 : i32 to vector<16xi32>
        %parallel_loop3A_1494 = arith.addi %parallel_loop3A_1458, %parallel_loop3A_1493 : vector<16xi32>
        %parallel_loop3A_1495 = tpu.vector_load_idx %arg4[%iota3A, %parallel_loop3A_1494] : memref<16x2048xf32, #tpu.memory_space<vmem>>[vector<16xi32>, vector<16xi32>], vector<16xf32>,
        %parallel_loop3A_1496 = arith.minimumf %parallel_loop3A_1447, %parallel_loop3A_1495 : vector<16xf32>
        %parallel_loop3A_1497 = arith.maximumf %parallel_loop3A_1447, %parallel_loop3A_1495 : vector<16xf32>
        %parallel_loop3A_1498 = arith.minimumf %parallel_loop3A_1448, %parallel_loop3A_1496 : vector<16xf32>
        %parallel_loop3A_1499 = arith.maximumf %parallel_loop3A_1448, %parallel_loop3A_1496 : vector<16xf32>
        %parallel_loop3A_1500 = arith.minimumf %parallel_loop3A_1449, %parallel_loop3A_1498 : vector<16xf32>
        %parallel_loop3A_1501 = arith.maximumf %parallel_loop3A_1449, %parallel_loop3A_1498 : vector<16xf32>
        %parallel_loop3A_1502 = arith.maximumf %parallel_loop3A_1450, %parallel_loop3A_1500 : vector<16xf32>
        scf.yield %parallel_loop3A_1464, %parallel_loop3A_1466, %parallel_loop3A_1468, %parallel_loop3A_1469, %parallel_loop3A_1475, %parallel_loop3A_1477, %parallel_loop3A_1479, %parallel_loop3A_1480, %parallel_loop3A_1486, %parallel_loop3A_1488, %parallel_loop3A_1490, %parallel_loop3A_1491, %parallel_loop3A_1497, %parallel_loop3A_1499, %parallel_loop3A_1501, %parallel_loop3A_1502 : vector<16xf32>, vector<16xf32>, vector<16xf32>, vector<16xf32>, vector<16xf32>, vector<16xf32>, vector<16xf32>, vector<16xf32>, vector<16xf32>, vector<16xf32>, vector<16xf32>, vector<16xf32>, vector<16xf32>, vector<16xf32>, vector<16xf32>, vector<16xf32>
      } {sc.loop_unroll_factor = 4 : i64, sc.parallel_access}
      %max3A_496 = arith.maximumf %parallel_loop3A_495#0, %parallel_loop3A_495#4 : vector<16xf32>
      %max3A_497 = arith.maximumf %parallel_loop3A_495#1, %parallel_loop3A_495#5 : vector<16xf32>
      %min3A_498 = arith.minimumf %parallel_loop3A_495#0, %parallel_loop3A_495#4 : vector<16xf32>
      %max3A_499 = arith.maximumf %max3A_497, %min3A_498 : vector<16xf32>
      %max3A_500 = arith.maximumf %parallel_loop3A_495#2, %parallel_loop3A_495#6 : vector<16xf32>
      %min3A_501 = arith.minimumf %parallel_loop3A_495#1, %parallel_loop3A_495#4 : vector<16xf32>
      %min3A_502 = arith.minimumf %parallel_loop3A_495#0, %parallel_loop3A_495#5 : vector<16xf32>
      %max3A_503 = arith.maximumf %min3A_501, %min3A_502 : vector<16xf32>
      %max3A_504 = arith.maximumf %max3A_500, %max3A_503 : vector<16xf32>
      %max3A_505 = arith.maximumf %parallel_loop3A_495#3, %parallel_loop3A_495#7 : vector<16xf32>
      %min3A_506 = arith.minimumf %parallel_loop3A_495#2, %parallel_loop3A_495#4 : vector<16xf32>
      %min3A_507 = arith.minimumf %parallel_loop3A_495#1, %parallel_loop3A_495#5 : vector<16xf32>
      %min3A_508 = arith.minimumf %parallel_loop3A_495#0, %parallel_loop3A_495#6 : vector<16xf32>
      %max3A_509 = arith.maximumf %min3A_507, %min3A_508 : vector<16xf32>
      %max3A_510 = arith.maximumf %min3A_506, %max3A_509 : vector<16xf32>
      %max3A_511 = arith.maximumf %max3A_505, %max3A_510 : vector<16xf32>
      %max3A_512 = arith.maximumf %parallel_loop3A_495#8, %parallel_loop3A_495#12 : vector<16xf32>
      %max3A_513 = arith.maximumf %parallel_loop3A_495#9, %parallel_loop3A_495#13 : vector<16xf32>
      %min3A_514 = arith.minimumf %parallel_loop3A_495#8, %parallel_loop3A_495#12 : vector<16xf32>
      %max3A_515 = arith.maximumf %max3A_513, %min3A_514 : vector<16xf32>
      %max3A_516 = arith.maximumf %parallel_loop3A_495#10, %parallel_loop3A_495#14 : vector<16xf32>
      %min3A_517 = arith.minimumf %parallel_loop3A_495#9, %parallel_loop3A_495#12 : vector<16xf32>
      %min3A_518 = arith.minimumf %parallel_loop3A_495#8, %parallel_loop3A_495#13 : vector<16xf32>
      %max3A_519 = arith.maximumf %min3A_517, %min3A_518 : vector<16xf32>
      %max3A_520 = arith.maximumf %max3A_516, %max3A_519 : vector<16xf32>
      %max3A_521 = arith.maximumf %parallel_loop3A_495#11, %parallel_loop3A_495#15 : vector<16xf32>
      %min3A_522 = arith.minimumf %parallel_loop3A_495#10, %parallel_loop3A_495#12 : vector<16xf32>
      %min3A_523 = arith.minimumf %parallel_loop3A_495#9, %parallel_loop3A_495#13 : vector<16xf32>
      %min3A_524 = arith.minimumf %parallel_loop3A_495#8, %parallel_loop3A_495#14 : vector<16xf32>
      %max3A_525 = arith.maximumf %min3A_523, %min3A_524 : vector<16xf32>
      %max3A_526 = arith.maximumf %min3A_522, %max3A_525 : vector<16xf32>
      %max3A_527 = arith.maximumf %max3A_521, %max3A_526 : vector<16xf32>
      %max3A_528 = arith.maximumf %max3A_496, %max3A_512 : vector<16xf32>
      %max3A_529 = arith.maximumf %max3A_499, %max3A_515 : vector<16xf32>
      %min3A_530 = arith.minimumf %max3A_496, %max3A_512 : vector<16xf32>
      %max3A_531 = arith.maximumf %max3A_529, %min3A_530 : vector<16xf32>
      %max3A_532 = arith.maximumf %max3A_504, %max3A_520 : vector<16xf32>
      %min3A_533 = arith.minimumf %max3A_499, %max3A_512 : vector<16xf32>
      %min3A_534 = arith.minimumf %max3A_496, %max3A_515 : vector<16xf32>
      %max3A_535 = arith.maximumf %min3A_533, %min3A_534 : vector<16xf32>
      %max3A_536 = arith.maximumf %max3A_532, %max3A_535 : vector<16xf32>
      %max3A_537 = arith.maximumf %max3A_511, %max3A_527 : vector<16xf32>
      %min3A_538 = arith.minimumf %max3A_504, %max3A_512 : vector<16xf32>
      %min3A_539 = arith.minimumf %max3A_499, %max3A_515 : vector<16xf32>
      %min3A_540 = arith.minimumf %max3A_496, %max3A_520 : vector<16xf32>
      %max3A_541 = arith.maximumf %min3A_539, %min3A_540 : vector<16xf32>
      %max3A_542 = arith.maximumf %min3A_538, %max3A_541 : vector<16xf32>
      %max3A_543 = arith.maximumf %max3A_537, %max3A_542 : vector<16xf32>
      %add3A_544 = vector.broadcast %mul3A_74 : i32 to vector<16xi32>
      %add3A_545 = arith.addi %iota3A, %add3A_544 : vector<16xi32>
      %mul3A_546 = arith.constant 32 : i32
      %mul3A_547 = vector.broadcast %mul3A_546 : i32 to vector<16xi32>
      %mul3A_548 = arith.muli %add3A_545, %mul3A_547 : vector<16xi32>
      %add3A_549 = arith.constant 20 : i32
      %add3A_550 = vector.broadcast %add3A_549 : i32 to vector<16xi32>
      %add3A_551 = arith.addi %mul3A_548, %add3A_550 : vector<16xi32>
      tpu.vector_store_idx %arg6[%add3A_551], %max3A_528 : memref<16384xf32, #tpu.memory_space<vmem>>[vector<16xi32>], vector<16xf32>,
      %add3A_552 = vector.broadcast %mul3A_74 : i32 to vector<16xi32>
      %add3A_553 = arith.addi %iota3A, %add3A_552 : vector<16xi32>
      %mul3A_554 = arith.constant 32 : i32
      %mul3A_555 = vector.broadcast %mul3A_554 : i32 to vector<16xi32>
      %mul3A_556 = arith.muli %add3A_553, %mul3A_555 : vector<16xi32>
      %add3A_557 = arith.constant 21 : i32
      %add3A_558 = vector.broadcast %add3A_557 : i32 to vector<16xi32>
      %add3A_559 = arith.addi %mul3A_556, %add3A_558 : vector<16xi32>
      tpu.vector_store_idx %arg6[%add3A_559], %max3A_531 : memref<16384xf32, #tpu.memory_space<vmem>>[vector<16xi32>], vector<16xf32>,
      %add3A_560 = vector.broadcast %mul3A_74 : i32 to vector<16xi32>
      %add3A_561 = arith.addi %iota3A, %add3A_560 : vector<16xi32>
      %mul3A_562 = arith.constant 32 : i32
      %mul3A_563 = vector.broadcast %mul3A_562 : i32 to vector<16xi32>
      %mul3A_564 = arith.muli %add3A_561, %mul3A_563 : vector<16xi32>
      %add3A_565 = arith.constant 22 : i32
      %add3A_566 = vector.broadcast %add3A_565 : i32 to vector<16xi32>
      %add3A_567 = arith.addi %mul3A_564, %add3A_566 : vector<16xi32>
      tpu.vector_store_idx %arg6[%add3A_567], %max3A_536 : memref<16384xf32, #tpu.memory_space<vmem>>[vector<16xi32>], vector<16xf32>,
      %add3A_568 = vector.broadcast %mul3A_74 : i32 to vector<16xi32>
      %add3A_569 = arith.addi %iota3A, %add3A_568 : vector<16xi32>
      %mul3A_570 = arith.constant 32 : i32
      %mul3A_571 = vector.broadcast %mul3A_570 : i32 to vector<16xi32>
      %mul3A_572 = arith.muli %add3A_569, %mul3A_571 : vector<16xi32>
      %add3A_573 = arith.constant 23 : i32
      %add3A_574 = vector.broadcast %add3A_573 : i32 to vector<16xi32>
      %add3A_575 = arith.addi %mul3A_572, %add3A_574 : vector<16xi32>
      tpu.vector_store_idx %arg6[%add3A_575], %max3A_543 : memref<16384xf32, #tpu.memory_space<vmem>>[vector<16xi32>], vector<16xf32>,
      %parallel_loop3A_576 = arith.constant 0 : i32
      %parallel_loop3A_577 = arith.constant 64 : i32
      %parallel_loop3A_578 = arith.constant 1 : i32
      %parallel_loop3A_579:16 = scf.for %parallel_loop3A_1434 = %parallel_loop3A_576 to %parallel_loop3A_577 step %parallel_loop3A_578 iter_args(%parallel_loop3A_1435 = %broadcast_in_dim3A_33, %parallel_loop3A_1436 = %broadcast_in_dim3A_33, %parallel_loop3A_1437 = %broadcast_in_dim3A_33, %parallel_loop3A_1438 = %broadcast_in_dim3A_33, %parallel_loop3A_1439 = %broadcast_in_dim3A_33, %parallel_loop3A_1440 = %broadcast_in_dim3A_33, %parallel_loop3A_1441 = %broadcast_in_dim3A_33, %parallel_loop3A_1442 = %broadcast_in_dim3A_33, %parallel_loop3A_1443 = %broadcast_in_dim3A_33, %parallel_loop3A_1444 = %broadcast_in_dim3A_33, %parallel_loop3A_1445 = %broadcast_in_dim3A_33, %parallel_loop3A_1446 = %broadcast_in_dim3A_33, %parallel_loop3A_1447 = %broadcast_in_dim3A_33, %parallel_loop3A_1448 = %broadcast_in_dim3A_33, %parallel_loop3A_1449 = %broadcast_in_dim3A_33, %parallel_loop3A_1450 = %broadcast_in_dim3A_33) -> (vector<16xf32>, vector<16xf32>, vector<16xf32>, vector<16xf32>, vector<16xf32>, vector<16xf32>, vector<16xf32>, vector<16xf32>, vector<16xf32>, vector<16xf32>, vector<16xf32>, vector<16xf32>, vector<16xf32>, vector<16xf32>, vector<16xf32>, vector<16xf32>)  : i32 {
        %parallel_loop3A_1451 = vector.broadcast %parallel_loop3A_1434 : i32 to vector<16xi32>
        %parallel_loop3A_1452 = arith.xori %iota3A, %parallel_loop3A_1451 : vector<16xi32>
        %parallel_loop3A_1453 = arith.constant 63 : i32
        %parallel_loop3A_1454 = vector.broadcast %parallel_loop3A_1453 : i32 to vector<16xi32>
        %parallel_loop3A_1455 = arith.andi %parallel_loop3A_1452, %parallel_loop3A_1454 : vector<16xi32>
        %parallel_loop3A_1456 = arith.constant 1536 : i32
        %parallel_loop3A_1457 = vector.broadcast %parallel_loop3A_1456 : i32 to vector<16xi32>
        %parallel_loop3A_1458 = arith.addi %parallel_loop3A_1457, %parallel_loop3A_1455 : vector<16xi32>
        %parallel_loop3A_1459 = arith.constant 0 : i32
        %parallel_loop3A_1460 = vector.broadcast %parallel_loop3A_1459 : i32 to vector<16xi32>
        %parallel_loop3A_1461 = arith.addi %parallel_loop3A_1458, %parallel_loop3A_1460 : vector<16xi32>
        %parallel_loop3A_1462 = tpu.vector_load_idx %arg4[%iota3A, %parallel_loop3A_1461] : memref<16x2048xf32, #tpu.memory_space<vmem>>[vector<16xi32>, vector<16xi32>], vector<16xf32>,
        %parallel_loop3A_1463 = arith.minimumf %parallel_loop3A_1435, %parallel_loop3A_1462 : vector<16xf32>
        %parallel_loop3A_1464 = arith.maximumf %parallel_loop3A_1435, %parallel_loop3A_1462 : vector<16xf32>
        %parallel_loop3A_1465 = arith.minimumf %parallel_loop3A_1436, %parallel_loop3A_1463 : vector<16xf32>
        %parallel_loop3A_1466 = arith.maximumf %parallel_loop3A_1436, %parallel_loop3A_1463 : vector<16xf32>
        %parallel_loop3A_1467 = arith.minimumf %parallel_loop3A_1437, %parallel_loop3A_1465 : vector<16xf32>
        %parallel_loop3A_1468 = arith.maximumf %parallel_loop3A_1437, %parallel_loop3A_1465 : vector<16xf32>
        %parallel_loop3A_1469 = arith.maximumf %parallel_loop3A_1438, %parallel_loop3A_1467 : vector<16xf32>
        %parallel_loop3A_1470 = arith.constant 64 : i32
        %parallel_loop3A_1471 = vector.broadcast %parallel_loop3A_1470 : i32 to vector<16xi32>
        %parallel_loop3A_1472 = arith.addi %parallel_loop3A_1458, %parallel_loop3A_1471 : vector<16xi32>
        %parallel_loop3A_1473 = tpu.vector_load_idx %arg4[%iota3A, %parallel_loop3A_1472] : memref<16x2048xf32, #tpu.memory_space<vmem>>[vector<16xi32>, vector<16xi32>], vector<16xf32>,
        %parallel_loop3A_1474 = arith.minimumf %parallel_loop3A_1439, %parallel_loop3A_1473 : vector<16xf32>
        %parallel_loop3A_1475 = arith.maximumf %parallel_loop3A_1439, %parallel_loop3A_1473 : vector<16xf32>
        %parallel_loop3A_1476 = arith.minimumf %parallel_loop3A_1440, %parallel_loop3A_1474 : vector<16xf32>
        %parallel_loop3A_1477 = arith.maximumf %parallel_loop3A_1440, %parallel_loop3A_1474 : vector<16xf32>
        %parallel_loop3A_1478 = arith.minimumf %parallel_loop3A_1441, %parallel_loop3A_1476 : vector<16xf32>
        %parallel_loop3A_1479 = arith.maximumf %parallel_loop3A_1441, %parallel_loop3A_1476 : vector<16xf32>
        %parallel_loop3A_1480 = arith.maximumf %parallel_loop3A_1442, %parallel_loop3A_1478 : vector<16xf32>
        %parallel_loop3A_1481 = arith.constant 128 : i32
        %parallel_loop3A_1482 = vector.broadcast %parallel_loop3A_1481 : i32 to vector<16xi32>
        %parallel_loop3A_1483 = arith.addi %parallel_loop3A_1458, %parallel_loop3A_1482 : vector<16xi32>
        %parallel_loop3A_1484 = tpu.vector_load_idx %arg4[%iota3A, %parallel_loop3A_1483] : memref<16x2048xf32, #tpu.memory_space<vmem>>[vector<16xi32>, vector<16xi32>], vector<16xf32>,
        %parallel_loop3A_1485 = arith.minimumf %parallel_loop3A_1443, %parallel_loop3A_1484 : vector<16xf32>
        %parallel_loop3A_1486 = arith.maximumf %parallel_loop3A_1443, %parallel_loop3A_1484 : vector<16xf32>
        %parallel_loop3A_1487 = arith.minimumf %parallel_loop3A_1444, %parallel_loop3A_1485 : vector<16xf32>
        %parallel_loop3A_1488 = arith.maximumf %parallel_loop3A_1444, %parallel_loop3A_1485 : vector<16xf32>
        %parallel_loop3A_1489 = arith.minimumf %parallel_loop3A_1445, %parallel_loop3A_1487 : vector<16xf32>
        %parallel_loop3A_1490 = arith.maximumf %parallel_loop3A_1445, %parallel_loop3A_1487 : vector<16xf32>
        %parallel_loop3A_1491 = arith.maximumf %parallel_loop3A_1446, %parallel_loop3A_1489 : vector<16xf32>
        %parallel_loop3A_1492 = arith.constant 192 : i32
        %parallel_loop3A_1493 = vector.broadcast %parallel_loop3A_1492 : i32 to vector<16xi32>
        %parallel_loop3A_1494 = arith.addi %parallel_loop3A_1458, %parallel_loop3A_1493 : vector<16xi32>
        %parallel_loop3A_1495 = tpu.vector_load_idx %arg4[%iota3A, %parallel_loop3A_1494] : memref<16x2048xf32, #tpu.memory_space<vmem>>[vector<16xi32>, vector<16xi32>], vector<16xf32>,
        %parallel_loop3A_1496 = arith.minimumf %parallel_loop3A_1447, %parallel_loop3A_1495 : vector<16xf32>
        %parallel_loop3A_1497 = arith.maximumf %parallel_loop3A_1447, %parallel_loop3A_1495 : vector<16xf32>
        %parallel_loop3A_1498 = arith.minimumf %parallel_loop3A_1448, %parallel_loop3A_1496 : vector<16xf32>
        %parallel_loop3A_1499 = arith.maximumf %parallel_loop3A_1448, %parallel_loop3A_1496 : vector<16xf32>
        %parallel_loop3A_1500 = arith.minimumf %parallel_loop3A_1449, %parallel_loop3A_1498 : vector<16xf32>
        %parallel_loop3A_1501 = arith.maximumf %parallel_loop3A_1449, %parallel_loop3A_1498 : vector<16xf32>
        %parallel_loop3A_1502 = arith.maximumf %parallel_loop3A_1450, %parallel_loop3A_1500 : vector<16xf32>
        scf.yield %parallel_loop3A_1464, %parallel_loop3A_1466, %parallel_loop3A_1468, %parallel_loop3A_1469, %parallel_loop3A_1475, %parallel_loop3A_1477, %parallel_loop3A_1479, %parallel_loop3A_1480, %parallel_loop3A_1486, %parallel_loop3A_1488, %parallel_loop3A_1490, %parallel_loop3A_1491, %parallel_loop3A_1497, %parallel_loop3A_1499, %parallel_loop3A_1501, %parallel_loop3A_1502 : vector<16xf32>, vector<16xf32>, vector<16xf32>, vector<16xf32>, vector<16xf32>, vector<16xf32>, vector<16xf32>, vector<16xf32>, vector<16xf32>, vector<16xf32>, vector<16xf32>, vector<16xf32>, vector<16xf32>, vector<16xf32>, vector<16xf32>, vector<16xf32>
      } {sc.loop_unroll_factor = 4 : i64, sc.parallel_access}
      %max3A_580 = arith.maximumf %parallel_loop3A_579#0, %parallel_loop3A_579#4 : vector<16xf32>
      %max3A_581 = arith.maximumf %parallel_loop3A_579#1, %parallel_loop3A_579#5 : vector<16xf32>
      %min3A_582 = arith.minimumf %parallel_loop3A_579#0, %parallel_loop3A_579#4 : vector<16xf32>
      %max3A_583 = arith.maximumf %max3A_581, %min3A_582 : vector<16xf32>
      %max3A_584 = arith.maximumf %parallel_loop3A_579#2, %parallel_loop3A_579#6 : vector<16xf32>
      %min3A_585 = arith.minimumf %parallel_loop3A_579#1, %parallel_loop3A_579#4 : vector<16xf32>
      %min3A_586 = arith.minimumf %parallel_loop3A_579#0, %parallel_loop3A_579#5 : vector<16xf32>
      %max3A_587 = arith.maximumf %min3A_585, %min3A_586 : vector<16xf32>
      %max3A_588 = arith.maximumf %max3A_584, %max3A_587 : vector<16xf32>
      %max3A_589 = arith.maximumf %parallel_loop3A_579#3, %parallel_loop3A_579#7 : vector<16xf32>
      %min3A_590 = arith.minimumf %parallel_loop3A_579#2, %parallel_loop3A_579#4 : vector<16xf32>
      %min3A_591 = arith.minimumf %parallel_loop3A_579#1, %parallel_loop3A_579#5 : vector<16xf32>
      %min3A_592 = arith.minimumf %parallel_loop3A_579#0, %parallel_loop3A_579#6 : vector<16xf32>
      %max3A_593 = arith.maximumf %min3A_591, %min3A_592 : vector<16xf32>
      %max3A_594 = arith.maximumf %min3A_590, %max3A_593 : vector<16xf32>
      %max3A_595 = arith.maximumf %max3A_589, %max3A_594 : vector<16xf32>
      %max3A_596 = arith.maximumf %parallel_loop3A_579#8, %parallel_loop3A_579#12 : vector<16xf32>
      %max3A_597 = arith.maximumf %parallel_loop3A_579#9, %parallel_loop3A_579#13 : vector<16xf32>
      %min3A_598 = arith.minimumf %parallel_loop3A_579#8, %parallel_loop3A_579#12 : vector<16xf32>
      %max3A_599 = arith.maximumf %max3A_597, %min3A_598 : vector<16xf32>
      %max3A_600 = arith.maximumf %parallel_loop3A_579#10, %parallel_loop3A_579#14 : vector<16xf32>
      %min3A_601 = arith.minimumf %parallel_loop3A_579#9, %parallel_loop3A_579#12 : vector<16xf32>
      %min3A_602 = arith.minimumf %parallel_loop3A_579#8, %parallel_loop3A_579#13 : vector<16xf32>
      %max3A_603 = arith.maximumf %min3A_601, %min3A_602 : vector<16xf32>
      %max3A_604 = arith.maximumf %max3A_600, %max3A_603 : vector<16xf32>
      %max3A_605 = arith.maximumf %parallel_loop3A_579#11, %parallel_loop3A_579#15 : vector<16xf32>
      %min3A_606 = arith.minimumf %parallel_loop3A_579#10, %parallel_loop3A_579#12 : vector<16xf32>
      %min3A_607 = arith.minimumf %parallel_loop3A_579#9, %parallel_loop3A_579#13 : vector<16xf32>
      %min3A_608 = arith.minimumf %parallel_loop3A_579#8, %parallel_loop3A_579#14 : vector<16xf32>
      %max3A_609 = arith.maximumf %min3A_607, %min3A_608 : vector<16xf32>
      %max3A_610 = arith.maximumf %min3A_606, %max3A_609 : vector<16xf32>
      %max3A_611 = arith.maximumf %max3A_605, %max3A_610 : vector<16xf32>
      %max3A_612 = arith.maximumf %max3A_580, %max3A_596 : vector<16xf32>
      %max3A_613 = arith.maximumf %max3A_583, %max3A_599 : vector<16xf32>
      %min3A_614 = arith.minimumf %max3A_580, %max3A_596 : vector<16xf32>
      %max3A_615 = arith.maximumf %max3A_613, %min3A_614 : vector<16xf32>
      %max3A_616 = arith.maximumf %max3A_588, %max3A_604 : vector<16xf32>
      %min3A_617 = arith.minimumf %max3A_583, %max3A_596 : vector<16xf32>
      %min3A_618 = arith.minimumf %max3A_580, %max3A_599 : vector<16xf32>
      %max3A_619 = arith.maximumf %min3A_617, %min3A_618 : vector<16xf32>
      %max3A_620 = arith.maximumf %max3A_616, %max3A_619 : vector<16xf32>
      %max3A_621 = arith.maximumf %max3A_595, %max3A_611 : vector<16xf32>
      %min3A_622 = arith.minimumf %max3A_588, %max3A_596 : vector<16xf32>
      %min3A_623 = arith.minimumf %max3A_583, %max3A_599 : vector<16xf32>
      %min3A_624 = arith.minimumf %max3A_580, %max3A_604 : vector<16xf32>
      %max3A_625 = arith.maximumf %min3A_623, %min3A_624 : vector<16xf32>
      %max3A_626 = arith.maximumf %min3A_622, %max3A_625 : vector<16xf32>
      %max3A_627 = arith.maximumf %max3A_621, %max3A_626 : vector<16xf32>
      %add3A_628 = vector.broadcast %mul3A_74 : i32 to vector<16xi32>
      %add3A_629 = arith.addi %iota3A, %add3A_628 : vector<16xi32>
      %mul3A_630 = arith.constant 32 : i32
      %mul3A_631 = vector.broadcast %mul3A_630 : i32 to vector<16xi32>
      %mul3A_632 = arith.muli %add3A_629, %mul3A_631 : vector<16xi32>
      %add3A_633 = arith.constant 24 : i32
      %add3A_634 = vector.broadcast %add3A_633 : i32 to vector<16xi32>
      %add3A_635 = arith.addi %mul3A_632, %add3A_634 : vector<16xi32>
      tpu.vector_store_idx %arg6[%add3A_635], %max3A_612 : memref<16384xf32, #tpu.memory_space<vmem>>[vector<16xi32>], vector<16xf32>,
      %add3A_636 = vector.broadcast %mul3A_74 : i32 to vector<16xi32>
      %add3A_637 = arith.addi %iota3A, %add3A_636 : vector<16xi32>
      %mul3A_638 = arith.constant 32 : i32
      %mul3A_639 = vector.broadcast %mul3A_638 : i32 to vector<16xi32>
      %mul3A_640 = arith.muli %add3A_637, %mul3A_639 : vector<16xi32>
      %add3A_641 = arith.constant 25 : i32
      %add3A_642 = vector.broadcast %add3A_641 : i32 to vector<16xi32>
      %add3A_643 = arith.addi %mul3A_640, %add3A_642 : vector<16xi32>
      tpu.vector_store_idx %arg6[%add3A_643], %max3A_615 : memref<16384xf32, #tpu.memory_space<vmem>>[vector<16xi32>], vector<16xf32>,
      %add3A_644 = vector.broadcast %mul3A_74 : i32 to vector<16xi32>
      %add3A_645 = arith.addi %iota3A, %add3A_644 : vector<16xi32>
      %mul3A_646 = arith.constant 32 : i32
      %mul3A_647 = vector.broadcast %mul3A_646 : i32 to vector<16xi32>
      %mul3A_648 = arith.muli %add3A_645, %mul3A_647 : vector<16xi32>
      %add3A_649 = arith.constant 26 : i32
      %add3A_650 = vector.broadcast %add3A_649 : i32 to vector<16xi32>
      %add3A_651 = arith.addi %mul3A_648, %add3A_650 : vector<16xi32>
      tpu.vector_store_idx %arg6[%add3A_651], %max3A_620 : memref<16384xf32, #tpu.memory_space<vmem>>[vector<16xi32>], vector<16xf32>,
      %add3A_652 = vector.broadcast %mul3A_74 : i32 to vector<16xi32>
      %add3A_653 = arith.addi %iota3A, %add3A_652 : vector<16xi32>
      %mul3A_654 = arith.constant 32 : i32
      %mul3A_655 = vector.broadcast %mul3A_654 : i32 to vector<16xi32>
      %mul3A_656 = arith.muli %add3A_653, %mul3A_655 : vector<16xi32>
      %add3A_657 = arith.constant 27 : i32
      %add3A_658 = vector.broadcast %add3A_657 : i32 to vector<16xi32>
      %add3A_659 = arith.addi %mul3A_656, %add3A_658 : vector<16xi32>
      tpu.vector_store_idx %arg6[%add3A_659], %max3A_627 : memref<16384xf32, #tpu.memory_space<vmem>>[vector<16xi32>], vector<16xf32>,
      %parallel_loop3A_660 = arith.constant 0 : i32
      %parallel_loop3A_661 = arith.constant 64 : i32
      %parallel_loop3A_662 = arith.constant 1 : i32
      %parallel_loop3A_663:16 = scf.for %parallel_loop3A_1434 = %parallel_loop3A_660 to %parallel_loop3A_661 step %parallel_loop3A_662 iter_args(%parallel_loop3A_1435 = %broadcast_in_dim3A_33, %parallel_loop3A_1436 = %broadcast_in_dim3A_33, %parallel_loop3A_1437 = %broadcast_in_dim3A_33, %parallel_loop3A_1438 = %broadcast_in_dim3A_33, %parallel_loop3A_1439 = %broadcast_in_dim3A_33, %parallel_loop3A_1440 = %broadcast_in_dim3A_33, %parallel_loop3A_1441 = %broadcast_in_dim3A_33, %parallel_loop3A_1442 = %broadcast_in_dim3A_33, %parallel_loop3A_1443 = %broadcast_in_dim3A_33, %parallel_loop3A_1444 = %broadcast_in_dim3A_33, %parallel_loop3A_1445 = %broadcast_in_dim3A_33, %parallel_loop3A_1446 = %broadcast_in_dim3A_33, %parallel_loop3A_1447 = %broadcast_in_dim3A_33, %parallel_loop3A_1448 = %broadcast_in_dim3A_33, %parallel_loop3A_1449 = %broadcast_in_dim3A_33, %parallel_loop3A_1450 = %broadcast_in_dim3A_33) -> (vector<16xf32>, vector<16xf32>, vector<16xf32>, vector<16xf32>, vector<16xf32>, vector<16xf32>, vector<16xf32>, vector<16xf32>, vector<16xf32>, vector<16xf32>, vector<16xf32>, vector<16xf32>, vector<16xf32>, vector<16xf32>, vector<16xf32>, vector<16xf32>)  : i32 {
        %parallel_loop3A_1451 = vector.broadcast %parallel_loop3A_1434 : i32 to vector<16xi32>
        %parallel_loop3A_1452 = arith.xori %iota3A, %parallel_loop3A_1451 : vector<16xi32>
        %parallel_loop3A_1453 = arith.constant 63 : i32
        %parallel_loop3A_1454 = vector.broadcast %parallel_loop3A_1453 : i32 to vector<16xi32>
        %parallel_loop3A_1455 = arith.andi %parallel_loop3A_1452, %parallel_loop3A_1454 : vector<16xi32>
        %parallel_loop3A_1456 = arith.constant 1792 : i32
        %parallel_loop3A_1457 = vector.broadcast %parallel_loop3A_1456 : i32 to vector<16xi32>
        %parallel_loop3A_1458 = arith.addi %parallel_loop3A_1457, %parallel_loop3A_1455 : vector<16xi32>
        %parallel_loop3A_1459 = arith.constant 0 : i32
        %parallel_loop3A_1460 = vector.broadcast %parallel_loop3A_1459 : i32 to vector<16xi32>
        %parallel_loop3A_1461 = arith.addi %parallel_loop3A_1458, %parallel_loop3A_1460 : vector<16xi32>
        %parallel_loop3A_1462 = tpu.vector_load_idx %arg4[%iota3A, %parallel_loop3A_1461] : memref<16x2048xf32, #tpu.memory_space<vmem>>[vector<16xi32>, vector<16xi32>], vector<16xf32>,
        %parallel_loop3A_1463 = arith.minimumf %parallel_loop3A_1435, %parallel_loop3A_1462 : vector<16xf32>
        %parallel_loop3A_1464 = arith.maximumf %parallel_loop3A_1435, %parallel_loop3A_1462 : vector<16xf32>
        %parallel_loop3A_1465 = arith.minimumf %parallel_loop3A_1436, %parallel_loop3A_1463 : vector<16xf32>
        %parallel_loop3A_1466 = arith.maximumf %parallel_loop3A_1436, %parallel_loop3A_1463 : vector<16xf32>
        %parallel_loop3A_1467 = arith.minimumf %parallel_loop3A_1437, %parallel_loop3A_1465 : vector<16xf32>
        %parallel_loop3A_1468 = arith.maximumf %parallel_loop3A_1437, %parallel_loop3A_1465 : vector<16xf32>
        %parallel_loop3A_1469 = arith.maximumf %parallel_loop3A_1438, %parallel_loop3A_1467 : vector<16xf32>
        %parallel_loop3A_1470 = arith.constant 64 : i32
        %parallel_loop3A_1471 = vector.broadcast %parallel_loop3A_1470 : i32 to vector<16xi32>
        %parallel_loop3A_1472 = arith.addi %parallel_loop3A_1458, %parallel_loop3A_1471 : vector<16xi32>
        %parallel_loop3A_1473 = tpu.vector_load_idx %arg4[%iota3A, %parallel_loop3A_1472] : memref<16x2048xf32, #tpu.memory_space<vmem>>[vector<16xi32>, vector<16xi32>], vector<16xf32>,
        %parallel_loop3A_1474 = arith.minimumf %parallel_loop3A_1439, %parallel_loop3A_1473 : vector<16xf32>
        %parallel_loop3A_1475 = arith.maximumf %parallel_loop3A_1439, %parallel_loop3A_1473 : vector<16xf32>
        %parallel_loop3A_1476 = arith.minimumf %parallel_loop3A_1440, %parallel_loop3A_1474 : vector<16xf32>
        %parallel_loop3A_1477 = arith.maximumf %parallel_loop3A_1440, %parallel_loop3A_1474 : vector<16xf32>
        %parallel_loop3A_1478 = arith.minimumf %parallel_loop3A_1441, %parallel_loop3A_1476 : vector<16xf32>
        %parallel_loop3A_1479 = arith.maximumf %parallel_loop3A_1441, %parallel_loop3A_1476 : vector<16xf32>
        %parallel_loop3A_1480 = arith.maximumf %parallel_loop3A_1442, %parallel_loop3A_1478 : vector<16xf32>
        %parallel_loop3A_1481 = arith.constant 128 : i32
        %parallel_loop3A_1482 = vector.broadcast %parallel_loop3A_1481 : i32 to vector<16xi32>
        %parallel_loop3A_1483 = arith.addi %parallel_loop3A_1458, %parallel_loop3A_1482 : vector<16xi32>
        %parallel_loop3A_1484 = tpu.vector_load_idx %arg4[%iota3A, %parallel_loop3A_1483] : memref<16x2048xf32, #tpu.memory_space<vmem>>[vector<16xi32>, vector<16xi32>], vector<16xf32>,
        %parallel_loop3A_1485 = arith.minimumf %parallel_loop3A_1443, %parallel_loop3A_1484 : vector<16xf32>
        %parallel_loop3A_1486 = arith.maximumf %parallel_loop3A_1443, %parallel_loop3A_1484 : vector<16xf32>
        %parallel_loop3A_1487 = arith.minimumf %parallel_loop3A_1444, %parallel_loop3A_1485 : vector<16xf32>
        %parallel_loop3A_1488 = arith.maximumf %parallel_loop3A_1444, %parallel_loop3A_1485 : vector<16xf32>
        %parallel_loop3A_1489 = arith.minimumf %parallel_loop3A_1445, %parallel_loop3A_1487 : vector<16xf32>
        %parallel_loop3A_1490 = arith.maximumf %parallel_loop3A_1445, %parallel_loop3A_1487 : vector<16xf32>
        %parallel_loop3A_1491 = arith.maximumf %parallel_loop3A_1446, %parallel_loop3A_1489 : vector<16xf32>
        %parallel_loop3A_1492 = arith.constant 192 : i32
        %parallel_loop3A_1493 = vector.broadcast %parallel_loop3A_1492 : i32 to vector<16xi32>
        %parallel_loop3A_1494 = arith.addi %parallel_loop3A_1458, %parallel_loop3A_1493 : vector<16xi32>
        %parallel_loop3A_1495 = tpu.vector_load_idx %arg4[%iota3A, %parallel_loop3A_1494] : memref<16x2048xf32, #tpu.memory_space<vmem>>[vector<16xi32>, vector<16xi32>], vector<16xf32>,
        %parallel_loop3A_1496 = arith.minimumf %parallel_loop3A_1447, %parallel_loop3A_1495 : vector<16xf32>
        %parallel_loop3A_1497 = arith.maximumf %parallel_loop3A_1447, %parallel_loop3A_1495 : vector<16xf32>
        %parallel_loop3A_1498 = arith.minimumf %parallel_loop3A_1448, %parallel_loop3A_1496 : vector<16xf32>
        %parallel_loop3A_1499 = arith.maximumf %parallel_loop3A_1448, %parallel_loop3A_1496 : vector<16xf32>
        %parallel_loop3A_1500 = arith.minimumf %parallel_loop3A_1449, %parallel_loop3A_1498 : vector<16xf32>
        %parallel_loop3A_1501 = arith.maximumf %parallel_loop3A_1449, %parallel_loop3A_1498 : vector<16xf32>
        %parallel_loop3A_1502 = arith.maximumf %parallel_loop3A_1450, %parallel_loop3A_1500 : vector<16xf32>
        scf.yield %parallel_loop3A_1464, %parallel_loop3A_1466, %parallel_loop3A_1468, %parallel_loop3A_1469, %parallel_loop3A_1475, %parallel_loop3A_1477, %parallel_loop3A_1479, %parallel_loop3A_1480, %parallel_loop3A_1486, %parallel_loop3A_1488, %parallel_loop3A_1490, %parallel_loop3A_1491, %parallel_loop3A_1497, %parallel_loop3A_1499, %parallel_loop3A_1501, %parallel_loop3A_1502 : vector<16xf32>, vector<16xf32>, vector<16xf32>, vector<16xf32>, vector<16xf32>, vector<16xf32>, vector<16xf32>, vector<16xf32>, vector<16xf32>, vector<16xf32>, vector<16xf32>, vector<16xf32>, vector<16xf32>, vector<16xf32>, vector<16xf32>, vector<16xf32>
      } {sc.loop_unroll_factor = 4 : i64, sc.parallel_access}
      %max3A_664 = arith.maximumf %parallel_loop3A_663#0, %parallel_loop3A_663#4 : vector<16xf32>
      %max3A_665 = arith.maximumf %parallel_loop3A_663#1, %parallel_loop3A_663#5 : vector<16xf32>
      %min3A_666 = arith.minimumf %parallel_loop3A_663#0, %parallel_loop3A_663#4 : vector<16xf32>
      %max3A_667 = arith.maximumf %max3A_665, %min3A_666 : vector<16xf32>
      %max3A_668 = arith.maximumf %parallel_loop3A_663#2, %parallel_loop3A_663#6 : vector<16xf32>
      %min3A_669 = arith.minimumf %parallel_loop3A_663#1, %parallel_loop3A_663#4 : vector<16xf32>
      %min3A_670 = arith.minimumf %parallel_loop3A_663#0, %parallel_loop3A_663#5 : vector<16xf32>
      %max3A_671 = arith.maximumf %min3A_669, %min3A_670 : vector<16xf32>
      %max3A_672 = arith.maximumf %max3A_668, %max3A_671 : vector<16xf32>
      %max3A_673 = arith.maximumf %parallel_loop3A_663#3, %parallel_loop3A_663#7 : vector<16xf32>
      %min3A_674 = arith.minimumf %parallel_loop3A_663#2, %parallel_loop3A_663#4 : vector<16xf32>
      %min3A_675 = arith.minimumf %parallel_loop3A_663#1, %parallel_loop3A_663#5 : vector<16xf32>
      %min3A_676 = arith.minimumf %parallel_loop3A_663#0, %parallel_loop3A_663#6 : vector<16xf32>
      %max3A_677 = arith.maximumf %min3A_675, %min3A_676 : vector<16xf32>
      %max3A_678 = arith.maximumf %min3A_674, %max3A_677 : vector<16xf32>
      %max3A_679 = arith.maximumf %max3A_673, %max3A_678 : vector<16xf32>
      %max3A_680 = arith.maximumf %parallel_loop3A_663#8, %parallel_loop3A_663#12 : vector<16xf32>
      %max3A_681 = arith.maximumf %parallel_loop3A_663#9, %parallel_loop3A_663#13 : vector<16xf32>
      %min3A_682 = arith.minimumf %parallel_loop3A_663#8, %parallel_loop3A_663#12 : vector<16xf32>
      %max3A_683 = arith.maximumf %max3A_681, %min3A_682 : vector<16xf32>
      %max3A_684 = arith.maximumf %parallel_loop3A_663#10, %parallel_loop3A_663#14 : vector<16xf32>
      %min3A_685 = arith.minimumf %parallel_loop3A_663#9, %parallel_loop3A_663#12 : vector<16xf32>
      %min3A_686 = arith.minimumf %parallel_loop3A_663#8, %parallel_loop3A_663#13 : vector<16xf32>
      %max3A_687 = arith.maximumf %min3A_685, %min3A_686 : vector<16xf32>
      %max3A_688 = arith.maximumf %max3A_684, %max3A_687 : vector<16xf32>
      %max3A_689 = arith.maximumf %parallel_loop3A_663#11, %parallel_loop3A_663#15 : vector<16xf32>
      %min3A_690 = arith.minimumf %parallel_loop3A_663#10, %parallel_loop3A_663#12 : vector<16xf32>
      %min3A_691 = arith.minimumf %parallel_loop3A_663#9, %parallel_loop3A_663#13 : vector<16xf32>
      %min3A_692 = arith.minimumf %parallel_loop3A_663#8, %parallel_loop3A_663#14 : vector<16xf32>
      %max3A_693 = arith.maximumf %min3A_691, %min3A_692 : vector<16xf32>
      %max3A_694 = arith.maximumf %min3A_690, %max3A_693 : vector<16xf32>
      %max3A_695 = arith.maximumf %max3A_689, %max3A_694 : vector<16xf32>
      %max3A_696 = arith.maximumf %max3A_664, %max3A_680 : vector<16xf32>
      %max3A_697 = arith.maximumf %max3A_667, %max3A_683 : vector<16xf32>
      %min3A_698 = arith.minimumf %max3A_664, %max3A_680 : vector<16xf32>
      %max3A_699 = arith.maximumf %max3A_697, %min3A_698 : vector<16xf32>
      %max3A_700 = arith.maximumf %max3A_672, %max3A_688 : vector<16xf32>
      %min3A_701 = arith.minimumf %max3A_667, %max3A_680 : vector<16xf32>
      %min3A_702 = arith.minimumf %max3A_664, %max3A_683 : vector<16xf32>
      %max3A_703 = arith.maximumf %min3A_701, %min3A_702 : vector<16xf32>
      %max3A_704 = arith.maximumf %max3A_700, %max3A_703 : vector<16xf32>
      %max3A_705 = arith.maximumf %max3A_679, %max3A_695 : vector<16xf32>
      %min3A_706 = arith.minimumf %max3A_672, %max3A_680 : vector<16xf32>
      %min3A_707 = arith.minimumf %max3A_667, %max3A_683 : vector<16xf32>
      %min3A_708 = arith.minimumf %max3A_664, %max3A_688 : vector<16xf32>
      %max3A_709 = arith.maximumf %min3A_707, %min3A_708 : vector<16xf32>
      %max3A_710 = arith.maximumf %min3A_706, %max3A_709 : vector<16xf32>
      %max3A_711 = arith.maximumf %max3A_705, %max3A_710 : vector<16xf32>
      %add3A_712 = vector.broadcast %mul3A_74 : i32 to vector<16xi32>
      %add3A_713 = arith.addi %iota3A, %add3A_712 : vector<16xi32>
      %mul3A_714 = arith.constant 32 : i32
      %mul3A_715 = vector.broadcast %mul3A_714 : i32 to vector<16xi32>
      %mul3A_716 = arith.muli %add3A_713, %mul3A_715 : vector<16xi32>
      %add3A_717 = arith.constant 28 : i32
      %add3A_718 = vector.broadcast %add3A_717 : i32 to vector<16xi32>
      %add3A_719 = arith.addi %mul3A_716, %add3A_718 : vector<16xi32>
      tpu.vector_store_idx %arg6[%add3A_719], %max3A_696 : memref<16384xf32, #tpu.memory_space<vmem>>[vector<16xi32>], vector<16xf32>,
      %add3A_720 = vector.broadcast %mul3A_74 : i32 to vector<16xi32>
      %add3A_721 = arith.addi %iota3A, %add3A_720 : vector<16xi32>
      %mul3A_722 = arith.constant 32 : i32
      %mul3A_723 = vector.broadcast %mul3A_722 : i32 to vector<16xi32>
      %mul3A_724 = arith.muli %add3A_721, %mul3A_723 : vector<16xi32>
      %add3A_725 = arith.constant 29 : i32
      %add3A_726 = vector.broadcast %add3A_725 : i32 to vector<16xi32>
      %add3A_727 = arith.addi %mul3A_724, %add3A_726 : vector<16xi32>
      tpu.vector_store_idx %arg6[%add3A_727], %max3A_699 : memref<16384xf32, #tpu.memory_space<vmem>>[vector<16xi32>], vector<16xf32>,
      %add3A_728 = vector.broadcast %mul3A_74 : i32 to vector<16xi32>
      %add3A_729 = arith.addi %iota3A, %add3A_728 : vector<16xi32>
      %mul3A_730 = arith.constant 32 : i32
      %mul3A_731 = vector.broadcast %mul3A_730 : i32 to vector<16xi32>
      %mul3A_732 = arith.muli %add3A_729, %mul3A_731 : vector<16xi32>
      %add3A_733 = arith.constant 30 : i32
      %add3A_734 = vector.broadcast %add3A_733 : i32 to vector<16xi32>
      %add3A_735 = arith.addi %mul3A_732, %add3A_734 : vector<16xi32>
      tpu.vector_store_idx %arg6[%add3A_735], %max3A_704 : memref<16384xf32, #tpu.memory_space<vmem>>[vector<16xi32>], vector<16xf32>,
      %add3A_736 = vector.broadcast %mul3A_74 : i32 to vector<16xi32>
      %add3A_737 = arith.addi %iota3A, %add3A_736 : vector<16xi32>
      %mul3A_738 = arith.constant 32 : i32
      %mul3A_739 = vector.broadcast %mul3A_738 : i32 to vector<16xi32>
      %mul3A_740 = arith.muli %add3A_737, %mul3A_739 : vector<16xi32>
      %add3A_741 = arith.constant 31 : i32
      %add3A_742 = vector.broadcast %add3A_741 : i32 to vector<16xi32>
      %add3A_743 = arith.addi %mul3A_740, %add3A_742 : vector<16xi32>
      tpu.vector_store_idx %arg6[%add3A_743], %max3A_711 : memref<16384xf32, #tpu.memory_space<vmem>>[vector<16xi32>], vector<16xf32>,
      %lt3A_744 = arith.constant 15 : i32
      %lt3A_745 = arith.cmpi slt, %scan3A_51, %lt3A_744 : i32
      %convert_element_type3A = arith.extui %lt3A_745 : i1 to i32
      %cond3A = arith.constant 0 : i32
      %cond3A_746 = arith.cmpi ne, %convert_element_type3A, %cond3A : i32
      scf.if %cond3A_746 {
        %add3A_1434 = arith.constant 2 : i32
        %add3A_1435 = arith.addi %mul3A_53, %add3A_1434 : i32
        %mul3A_1436 = arith.constant 16 : i32
        %mul3A_1437 = arith.muli %add3A_1435, %mul3A_1436 : i32
        %add3A_1438 = arith.addi %mul3A_32, %mul3A_1437 : i32
        %dma_start3A_1439 = arith.constant 0 : i32
        %dma_start3A_1440 = tpu.memref_slice %arg2[%select_n3A, %add3A_1438, %dma_start3A_1439] : memref<8x2048x2048xf32, #tpu.memory_space<hbm>> -> memref<1x16x2048xf32, #tpu.memory_space<hbm>>
        %dma_start3A_1441 = tpu.memref_squeeze %dma_start3A_1440 : memref<1x16x2048xf32, #tpu.memory_space<hbm>> -> memref<16x2048xf32, #tpu.memory_space<hbm>>
        %dma_start3A_1442 = arith.constant 0 : i32
        %dma_start3A_1443 = tpu.memref_slice %arg2[%select_n3A, %add3A_1438, %dma_start3A_1442] : memref<8x2048x2048xf32, #tpu.memory_space<hbm>> -> memref<1x16x2048xf32, #tpu.memory_space<hbm>>
        %dma_start3A_1444 = tpu.memref_squeeze %dma_start3A_1443 : memref<1x16x2048xf32, #tpu.memory_space<hbm>> -> memref<16x2048xf32, #tpu.memory_space<hbm>>
        tpu.enqueue_dma source(%dma_start3A_1444 : memref<16x2048xf32, #tpu.memory_space<hbm>>) target(%arg4 : memref<16x2048xf32, #tpu.memory_space<vmem>>) target_semaphore(%arg7 : memref<!tpu.dma_semaphore, #tpu.memory_space<semaphore_mem>>)
      } else {
      }
      %add3A_747 = arith.constant 1 : i32
      %add3A_748 = arith.addi %mul3A_53, %add3A_747 : i32
      %mul3A_749 = arith.constant 16 : i32
      %mul3A_750 = arith.muli %add3A_748, %mul3A_749 : i32
      %add3A_751 = arith.addi %mul3A_32, %mul3A_750 : i32
      %dma_wait3A_752 = arith.constant 0 : i32
      %dma_wait3A_753 = tpu.memref_slice %arg2[%select_n3A, %add3A_751, %dma_wait3A_752] : memref<8x2048x2048xf32, #tpu.memory_space<hbm>> -> memref<1x16x2048xf32, #tpu.memory_space<hbm>>
      %dma_wait3A_754 = tpu.memref_squeeze %dma_wait3A_753 : memref<1x16x2048xf32, #tpu.memory_space<hbm>> -> memref<16x2048xf32, #tpu.memory_space<hbm>>
      %dma_wait3A_755 = arith.constant 0 : i32
      %dma_wait3A_756 = tpu.memref_slice %arg2[%select_n3A, %add3A_751, %dma_wait3A_755] : memref<8x2048x2048xf32, #tpu.memory_space<hbm>> -> memref<1x16x2048xf32, #tpu.memory_space<hbm>>
      %dma_wait3A_757 = tpu.memref_squeeze %dma_wait3A_756 : memref<1x16x2048xf32, #tpu.memory_space<hbm>> -> memref<16x2048xf32, #tpu.memory_space<hbm>>
      tpu.wait_dma2 semaphore(%arg8 : memref<!tpu.dma_semaphore, #tpu.memory_space<semaphore_mem>>) src(%dma_wait3A_757 : memref<16x2048xf32, #tpu.memory_space<hbm>>) dst(%arg5 : memref<16x2048xf32, #tpu.memory_space<vmem>>)
      %add3A_758 = arith.constant 1 : i32
      %add3A_759 = arith.addi %mul3A_53, %add3A_758 : i32
      %mul3A_760 = arith.constant 16 : i32
      %mul3A_761 = arith.muli %add3A_759, %mul3A_760 : i32
      %parallel_loop3A_762 = arith.constant 0 : i32
      %parallel_loop3A_763 = arith.constant 64 : i32
      %parallel_loop3A_764 = arith.constant 1 : i32
      %parallel_loop3A_765:16 = scf.for %parallel_loop3A_1434 = %parallel_loop3A_762 to %parallel_loop3A_763 step %parallel_loop3A_764 iter_args(%parallel_loop3A_1435 = %broadcast_in_dim3A_33, %parallel_loop3A_1436 = %broadcast_in_dim3A_33, %parallel_loop3A_1437 = %broadcast_in_dim3A_33, %parallel_loop3A_1438 = %broadcast_in_dim3A_33, %parallel_loop3A_1439 = %broadcast_in_dim3A_33, %parallel_loop3A_1440 = %broadcast_in_dim3A_33, %parallel_loop3A_1441 = %broadcast_in_dim3A_33, %parallel_loop3A_1442 = %broadcast_in_dim3A_33, %parallel_loop3A_1443 = %broadcast_in_dim3A_33, %parallel_loop3A_1444 = %broadcast_in_dim3A_33, %parallel_loop3A_1445 = %broadcast_in_dim3A_33, %parallel_loop3A_1446 = %broadcast_in_dim3A_33, %parallel_loop3A_1447 = %broadcast_in_dim3A_33, %parallel_loop3A_1448 = %broadcast_in_dim3A_33, %parallel_loop3A_1449 = %broadcast_in_dim3A_33, %parallel_loop3A_1450 = %broadcast_in_dim3A_33) -> (vector<16xf32>, vector<16xf32>, vector<16xf32>, vector<16xf32>, vector<16xf32>, vector<16xf32>, vector<16xf32>, vector<16xf32>, vector<16xf32>, vector<16xf32>, vector<16xf32>, vector<16xf32>, vector<16xf32>, vector<16xf32>, vector<16xf32>, vector<16xf32>)  : i32 {
        %parallel_loop3A_1451 = vector.broadcast %parallel_loop3A_1434 : i32 to vector<16xi32>
        %parallel_loop3A_1452 = arith.xori %iota3A, %parallel_loop3A_1451 : vector<16xi32>
        %parallel_loop3A_1453 = arith.constant 63 : i32
        %parallel_loop3A_1454 = vector.broadcast %parallel_loop3A_1453 : i32 to vector<16xi32>
        %parallel_loop3A_1455 = arith.andi %parallel_loop3A_1452, %parallel_loop3A_1454 : vector<16xi32>
        %parallel_loop3A_1456 = arith.constant 0 : i32
        %parallel_loop3A_1457 = vector.broadcast %parallel_loop3A_1456 : i32 to vector<16xi32>
        %parallel_loop3A_1458 = arith.addi %parallel_loop3A_1457, %parallel_loop3A_1455 : vector<16xi32>
        %parallel_loop3A_1459 = arith.constant 0 : i32
        %parallel_loop3A_1460 = vector.broadcast %parallel_loop3A_1459 : i32 to vector<16xi32>
        %parallel_loop3A_1461 = arith.addi %parallel_loop3A_1458, %parallel_loop3A_1460 : vector<16xi32>
        %parallel_loop3A_1462 = tpu.vector_load_idx %arg5[%iota3A, %parallel_loop3A_1461] : memref<16x2048xf32, #tpu.memory_space<vmem>>[vector<16xi32>, vector<16xi32>], vector<16xf32>,
        %parallel_loop3A_1463 = arith.minimumf %parallel_loop3A_1435, %parallel_loop3A_1462 : vector<16xf32>
        %parallel_loop3A_1464 = arith.maximumf %parallel_loop3A_1435, %parallel_loop3A_1462 : vector<16xf32>
        %parallel_loop3A_1465 = arith.minimumf %parallel_loop3A_1436, %parallel_loop3A_1463 : vector<16xf32>
        %parallel_loop3A_1466 = arith.maximumf %parallel_loop3A_1436, %parallel_loop3A_1463 : vector<16xf32>
        %parallel_loop3A_1467 = arith.minimumf %parallel_loop3A_1437, %parallel_loop3A_1465 : vector<16xf32>
        %parallel_loop3A_1468 = arith.maximumf %parallel_loop3A_1437, %parallel_loop3A_1465 : vector<16xf32>
        %parallel_loop3A_1469 = arith.maximumf %parallel_loop3A_1438, %parallel_loop3A_1467 : vector<16xf32>
        %parallel_loop3A_1470 = arith.constant 64 : i32
        %parallel_loop3A_1471 = vector.broadcast %parallel_loop3A_1470 : i32 to vector<16xi32>
        %parallel_loop3A_1472 = arith.addi %parallel_loop3A_1458, %parallel_loop3A_1471 : vector<16xi32>
        %parallel_loop3A_1473 = tpu.vector_load_idx %arg5[%iota3A, %parallel_loop3A_1472] : memref<16x2048xf32, #tpu.memory_space<vmem>>[vector<16xi32>, vector<16xi32>], vector<16xf32>,
        %parallel_loop3A_1474 = arith.minimumf %parallel_loop3A_1439, %parallel_loop3A_1473 : vector<16xf32>
        %parallel_loop3A_1475 = arith.maximumf %parallel_loop3A_1439, %parallel_loop3A_1473 : vector<16xf32>
        %parallel_loop3A_1476 = arith.minimumf %parallel_loop3A_1440, %parallel_loop3A_1474 : vector<16xf32>
        %parallel_loop3A_1477 = arith.maximumf %parallel_loop3A_1440, %parallel_loop3A_1474 : vector<16xf32>
        %parallel_loop3A_1478 = arith.minimumf %parallel_loop3A_1441, %parallel_loop3A_1476 : vector<16xf32>
        %parallel_loop3A_1479 = arith.maximumf %parallel_loop3A_1441, %parallel_loop3A_1476 : vector<16xf32>
        %parallel_loop3A_1480 = arith.maximumf %parallel_loop3A_1442, %parallel_loop3A_1478 : vector<16xf32>
        %parallel_loop3A_1481 = arith.constant 128 : i32
        %parallel_loop3A_1482 = vector.broadcast %parallel_loop3A_1481 : i32 to vector<16xi32>
        %parallel_loop3A_1483 = arith.addi %parallel_loop3A_1458, %parallel_loop3A_1482 : vector<16xi32>
        %parallel_loop3A_1484 = tpu.vector_load_idx %arg5[%iota3A, %parallel_loop3A_1483] : memref<16x2048xf32, #tpu.memory_space<vmem>>[vector<16xi32>, vector<16xi32>], vector<16xf32>,
        %parallel_loop3A_1485 = arith.minimumf %parallel_loop3A_1443, %parallel_loop3A_1484 : vector<16xf32>
        %parallel_loop3A_1486 = arith.maximumf %parallel_loop3A_1443, %parallel_loop3A_1484 : vector<16xf32>
        %parallel_loop3A_1487 = arith.minimumf %parallel_loop3A_1444, %parallel_loop3A_1485 : vector<16xf32>
        %parallel_loop3A_1488 = arith.maximumf %parallel_loop3A_1444, %parallel_loop3A_1485 : vector<16xf32>
        %parallel_loop3A_1489 = arith.minimumf %parallel_loop3A_1445, %parallel_loop3A_1487 : vector<16xf32>
        %parallel_loop3A_1490 = arith.maximumf %parallel_loop3A_1445, %parallel_loop3A_1487 : vector<16xf32>
        %parallel_loop3A_1491 = arith.maximumf %parallel_loop3A_1446, %parallel_loop3A_1489 : vector<16xf32>
        %parallel_loop3A_1492 = arith.constant 192 : i32
        %parallel_loop3A_1493 = vector.broadcast %parallel_loop3A_1492 : i32 to vector<16xi32>
        %parallel_loop3A_1494 = arith.addi %parallel_loop3A_1458, %parallel_loop3A_1493 : vector<16xi32>
        %parallel_loop3A_1495 = tpu.vector_load_idx %arg5[%iota3A, %parallel_loop3A_1494] : memref<16x2048xf32, #tpu.memory_space<vmem>>[vector<16xi32>, vector<16xi32>], vector<16xf32>,
        %parallel_loop3A_1496 = arith.minimumf %parallel_loop3A_1447, %parallel_loop3A_1495 : vector<16xf32>
        %parallel_loop3A_1497 = arith.maximumf %parallel_loop3A_1447, %parallel_loop3A_1495 : vector<16xf32>
        %parallel_loop3A_1498 = arith.minimumf %parallel_loop3A_1448, %parallel_loop3A_1496 : vector<16xf32>
        %parallel_loop3A_1499 = arith.maximumf %parallel_loop3A_1448, %parallel_loop3A_1496 : vector<16xf32>
        %parallel_loop3A_1500 = arith.minimumf %parallel_loop3A_1449, %parallel_loop3A_1498 : vector<16xf32>
        %parallel_loop3A_1501 = arith.maximumf %parallel_loop3A_1449, %parallel_loop3A_1498 : vector<16xf32>
        %parallel_loop3A_1502 = arith.maximumf %parallel_loop3A_1450, %parallel_loop3A_1500 : vector<16xf32>
        scf.yield %parallel_loop3A_1464, %parallel_loop3A_1466, %parallel_loop3A_1468, %parallel_loop3A_1469, %parallel_loop3A_1475, %parallel_loop3A_1477, %parallel_loop3A_1479, %parallel_loop3A_1480, %parallel_loop3A_1486, %parallel_loop3A_1488, %parallel_loop3A_1490, %parallel_loop3A_1491, %parallel_loop3A_1497, %parallel_loop3A_1499, %parallel_loop3A_1501, %parallel_loop3A_1502 : vector<16xf32>, vector<16xf32>, vector<16xf32>, vector<16xf32>, vector<16xf32>, vector<16xf32>, vector<16xf32>, vector<16xf32>, vector<16xf32>, vector<16xf32>, vector<16xf32>, vector<16xf32>, vector<16xf32>, vector<16xf32>, vector<16xf32>, vector<16xf32>
      } {sc.loop_unroll_factor = 4 : i64, sc.parallel_access}
      %max3A_766 = arith.maximumf %parallel_loop3A_765#0, %parallel_loop3A_765#4 : vector<16xf32>
      %max3A_767 = arith.maximumf %parallel_loop3A_765#1, %parallel_loop3A_765#5 : vector<16xf32>
      %min3A_768 = arith.minimumf %parallel_loop3A_765#0, %parallel_loop3A_765#4 : vector<16xf32>
      %max3A_769 = arith.maximumf %max3A_767, %min3A_768 : vector<16xf32>
      %max3A_770 = arith.maximumf %parallel_loop3A_765#2, %parallel_loop3A_765#6 : vector<16xf32>
      %min3A_771 = arith.minimumf %parallel_loop3A_765#1, %parallel_loop3A_765#4 : vector<16xf32>
      %min3A_772 = arith.minimumf %parallel_loop3A_765#0, %parallel_loop3A_765#5 : vector<16xf32>
      %max3A_773 = arith.maximumf %min3A_771, %min3A_772 : vector<16xf32>
      %max3A_774 = arith.maximumf %max3A_770, %max3A_773 : vector<16xf32>
      %max3A_775 = arith.maximumf %parallel_loop3A_765#3, %parallel_loop3A_765#7 : vector<16xf32>
      %min3A_776 = arith.minimumf %parallel_loop3A_765#2, %parallel_loop3A_765#4 : vector<16xf32>
      %min3A_777 = arith.minimumf %parallel_loop3A_765#1, %parallel_loop3A_765#5 : vector<16xf32>
      %min3A_778 = arith.minimumf %parallel_loop3A_765#0, %parallel_loop3A_765#6 : vector<16xf32>
      %max3A_779 = arith.maximumf %min3A_777, %min3A_778 : vector<16xf32>
      %max3A_780 = arith.maximumf %min3A_776, %max3A_779 : vector<16xf32>
      %max3A_781 = arith.maximumf %max3A_775, %max3A_780 : vector<16xf32>
      %max3A_782 = arith.maximumf %parallel_loop3A_765#8, %parallel_loop3A_765#12 : vector<16xf32>
      %max3A_783 = arith.maximumf %parallel_loop3A_765#9, %parallel_loop3A_765#13 : vector<16xf32>
      %min3A_784 = arith.minimumf %parallel_loop3A_765#8, %parallel_loop3A_765#12 : vector<16xf32>
      %max3A_785 = arith.maximumf %max3A_783, %min3A_784 : vector<16xf32>
      %max3A_786 = arith.maximumf %parallel_loop3A_765#10, %parallel_loop3A_765#14 : vector<16xf32>
      %min3A_787 = arith.minimumf %parallel_loop3A_765#9, %parallel_loop3A_765#12 : vector<16xf32>
      %min3A_788 = arith.minimumf %parallel_loop3A_765#8, %parallel_loop3A_765#13 : vector<16xf32>
      %max3A_789 = arith.maximumf %min3A_787, %min3A_788 : vector<16xf32>
      %max3A_790 = arith.maximumf %max3A_786, %max3A_789 : vector<16xf32>
      %max3A_791 = arith.maximumf %parallel_loop3A_765#11, %parallel_loop3A_765#15 : vector<16xf32>
      %min3A_792 = arith.minimumf %parallel_loop3A_765#10, %parallel_loop3A_765#12 : vector<16xf32>
      %min3A_793 = arith.minimumf %parallel_loop3A_765#9, %parallel_loop3A_765#13 : vector<16xf32>
      %min3A_794 = arith.minimumf %parallel_loop3A_765#8, %parallel_loop3A_765#14 : vector<16xf32>
      %max3A_795 = arith.maximumf %min3A_793, %min3A_794 : vector<16xf32>
      %max3A_796 = arith.maximumf %min3A_792, %max3A_795 : vector<16xf32>
      %max3A_797 = arith.maximumf %max3A_791, %max3A_796 : vector<16xf32>
      %max3A_798 = arith.maximumf %max3A_766, %max3A_782 : vector<16xf32>
      %max3A_799 = arith.maximumf %max3A_769, %max3A_785 : vector<16xf32>
      %min3A_800 = arith.minimumf %max3A_766, %max3A_782 : vector<16xf32>
      %max3A_801 = arith.maximumf %max3A_799, %min3A_800 : vector<16xf32>
      %max3A_802 = arith.maximumf %max3A_774, %max3A_790 : vector<16xf32>
      %min3A_803 = arith.minimumf %max3A_769, %max3A_782 : vector<16xf32>
      %min3A_804 = arith.minimumf %max3A_766, %max3A_785 : vector<16xf32>
      %max3A_805 = arith.maximumf %min3A_803, %min3A_804 : vector<16xf32>
      %max3A_806 = arith.maximumf %max3A_802, %max3A_805 : vector<16xf32>
      %max3A_807 = arith.maximumf %max3A_781, %max3A_797 : vector<16xf32>
      %min3A_808 = arith.minimumf %max3A_774, %max3A_782 : vector<16xf32>
      %min3A_809 = arith.minimumf %max3A_769, %max3A_785 : vector<16xf32>
      %min3A_810 = arith.minimumf %max3A_766, %max3A_790 : vector<16xf32>
      %max3A_811 = arith.maximumf %min3A_809, %min3A_810 : vector<16xf32>
      %max3A_812 = arith.maximumf %min3A_808, %max3A_811 : vector<16xf32>
      %max3A_813 = arith.maximumf %max3A_807, %max3A_812 : vector<16xf32>
      %add3A_814 = vector.broadcast %mul3A_761 : i32 to vector<16xi32>
      %add3A_815 = arith.addi %iota3A, %add3A_814 : vector<16xi32>
      %mul3A_816 = arith.constant 32 : i32
      %mul3A_817 = vector.broadcast %mul3A_816 : i32 to vector<16xi32>
      %mul3A_818 = arith.muli %add3A_815, %mul3A_817 : vector<16xi32>
      %add3A_819 = arith.constant 0 : i32
      %add3A_820 = vector.broadcast %add3A_819 : i32 to vector<16xi32>
      %add3A_821 = arith.addi %mul3A_818, %add3A_820 : vector<16xi32>
      tpu.vector_store_idx %arg6[%add3A_821], %max3A_798 : memref<16384xf32, #tpu.memory_space<vmem>>[vector<16xi32>], vector<16xf32>,
      %add3A_822 = vector.broadcast %mul3A_761 : i32 to vector<16xi32>
      %add3A_823 = arith.addi %iota3A, %add3A_822 : vector<16xi32>
      %mul3A_824 = arith.constant 32 : i32
      %mul3A_825 = vector.broadcast %mul3A_824 : i32 to vector<16xi32>
      %mul3A_826 = arith.muli %add3A_823, %mul3A_825 : vector<16xi32>
      %add3A_827 = arith.constant 1 : i32
      %add3A_828 = vector.broadcast %add3A_827 : i32 to vector<16xi32>
      %add3A_829 = arith.addi %mul3A_826, %add3A_828 : vector<16xi32>
      tpu.vector_store_idx %arg6[%add3A_829], %max3A_801 : memref<16384xf32, #tpu.memory_space<vmem>>[vector<16xi32>], vector<16xf32>,
      %add3A_830 = vector.broadcast %mul3A_761 : i32 to vector<16xi32>
      %add3A_831 = arith.addi %iota3A, %add3A_830 : vector<16xi32>
      %mul3A_832 = arith.constant 32 : i32
      %mul3A_833 = vector.broadcast %mul3A_832 : i32 to vector<16xi32>
      %mul3A_834 = arith.muli %add3A_831, %mul3A_833 : vector<16xi32>
      %add3A_835 = arith.constant 2 : i32
      %add3A_836 = vector.broadcast %add3A_835 : i32 to vector<16xi32>
      %add3A_837 = arith.addi %mul3A_834, %add3A_836 : vector<16xi32>
      tpu.vector_store_idx %arg6[%add3A_837], %max3A_806 : memref<16384xf32, #tpu.memory_space<vmem>>[vector<16xi32>], vector<16xf32>,
      %add3A_838 = vector.broadcast %mul3A_761 : i32 to vector<16xi32>
      %add3A_839 = arith.addi %iota3A, %add3A_838 : vector<16xi32>
      %mul3A_840 = arith.constant 32 : i32
      %mul3A_841 = vector.broadcast %mul3A_840 : i32 to vector<16xi32>
      %mul3A_842 = arith.muli %add3A_839, %mul3A_841 : vector<16xi32>
      %add3A_843 = arith.constant 3 : i32
      %add3A_844 = vector.broadcast %add3A_843 : i32 to vector<16xi32>
      %add3A_845 = arith.addi %mul3A_842, %add3A_844 : vector<16xi32>
      tpu.vector_store_idx %arg6[%add3A_845], %max3A_813 : memref<16384xf32, #tpu.memory_space<vmem>>[vector<16xi32>], vector<16xf32>,
      %parallel_loop3A_846 = arith.constant 0 : i32
      %parallel_loop3A_847 = arith.constant 64 : i32
      %parallel_loop3A_848 = arith.constant 1 : i32
      %parallel_loop3A_849:16 = scf.for %parallel_loop3A_1434 = %parallel_loop3A_846 to %parallel_loop3A_847 step %parallel_loop3A_848 iter_args(%parallel_loop3A_1435 = %broadcast_in_dim3A_33, %parallel_loop3A_1436 = %broadcast_in_dim3A_33, %parallel_loop3A_1437 = %broadcast_in_dim3A_33, %parallel_loop3A_1438 = %broadcast_in_dim3A_33, %parallel_loop3A_1439 = %broadcast_in_dim3A_33, %parallel_loop3A_1440 = %broadcast_in_dim3A_33, %parallel_loop3A_1441 = %broadcast_in_dim3A_33, %parallel_loop3A_1442 = %broadcast_in_dim3A_33, %parallel_loop3A_1443 = %broadcast_in_dim3A_33, %parallel_loop3A_1444 = %broadcast_in_dim3A_33, %parallel_loop3A_1445 = %broadcast_in_dim3A_33, %parallel_loop3A_1446 = %broadcast_in_dim3A_33, %parallel_loop3A_1447 = %broadcast_in_dim3A_33, %parallel_loop3A_1448 = %broadcast_in_dim3A_33, %parallel_loop3A_1449 = %broadcast_in_dim3A_33, %parallel_loop3A_1450 = %broadcast_in_dim3A_33) -> (vector<16xf32>, vector<16xf32>, vector<16xf32>, vector<16xf32>, vector<16xf32>, vector<16xf32>, vector<16xf32>, vector<16xf32>, vector<16xf32>, vector<16xf32>, vector<16xf32>, vector<16xf32>, vector<16xf32>, vector<16xf32>, vector<16xf32>, vector<16xf32>)  : i32 {
        %parallel_loop3A_1451 = vector.broadcast %parallel_loop3A_1434 : i32 to vector<16xi32>
        %parallel_loop3A_1452 = arith.xori %iota3A, %parallel_loop3A_1451 : vector<16xi32>
        %parallel_loop3A_1453 = arith.constant 63 : i32
        %parallel_loop3A_1454 = vector.broadcast %parallel_loop3A_1453 : i32 to vector<16xi32>
        %parallel_loop3A_1455 = arith.andi %parallel_loop3A_1452, %parallel_loop3A_1454 : vector<16xi32>
        %parallel_loop3A_1456 = arith.constant 256 : i32
        %parallel_loop3A_1457 = vector.broadcast %parallel_loop3A_1456 : i32 to vector<16xi32>
        %parallel_loop3A_1458 = arith.addi %parallel_loop3A_1457, %parallel_loop3A_1455 : vector<16xi32>
        %parallel_loop3A_1459 = arith.constant 0 : i32
        %parallel_loop3A_1460 = vector.broadcast %parallel_loop3A_1459 : i32 to vector<16xi32>
        %parallel_loop3A_1461 = arith.addi %parallel_loop3A_1458, %parallel_loop3A_1460 : vector<16xi32>
        %parallel_loop3A_1462 = tpu.vector_load_idx %arg5[%iota3A, %parallel_loop3A_1461] : memref<16x2048xf32, #tpu.memory_space<vmem>>[vector<16xi32>, vector<16xi32>], vector<16xf32>,
        %parallel_loop3A_1463 = arith.minimumf %parallel_loop3A_1435, %parallel_loop3A_1462 : vector<16xf32>
        %parallel_loop3A_1464 = arith.maximumf %parallel_loop3A_1435, %parallel_loop3A_1462 : vector<16xf32>
        %parallel_loop3A_1465 = arith.minimumf %parallel_loop3A_1436, %parallel_loop3A_1463 : vector<16xf32>
        %parallel_loop3A_1466 = arith.maximumf %parallel_loop3A_1436, %parallel_loop3A_1463 : vector<16xf32>
        %parallel_loop3A_1467 = arith.minimumf %parallel_loop3A_1437, %parallel_loop3A_1465 : vector<16xf32>
        %parallel_loop3A_1468 = arith.maximumf %parallel_loop3A_1437, %parallel_loop3A_1465 : vector<16xf32>
        %parallel_loop3A_1469 = arith.maximumf %parallel_loop3A_1438, %parallel_loop3A_1467 : vector<16xf32>
        %parallel_loop3A_1470 = arith.constant 64 : i32
        %parallel_loop3A_1471 = vector.broadcast %parallel_loop3A_1470 : i32 to vector<16xi32>
        %parallel_loop3A_1472 = arith.addi %parallel_loop3A_1458, %parallel_loop3A_1471 : vector<16xi32>
        %parallel_loop3A_1473 = tpu.vector_load_idx %arg5[%iota3A, %parallel_loop3A_1472] : memref<16x2048xf32, #tpu.memory_space<vmem>>[vector<16xi32>, vector<16xi32>], vector<16xf32>,
        %parallel_loop3A_1474 = arith.minimumf %parallel_loop3A_1439, %parallel_loop3A_1473 : vector<16xf32>
        %parallel_loop3A_1475 = arith.maximumf %parallel_loop3A_1439, %parallel_loop3A_1473 : vector<16xf32>
        %parallel_loop3A_1476 = arith.minimumf %parallel_loop3A_1440, %parallel_loop3A_1474 : vector<16xf32>
        %parallel_loop3A_1477 = arith.maximumf %parallel_loop3A_1440, %parallel_loop3A_1474 : vector<16xf32>
        %parallel_loop3A_1478 = arith.minimumf %parallel_loop3A_1441, %parallel_loop3A_1476 : vector<16xf32>
        %parallel_loop3A_1479 = arith.maximumf %parallel_loop3A_1441, %parallel_loop3A_1476 : vector<16xf32>
        %parallel_loop3A_1480 = arith.maximumf %parallel_loop3A_1442, %parallel_loop3A_1478 : vector<16xf32>
        %parallel_loop3A_1481 = arith.constant 128 : i32
        %parallel_loop3A_1482 = vector.broadcast %parallel_loop3A_1481 : i32 to vector<16xi32>
        %parallel_loop3A_1483 = arith.addi %parallel_loop3A_1458, %parallel_loop3A_1482 : vector<16xi32>
        %parallel_loop3A_1484 = tpu.vector_load_idx %arg5[%iota3A, %parallel_loop3A_1483] : memref<16x2048xf32, #tpu.memory_space<vmem>>[vector<16xi32>, vector<16xi32>], vector<16xf32>,
        %parallel_loop3A_1485 = arith.minimumf %parallel_loop3A_1443, %parallel_loop3A_1484 : vector<16xf32>
        %parallel_loop3A_1486 = arith.maximumf %parallel_loop3A_1443, %parallel_loop3A_1484 : vector<16xf32>
        %parallel_loop3A_1487 = arith.minimumf %parallel_loop3A_1444, %parallel_loop3A_1485 : vector<16xf32>
        %parallel_loop3A_1488 = arith.maximumf %parallel_loop3A_1444, %parallel_loop3A_1485 : vector<16xf32>
        %parallel_loop3A_1489 = arith.minimumf %parallel_loop3A_1445, %parallel_loop3A_1487 : vector<16xf32>
        %parallel_loop3A_1490 = arith.maximumf %parallel_loop3A_1445, %parallel_loop3A_1487 : vector<16xf32>
        %parallel_loop3A_1491 = arith.maximumf %parallel_loop3A_1446, %parallel_loop3A_1489 : vector<16xf32>
        %parallel_loop3A_1492 = arith.constant 192 : i32
        %parallel_loop3A_1493 = vector.broadcast %parallel_loop3A_1492 : i32 to vector<16xi32>
        %parallel_loop3A_1494 = arith.addi %parallel_loop3A_1458, %parallel_loop3A_1493 : vector<16xi32>
        %parallel_loop3A_1495 = tpu.vector_load_idx %arg5[%iota3A, %parallel_loop3A_1494] : memref<16x2048xf32, #tpu.memory_space<vmem>>[vector<16xi32>, vector<16xi32>], vector<16xf32>,
        %parallel_loop3A_1496 = arith.minimumf %parallel_loop3A_1447, %parallel_loop3A_1495 : vector<16xf32>
        %parallel_loop3A_1497 = arith.maximumf %parallel_loop3A_1447, %parallel_loop3A_1495 : vector<16xf32>
        %parallel_loop3A_1498 = arith.minimumf %parallel_loop3A_1448, %parallel_loop3A_1496 : vector<16xf32>
        %parallel_loop3A_1499 = arith.maximumf %parallel_loop3A_1448, %parallel_loop3A_1496 : vector<16xf32>
        %parallel_loop3A_1500 = arith.minimumf %parallel_loop3A_1449, %parallel_loop3A_1498 : vector<16xf32>
        %parallel_loop3A_1501 = arith.maximumf %parallel_loop3A_1449, %parallel_loop3A_1498 : vector<16xf32>
        %parallel_loop3A_1502 = arith.maximumf %parallel_loop3A_1450, %parallel_loop3A_1500 : vector<16xf32>
        scf.yield %parallel_loop3A_1464, %parallel_loop3A_1466, %parallel_loop3A_1468, %parallel_loop3A_1469, %parallel_loop3A_1475, %parallel_loop3A_1477, %parallel_loop3A_1479, %parallel_loop3A_1480, %parallel_loop3A_1486, %parallel_loop3A_1488, %parallel_loop3A_1490, %parallel_loop3A_1491, %parallel_loop3A_1497, %parallel_loop3A_1499, %parallel_loop3A_1501, %parallel_loop3A_1502 : vector<16xf32>, vector<16xf32>, vector<16xf32>, vector<16xf32>, vector<16xf32>, vector<16xf32>, vector<16xf32>, vector<16xf32>, vector<16xf32>, vector<16xf32>, vector<16xf32>, vector<16xf32>, vector<16xf32>, vector<16xf32>, vector<16xf32>, vector<16xf32>
      } {sc.loop_unroll_factor = 4 : i64, sc.parallel_access}
      %max3A_850 = arith.maximumf %parallel_loop3A_849#0, %parallel_loop3A_849#4 : vector<16xf32>
      %max3A_851 = arith.maximumf %parallel_loop3A_849#1, %parallel_loop3A_849#5 : vector<16xf32>
      %min3A_852 = arith.minimumf %parallel_loop3A_849#0, %parallel_loop3A_849#4 : vector<16xf32>
      %max3A_853 = arith.maximumf %max3A_851, %min3A_852 : vector<16xf32>
      %max3A_854 = arith.maximumf %parallel_loop3A_849#2, %parallel_loop3A_849#6 : vector<16xf32>
      %min3A_855 = arith.minimumf %parallel_loop3A_849#1, %parallel_loop3A_849#4 : vector<16xf32>
      %min3A_856 = arith.minimumf %parallel_loop3A_849#0, %parallel_loop3A_849#5 : vector<16xf32>
      %max3A_857 = arith.maximumf %min3A_855, %min3A_856 : vector<16xf32>
      %max3A_858 = arith.maximumf %max3A_854, %max3A_857 : vector<16xf32>
      %max3A_859 = arith.maximumf %parallel_loop3A_849#3, %parallel_loop3A_849#7 : vector<16xf32>
      %min3A_860 = arith.minimumf %parallel_loop3A_849#2, %parallel_loop3A_849#4 : vector<16xf32>
      %min3A_861 = arith.minimumf %parallel_loop3A_849#1, %parallel_loop3A_849#5 : vector<16xf32>
      %min3A_862 = arith.minimumf %parallel_loop3A_849#0, %parallel_loop3A_849#6 : vector<16xf32>
      %max3A_863 = arith.maximumf %min3A_861, %min3A_862 : vector<16xf32>
      %max3A_864 = arith.maximumf %min3A_860, %max3A_863 : vector<16xf32>
      %max3A_865 = arith.maximumf %max3A_859, %max3A_864 : vector<16xf32>
      %max3A_866 = arith.maximumf %parallel_loop3A_849#8, %parallel_loop3A_849#12 : vector<16xf32>
      %max3A_867 = arith.maximumf %parallel_loop3A_849#9, %parallel_loop3A_849#13 : vector<16xf32>
      %min3A_868 = arith.minimumf %parallel_loop3A_849#8, %parallel_loop3A_849#12 : vector<16xf32>
      %max3A_869 = arith.maximumf %max3A_867, %min3A_868 : vector<16xf32>
      %max3A_870 = arith.maximumf %parallel_loop3A_849#10, %parallel_loop3A_849#14 : vector<16xf32>
      %min3A_871 = arith.minimumf %parallel_loop3A_849#9, %parallel_loop3A_849#12 : vector<16xf32>
      %min3A_872 = arith.minimumf %parallel_loop3A_849#8, %parallel_loop3A_849#13 : vector<16xf32>
      %max3A_873 = arith.maximumf %min3A_871, %min3A_872 : vector<16xf32>
      %max3A_874 = arith.maximumf %max3A_870, %max3A_873 : vector<16xf32>
      %max3A_875 = arith.maximumf %parallel_loop3A_849#11, %parallel_loop3A_849#15 : vector<16xf32>
      %min3A_876 = arith.minimumf %parallel_loop3A_849#10, %parallel_loop3A_849#12 : vector<16xf32>
      %min3A_877 = arith.minimumf %parallel_loop3A_849#9, %parallel_loop3A_849#13 : vector<16xf32>
      %min3A_878 = arith.minimumf %parallel_loop3A_849#8, %parallel_loop3A_849#14 : vector<16xf32>
      %max3A_879 = arith.maximumf %min3A_877, %min3A_878 : vector<16xf32>
      %max3A_880 = arith.maximumf %min3A_876, %max3A_879 : vector<16xf32>
      %max3A_881 = arith.maximumf %max3A_875, %max3A_880 : vector<16xf32>
      %max3A_882 = arith.maximumf %max3A_850, %max3A_866 : vector<16xf32>
      %max3A_883 = arith.maximumf %max3A_853, %max3A_869 : vector<16xf32>
      %min3A_884 = arith.minimumf %max3A_850, %max3A_866 : vector<16xf32>
      %max3A_885 = arith.maximumf %max3A_883, %min3A_884 : vector<16xf32>
      %max3A_886 = arith.maximumf %max3A_858, %max3A_874 : vector<16xf32>
      %min3A_887 = arith.minimumf %max3A_853, %max3A_866 : vector<16xf32>
      %min3A_888 = arith.minimumf %max3A_850, %max3A_869 : vector<16xf32>
      %max3A_889 = arith.maximumf %min3A_887, %min3A_888 : vector<16xf32>
      %max3A_890 = arith.maximumf %max3A_886, %max3A_889 : vector<16xf32>
      %max3A_891 = arith.maximumf %max3A_865, %max3A_881 : vector<16xf32>
      %min3A_892 = arith.minimumf %max3A_858, %max3A_866 : vector<16xf32>
      %min3A_893 = arith.minimumf %max3A_853, %max3A_869 : vector<16xf32>
      %min3A_894 = arith.minimumf %max3A_850, %max3A_874 : vector<16xf32>
      %max3A_895 = arith.maximumf %min3A_893, %min3A_894 : vector<16xf32>
      %max3A_896 = arith.maximumf %min3A_892, %max3A_895 : vector<16xf32>
      %max3A_897 = arith.maximumf %max3A_891, %max3A_896 : vector<16xf32>
      %add3A_898 = vector.broadcast %mul3A_761 : i32 to vector<16xi32>
      %add3A_899 = arith.addi %iota3A, %add3A_898 : vector<16xi32>
      %mul3A_900 = arith.constant 32 : i32
      %mul3A_901 = vector.broadcast %mul3A_900 : i32 to vector<16xi32>
      %mul3A_902 = arith.muli %add3A_899, %mul3A_901 : vector<16xi32>
      %add3A_903 = arith.constant 4 : i32
      %add3A_904 = vector.broadcast %add3A_903 : i32 to vector<16xi32>
      %add3A_905 = arith.addi %mul3A_902, %add3A_904 : vector<16xi32>
      tpu.vector_store_idx %arg6[%add3A_905], %max3A_882 : memref<16384xf32, #tpu.memory_space<vmem>>[vector<16xi32>], vector<16xf32>,
      %add3A_906 = vector.broadcast %mul3A_761 : i32 to vector<16xi32>
      %add3A_907 = arith.addi %iota3A, %add3A_906 : vector<16xi32>
      %mul3A_908 = arith.constant 32 : i32
      %mul3A_909 = vector.broadcast %mul3A_908 : i32 to vector<16xi32>
      %mul3A_910 = arith.muli %add3A_907, %mul3A_909 : vector<16xi32>
      %add3A_911 = arith.constant 5 : i32
      %add3A_912 = vector.broadcast %add3A_911 : i32 to vector<16xi32>
      %add3A_913 = arith.addi %mul3A_910, %add3A_912 : vector<16xi32>
      tpu.vector_store_idx %arg6[%add3A_913], %max3A_885 : memref<16384xf32, #tpu.memory_space<vmem>>[vector<16xi32>], vector<16xf32>,
      %add3A_914 = vector.broadcast %mul3A_761 : i32 to vector<16xi32>
      %add3A_915 = arith.addi %iota3A, %add3A_914 : vector<16xi32>
      %mul3A_916 = arith.constant 32 : i32
      %mul3A_917 = vector.broadcast %mul3A_916 : i32 to vector<16xi32>
      %mul3A_918 = arith.muli %add3A_915, %mul3A_917 : vector<16xi32>
      %add3A_919 = arith.constant 6 : i32
      %add3A_920 = vector.broadcast %add3A_919 : i32 to vector<16xi32>
      %add3A_921 = arith.addi %mul3A_918, %add3A_920 : vector<16xi32>
      tpu.vector_store_idx %arg6[%add3A_921], %max3A_890 : memref<16384xf32, #tpu.memory_space<vmem>>[vector<16xi32>], vector<16xf32>,
      %add3A_922 = vector.broadcast %mul3A_761 : i32 to vector<16xi32>
      %add3A_923 = arith.addi %iota3A, %add3A_922 : vector<16xi32>
      %mul3A_924 = arith.constant 32 : i32
      %mul3A_925 = vector.broadcast %mul3A_924 : i32 to vector<16xi32>
      %mul3A_926 = arith.muli %add3A_923, %mul3A_925 : vector<16xi32>
      %add3A_927 = arith.constant 7 : i32
      %add3A_928 = vector.broadcast %add3A_927 : i32 to vector<16xi32>
      %add3A_929 = arith.addi %mul3A_926, %add3A_928 : vector<16xi32>
      tpu.vector_store_idx %arg6[%add3A_929], %max3A_897 : memref<16384xf32, #tpu.memory_space<vmem>>[vector<16xi32>], vector<16xf32>,
      %parallel_loop3A_930 = arith.constant 0 : i32
      %parallel_loop3A_931 = arith.constant 64 : i32
      %parallel_loop3A_932 = arith.constant 1 : i32
      %parallel_loop3A_933:16 = scf.for %parallel_loop3A_1434 = %parallel_loop3A_930 to %parallel_loop3A_931 step %parallel_loop3A_932 iter_args(%parallel_loop3A_1435 = %broadcast_in_dim3A_33, %parallel_loop3A_1436 = %broadcast_in_dim3A_33, %parallel_loop3A_1437 = %broadcast_in_dim3A_33, %parallel_loop3A_1438 = %broadcast_in_dim3A_33, %parallel_loop3A_1439 = %broadcast_in_dim3A_33, %parallel_loop3A_1440 = %broadcast_in_dim3A_33, %parallel_loop3A_1441 = %broadcast_in_dim3A_33, %parallel_loop3A_1442 = %broadcast_in_dim3A_33, %parallel_loop3A_1443 = %broadcast_in_dim3A_33, %parallel_loop3A_1444 = %broadcast_in_dim3A_33, %parallel_loop3A_1445 = %broadcast_in_dim3A_33, %parallel_loop3A_1446 = %broadcast_in_dim3A_33, %parallel_loop3A_1447 = %broadcast_in_dim3A_33, %parallel_loop3A_1448 = %broadcast_in_dim3A_33, %parallel_loop3A_1449 = %broadcast_in_dim3A_33, %parallel_loop3A_1450 = %broadcast_in_dim3A_33) -> (vector<16xf32>, vector<16xf32>, vector<16xf32>, vector<16xf32>, vector<16xf32>, vector<16xf32>, vector<16xf32>, vector<16xf32>, vector<16xf32>, vector<16xf32>, vector<16xf32>, vector<16xf32>, vector<16xf32>, vector<16xf32>, vector<16xf32>, vector<16xf32>)  : i32 {
        %parallel_loop3A_1451 = vector.broadcast %parallel_loop3A_1434 : i32 to vector<16xi32>
        %parallel_loop3A_1452 = arith.xori %iota3A, %parallel_loop3A_1451 : vector<16xi32>
        %parallel_loop3A_1453 = arith.constant 63 : i32
        %parallel_loop3A_1454 = vector.broadcast %parallel_loop3A_1453 : i32 to vector<16xi32>
        %parallel_loop3A_1455 = arith.andi %parallel_loop3A_1452, %parallel_loop3A_1454 : vector<16xi32>
        %parallel_loop3A_1456 = arith.constant 512 : i32
        %parallel_loop3A_1457 = vector.broadcast %parallel_loop3A_1456 : i32 to vector<16xi32>
        %parallel_loop3A_1458 = arith.addi %parallel_loop3A_1457, %parallel_loop3A_1455 : vector<16xi32>
        %parallel_loop3A_1459 = arith.constant 0 : i32
        %parallel_loop3A_1460 = vector.broadcast %parallel_loop3A_1459 : i32 to vector<16xi32>
        %parallel_loop3A_1461 = arith.addi %parallel_loop3A_1458, %parallel_loop3A_1460 : vector<16xi32>
        %parallel_loop3A_1462 = tpu.vector_load_idx %arg5[%iota3A, %parallel_loop3A_1461] : memref<16x2048xf32, #tpu.memory_space<vmem>>[vector<16xi32>, vector<16xi32>], vector<16xf32>,
        %parallel_loop3A_1463 = arith.minimumf %parallel_loop3A_1435, %parallel_loop3A_1462 : vector<16xf32>
        %parallel_loop3A_1464 = arith.maximumf %parallel_loop3A_1435, %parallel_loop3A_1462 : vector<16xf32>
        %parallel_loop3A_1465 = arith.minimumf %parallel_loop3A_1436, %parallel_loop3A_1463 : vector<16xf32>
        %parallel_loop3A_1466 = arith.maximumf %parallel_loop3A_1436, %parallel_loop3A_1463 : vector<16xf32>
        %parallel_loop3A_1467 = arith.minimumf %parallel_loop3A_1437, %parallel_loop3A_1465 : vector<16xf32>
        %parallel_loop3A_1468 = arith.maximumf %parallel_loop3A_1437, %parallel_loop3A_1465 : vector<16xf32>
        %parallel_loop3A_1469 = arith.maximumf %parallel_loop3A_1438, %parallel_loop3A_1467 : vector<16xf32>
        %parallel_loop3A_1470 = arith.constant 64 : i32
        %parallel_loop3A_1471 = vector.broadcast %parallel_loop3A_1470 : i32 to vector<16xi32>
        %parallel_loop3A_1472 = arith.addi %parallel_loop3A_1458, %parallel_loop3A_1471 : vector<16xi32>
        %parallel_loop3A_1473 = tpu.vector_load_idx %arg5[%iota3A, %parallel_loop3A_1472] : memref<16x2048xf32, #tpu.memory_space<vmem>>[vector<16xi32>, vector<16xi32>], vector<16xf32>,
        %parallel_loop3A_1474 = arith.minimumf %parallel_loop3A_1439, %parallel_loop3A_1473 : vector<16xf32>
        %parallel_loop3A_1475 = arith.maximumf %parallel_loop3A_1439, %parallel_loop3A_1473 : vector<16xf32>
        %parallel_loop3A_1476 = arith.minimumf %parallel_loop3A_1440, %parallel_loop3A_1474 : vector<16xf32>
        %parallel_loop3A_1477 = arith.maximumf %parallel_loop3A_1440, %parallel_loop3A_1474 : vector<16xf32>
        %parallel_loop3A_1478 = arith.minimumf %parallel_loop3A_1441, %parallel_loop3A_1476 : vector<16xf32>
        %parallel_loop3A_1479 = arith.maximumf %parallel_loop3A_1441, %parallel_loop3A_1476 : vector<16xf32>
        %parallel_loop3A_1480 = arith.maximumf %parallel_loop3A_1442, %parallel_loop3A_1478 : vector<16xf32>
        %parallel_loop3A_1481 = arith.constant 128 : i32
        %parallel_loop3A_1482 = vector.broadcast %parallel_loop3A_1481 : i32 to vector<16xi32>
        %parallel_loop3A_1483 = arith.addi %parallel_loop3A_1458, %parallel_loop3A_1482 : vector<16xi32>
        %parallel_loop3A_1484 = tpu.vector_load_idx %arg5[%iota3A, %parallel_loop3A_1483] : memref<16x2048xf32, #tpu.memory_space<vmem>>[vector<16xi32>, vector<16xi32>], vector<16xf32>,
        %parallel_loop3A_1485 = arith.minimumf %parallel_loop3A_1443, %parallel_loop3A_1484 : vector<16xf32>
        %parallel_loop3A_1486 = arith.maximumf %parallel_loop3A_1443, %parallel_loop3A_1484 : vector<16xf32>
        %parallel_loop3A_1487 = arith.minimumf %parallel_loop3A_1444, %parallel_loop3A_1485 : vector<16xf32>
        %parallel_loop3A_1488 = arith.maximumf %parallel_loop3A_1444, %parallel_loop3A_1485 : vector<16xf32>
        %parallel_loop3A_1489 = arith.minimumf %parallel_loop3A_1445, %parallel_loop3A_1487 : vector<16xf32>
        %parallel_loop3A_1490 = arith.maximumf %parallel_loop3A_1445, %parallel_loop3A_1487 : vector<16xf32>
        %parallel_loop3A_1491 = arith.maximumf %parallel_loop3A_1446, %parallel_loop3A_1489 : vector<16xf32>
        %parallel_loop3A_1492 = arith.constant 192 : i32
        %parallel_loop3A_1493 = vector.broadcast %parallel_loop3A_1492 : i32 to vector<16xi32>
        %parallel_loop3A_1494 = arith.addi %parallel_loop3A_1458, %parallel_loop3A_1493 : vector<16xi32>
        %parallel_loop3A_1495 = tpu.vector_load_idx %arg5[%iota3A, %parallel_loop3A_1494] : memref<16x2048xf32, #tpu.memory_space<vmem>>[vector<16xi32>, vector<16xi32>], vector<16xf32>,
        %parallel_loop3A_1496 = arith.minimumf %parallel_loop3A_1447, %parallel_loop3A_1495 : vector<16xf32>
        %parallel_loop3A_1497 = arith.maximumf %parallel_loop3A_1447, %parallel_loop3A_1495 : vector<16xf32>
        %parallel_loop3A_1498 = arith.minimumf %parallel_loop3A_1448, %parallel_loop3A_1496 : vector<16xf32>
        %parallel_loop3A_1499 = arith.maximumf %parallel_loop3A_1448, %parallel_loop3A_1496 : vector<16xf32>
        %parallel_loop3A_1500 = arith.minimumf %parallel_loop3A_1449, %parallel_loop3A_1498 : vector<16xf32>
        %parallel_loop3A_1501 = arith.maximumf %parallel_loop3A_1449, %parallel_loop3A_1498 : vector<16xf32>
        %parallel_loop3A_1502 = arith.maximumf %parallel_loop3A_1450, %parallel_loop3A_1500 : vector<16xf32>
        scf.yield %parallel_loop3A_1464, %parallel_loop3A_1466, %parallel_loop3A_1468, %parallel_loop3A_1469, %parallel_loop3A_1475, %parallel_loop3A_1477, %parallel_loop3A_1479, %parallel_loop3A_1480, %parallel_loop3A_1486, %parallel_loop3A_1488, %parallel_loop3A_1490, %parallel_loop3A_1491, %parallel_loop3A_1497, %parallel_loop3A_1499, %parallel_loop3A_1501, %parallel_loop3A_1502 : vector<16xf32>, vector<16xf32>, vector<16xf32>, vector<16xf32>, vector<16xf32>, vector<16xf32>, vector<16xf32>, vector<16xf32>, vector<16xf32>, vector<16xf32>, vector<16xf32>, vector<16xf32>, vector<16xf32>, vector<16xf32>, vector<16xf32>, vector<16xf32>
      } {sc.loop_unroll_factor = 4 : i64, sc.parallel_access}
      %max3A_934 = arith.maximumf %parallel_loop3A_933#0, %parallel_loop3A_933#4 : vector<16xf32>
      %max3A_935 = arith.maximumf %parallel_loop3A_933#1, %parallel_loop3A_933#5 : vector<16xf32>
      %min3A_936 = arith.minimumf %parallel_loop3A_933#0, %parallel_loop3A_933#4 : vector<16xf32>
      %max3A_937 = arith.maximumf %max3A_935, %min3A_936 : vector<16xf32>
      %max3A_938 = arith.maximumf %parallel_loop3A_933#2, %parallel_loop3A_933#6 : vector<16xf32>
      %min3A_939 = arith.minimumf %parallel_loop3A_933#1, %parallel_loop3A_933#4 : vector<16xf32>
      %min3A_940 = arith.minimumf %parallel_loop3A_933#0, %parallel_loop3A_933#5 : vector<16xf32>
      %max3A_941 = arith.maximumf %min3A_939, %min3A_940 : vector<16xf32>
      %max3A_942 = arith.maximumf %max3A_938, %max3A_941 : vector<16xf32>
      %max3A_943 = arith.maximumf %parallel_loop3A_933#3, %parallel_loop3A_933#7 : vector<16xf32>
      %min3A_944 = arith.minimumf %parallel_loop3A_933#2, %parallel_loop3A_933#4 : vector<16xf32>
      %min3A_945 = arith.minimumf %parallel_loop3A_933#1, %parallel_loop3A_933#5 : vector<16xf32>
      %min3A_946 = arith.minimumf %parallel_loop3A_933#0, %parallel_loop3A_933#6 : vector<16xf32>
      %max3A_947 = arith.maximumf %min3A_945, %min3A_946 : vector<16xf32>
      %max3A_948 = arith.maximumf %min3A_944, %max3A_947 : vector<16xf32>
      %max3A_949 = arith.maximumf %max3A_943, %max3A_948 : vector<16xf32>
      %max3A_950 = arith.maximumf %parallel_loop3A_933#8, %parallel_loop3A_933#12 : vector<16xf32>
      %max3A_951 = arith.maximumf %parallel_loop3A_933#9, %parallel_loop3A_933#13 : vector<16xf32>
      %min3A_952 = arith.minimumf %parallel_loop3A_933#8, %parallel_loop3A_933#12 : vector<16xf32>
      %max3A_953 = arith.maximumf %max3A_951, %min3A_952 : vector<16xf32>
      %max3A_954 = arith.maximumf %parallel_loop3A_933#10, %parallel_loop3A_933#14 : vector<16xf32>
      %min3A_955 = arith.minimumf %parallel_loop3A_933#9, %parallel_loop3A_933#12 : vector<16xf32>
      %min3A_956 = arith.minimumf %parallel_loop3A_933#8, %parallel_loop3A_933#13 : vector<16xf32>
      %max3A_957 = arith.maximumf %min3A_955, %min3A_956 : vector<16xf32>
      %max3A_958 = arith.maximumf %max3A_954, %max3A_957 : vector<16xf32>
      %max3A_959 = arith.maximumf %parallel_loop3A_933#11, %parallel_loop3A_933#15 : vector<16xf32>
      %min3A_960 = arith.minimumf %parallel_loop3A_933#10, %parallel_loop3A_933#12 : vector<16xf32>
      %min3A_961 = arith.minimumf %parallel_loop3A_933#9, %parallel_loop3A_933#13 : vector<16xf32>
      %min3A_962 = arith.minimumf %parallel_loop3A_933#8, %parallel_loop3A_933#14 : vector<16xf32>
      %max3A_963 = arith.maximumf %min3A_961, %min3A_962 : vector<16xf32>
      %max3A_964 = arith.maximumf %min3A_960, %max3A_963 : vector<16xf32>
      %max3A_965 = arith.maximumf %max3A_959, %max3A_964 : vector<16xf32>
      %max3A_966 = arith.maximumf %max3A_934, %max3A_950 : vector<16xf32>
      %max3A_967 = arith.maximumf %max3A_937, %max3A_953 : vector<16xf32>
      %min3A_968 = arith.minimumf %max3A_934, %max3A_950 : vector<16xf32>
      %max3A_969 = arith.maximumf %max3A_967, %min3A_968 : vector<16xf32>
      %max3A_970 = arith.maximumf %max3A_942, %max3A_958 : vector<16xf32>
      %min3A_971 = arith.minimumf %max3A_937, %max3A_950 : vector<16xf32>
      %min3A_972 = arith.minimumf %max3A_934, %max3A_953 : vector<16xf32>
      %max3A_973 = arith.maximumf %min3A_971, %min3A_972 : vector<16xf32>
      %max3A_974 = arith.maximumf %max3A_970, %max3A_973 : vector<16xf32>
      %max3A_975 = arith.maximumf %max3A_949, %max3A_965 : vector<16xf32>
      %min3A_976 = arith.minimumf %max3A_942, %max3A_950 : vector<16xf32>
      %min3A_977 = arith.minimumf %max3A_937, %max3A_953 : vector<16xf32>
      %min3A_978 = arith.minimumf %max3A_934, %max3A_958 : vector<16xf32>
      %max3A_979 = arith.maximumf %min3A_977, %min3A_978 : vector<16xf32>
      %max3A_980 = arith.maximumf %min3A_976, %max3A_979 : vector<16xf32>
      %max3A_981 = arith.maximumf %max3A_975, %max3A_980 : vector<16xf32>
      %add3A_982 = vector.broadcast %mul3A_761 : i32 to vector<16xi32>
      %add3A_983 = arith.addi %iota3A, %add3A_982 : vector<16xi32>
      %mul3A_984 = arith.constant 32 : i32
      %mul3A_985 = vector.broadcast %mul3A_984 : i32 to vector<16xi32>
      %mul3A_986 = arith.muli %add3A_983, %mul3A_985 : vector<16xi32>
      %add3A_987 = arith.constant 8 : i32
      %add3A_988 = vector.broadcast %add3A_987 : i32 to vector<16xi32>
      %add3A_989 = arith.addi %mul3A_986, %add3A_988 : vector<16xi32>
      tpu.vector_store_idx %arg6[%add3A_989], %max3A_966 : memref<16384xf32, #tpu.memory_space<vmem>>[vector<16xi32>], vector<16xf32>,
      %add3A_990 = vector.broadcast %mul3A_761 : i32 to vector<16xi32>
      %add3A_991 = arith.addi %iota3A, %add3A_990 : vector<16xi32>
      %mul3A_992 = arith.constant 32 : i32
      %mul3A_993 = vector.broadcast %mul3A_992 : i32 to vector<16xi32>
      %mul3A_994 = arith.muli %add3A_991, %mul3A_993 : vector<16xi32>
      %add3A_995 = arith.constant 9 : i32
      %add3A_996 = vector.broadcast %add3A_995 : i32 to vector<16xi32>
      %add3A_997 = arith.addi %mul3A_994, %add3A_996 : vector<16xi32>
      tpu.vector_store_idx %arg6[%add3A_997], %max3A_969 : memref<16384xf32, #tpu.memory_space<vmem>>[vector<16xi32>], vector<16xf32>,
      %add3A_998 = vector.broadcast %mul3A_761 : i32 to vector<16xi32>
      %add3A_999 = arith.addi %iota3A, %add3A_998 : vector<16xi32>
      %mul3A_1000 = arith.constant 32 : i32
      %mul3A_1001 = vector.broadcast %mul3A_1000 : i32 to vector<16xi32>
      %mul3A_1002 = arith.muli %add3A_999, %mul3A_1001 : vector<16xi32>
      %add3A_1003 = arith.constant 10 : i32
      %add3A_1004 = vector.broadcast %add3A_1003 : i32 to vector<16xi32>
      %add3A_1005 = arith.addi %mul3A_1002, %add3A_1004 : vector<16xi32>
      tpu.vector_store_idx %arg6[%add3A_1005], %max3A_974 : memref<16384xf32, #tpu.memory_space<vmem>>[vector<16xi32>], vector<16xf32>,
      %add3A_1006 = vector.broadcast %mul3A_761 : i32 to vector<16xi32>
      %add3A_1007 = arith.addi %iota3A, %add3A_1006 : vector<16xi32>
      %mul3A_1008 = arith.constant 32 : i32
      %mul3A_1009 = vector.broadcast %mul3A_1008 : i32 to vector<16xi32>
      %mul3A_1010 = arith.muli %add3A_1007, %mul3A_1009 : vector<16xi32>
      %add3A_1011 = arith.constant 11 : i32
      %add3A_1012 = vector.broadcast %add3A_1011 : i32 to vector<16xi32>
      %add3A_1013 = arith.addi %mul3A_1010, %add3A_1012 : vector<16xi32>
      tpu.vector_store_idx %arg6[%add3A_1013], %max3A_981 : memref<16384xf32, #tpu.memory_space<vmem>>[vector<16xi32>], vector<16xf32>,
      %parallel_loop3A_1014 = arith.constant 0 : i32
      %parallel_loop3A_1015 = arith.constant 64 : i32
      %parallel_loop3A_1016 = arith.constant 1 : i32
      %parallel_loop3A_1017:16 = scf.for %parallel_loop3A_1434 = %parallel_loop3A_1014 to %parallel_loop3A_1015 step %parallel_loop3A_1016 iter_args(%parallel_loop3A_1435 = %broadcast_in_dim3A_33, %parallel_loop3A_1436 = %broadcast_in_dim3A_33, %parallel_loop3A_1437 = %broadcast_in_dim3A_33, %parallel_loop3A_1438 = %broadcast_in_dim3A_33, %parallel_loop3A_1439 = %broadcast_in_dim3A_33, %parallel_loop3A_1440 = %broadcast_in_dim3A_33, %parallel_loop3A_1441 = %broadcast_in_dim3A_33, %parallel_loop3A_1442 = %broadcast_in_dim3A_33, %parallel_loop3A_1443 = %broadcast_in_dim3A_33, %parallel_loop3A_1444 = %broadcast_in_dim3A_33, %parallel_loop3A_1445 = %broadcast_in_dim3A_33, %parallel_loop3A_1446 = %broadcast_in_dim3A_33, %parallel_loop3A_1447 = %broadcast_in_dim3A_33, %parallel_loop3A_1448 = %broadcast_in_dim3A_33, %parallel_loop3A_1449 = %broadcast_in_dim3A_33, %parallel_loop3A_1450 = %broadcast_in_dim3A_33) -> (vector<16xf32>, vector<16xf32>, vector<16xf32>, vector<16xf32>, vector<16xf32>, vector<16xf32>, vector<16xf32>, vector<16xf32>, vector<16xf32>, vector<16xf32>, vector<16xf32>, vector<16xf32>, vector<16xf32>, vector<16xf32>, vector<16xf32>, vector<16xf32>)  : i32 {
        %parallel_loop3A_1451 = vector.broadcast %parallel_loop3A_1434 : i32 to vector<16xi32>
        %parallel_loop3A_1452 = arith.xori %iota3A, %parallel_loop3A_1451 : vector<16xi32>
        %parallel_loop3A_1453 = arith.constant 63 : i32
        %parallel_loop3A_1454 = vector.broadcast %parallel_loop3A_1453 : i32 to vector<16xi32>
        %parallel_loop3A_1455 = arith.andi %parallel_loop3A_1452, %parallel_loop3A_1454 : vector<16xi32>
        %parallel_loop3A_1456 = arith.constant 768 : i32
        %parallel_loop3A_1457 = vector.broadcast %parallel_loop3A_1456 : i32 to vector<16xi32>
        %parallel_loop3A_1458 = arith.addi %parallel_loop3A_1457, %parallel_loop3A_1455 : vector<16xi32>
        %parallel_loop3A_1459 = arith.constant 0 : i32
        %parallel_loop3A_1460 = vector.broadcast %parallel_loop3A_1459 : i32 to vector<16xi32>
        %parallel_loop3A_1461 = arith.addi %parallel_loop3A_1458, %parallel_loop3A_1460 : vector<16xi32>
        %parallel_loop3A_1462 = tpu.vector_load_idx %arg5[%iota3A, %parallel_loop3A_1461] : memref<16x2048xf32, #tpu.memory_space<vmem>>[vector<16xi32>, vector<16xi32>], vector<16xf32>,
        %parallel_loop3A_1463 = arith.minimumf %parallel_loop3A_1435, %parallel_loop3A_1462 : vector<16xf32>
        %parallel_loop3A_1464 = arith.maximumf %parallel_loop3A_1435, %parallel_loop3A_1462 : vector<16xf32>
        %parallel_loop3A_1465 = arith.minimumf %parallel_loop3A_1436, %parallel_loop3A_1463 : vector<16xf32>
        %parallel_loop3A_1466 = arith.maximumf %parallel_loop3A_1436, %parallel_loop3A_1463 : vector<16xf32>
        %parallel_loop3A_1467 = arith.minimumf %parallel_loop3A_1437, %parallel_loop3A_1465 : vector<16xf32>
        %parallel_loop3A_1468 = arith.maximumf %parallel_loop3A_1437, %parallel_loop3A_1465 : vector<16xf32>
        %parallel_loop3A_1469 = arith.maximumf %parallel_loop3A_1438, %parallel_loop3A_1467 : vector<16xf32>
        %parallel_loop3A_1470 = arith.constant 64 : i32
        %parallel_loop3A_1471 = vector.broadcast %parallel_loop3A_1470 : i32 to vector<16xi32>
        %parallel_loop3A_1472 = arith.addi %parallel_loop3A_1458, %parallel_loop3A_1471 : vector<16xi32>
        %parallel_loop3A_1473 = tpu.vector_load_idx %arg5[%iota3A, %parallel_loop3A_1472] : memref<16x2048xf32, #tpu.memory_space<vmem>>[vector<16xi32>, vector<16xi32>], vector<16xf32>,
        %parallel_loop3A_1474 = arith.minimumf %parallel_loop3A_1439, %parallel_loop3A_1473 : vector<16xf32>
        %parallel_loop3A_1475 = arith.maximumf %parallel_loop3A_1439, %parallel_loop3A_1473 : vector<16xf32>
        %parallel_loop3A_1476 = arith.minimumf %parallel_loop3A_1440, %parallel_loop3A_1474 : vector<16xf32>
        %parallel_loop3A_1477 = arith.maximumf %parallel_loop3A_1440, %parallel_loop3A_1474 : vector<16xf32>
        %parallel_loop3A_1478 = arith.minimumf %parallel_loop3A_1441, %parallel_loop3A_1476 : vector<16xf32>
        %parallel_loop3A_1479 = arith.maximumf %parallel_loop3A_1441, %parallel_loop3A_1476 : vector<16xf32>
        %parallel_loop3A_1480 = arith.maximumf %parallel_loop3A_1442, %parallel_loop3A_1478 : vector<16xf32>
        %parallel_loop3A_1481 = arith.constant 128 : i32
        %parallel_loop3A_1482 = vector.broadcast %parallel_loop3A_1481 : i32 to vector<16xi32>
        %parallel_loop3A_1483 = arith.addi %parallel_loop3A_1458, %parallel_loop3A_1482 : vector<16xi32>
        %parallel_loop3A_1484 = tpu.vector_load_idx %arg5[%iota3A, %parallel_loop3A_1483] : memref<16x2048xf32, #tpu.memory_space<vmem>>[vector<16xi32>, vector<16xi32>], vector<16xf32>,
        %parallel_loop3A_1485 = arith.minimumf %parallel_loop3A_1443, %parallel_loop3A_1484 : vector<16xf32>
        %parallel_loop3A_1486 = arith.maximumf %parallel_loop3A_1443, %parallel_loop3A_1484 : vector<16xf32>
        %parallel_loop3A_1487 = arith.minimumf %parallel_loop3A_1444, %parallel_loop3A_1485 : vector<16xf32>
        %parallel_loop3A_1488 = arith.maximumf %parallel_loop3A_1444, %parallel_loop3A_1485 : vector<16xf32>
        %parallel_loop3A_1489 = arith.minimumf %parallel_loop3A_1445, %parallel_loop3A_1487 : vector<16xf32>
        %parallel_loop3A_1490 = arith.maximumf %parallel_loop3A_1445, %parallel_loop3A_1487 : vector<16xf32>
        %parallel_loop3A_1491 = arith.maximumf %parallel_loop3A_1446, %parallel_loop3A_1489 : vector<16xf32>
        %parallel_loop3A_1492 = arith.constant 192 : i32
        %parallel_loop3A_1493 = vector.broadcast %parallel_loop3A_1492 : i32 to vector<16xi32>
        %parallel_loop3A_1494 = arith.addi %parallel_loop3A_1458, %parallel_loop3A_1493 : vector<16xi32>
        %parallel_loop3A_1495 = tpu.vector_load_idx %arg5[%iota3A, %parallel_loop3A_1494] : memref<16x2048xf32, #tpu.memory_space<vmem>>[vector<16xi32>, vector<16xi32>], vector<16xf32>,
        %parallel_loop3A_1496 = arith.minimumf %parallel_loop3A_1447, %parallel_loop3A_1495 : vector<16xf32>
        %parallel_loop3A_1497 = arith.maximumf %parallel_loop3A_1447, %parallel_loop3A_1495 : vector<16xf32>
        %parallel_loop3A_1498 = arith.minimumf %parallel_loop3A_1448, %parallel_loop3A_1496 : vector<16xf32>
        %parallel_loop3A_1499 = arith.maximumf %parallel_loop3A_1448, %parallel_loop3A_1496 : vector<16xf32>
        %parallel_loop3A_1500 = arith.minimumf %parallel_loop3A_1449, %parallel_loop3A_1498 : vector<16xf32>
        %parallel_loop3A_1501 = arith.maximumf %parallel_loop3A_1449, %parallel_loop3A_1498 : vector<16xf32>
        %parallel_loop3A_1502 = arith.maximumf %parallel_loop3A_1450, %parallel_loop3A_1500 : vector<16xf32>
        scf.yield %parallel_loop3A_1464, %parallel_loop3A_1466, %parallel_loop3A_1468, %parallel_loop3A_1469, %parallel_loop3A_1475, %parallel_loop3A_1477, %parallel_loop3A_1479, %parallel_loop3A_1480, %parallel_loop3A_1486, %parallel_loop3A_1488, %parallel_loop3A_1490, %parallel_loop3A_1491, %parallel_loop3A_1497, %parallel_loop3A_1499, %parallel_loop3A_1501, %parallel_loop3A_1502 : vector<16xf32>, vector<16xf32>, vector<16xf32>, vector<16xf32>, vector<16xf32>, vector<16xf32>, vector<16xf32>, vector<16xf32>, vector<16xf32>, vector<16xf32>, vector<16xf32>, vector<16xf32>, vector<16xf32>, vector<16xf32>, vector<16xf32>, vector<16xf32>
      } {sc.loop_unroll_factor = 4 : i64, sc.parallel_access}
      %max3A_1018 = arith.maximumf %parallel_loop3A_1017#0, %parallel_loop3A_1017#4 : vector<16xf32>
      %max3A_1019 = arith.maximumf %parallel_loop3A_1017#1, %parallel_loop3A_1017#5 : vector<16xf32>
      %min3A_1020 = arith.minimumf %parallel_loop3A_1017#0, %parallel_loop3A_1017#4 : vector<16xf32>
      %max3A_1021 = arith.maximumf %max3A_1019, %min3A_1020 : vector<16xf32>
      %max3A_1022 = arith.maximumf %parallel_loop3A_1017#2, %parallel_loop3A_1017#6 : vector<16xf32>
      %min3A_1023 = arith.minimumf %parallel_loop3A_1017#1, %parallel_loop3A_1017#4 : vector<16xf32>
      %min3A_1024 = arith.minimumf %parallel_loop3A_1017#0, %parallel_loop3A_1017#5 : vector<16xf32>
      %max3A_1025 = arith.maximumf %min3A_1023, %min3A_1024 : vector<16xf32>
      %max3A_1026 = arith.maximumf %max3A_1022, %max3A_1025 : vector<16xf32>
      %max3A_1027 = arith.maximumf %parallel_loop3A_1017#3, %parallel_loop3A_1017#7 : vector<16xf32>
      %min3A_1028 = arith.minimumf %parallel_loop3A_1017#2, %parallel_loop3A_1017#4 : vector<16xf32>
      %min3A_1029 = arith.minimumf %parallel_loop3A_1017#1, %parallel_loop3A_1017#5 : vector<16xf32>
      %min3A_1030 = arith.minimumf %parallel_loop3A_1017#0, %parallel_loop3A_1017#6 : vector<16xf32>
      %max3A_1031 = arith.maximumf %min3A_1029, %min3A_1030 : vector<16xf32>
      %max3A_1032 = arith.maximumf %min3A_1028, %max3A_1031 : vector<16xf32>
      %max3A_1033 = arith.maximumf %max3A_1027, %max3A_1032 : vector<16xf32>
      %max3A_1034 = arith.maximumf %parallel_loop3A_1017#8, %parallel_loop3A_1017#12 : vector<16xf32>
      %max3A_1035 = arith.maximumf %parallel_loop3A_1017#9, %parallel_loop3A_1017#13 : vector<16xf32>
      %min3A_1036 = arith.minimumf %parallel_loop3A_1017#8, %parallel_loop3A_1017#12 : vector<16xf32>
      %max3A_1037 = arith.maximumf %max3A_1035, %min3A_1036 : vector<16xf32>
      %max3A_1038 = arith.maximumf %parallel_loop3A_1017#10, %parallel_loop3A_1017#14 : vector<16xf32>
      %min3A_1039 = arith.minimumf %parallel_loop3A_1017#9, %parallel_loop3A_1017#12 : vector<16xf32>
      %min3A_1040 = arith.minimumf %parallel_loop3A_1017#8, %parallel_loop3A_1017#13 : vector<16xf32>
      %max3A_1041 = arith.maximumf %min3A_1039, %min3A_1040 : vector<16xf32>
      %max3A_1042 = arith.maximumf %max3A_1038, %max3A_1041 : vector<16xf32>
      %max3A_1043 = arith.maximumf %parallel_loop3A_1017#11, %parallel_loop3A_1017#15 : vector<16xf32>
      %min3A_1044 = arith.minimumf %parallel_loop3A_1017#10, %parallel_loop3A_1017#12 : vector<16xf32>
      %min3A_1045 = arith.minimumf %parallel_loop3A_1017#9, %parallel_loop3A_1017#13 : vector<16xf32>
      %min3A_1046 = arith.minimumf %parallel_loop3A_1017#8, %parallel_loop3A_1017#14 : vector<16xf32>
      %max3A_1047 = arith.maximumf %min3A_1045, %min3A_1046 : vector<16xf32>
      %max3A_1048 = arith.maximumf %min3A_1044, %max3A_1047 : vector<16xf32>
      %max3A_1049 = arith.maximumf %max3A_1043, %max3A_1048 : vector<16xf32>
      %max3A_1050 = arith.maximumf %max3A_1018, %max3A_1034 : vector<16xf32>
      %max3A_1051 = arith.maximumf %max3A_1021, %max3A_1037 : vector<16xf32>
      %min3A_1052 = arith.minimumf %max3A_1018, %max3A_1034 : vector<16xf32>
      %max3A_1053 = arith.maximumf %max3A_1051, %min3A_1052 : vector<16xf32>
      %max3A_1054 = arith.maximumf %max3A_1026, %max3A_1042 : vector<16xf32>
      %min3A_1055 = arith.minimumf %max3A_1021, %max3A_1034 : vector<16xf32>
      %min3A_1056 = arith.minimumf %max3A_1018, %max3A_1037 : vector<16xf32>
      %max3A_1057 = arith.maximumf %min3A_1055, %min3A_1056 : vector<16xf32>
      %max3A_1058 = arith.maximumf %max3A_1054, %max3A_1057 : vector<16xf32>
      %max3A_1059 = arith.maximumf %max3A_1033, %max3A_1049 : vector<16xf32>
      %min3A_1060 = arith.minimumf %max3A_1026, %max3A_1034 : vector<16xf32>
      %min3A_1061 = arith.minimumf %max3A_1021, %max3A_1037 : vector<16xf32>
      %min3A_1062 = arith.minimumf %max3A_1018, %max3A_1042 : vector<16xf32>
      %max3A_1063 = arith.maximumf %min3A_1061, %min3A_1062 : vector<16xf32>
      %max3A_1064 = arith.maximumf %min3A_1060, %max3A_1063 : vector<16xf32>
      %max3A_1065 = arith.maximumf %max3A_1059, %max3A_1064 : vector<16xf32>
      %add3A_1066 = vector.broadcast %mul3A_761 : i32 to vector<16xi32>
      %add3A_1067 = arith.addi %iota3A, %add3A_1066 : vector<16xi32>
      %mul3A_1068 = arith.constant 32 : i32
      %mul3A_1069 = vector.broadcast %mul3A_1068 : i32 to vector<16xi32>
      %mul3A_1070 = arith.muli %add3A_1067, %mul3A_1069 : vector<16xi32>
      %add3A_1071 = arith.constant 12 : i32
      %add3A_1072 = vector.broadcast %add3A_1071 : i32 to vector<16xi32>
      %add3A_1073 = arith.addi %mul3A_1070, %add3A_1072 : vector<16xi32>
      tpu.vector_store_idx %arg6[%add3A_1073], %max3A_1050 : memref<16384xf32, #tpu.memory_space<vmem>>[vector<16xi32>], vector<16xf32>,
      %add3A_1074 = vector.broadcast %mul3A_761 : i32 to vector<16xi32>
      %add3A_1075 = arith.addi %iota3A, %add3A_1074 : vector<16xi32>
      %mul3A_1076 = arith.constant 32 : i32
      %mul3A_1077 = vector.broadcast %mul3A_1076 : i32 to vector<16xi32>
      %mul3A_1078 = arith.muli %add3A_1075, %mul3A_1077 : vector<16xi32>
      %add3A_1079 = arith.constant 13 : i32
      %add3A_1080 = vector.broadcast %add3A_1079 : i32 to vector<16xi32>
      %add3A_1081 = arith.addi %mul3A_1078, %add3A_1080 : vector<16xi32>
      tpu.vector_store_idx %arg6[%add3A_1081], %max3A_1053 : memref<16384xf32, #tpu.memory_space<vmem>>[vector<16xi32>], vector<16xf32>,
      %add3A_1082 = vector.broadcast %mul3A_761 : i32 to vector<16xi32>
      %add3A_1083 = arith.addi %iota3A, %add3A_1082 : vector<16xi32>
      %mul3A_1084 = arith.constant 32 : i32
      %mul3A_1085 = vector.broadcast %mul3A_1084 : i32 to vector<16xi32>
      %mul3A_1086 = arith.muli %add3A_1083, %mul3A_1085 : vector<16xi32>
      %add3A_1087 = arith.constant 14 : i32
      %add3A_1088 = vector.broadcast %add3A_1087 : i32 to vector<16xi32>
      %add3A_1089 = arith.addi %mul3A_1086, %add3A_1088 : vector<16xi32>
      tpu.vector_store_idx %arg6[%add3A_1089], %max3A_1058 : memref<16384xf32, #tpu.memory_space<vmem>>[vector<16xi32>], vector<16xf32>,
      %add3A_1090 = vector.broadcast %mul3A_761 : i32 to vector<16xi32>
      %add3A_1091 = arith.addi %iota3A, %add3A_1090 : vector<16xi32>
      %mul3A_1092 = arith.constant 32 : i32
      %mul3A_1093 = vector.broadcast %mul3A_1092 : i32 to vector<16xi32>
      %mul3A_1094 = arith.muli %add3A_1091, %mul3A_1093 : vector<16xi32>
      %add3A_1095 = arith.constant 15 : i32
      %add3A_1096 = vector.broadcast %add3A_1095 : i32 to vector<16xi32>
      %add3A_1097 = arith.addi %mul3A_1094, %add3A_1096 : vector<16xi32>
      tpu.vector_store_idx %arg6[%add3A_1097], %max3A_1065 : memref<16384xf32, #tpu.memory_space<vmem>>[vector<16xi32>], vector<16xf32>,
      %parallel_loop3A_1098 = arith.constant 0 : i32
      %parallel_loop3A_1099 = arith.constant 64 : i32
      %parallel_loop3A_1100 = arith.constant 1 : i32
      %parallel_loop3A_1101:16 = scf.for %parallel_loop3A_1434 = %parallel_loop3A_1098 to %parallel_loop3A_1099 step %parallel_loop3A_1100 iter_args(%parallel_loop3A_1435 = %broadcast_in_dim3A_33, %parallel_loop3A_1436 = %broadcast_in_dim3A_33, %parallel_loop3A_1437 = %broadcast_in_dim3A_33, %parallel_loop3A_1438 = %broadcast_in_dim3A_33, %parallel_loop3A_1439 = %broadcast_in_dim3A_33, %parallel_loop3A_1440 = %broadcast_in_dim3A_33, %parallel_loop3A_1441 = %broadcast_in_dim3A_33, %parallel_loop3A_1442 = %broadcast_in_dim3A_33, %parallel_loop3A_1443 = %broadcast_in_dim3A_33, %parallel_loop3A_1444 = %broadcast_in_dim3A_33, %parallel_loop3A_1445 = %broadcast_in_dim3A_33, %parallel_loop3A_1446 = %broadcast_in_dim3A_33, %parallel_loop3A_1447 = %broadcast_in_dim3A_33, %parallel_loop3A_1448 = %broadcast_in_dim3A_33, %parallel_loop3A_1449 = %broadcast_in_dim3A_33, %parallel_loop3A_1450 = %broadcast_in_dim3A_33) -> (vector<16xf32>, vector<16xf32>, vector<16xf32>, vector<16xf32>, vector<16xf32>, vector<16xf32>, vector<16xf32>, vector<16xf32>, vector<16xf32>, vector<16xf32>, vector<16xf32>, vector<16xf32>, vector<16xf32>, vector<16xf32>, vector<16xf32>, vector<16xf32>)  : i32 {
        %parallel_loop3A_1451 = vector.broadcast %parallel_loop3A_1434 : i32 to vector<16xi32>
        %parallel_loop3A_1452 = arith.xori %iota3A, %parallel_loop3A_1451 : vector<16xi32>
        %parallel_loop3A_1453 = arith.constant 63 : i32
        %parallel_loop3A_1454 = vector.broadcast %parallel_loop3A_1453 : i32 to vector<16xi32>
        %parallel_loop3A_1455 = arith.andi %parallel_loop3A_1452, %parallel_loop3A_1454 : vector<16xi32>
        %parallel_loop3A_1456 = arith.constant 1024 : i32
        %parallel_loop3A_1457 = vector.broadcast %parallel_loop3A_1456 : i32 to vector<16xi32>
        %parallel_loop3A_1458 = arith.addi %parallel_loop3A_1457, %parallel_loop3A_1455 : vector<16xi32>
        %parallel_loop3A_1459 = arith.constant 0 : i32
        %parallel_loop3A_1460 = vector.broadcast %parallel_loop3A_1459 : i32 to vector<16xi32>
        %parallel_loop3A_1461 = arith.addi %parallel_loop3A_1458, %parallel_loop3A_1460 : vector<16xi32>
        %parallel_loop3A_1462 = tpu.vector_load_idx %arg5[%iota3A, %parallel_loop3A_1461] : memref<16x2048xf32, #tpu.memory_space<vmem>>[vector<16xi32>, vector<16xi32>], vector<16xf32>,
        %parallel_loop3A_1463 = arith.minimumf %parallel_loop3A_1435, %parallel_loop3A_1462 : vector<16xf32>
        %parallel_loop3A_1464 = arith.maximumf %parallel_loop3A_1435, %parallel_loop3A_1462 : vector<16xf32>
        %parallel_loop3A_1465 = arith.minimumf %parallel_loop3A_1436, %parallel_loop3A_1463 : vector<16xf32>
        %parallel_loop3A_1466 = arith.maximumf %parallel_loop3A_1436, %parallel_loop3A_1463 : vector<16xf32>
        %parallel_loop3A_1467 = arith.minimumf %parallel_loop3A_1437, %parallel_loop3A_1465 : vector<16xf32>
        %parallel_loop3A_1468 = arith.maximumf %parallel_loop3A_1437, %parallel_loop3A_1465 : vector<16xf32>
        %parallel_loop3A_1469 = arith.maximumf %parallel_loop3A_1438, %parallel_loop3A_1467 : vector<16xf32>
        %parallel_loop3A_1470 = arith.constant 64 : i32
        %parallel_loop3A_1471 = vector.broadcast %parallel_loop3A_1470 : i32 to vector<16xi32>
        %parallel_loop3A_1472 = arith.addi %parallel_loop3A_1458, %parallel_loop3A_1471 : vector<16xi32>
        %parallel_loop3A_1473 = tpu.vector_load_idx %arg5[%iota3A, %parallel_loop3A_1472] : memref<16x2048xf32, #tpu.memory_space<vmem>>[vector<16xi32>, vector<16xi32>], vector<16xf32>,
        %parallel_loop3A_1474 = arith.minimumf %parallel_loop3A_1439, %parallel_loop3A_1473 : vector<16xf32>
        %parallel_loop3A_1475 = arith.maximumf %parallel_loop3A_1439, %parallel_loop3A_1473 : vector<16xf32>
        %parallel_loop3A_1476 = arith.minimumf %parallel_loop3A_1440, %parallel_loop3A_1474 : vector<16xf32>
        %parallel_loop3A_1477 = arith.maximumf %parallel_loop3A_1440, %parallel_loop3A_1474 : vector<16xf32>
        %parallel_loop3A_1478 = arith.minimumf %parallel_loop3A_1441, %parallel_loop3A_1476 : vector<16xf32>
        %parallel_loop3A_1479 = arith.maximumf %parallel_loop3A_1441, %parallel_loop3A_1476 : vector<16xf32>
        %parallel_loop3A_1480 = arith.maximumf %parallel_loop3A_1442, %parallel_loop3A_1478 : vector<16xf32>
        %parallel_loop3A_1481 = arith.constant 128 : i32
        %parallel_loop3A_1482 = vector.broadcast %parallel_loop3A_1481 : i32 to vector<16xi32>
        %parallel_loop3A_1483 = arith.addi %parallel_loop3A_1458, %parallel_loop3A_1482 : vector<16xi32>
        %parallel_loop3A_1484 = tpu.vector_load_idx %arg5[%iota3A, %parallel_loop3A_1483] : memref<16x2048xf32, #tpu.memory_space<vmem>>[vector<16xi32>, vector<16xi32>], vector<16xf32>,
        %parallel_loop3A_1485 = arith.minimumf %parallel_loop3A_1443, %parallel_loop3A_1484 : vector<16xf32>
        %parallel_loop3A_1486 = arith.maximumf %parallel_loop3A_1443, %parallel_loop3A_1484 : vector<16xf32>
        %parallel_loop3A_1487 = arith.minimumf %parallel_loop3A_1444, %parallel_loop3A_1485 : vector<16xf32>
        %parallel_loop3A_1488 = arith.maximumf %parallel_loop3A_1444, %parallel_loop3A_1485 : vector<16xf32>
        %parallel_loop3A_1489 = arith.minimumf %parallel_loop3A_1445, %parallel_loop3A_1487 : vector<16xf32>
        %parallel_loop3A_1490 = arith.maximumf %parallel_loop3A_1445, %parallel_loop3A_1487 : vector<16xf32>
        %parallel_loop3A_1491 = arith.maximumf %parallel_loop3A_1446, %parallel_loop3A_1489 : vector<16xf32>
        %parallel_loop3A_1492 = arith.constant 192 : i32
        %parallel_loop3A_1493 = vector.broadcast %parallel_loop3A_1492 : i32 to vector<16xi32>
        %parallel_loop3A_1494 = arith.addi %parallel_loop3A_1458, %parallel_loop3A_1493 : vector<16xi32>
        %parallel_loop3A_1495 = tpu.vector_load_idx %arg5[%iota3A, %parallel_loop3A_1494] : memref<16x2048xf32, #tpu.memory_space<vmem>>[vector<16xi32>, vector<16xi32>], vector<16xf32>,
        %parallel_loop3A_1496 = arith.minimumf %parallel_loop3A_1447, %parallel_loop3A_1495 : vector<16xf32>
        %parallel_loop3A_1497 = arith.maximumf %parallel_loop3A_1447, %parallel_loop3A_1495 : vector<16xf32>
        %parallel_loop3A_1498 = arith.minimumf %parallel_loop3A_1448, %parallel_loop3A_1496 : vector<16xf32>
        %parallel_loop3A_1499 = arith.maximumf %parallel_loop3A_1448, %parallel_loop3A_1496 : vector<16xf32>
        %parallel_loop3A_1500 = arith.minimumf %parallel_loop3A_1449, %parallel_loop3A_1498 : vector<16xf32>
        %parallel_loop3A_1501 = arith.maximumf %parallel_loop3A_1449, %parallel_loop3A_1498 : vector<16xf32>
        %parallel_loop3A_1502 = arith.maximumf %parallel_loop3A_1450, %parallel_loop3A_1500 : vector<16xf32>
        scf.yield %parallel_loop3A_1464, %parallel_loop3A_1466, %parallel_loop3A_1468, %parallel_loop3A_1469, %parallel_loop3A_1475, %parallel_loop3A_1477, %parallel_loop3A_1479, %parallel_loop3A_1480, %parallel_loop3A_1486, %parallel_loop3A_1488, %parallel_loop3A_1490, %parallel_loop3A_1491, %parallel_loop3A_1497, %parallel_loop3A_1499, %parallel_loop3A_1501, %parallel_loop3A_1502 : vector<16xf32>, vector<16xf32>, vector<16xf32>, vector<16xf32>, vector<16xf32>, vector<16xf32>, vector<16xf32>, vector<16xf32>, vector<16xf32>, vector<16xf32>, vector<16xf32>, vector<16xf32>, vector<16xf32>, vector<16xf32>, vector<16xf32>, vector<16xf32>
      } {sc.loop_unroll_factor = 4 : i64, sc.parallel_access}
      %max3A_1102 = arith.maximumf %parallel_loop3A_1101#0, %parallel_loop3A_1101#4 : vector<16xf32>
      %max3A_1103 = arith.maximumf %parallel_loop3A_1101#1, %parallel_loop3A_1101#5 : vector<16xf32>
      %min3A_1104 = arith.minimumf %parallel_loop3A_1101#0, %parallel_loop3A_1101#4 : vector<16xf32>
      %max3A_1105 = arith.maximumf %max3A_1103, %min3A_1104 : vector<16xf32>
      %max3A_1106 = arith.maximumf %parallel_loop3A_1101#2, %parallel_loop3A_1101#6 : vector<16xf32>
      %min3A_1107 = arith.minimumf %parallel_loop3A_1101#1, %parallel_loop3A_1101#4 : vector<16xf32>
      %min3A_1108 = arith.minimumf %parallel_loop3A_1101#0, %parallel_loop3A_1101#5 : vector<16xf32>
      %max3A_1109 = arith.maximumf %min3A_1107, %min3A_1108 : vector<16xf32>
      %max3A_1110 = arith.maximumf %max3A_1106, %max3A_1109 : vector<16xf32>
      %max3A_1111 = arith.maximumf %parallel_loop3A_1101#3, %parallel_loop3A_1101#7 : vector<16xf32>
      %min3A_1112 = arith.minimumf %parallel_loop3A_1101#2, %parallel_loop3A_1101#4 : vector<16xf32>
      %min3A_1113 = arith.minimumf %parallel_loop3A_1101#1, %parallel_loop3A_1101#5 : vector<16xf32>
      %min3A_1114 = arith.minimumf %parallel_loop3A_1101#0, %parallel_loop3A_1101#6 : vector<16xf32>
      %max3A_1115 = arith.maximumf %min3A_1113, %min3A_1114 : vector<16xf32>
      %max3A_1116 = arith.maximumf %min3A_1112, %max3A_1115 : vector<16xf32>
      %max3A_1117 = arith.maximumf %max3A_1111, %max3A_1116 : vector<16xf32>
      %max3A_1118 = arith.maximumf %parallel_loop3A_1101#8, %parallel_loop3A_1101#12 : vector<16xf32>
      %max3A_1119 = arith.maximumf %parallel_loop3A_1101#9, %parallel_loop3A_1101#13 : vector<16xf32>
      %min3A_1120 = arith.minimumf %parallel_loop3A_1101#8, %parallel_loop3A_1101#12 : vector<16xf32>
      %max3A_1121 = arith.maximumf %max3A_1119, %min3A_1120 : vector<16xf32>
      %max3A_1122 = arith.maximumf %parallel_loop3A_1101#10, %parallel_loop3A_1101#14 : vector<16xf32>
      %min3A_1123 = arith.minimumf %parallel_loop3A_1101#9, %parallel_loop3A_1101#12 : vector<16xf32>
      %min3A_1124 = arith.minimumf %parallel_loop3A_1101#8, %parallel_loop3A_1101#13 : vector<16xf32>
      %max3A_1125 = arith.maximumf %min3A_1123, %min3A_1124 : vector<16xf32>
      %max3A_1126 = arith.maximumf %max3A_1122, %max3A_1125 : vector<16xf32>
      %max3A_1127 = arith.maximumf %parallel_loop3A_1101#11, %parallel_loop3A_1101#15 : vector<16xf32>
      %min3A_1128 = arith.minimumf %parallel_loop3A_1101#10, %parallel_loop3A_1101#12 : vector<16xf32>
      %min3A_1129 = arith.minimumf %parallel_loop3A_1101#9, %parallel_loop3A_1101#13 : vector<16xf32>
      %min3A_1130 = arith.minimumf %parallel_loop3A_1101#8, %parallel_loop3A_1101#14 : vector<16xf32>
      %max3A_1131 = arith.maximumf %min3A_1129, %min3A_1130 : vector<16xf32>
      %max3A_1132 = arith.maximumf %min3A_1128, %max3A_1131 : vector<16xf32>
      %max3A_1133 = arith.maximumf %max3A_1127, %max3A_1132 : vector<16xf32>
      %max3A_1134 = arith.maximumf %max3A_1102, %max3A_1118 : vector<16xf32>
      %max3A_1135 = arith.maximumf %max3A_1105, %max3A_1121 : vector<16xf32>
      %min3A_1136 = arith.minimumf %max3A_1102, %max3A_1118 : vector<16xf32>
      %max3A_1137 = arith.maximumf %max3A_1135, %min3A_1136 : vector<16xf32>
      %max3A_1138 = arith.maximumf %max3A_1110, %max3A_1126 : vector<16xf32>
      %min3A_1139 = arith.minimumf %max3A_1105, %max3A_1118 : vector<16xf32>
      %min3A_1140 = arith.minimumf %max3A_1102, %max3A_1121 : vector<16xf32>
      %max3A_1141 = arith.maximumf %min3A_1139, %min3A_1140 : vector<16xf32>
      %max3A_1142 = arith.maximumf %max3A_1138, %max3A_1141 : vector<16xf32>
      %max3A_1143 = arith.maximumf %max3A_1117, %max3A_1133 : vector<16xf32>
      %min3A_1144 = arith.minimumf %max3A_1110, %max3A_1118 : vector<16xf32>
      %min3A_1145 = arith.minimumf %max3A_1105, %max3A_1121 : vector<16xf32>
      %min3A_1146 = arith.minimumf %max3A_1102, %max3A_1126 : vector<16xf32>
      %max3A_1147 = arith.maximumf %min3A_1145, %min3A_1146 : vector<16xf32>
      %max3A_1148 = arith.maximumf %min3A_1144, %max3A_1147 : vector<16xf32>
      %max3A_1149 = arith.maximumf %max3A_1143, %max3A_1148 : vector<16xf32>
      %add3A_1150 = vector.broadcast %mul3A_761 : i32 to vector<16xi32>
      %add3A_1151 = arith.addi %iota3A, %add3A_1150 : vector<16xi32>
      %mul3A_1152 = arith.constant 32 : i32
      %mul3A_1153 = vector.broadcast %mul3A_1152 : i32 to vector<16xi32>
      %mul3A_1154 = arith.muli %add3A_1151, %mul3A_1153 : vector<16xi32>
      %add3A_1155 = arith.constant 16 : i32
      %add3A_1156 = vector.broadcast %add3A_1155 : i32 to vector<16xi32>
      %add3A_1157 = arith.addi %mul3A_1154, %add3A_1156 : vector<16xi32>
      tpu.vector_store_idx %arg6[%add3A_1157], %max3A_1134 : memref<16384xf32, #tpu.memory_space<vmem>>[vector<16xi32>], vector<16xf32>,
      %add3A_1158 = vector.broadcast %mul3A_761 : i32 to vector<16xi32>
      %add3A_1159 = arith.addi %iota3A, %add3A_1158 : vector<16xi32>
      %mul3A_1160 = arith.constant 32 : i32
      %mul3A_1161 = vector.broadcast %mul3A_1160 : i32 to vector<16xi32>
      %mul3A_1162 = arith.muli %add3A_1159, %mul3A_1161 : vector<16xi32>
      %add3A_1163 = arith.constant 17 : i32
      %add3A_1164 = vector.broadcast %add3A_1163 : i32 to vector<16xi32>
      %add3A_1165 = arith.addi %mul3A_1162, %add3A_1164 : vector<16xi32>
      tpu.vector_store_idx %arg6[%add3A_1165], %max3A_1137 : memref<16384xf32, #tpu.memory_space<vmem>>[vector<16xi32>], vector<16xf32>,
      %add3A_1166 = vector.broadcast %mul3A_761 : i32 to vector<16xi32>
      %add3A_1167 = arith.addi %iota3A, %add3A_1166 : vector<16xi32>
      %mul3A_1168 = arith.constant 32 : i32
      %mul3A_1169 = vector.broadcast %mul3A_1168 : i32 to vector<16xi32>
      %mul3A_1170 = arith.muli %add3A_1167, %mul3A_1169 : vector<16xi32>
      %add3A_1171 = arith.constant 18 : i32
      %add3A_1172 = vector.broadcast %add3A_1171 : i32 to vector<16xi32>
      %add3A_1173 = arith.addi %mul3A_1170, %add3A_1172 : vector<16xi32>
      tpu.vector_store_idx %arg6[%add3A_1173], %max3A_1142 : memref<16384xf32, #tpu.memory_space<vmem>>[vector<16xi32>], vector<16xf32>,
      %add3A_1174 = vector.broadcast %mul3A_761 : i32 to vector<16xi32>
      %add3A_1175 = arith.addi %iota3A, %add3A_1174 : vector<16xi32>
      %mul3A_1176 = arith.constant 32 : i32
      %mul3A_1177 = vector.broadcast %mul3A_1176 : i32 to vector<16xi32>
      %mul3A_1178 = arith.muli %add3A_1175, %mul3A_1177 : vector<16xi32>
      %add3A_1179 = arith.constant 19 : i32
      %add3A_1180 = vector.broadcast %add3A_1179 : i32 to vector<16xi32>
      %add3A_1181 = arith.addi %mul3A_1178, %add3A_1180 : vector<16xi32>
      tpu.vector_store_idx %arg6[%add3A_1181], %max3A_1149 : memref<16384xf32, #tpu.memory_space<vmem>>[vector<16xi32>], vector<16xf32>,
      %parallel_loop3A_1182 = arith.constant 0 : i32
      %parallel_loop3A_1183 = arith.constant 64 : i32
      %parallel_loop3A_1184 = arith.constant 1 : i32
      %parallel_loop3A_1185:16 = scf.for %parallel_loop3A_1434 = %parallel_loop3A_1182 to %parallel_loop3A_1183 step %parallel_loop3A_1184 iter_args(%parallel_loop3A_1435 = %broadcast_in_dim3A_33, %parallel_loop3A_1436 = %broadcast_in_dim3A_33, %parallel_loop3A_1437 = %broadcast_in_dim3A_33, %parallel_loop3A_1438 = %broadcast_in_dim3A_33, %parallel_loop3A_1439 = %broadcast_in_dim3A_33, %parallel_loop3A_1440 = %broadcast_in_dim3A_33, %parallel_loop3A_1441 = %broadcast_in_dim3A_33, %parallel_loop3A_1442 = %broadcast_in_dim3A_33, %parallel_loop3A_1443 = %broadcast_in_dim3A_33, %parallel_loop3A_1444 = %broadcast_in_dim3A_33, %parallel_loop3A_1445 = %broadcast_in_dim3A_33, %parallel_loop3A_1446 = %broadcast_in_dim3A_33, %parallel_loop3A_1447 = %broadcast_in_dim3A_33, %parallel_loop3A_1448 = %broadcast_in_dim3A_33, %parallel_loop3A_1449 = %broadcast_in_dim3A_33, %parallel_loop3A_1450 = %broadcast_in_dim3A_33) -> (vector<16xf32>, vector<16xf32>, vector<16xf32>, vector<16xf32>, vector<16xf32>, vector<16xf32>, vector<16xf32>, vector<16xf32>, vector<16xf32>, vector<16xf32>, vector<16xf32>, vector<16xf32>, vector<16xf32>, vector<16xf32>, vector<16xf32>, vector<16xf32>)  : i32 {
        %parallel_loop3A_1451 = vector.broadcast %parallel_loop3A_1434 : i32 to vector<16xi32>
        %parallel_loop3A_1452 = arith.xori %iota3A, %parallel_loop3A_1451 : vector<16xi32>
        %parallel_loop3A_1453 = arith.constant 63 : i32
        %parallel_loop3A_1454 = vector.broadcast %parallel_loop3A_1453 : i32 to vector<16xi32>
        %parallel_loop3A_1455 = arith.andi %parallel_loop3A_1452, %parallel_loop3A_1454 : vector<16xi32>
        %parallel_loop3A_1456 = arith.constant 1280 : i32
        %parallel_loop3A_1457 = vector.broadcast %parallel_loop3A_1456 : i32 to vector<16xi32>
        %parallel_loop3A_1458 = arith.addi %parallel_loop3A_1457, %parallel_loop3A_1455 : vector<16xi32>
        %parallel_loop3A_1459 = arith.constant 0 : i32
        %parallel_loop3A_1460 = vector.broadcast %parallel_loop3A_1459 : i32 to vector<16xi32>
        %parallel_loop3A_1461 = arith.addi %parallel_loop3A_1458, %parallel_loop3A_1460 : vector<16xi32>
        %parallel_loop3A_1462 = tpu.vector_load_idx %arg5[%iota3A, %parallel_loop3A_1461] : memref<16x2048xf32, #tpu.memory_space<vmem>>[vector<16xi32>, vector<16xi32>], vector<16xf32>,
        %parallel_loop3A_1463 = arith.minimumf %parallel_loop3A_1435, %parallel_loop3A_1462 : vector<16xf32>
        %parallel_loop3A_1464 = arith.maximumf %parallel_loop3A_1435, %parallel_loop3A_1462 : vector<16xf32>
        %parallel_loop3A_1465 = arith.minimumf %parallel_loop3A_1436, %parallel_loop3A_1463 : vector<16xf32>
        %parallel_loop3A_1466 = arith.maximumf %parallel_loop3A_1436, %parallel_loop3A_1463 : vector<16xf32>
        %parallel_loop3A_1467 = arith.minimumf %parallel_loop3A_1437, %parallel_loop3A_1465 : vector<16xf32>
        %parallel_loop3A_1468 = arith.maximumf %parallel_loop3A_1437, %parallel_loop3A_1465 : vector<16xf32>
        %parallel_loop3A_1469 = arith.maximumf %parallel_loop3A_1438, %parallel_loop3A_1467 : vector<16xf32>
        %parallel_loop3A_1470 = arith.constant 64 : i32
        %parallel_loop3A_1471 = vector.broadcast %parallel_loop3A_1470 : i32 to vector<16xi32>
        %parallel_loop3A_1472 = arith.addi %parallel_loop3A_1458, %parallel_loop3A_1471 : vector<16xi32>
        %parallel_loop3A_1473 = tpu.vector_load_idx %arg5[%iota3A, %parallel_loop3A_1472] : memref<16x2048xf32, #tpu.memory_space<vmem>>[vector<16xi32>, vector<16xi32>], vector<16xf32>,
        %parallel_loop3A_1474 = arith.minimumf %parallel_loop3A_1439, %parallel_loop3A_1473 : vector<16xf32>
        %parallel_loop3A_1475 = arith.maximumf %parallel_loop3A_1439, %parallel_loop3A_1473 : vector<16xf32>
        %parallel_loop3A_1476 = arith.minimumf %parallel_loop3A_1440, %parallel_loop3A_1474 : vector<16xf32>
        %parallel_loop3A_1477 = arith.maximumf %parallel_loop3A_1440, %parallel_loop3A_1474 : vector<16xf32>
        %parallel_loop3A_1478 = arith.minimumf %parallel_loop3A_1441, %parallel_loop3A_1476 : vector<16xf32>
        %parallel_loop3A_1479 = arith.maximumf %parallel_loop3A_1441, %parallel_loop3A_1476 : vector<16xf32>
        %parallel_loop3A_1480 = arith.maximumf %parallel_loop3A_1442, %parallel_loop3A_1478 : vector<16xf32>
        %parallel_loop3A_1481 = arith.constant 128 : i32
        %parallel_loop3A_1482 = vector.broadcast %parallel_loop3A_1481 : i32 to vector<16xi32>
        %parallel_loop3A_1483 = arith.addi %parallel_loop3A_1458, %parallel_loop3A_1482 : vector<16xi32>
        %parallel_loop3A_1484 = tpu.vector_load_idx %arg5[%iota3A, %parallel_loop3A_1483] : memref<16x2048xf32, #tpu.memory_space<vmem>>[vector<16xi32>, vector<16xi32>], vector<16xf32>,
        %parallel_loop3A_1485 = arith.minimumf %parallel_loop3A_1443, %parallel_loop3A_1484 : vector<16xf32>
        %parallel_loop3A_1486 = arith.maximumf %parallel_loop3A_1443, %parallel_loop3A_1484 : vector<16xf32>
        %parallel_loop3A_1487 = arith.minimumf %parallel_loop3A_1444, %parallel_loop3A_1485 : vector<16xf32>
        %parallel_loop3A_1488 = arith.maximumf %parallel_loop3A_1444, %parallel_loop3A_1485 : vector<16xf32>
        %parallel_loop3A_1489 = arith.minimumf %parallel_loop3A_1445, %parallel_loop3A_1487 : vector<16xf32>
        %parallel_loop3A_1490 = arith.maximumf %parallel_loop3A_1445, %parallel_loop3A_1487 : vector<16xf32>
        %parallel_loop3A_1491 = arith.maximumf %parallel_loop3A_1446, %parallel_loop3A_1489 : vector<16xf32>
        %parallel_loop3A_1492 = arith.constant 192 : i32
        %parallel_loop3A_1493 = vector.broadcast %parallel_loop3A_1492 : i32 to vector<16xi32>
        %parallel_loop3A_1494 = arith.addi %parallel_loop3A_1458, %parallel_loop3A_1493 : vector<16xi32>
        %parallel_loop3A_1495 = tpu.vector_load_idx %arg5[%iota3A, %parallel_loop3A_1494] : memref<16x2048xf32, #tpu.memory_space<vmem>>[vector<16xi32>, vector<16xi32>], vector<16xf32>,
        %parallel_loop3A_1496 = arith.minimumf %parallel_loop3A_1447, %parallel_loop3A_1495 : vector<16xf32>
        %parallel_loop3A_1497 = arith.maximumf %parallel_loop3A_1447, %parallel_loop3A_1495 : vector<16xf32>
        %parallel_loop3A_1498 = arith.minimumf %parallel_loop3A_1448, %parallel_loop3A_1496 : vector<16xf32>
        %parallel_loop3A_1499 = arith.maximumf %parallel_loop3A_1448, %parallel_loop3A_1496 : vector<16xf32>
        %parallel_loop3A_1500 = arith.minimumf %parallel_loop3A_1449, %parallel_loop3A_1498 : vector<16xf32>
        %parallel_loop3A_1501 = arith.maximumf %parallel_loop3A_1449, %parallel_loop3A_1498 : vector<16xf32>
        %parallel_loop3A_1502 = arith.maximumf %parallel_loop3A_1450, %parallel_loop3A_1500 : vector<16xf32>
        scf.yield %parallel_loop3A_1464, %parallel_loop3A_1466, %parallel_loop3A_1468, %parallel_loop3A_1469, %parallel_loop3A_1475, %parallel_loop3A_1477, %parallel_loop3A_1479, %parallel_loop3A_1480, %parallel_loop3A_1486, %parallel_loop3A_1488, %parallel_loop3A_1490, %parallel_loop3A_1491, %parallel_loop3A_1497, %parallel_loop3A_1499, %parallel_loop3A_1501, %parallel_loop3A_1502 : vector<16xf32>, vector<16xf32>, vector<16xf32>, vector<16xf32>, vector<16xf32>, vector<16xf32>, vector<16xf32>, vector<16xf32>, vector<16xf32>, vector<16xf32>, vector<16xf32>, vector<16xf32>, vector<16xf32>, vector<16xf32>, vector<16xf32>, vector<16xf32>
      } {sc.loop_unroll_factor = 4 : i64, sc.parallel_access}
      %max3A_1186 = arith.maximumf %parallel_loop3A_1185#0, %parallel_loop3A_1185#4 : vector<16xf32>
      %max3A_1187 = arith.maximumf %parallel_loop3A_1185#1, %parallel_loop3A_1185#5 : vector<16xf32>
      %min3A_1188 = arith.minimumf %parallel_loop3A_1185#0, %parallel_loop3A_1185#4 : vector<16xf32>
      %max3A_1189 = arith.maximumf %max3A_1187, %min3A_1188 : vector<16xf32>
      %max3A_1190 = arith.maximumf %parallel_loop3A_1185#2, %parallel_loop3A_1185#6 : vector<16xf32>
      %min3A_1191 = arith.minimumf %parallel_loop3A_1185#1, %parallel_loop3A_1185#4 : vector<16xf32>
      %min3A_1192 = arith.minimumf %parallel_loop3A_1185#0, %parallel_loop3A_1185#5 : vector<16xf32>
      %max3A_1193 = arith.maximumf %min3A_1191, %min3A_1192 : vector<16xf32>
      %max3A_1194 = arith.maximumf %max3A_1190, %max3A_1193 : vector<16xf32>
      %max3A_1195 = arith.maximumf %parallel_loop3A_1185#3, %parallel_loop3A_1185#7 : vector<16xf32>
      %min3A_1196 = arith.minimumf %parallel_loop3A_1185#2, %parallel_loop3A_1185#4 : vector<16xf32>
      %min3A_1197 = arith.minimumf %parallel_loop3A_1185#1, %parallel_loop3A_1185#5 : vector<16xf32>
      %min3A_1198 = arith.minimumf %parallel_loop3A_1185#0, %parallel_loop3A_1185#6 : vector<16xf32>
      %max3A_1199 = arith.maximumf %min3A_1197, %min3A_1198 : vector<16xf32>
      %max3A_1200 = arith.maximumf %min3A_1196, %max3A_1199 : vector<16xf32>
      %max3A_1201 = arith.maximumf %max3A_1195, %max3A_1200 : vector<16xf32>
      %max3A_1202 = arith.maximumf %parallel_loop3A_1185#8, %parallel_loop3A_1185#12 : vector<16xf32>
      %max3A_1203 = arith.maximumf %parallel_loop3A_1185#9, %parallel_loop3A_1185#13 : vector<16xf32>
      %min3A_1204 = arith.minimumf %parallel_loop3A_1185#8, %parallel_loop3A_1185#12 : vector<16xf32>
      %max3A_1205 = arith.maximumf %max3A_1203, %min3A_1204 : vector<16xf32>
      %max3A_1206 = arith.maximumf %parallel_loop3A_1185#10, %parallel_loop3A_1185#14 : vector<16xf32>
      %min3A_1207 = arith.minimumf %parallel_loop3A_1185#9, %parallel_loop3A_1185#12 : vector<16xf32>
      %min3A_1208 = arith.minimumf %parallel_loop3A_1185#8, %parallel_loop3A_1185#13 : vector<16xf32>
      %max3A_1209 = arith.maximumf %min3A_1207, %min3A_1208 : vector<16xf32>
      %max3A_1210 = arith.maximumf %max3A_1206, %max3A_1209 : vector<16xf32>
      %max3A_1211 = arith.maximumf %parallel_loop3A_1185#11, %parallel_loop3A_1185#15 : vector<16xf32>
      %min3A_1212 = arith.minimumf %parallel_loop3A_1185#10, %parallel_loop3A_1185#12 : vector<16xf32>
      %min3A_1213 = arith.minimumf %parallel_loop3A_1185#9, %parallel_loop3A_1185#13 : vector<16xf32>
      %min3A_1214 = arith.minimumf %parallel_loop3A_1185#8, %parallel_loop3A_1185#14 : vector<16xf32>
      %max3A_1215 = arith.maximumf %min3A_1213, %min3A_1214 : vector<16xf32>
      %max3A_1216 = arith.maximumf %min3A_1212, %max3A_1215 : vector<16xf32>
      %max3A_1217 = arith.maximumf %max3A_1211, %max3A_1216 : vector<16xf32>
      %max3A_1218 = arith.maximumf %max3A_1186, %max3A_1202 : vector<16xf32>
      %max3A_1219 = arith.maximumf %max3A_1189, %max3A_1205 : vector<16xf32>
      %min3A_1220 = arith.minimumf %max3A_1186, %max3A_1202 : vector<16xf32>
      %max3A_1221 = arith.maximumf %max3A_1219, %min3A_1220 : vector<16xf32>
      %max3A_1222 = arith.maximumf %max3A_1194, %max3A_1210 : vector<16xf32>
      %min3A_1223 = arith.minimumf %max3A_1189, %max3A_1202 : vector<16xf32>
      %min3A_1224 = arith.minimumf %max3A_1186, %max3A_1205 : vector<16xf32>
      %max3A_1225 = arith.maximumf %min3A_1223, %min3A_1224 : vector<16xf32>
      %max3A_1226 = arith.maximumf %max3A_1222, %max3A_1225 : vector<16xf32>
      %max3A_1227 = arith.maximumf %max3A_1201, %max3A_1217 : vector<16xf32>
      %min3A_1228 = arith.minimumf %max3A_1194, %max3A_1202 : vector<16xf32>
      %min3A_1229 = arith.minimumf %max3A_1189, %max3A_1205 : vector<16xf32>
      %min3A_1230 = arith.minimumf %max3A_1186, %max3A_1210 : vector<16xf32>
      %max3A_1231 = arith.maximumf %min3A_1229, %min3A_1230 : vector<16xf32>
      %max3A_1232 = arith.maximumf %min3A_1228, %max3A_1231 : vector<16xf32>
      %max3A_1233 = arith.maximumf %max3A_1227, %max3A_1232 : vector<16xf32>
      %add3A_1234 = vector.broadcast %mul3A_761 : i32 to vector<16xi32>
      %add3A_1235 = arith.addi %iota3A, %add3A_1234 : vector<16xi32>
      %mul3A_1236 = arith.constant 32 : i32
      %mul3A_1237 = vector.broadcast %mul3A_1236 : i32 to vector<16xi32>
      %mul3A_1238 = arith.muli %add3A_1235, %mul3A_1237 : vector<16xi32>
      %add3A_1239 = arith.constant 20 : i32
      %add3A_1240 = vector.broadcast %add3A_1239 : i32 to vector<16xi32>
      %add3A_1241 = arith.addi %mul3A_1238, %add3A_1240 : vector<16xi32>
      tpu.vector_store_idx %arg6[%add3A_1241], %max3A_1218 : memref<16384xf32, #tpu.memory_space<vmem>>[vector<16xi32>], vector<16xf32>,
      %add3A_1242 = vector.broadcast %mul3A_761 : i32 to vector<16xi32>
      %add3A_1243 = arith.addi %iota3A, %add3A_1242 : vector<16xi32>
      %mul3A_1244 = arith.constant 32 : i32
      %mul3A_1245 = vector.broadcast %mul3A_1244 : i32 to vector<16xi32>
      %mul3A_1246 = arith.muli %add3A_1243, %mul3A_1245 : vector<16xi32>
      %add3A_1247 = arith.constant 21 : i32
      %add3A_1248 = vector.broadcast %add3A_1247 : i32 to vector<16xi32>
      %add3A_1249 = arith.addi %mul3A_1246, %add3A_1248 : vector<16xi32>
      tpu.vector_store_idx %arg6[%add3A_1249], %max3A_1221 : memref<16384xf32, #tpu.memory_space<vmem>>[vector<16xi32>], vector<16xf32>,
      %add3A_1250 = vector.broadcast %mul3A_761 : i32 to vector<16xi32>
      %add3A_1251 = arith.addi %iota3A, %add3A_1250 : vector<16xi32>
      %mul3A_1252 = arith.constant 32 : i32
      %mul3A_1253 = vector.broadcast %mul3A_1252 : i32 to vector<16xi32>
      %mul3A_1254 = arith.muli %add3A_1251, %mul3A_1253 : vector<16xi32>
      %add3A_1255 = arith.constant 22 : i32
      %add3A_1256 = vector.broadcast %add3A_1255 : i32 to vector<16xi32>
      %add3A_1257 = arith.addi %mul3A_1254, %add3A_1256 : vector<16xi32>
      tpu.vector_store_idx %arg6[%add3A_1257], %max3A_1226 : memref<16384xf32, #tpu.memory_space<vmem>>[vector<16xi32>], vector<16xf32>,
      %add3A_1258 = vector.broadcast %mul3A_761 : i32 to vector<16xi32>
      %add3A_1259 = arith.addi %iota3A, %add3A_1258 : vector<16xi32>
      %mul3A_1260 = arith.constant 32 : i32
      %mul3A_1261 = vector.broadcast %mul3A_1260 : i32 to vector<16xi32>
      %mul3A_1262 = arith.muli %add3A_1259, %mul3A_1261 : vector<16xi32>
      %add3A_1263 = arith.constant 23 : i32
      %add3A_1264 = vector.broadcast %add3A_1263 : i32 to vector<16xi32>
      %add3A_1265 = arith.addi %mul3A_1262, %add3A_1264 : vector<16xi32>
      tpu.vector_store_idx %arg6[%add3A_1265], %max3A_1233 : memref<16384xf32, #tpu.memory_space<vmem>>[vector<16xi32>], vector<16xf32>,
      %parallel_loop3A_1266 = arith.constant 0 : i32
      %parallel_loop3A_1267 = arith.constant 64 : i32
      %parallel_loop3A_1268 = arith.constant 1 : i32
      %parallel_loop3A_1269:16 = scf.for %parallel_loop3A_1434 = %parallel_loop3A_1266 to %parallel_loop3A_1267 step %parallel_loop3A_1268 iter_args(%parallel_loop3A_1435 = %broadcast_in_dim3A_33, %parallel_loop3A_1436 = %broadcast_in_dim3A_33, %parallel_loop3A_1437 = %broadcast_in_dim3A_33, %parallel_loop3A_1438 = %broadcast_in_dim3A_33, %parallel_loop3A_1439 = %broadcast_in_dim3A_33, %parallel_loop3A_1440 = %broadcast_in_dim3A_33, %parallel_loop3A_1441 = %broadcast_in_dim3A_33, %parallel_loop3A_1442 = %broadcast_in_dim3A_33, %parallel_loop3A_1443 = %broadcast_in_dim3A_33, %parallel_loop3A_1444 = %broadcast_in_dim3A_33, %parallel_loop3A_1445 = %broadcast_in_dim3A_33, %parallel_loop3A_1446 = %broadcast_in_dim3A_33, %parallel_loop3A_1447 = %broadcast_in_dim3A_33, %parallel_loop3A_1448 = %broadcast_in_dim3A_33, %parallel_loop3A_1449 = %broadcast_in_dim3A_33, %parallel_loop3A_1450 = %broadcast_in_dim3A_33) -> (vector<16xf32>, vector<16xf32>, vector<16xf32>, vector<16xf32>, vector<16xf32>, vector<16xf32>, vector<16xf32>, vector<16xf32>, vector<16xf32>, vector<16xf32>, vector<16xf32>, vector<16xf32>, vector<16xf32>, vector<16xf32>, vector<16xf32>, vector<16xf32>)  : i32 {
        %parallel_loop3A_1451 = vector.broadcast %parallel_loop3A_1434 : i32 to vector<16xi32>
        %parallel_loop3A_1452 = arith.xori %iota3A, %parallel_loop3A_1451 : vector<16xi32>
        %parallel_loop3A_1453 = arith.constant 63 : i32
        %parallel_loop3A_1454 = vector.broadcast %parallel_loop3A_1453 : i32 to vector<16xi32>
        %parallel_loop3A_1455 = arith.andi %parallel_loop3A_1452, %parallel_loop3A_1454 : vector<16xi32>
        %parallel_loop3A_1456 = arith.constant 1536 : i32
        %parallel_loop3A_1457 = vector.broadcast %parallel_loop3A_1456 : i32 to vector<16xi32>
        %parallel_loop3A_1458 = arith.addi %parallel_loop3A_1457, %parallel_loop3A_1455 : vector<16xi32>
        %parallel_loop3A_1459 = arith.constant 0 : i32
        %parallel_loop3A_1460 = vector.broadcast %parallel_loop3A_1459 : i32 to vector<16xi32>
        %parallel_loop3A_1461 = arith.addi %parallel_loop3A_1458, %parallel_loop3A_1460 : vector<16xi32>
        %parallel_loop3A_1462 = tpu.vector_load_idx %arg5[%iota3A, %parallel_loop3A_1461] : memref<16x2048xf32, #tpu.memory_space<vmem>>[vector<16xi32>, vector<16xi32>], vector<16xf32>,
        %parallel_loop3A_1463 = arith.minimumf %parallel_loop3A_1435, %parallel_loop3A_1462 : vector<16xf32>
        %parallel_loop3A_1464 = arith.maximumf %parallel_loop3A_1435, %parallel_loop3A_1462 : vector<16xf32>
        %parallel_loop3A_1465 = arith.minimumf %parallel_loop3A_1436, %parallel_loop3A_1463 : vector<16xf32>
        %parallel_loop3A_1466 = arith.maximumf %parallel_loop3A_1436, %parallel_loop3A_1463 : vector<16xf32>
        %parallel_loop3A_1467 = arith.minimumf %parallel_loop3A_1437, %parallel_loop3A_1465 : vector<16xf32>
        %parallel_loop3A_1468 = arith.maximumf %parallel_loop3A_1437, %parallel_loop3A_1465 : vector<16xf32>
        %parallel_loop3A_1469 = arith.maximumf %parallel_loop3A_1438, %parallel_loop3A_1467 : vector<16xf32>
        %parallel_loop3A_1470 = arith.constant 64 : i32
        %parallel_loop3A_1471 = vector.broadcast %parallel_loop3A_1470 : i32 to vector<16xi32>
        %parallel_loop3A_1472 = arith.addi %parallel_loop3A_1458, %parallel_loop3A_1471 : vector<16xi32>
        %parallel_loop3A_1473 = tpu.vector_load_idx %arg5[%iota3A, %parallel_loop3A_1472] : memref<16x2048xf32, #tpu.memory_space<vmem>>[vector<16xi32>, vector<16xi32>], vector<16xf32>,
        %parallel_loop3A_1474 = arith.minimumf %parallel_loop3A_1439, %parallel_loop3A_1473 : vector<16xf32>
        %parallel_loop3A_1475 = arith.maximumf %parallel_loop3A_1439, %parallel_loop3A_1473 : vector<16xf32>
        %parallel_loop3A_1476 = arith.minimumf %parallel_loop3A_1440, %parallel_loop3A_1474 : vector<16xf32>
        %parallel_loop3A_1477 = arith.maximumf %parallel_loop3A_1440, %parallel_loop3A_1474 : vector<16xf32>
        %parallel_loop3A_1478 = arith.minimumf %parallel_loop3A_1441, %parallel_loop3A_1476 : vector<16xf32>
        %parallel_loop3A_1479 = arith.maximumf %parallel_loop3A_1441, %parallel_loop3A_1476 : vector<16xf32>
        %parallel_loop3A_1480 = arith.maximumf %parallel_loop3A_1442, %parallel_loop3A_1478 : vector<16xf32>
        %parallel_loop3A_1481 = arith.constant 128 : i32
        %parallel_loop3A_1482 = vector.broadcast %parallel_loop3A_1481 : i32 to vector<16xi32>
        %parallel_loop3A_1483 = arith.addi %parallel_loop3A_1458, %parallel_loop3A_1482 : vector<16xi32>
        %parallel_loop3A_1484 = tpu.vector_load_idx %arg5[%iota3A, %parallel_loop3A_1483] : memref<16x2048xf32, #tpu.memory_space<vmem>>[vector<16xi32>, vector<16xi32>], vector<16xf32>,
        %parallel_loop3A_1485 = arith.minimumf %parallel_loop3A_1443, %parallel_loop3A_1484 : vector<16xf32>
        %parallel_loop3A_1486 = arith.maximumf %parallel_loop3A_1443, %parallel_loop3A_1484 : vector<16xf32>
        %parallel_loop3A_1487 = arith.minimumf %parallel_loop3A_1444, %parallel_loop3A_1485 : vector<16xf32>
        %parallel_loop3A_1488 = arith.maximumf %parallel_loop3A_1444, %parallel_loop3A_1485 : vector<16xf32>
        %parallel_loop3A_1489 = arith.minimumf %parallel_loop3A_1445, %parallel_loop3A_1487 : vector<16xf32>
        %parallel_loop3A_1490 = arith.maximumf %parallel_loop3A_1445, %parallel_loop3A_1487 : vector<16xf32>
        %parallel_loop3A_1491 = arith.maximumf %parallel_loop3A_1446, %parallel_loop3A_1489 : vector<16xf32>
        %parallel_loop3A_1492 = arith.constant 192 : i32
        %parallel_loop3A_1493 = vector.broadcast %parallel_loop3A_1492 : i32 to vector<16xi32>
        %parallel_loop3A_1494 = arith.addi %parallel_loop3A_1458, %parallel_loop3A_1493 : vector<16xi32>
        %parallel_loop3A_1495 = tpu.vector_load_idx %arg5[%iota3A, %parallel_loop3A_1494] : memref<16x2048xf32, #tpu.memory_space<vmem>>[vector<16xi32>, vector<16xi32>], vector<16xf32>,
        %parallel_loop3A_1496 = arith.minimumf %parallel_loop3A_1447, %parallel_loop3A_1495 : vector<16xf32>
        %parallel_loop3A_1497 = arith.maximumf %parallel_loop3A_1447, %parallel_loop3A_1495 : vector<16xf32>
        %parallel_loop3A_1498 = arith.minimumf %parallel_loop3A_1448, %parallel_loop3A_1496 : vector<16xf32>
        %parallel_loop3A_1499 = arith.maximumf %parallel_loop3A_1448, %parallel_loop3A_1496 : vector<16xf32>
        %parallel_loop3A_1500 = arith.minimumf %parallel_loop3A_1449, %parallel_loop3A_1498 : vector<16xf32>
        %parallel_loop3A_1501 = arith.maximumf %parallel_loop3A_1449, %parallel_loop3A_1498 : vector<16xf32>
        %parallel_loop3A_1502 = arith.maximumf %parallel_loop3A_1450, %parallel_loop3A_1500 : vector<16xf32>
        scf.yield %parallel_loop3A_1464, %parallel_loop3A_1466, %parallel_loop3A_1468, %parallel_loop3A_1469, %parallel_loop3A_1475, %parallel_loop3A_1477, %parallel_loop3A_1479, %parallel_loop3A_1480, %parallel_loop3A_1486, %parallel_loop3A_1488, %parallel_loop3A_1490, %parallel_loop3A_1491, %parallel_loop3A_1497, %parallel_loop3A_1499, %parallel_loop3A_1501, %parallel_loop3A_1502 : vector<16xf32>, vector<16xf32>, vector<16xf32>, vector<16xf32>, vector<16xf32>, vector<16xf32>, vector<16xf32>, vector<16xf32>, vector<16xf32>, vector<16xf32>, vector<16xf32>, vector<16xf32>, vector<16xf32>, vector<16xf32>, vector<16xf32>, vector<16xf32>
      } {sc.loop_unroll_factor = 4 : i64, sc.parallel_access}
      %max3A_1270 = arith.maximumf %parallel_loop3A_1269#0, %parallel_loop3A_1269#4 : vector<16xf32>
      %max3A_1271 = arith.maximumf %parallel_loop3A_1269#1, %parallel_loop3A_1269#5 : vector<16xf32>
      %min3A_1272 = arith.minimumf %parallel_loop3A_1269#0, %parallel_loop3A_1269#4 : vector<16xf32>
      %max3A_1273 = arith.maximumf %max3A_1271, %min3A_1272 : vector<16xf32>
      %max3A_1274 = arith.maximumf %parallel_loop3A_1269#2, %parallel_loop3A_1269#6 : vector<16xf32>
      %min3A_1275 = arith.minimumf %parallel_loop3A_1269#1, %parallel_loop3A_1269#4 : vector<16xf32>
      %min3A_1276 = arith.minimumf %parallel_loop3A_1269#0, %parallel_loop3A_1269#5 : vector<16xf32>
      %max3A_1277 = arith.maximumf %min3A_1275, %min3A_1276 : vector<16xf32>
      %max3A_1278 = arith.maximumf %max3A_1274, %max3A_1277 : vector<16xf32>
      %max3A_1279 = arith.maximumf %parallel_loop3A_1269#3, %parallel_loop3A_1269#7 : vector<16xf32>
      %min3A_1280 = arith.minimumf %parallel_loop3A_1269#2, %parallel_loop3A_1269#4 : vector<16xf32>
      %min3A_1281 = arith.minimumf %parallel_loop3A_1269#1, %parallel_loop3A_1269#5 : vector<16xf32>
      %min3A_1282 = arith.minimumf %parallel_loop3A_1269#0, %parallel_loop3A_1269#6 : vector<16xf32>
      %max3A_1283 = arith.maximumf %min3A_1281, %min3A_1282 : vector<16xf32>
      %max3A_1284 = arith.maximumf %min3A_1280, %max3A_1283 : vector<16xf32>
      %max3A_1285 = arith.maximumf %max3A_1279, %max3A_1284 : vector<16xf32>
      %max3A_1286 = arith.maximumf %parallel_loop3A_1269#8, %parallel_loop3A_1269#12 : vector<16xf32>
      %max3A_1287 = arith.maximumf %parallel_loop3A_1269#9, %parallel_loop3A_1269#13 : vector<16xf32>
      %min3A_1288 = arith.minimumf %parallel_loop3A_1269#8, %parallel_loop3A_1269#12 : vector<16xf32>
      %max3A_1289 = arith.maximumf %max3A_1287, %min3A_1288 : vector<16xf32>
      %max3A_1290 = arith.maximumf %parallel_loop3A_1269#10, %parallel_loop3A_1269#14 : vector<16xf32>
      %min3A_1291 = arith.minimumf %parallel_loop3A_1269#9, %parallel_loop3A_1269#12 : vector<16xf32>
      %min3A_1292 = arith.minimumf %parallel_loop3A_1269#8, %parallel_loop3A_1269#13 : vector<16xf32>
      %max3A_1293 = arith.maximumf %min3A_1291, %min3A_1292 : vector<16xf32>
      %max3A_1294 = arith.maximumf %max3A_1290, %max3A_1293 : vector<16xf32>
      %max3A_1295 = arith.maximumf %parallel_loop3A_1269#11, %parallel_loop3A_1269#15 : vector<16xf32>
      %min3A_1296 = arith.minimumf %parallel_loop3A_1269#10, %parallel_loop3A_1269#12 : vector<16xf32>
      %min3A_1297 = arith.minimumf %parallel_loop3A_1269#9, %parallel_loop3A_1269#13 : vector<16xf32>
      %min3A_1298 = arith.minimumf %parallel_loop3A_1269#8, %parallel_loop3A_1269#14 : vector<16xf32>
      %max3A_1299 = arith.maximumf %min3A_1297, %min3A_1298 : vector<16xf32>
      %max3A_1300 = arith.maximumf %min3A_1296, %max3A_1299 : vector<16xf32>
      %max3A_1301 = arith.maximumf %max3A_1295, %max3A_1300 : vector<16xf32>
      %max3A_1302 = arith.maximumf %max3A_1270, %max3A_1286 : vector<16xf32>
      %max3A_1303 = arith.maximumf %max3A_1273, %max3A_1289 : vector<16xf32>
      %min3A_1304 = arith.minimumf %max3A_1270, %max3A_1286 : vector<16xf32>
      %max3A_1305 = arith.maximumf %max3A_1303, %min3A_1304 : vector<16xf32>
      %max3A_1306 = arith.maximumf %max3A_1278, %max3A_1294 : vector<16xf32>
      %min3A_1307 = arith.minimumf %max3A_1273, %max3A_1286 : vector<16xf32>
      %min3A_1308 = arith.minimumf %max3A_1270, %max3A_1289 : vector<16xf32>
      %max3A_1309 = arith.maximumf %min3A_1307, %min3A_1308 : vector<16xf32>
      %max3A_1310 = arith.maximumf %max3A_1306, %max3A_1309 : vector<16xf32>
      %max3A_1311 = arith.maximumf %max3A_1285, %max3A_1301 : vector<16xf32>
      %min3A_1312 = arith.minimumf %max3A_1278, %max3A_1286 : vector<16xf32>
      %min3A_1313 = arith.minimumf %max3A_1273, %max3A_1289 : vector<16xf32>
      %min3A_1314 = arith.minimumf %max3A_1270, %max3A_1294 : vector<16xf32>
      %max3A_1315 = arith.maximumf %min3A_1313, %min3A_1314 : vector<16xf32>
      %max3A_1316 = arith.maximumf %min3A_1312, %max3A_1315 : vector<16xf32>
      %max3A_1317 = arith.maximumf %max3A_1311, %max3A_1316 : vector<16xf32>
      %add3A_1318 = vector.broadcast %mul3A_761 : i32 to vector<16xi32>
      %add3A_1319 = arith.addi %iota3A, %add3A_1318 : vector<16xi32>
      %mul3A_1320 = arith.constant 32 : i32
      %mul3A_1321 = vector.broadcast %mul3A_1320 : i32 to vector<16xi32>
      %mul3A_1322 = arith.muli %add3A_1319, %mul3A_1321 : vector<16xi32>
      %add3A_1323 = arith.constant 24 : i32
      %add3A_1324 = vector.broadcast %add3A_1323 : i32 to vector<16xi32>
      %add3A_1325 = arith.addi %mul3A_1322, %add3A_1324 : vector<16xi32>
      tpu.vector_store_idx %arg6[%add3A_1325], %max3A_1302 : memref<16384xf32, #tpu.memory_space<vmem>>[vector<16xi32>], vector<16xf32>,
      %add3A_1326 = vector.broadcast %mul3A_761 : i32 to vector<16xi32>
      %add3A_1327 = arith.addi %iota3A, %add3A_1326 : vector<16xi32>
      %mul3A_1328 = arith.constant 32 : i32
      %mul3A_1329 = vector.broadcast %mul3A_1328 : i32 to vector<16xi32>
      %mul3A_1330 = arith.muli %add3A_1327, %mul3A_1329 : vector<16xi32>
      %add3A_1331 = arith.constant 25 : i32
      %add3A_1332 = vector.broadcast %add3A_1331 : i32 to vector<16xi32>
      %add3A_1333 = arith.addi %mul3A_1330, %add3A_1332 : vector<16xi32>
      tpu.vector_store_idx %arg6[%add3A_1333], %max3A_1305 : memref<16384xf32, #tpu.memory_space<vmem>>[vector<16xi32>], vector<16xf32>,
      %add3A_1334 = vector.broadcast %mul3A_761 : i32 to vector<16xi32>
      %add3A_1335 = arith.addi %iota3A, %add3A_1334 : vector<16xi32>
      %mul3A_1336 = arith.constant 32 : i32
      %mul3A_1337 = vector.broadcast %mul3A_1336 : i32 to vector<16xi32>
      %mul3A_1338 = arith.muli %add3A_1335, %mul3A_1337 : vector<16xi32>
      %add3A_1339 = arith.constant 26 : i32
      %add3A_1340 = vector.broadcast %add3A_1339 : i32 to vector<16xi32>
      %add3A_1341 = arith.addi %mul3A_1338, %add3A_1340 : vector<16xi32>
      tpu.vector_store_idx %arg6[%add3A_1341], %max3A_1310 : memref<16384xf32, #tpu.memory_space<vmem>>[vector<16xi32>], vector<16xf32>,
      %add3A_1342 = vector.broadcast %mul3A_761 : i32 to vector<16xi32>
      %add3A_1343 = arith.addi %iota3A, %add3A_1342 : vector<16xi32>
      %mul3A_1344 = arith.constant 32 : i32
      %mul3A_1345 = vector.broadcast %mul3A_1344 : i32 to vector<16xi32>
      %mul3A_1346 = arith.muli %add3A_1343, %mul3A_1345 : vector<16xi32>
      %add3A_1347 = arith.constant 27 : i32
      %add3A_1348 = vector.broadcast %add3A_1347 : i32 to vector<16xi32>
      %add3A_1349 = arith.addi %mul3A_1346, %add3A_1348 : vector<16xi32>
      tpu.vector_store_idx %arg6[%add3A_1349], %max3A_1317 : memref<16384xf32, #tpu.memory_space<vmem>>[vector<16xi32>], vector<16xf32>,
      %parallel_loop3A_1350 = arith.constant 0 : i32
      %parallel_loop3A_1351 = arith.constant 64 : i32
      %parallel_loop3A_1352 = arith.constant 1 : i32
      %parallel_loop3A_1353:16 = scf.for %parallel_loop3A_1434 = %parallel_loop3A_1350 to %parallel_loop3A_1351 step %parallel_loop3A_1352 iter_args(%parallel_loop3A_1435 = %broadcast_in_dim3A_33, %parallel_loop3A_1436 = %broadcast_in_dim3A_33, %parallel_loop3A_1437 = %broadcast_in_dim3A_33, %parallel_loop3A_1438 = %broadcast_in_dim3A_33, %parallel_loop3A_1439 = %broadcast_in_dim3A_33, %parallel_loop3A_1440 = %broadcast_in_dim3A_33, %parallel_loop3A_1441 = %broadcast_in_dim3A_33, %parallel_loop3A_1442 = %broadcast_in_dim3A_33, %parallel_loop3A_1443 = %broadcast_in_dim3A_33, %parallel_loop3A_1444 = %broadcast_in_dim3A_33, %parallel_loop3A_1445 = %broadcast_in_dim3A_33, %parallel_loop3A_1446 = %broadcast_in_dim3A_33, %parallel_loop3A_1447 = %broadcast_in_dim3A_33, %parallel_loop3A_1448 = %broadcast_in_dim3A_33, %parallel_loop3A_1449 = %broadcast_in_dim3A_33, %parallel_loop3A_1450 = %broadcast_in_dim3A_33) -> (vector<16xf32>, vector<16xf32>, vector<16xf32>, vector<16xf32>, vector<16xf32>, vector<16xf32>, vector<16xf32>, vector<16xf32>, vector<16xf32>, vector<16xf32>, vector<16xf32>, vector<16xf32>, vector<16xf32>, vector<16xf32>, vector<16xf32>, vector<16xf32>)  : i32 {
        %parallel_loop3A_1451 = vector.broadcast %parallel_loop3A_1434 : i32 to vector<16xi32>
        %parallel_loop3A_1452 = arith.xori %iota3A, %parallel_loop3A_1451 : vector<16xi32>
        %parallel_loop3A_1453 = arith.constant 63 : i32
        %parallel_loop3A_1454 = vector.broadcast %parallel_loop3A_1453 : i32 to vector<16xi32>
        %parallel_loop3A_1455 = arith.andi %parallel_loop3A_1452, %parallel_loop3A_1454 : vector<16xi32>
        %parallel_loop3A_1456 = arith.constant 1792 : i32
        %parallel_loop3A_1457 = vector.broadcast %parallel_loop3A_1456 : i32 to vector<16xi32>
        %parallel_loop3A_1458 = arith.addi %parallel_loop3A_1457, %parallel_loop3A_1455 : vector<16xi32>
        %parallel_loop3A_1459 = arith.constant 0 : i32
        %parallel_loop3A_1460 = vector.broadcast %parallel_loop3A_1459 : i32 to vector<16xi32>
        %parallel_loop3A_1461 = arith.addi %parallel_loop3A_1458, %parallel_loop3A_1460 : vector<16xi32>
        %parallel_loop3A_1462 = tpu.vector_load_idx %arg5[%iota3A, %parallel_loop3A_1461] : memref<16x2048xf32, #tpu.memory_space<vmem>>[vector<16xi32>, vector<16xi32>], vector<16xf32>,
        %parallel_loop3A_1463 = arith.minimumf %parallel_loop3A_1435, %parallel_loop3A_1462 : vector<16xf32>
        %parallel_loop3A_1464 = arith.maximumf %parallel_loop3A_1435, %parallel_loop3A_1462 : vector<16xf32>
        %parallel_loop3A_1465 = arith.minimumf %parallel_loop3A_1436, %parallel_loop3A_1463 : vector<16xf32>
        %parallel_loop3A_1466 = arith.maximumf %parallel_loop3A_1436, %parallel_loop3A_1463 : vector<16xf32>
        %parallel_loop3A_1467 = arith.minimumf %parallel_loop3A_1437, %parallel_loop3A_1465 : vector<16xf32>
        %parallel_loop3A_1468 = arith.maximumf %parallel_loop3A_1437, %parallel_loop3A_1465 : vector<16xf32>
        %parallel_loop3A_1469 = arith.maximumf %parallel_loop3A_1438, %parallel_loop3A_1467 : vector<16xf32>
        %parallel_loop3A_1470 = arith.constant 64 : i32
        %parallel_loop3A_1471 = vector.broadcast %parallel_loop3A_1470 : i32 to vector<16xi32>
        %parallel_loop3A_1472 = arith.addi %parallel_loop3A_1458, %parallel_loop3A_1471 : vector<16xi32>
        %parallel_loop3A_1473 = tpu.vector_load_idx %arg5[%iota3A, %parallel_loop3A_1472] : memref<16x2048xf32, #tpu.memory_space<vmem>>[vector<16xi32>, vector<16xi32>], vector<16xf32>,
        %parallel_loop3A_1474 = arith.minimumf %parallel_loop3A_1439, %parallel_loop3A_1473 : vector<16xf32>
        %parallel_loop3A_1475 = arith.maximumf %parallel_loop3A_1439, %parallel_loop3A_1473 : vector<16xf32>
        %parallel_loop3A_1476 = arith.minimumf %parallel_loop3A_1440, %parallel_loop3A_1474 : vector<16xf32>
        %parallel_loop3A_1477 = arith.maximumf %parallel_loop3A_1440, %parallel_loop3A_1474 : vector<16xf32>
        %parallel_loop3A_1478 = arith.minimumf %parallel_loop3A_1441, %parallel_loop3A_1476 : vector<16xf32>
        %parallel_loop3A_1479 = arith.maximumf %parallel_loop3A_1441, %parallel_loop3A_1476 : vector<16xf32>
        %parallel_loop3A_1480 = arith.maximumf %parallel_loop3A_1442, %parallel_loop3A_1478 : vector<16xf32>
        %parallel_loop3A_1481 = arith.constant 128 : i32
        %parallel_loop3A_1482 = vector.broadcast %parallel_loop3A_1481 : i32 to vector<16xi32>
        %parallel_loop3A_1483 = arith.addi %parallel_loop3A_1458, %parallel_loop3A_1482 : vector<16xi32>
        %parallel_loop3A_1484 = tpu.vector_load_idx %arg5[%iota3A, %parallel_loop3A_1483] : memref<16x2048xf32, #tpu.memory_space<vmem>>[vector<16xi32>, vector<16xi32>], vector<16xf32>,
        %parallel_loop3A_1485 = arith.minimumf %parallel_loop3A_1443, %parallel_loop3A_1484 : vector<16xf32>
        %parallel_loop3A_1486 = arith.maximumf %parallel_loop3A_1443, %parallel_loop3A_1484 : vector<16xf32>
        %parallel_loop3A_1487 = arith.minimumf %parallel_loop3A_1444, %parallel_loop3A_1485 : vector<16xf32>
        %parallel_loop3A_1488 = arith.maximumf %parallel_loop3A_1444, %parallel_loop3A_1485 : vector<16xf32>
        %parallel_loop3A_1489 = arith.minimumf %parallel_loop3A_1445, %parallel_loop3A_1487 : vector<16xf32>
        %parallel_loop3A_1490 = arith.maximumf %parallel_loop3A_1445, %parallel_loop3A_1487 : vector<16xf32>
        %parallel_loop3A_1491 = arith.maximumf %parallel_loop3A_1446, %parallel_loop3A_1489 : vector<16xf32>
        %parallel_loop3A_1492 = arith.constant 192 : i32
        %parallel_loop3A_1493 = vector.broadcast %parallel_loop3A_1492 : i32 to vector<16xi32>
        %parallel_loop3A_1494 = arith.addi %parallel_loop3A_1458, %parallel_loop3A_1493 : vector<16xi32>
        %parallel_loop3A_1495 = tpu.vector_load_idx %arg5[%iota3A, %parallel_loop3A_1494] : memref<16x2048xf32, #tpu.memory_space<vmem>>[vector<16xi32>, vector<16xi32>], vector<16xf32>,
        %parallel_loop3A_1496 = arith.minimumf %parallel_loop3A_1447, %parallel_loop3A_1495 : vector<16xf32>
        %parallel_loop3A_1497 = arith.maximumf %parallel_loop3A_1447, %parallel_loop3A_1495 : vector<16xf32>
        %parallel_loop3A_1498 = arith.minimumf %parallel_loop3A_1448, %parallel_loop3A_1496 : vector<16xf32>
        %parallel_loop3A_1499 = arith.maximumf %parallel_loop3A_1448, %parallel_loop3A_1496 : vector<16xf32>
        %parallel_loop3A_1500 = arith.minimumf %parallel_loop3A_1449, %parallel_loop3A_1498 : vector<16xf32>
        %parallel_loop3A_1501 = arith.maximumf %parallel_loop3A_1449, %parallel_loop3A_1498 : vector<16xf32>
        %parallel_loop3A_1502 = arith.maximumf %parallel_loop3A_1450, %parallel_loop3A_1500 : vector<16xf32>
        scf.yield %parallel_loop3A_1464, %parallel_loop3A_1466, %parallel_loop3A_1468, %parallel_loop3A_1469, %parallel_loop3A_1475, %parallel_loop3A_1477, %parallel_loop3A_1479, %parallel_loop3A_1480, %parallel_loop3A_1486, %parallel_loop3A_1488, %parallel_loop3A_1490, %parallel_loop3A_1491, %parallel_loop3A_1497, %parallel_loop3A_1499, %parallel_loop3A_1501, %parallel_loop3A_1502 : vector<16xf32>, vector<16xf32>, vector<16xf32>, vector<16xf32>, vector<16xf32>, vector<16xf32>, vector<16xf32>, vector<16xf32>, vector<16xf32>, vector<16xf32>, vector<16xf32>, vector<16xf32>, vector<16xf32>, vector<16xf32>, vector<16xf32>, vector<16xf32>
      } {sc.loop_unroll_factor = 4 : i64, sc.parallel_access}
      %max3A_1354 = arith.maximumf %parallel_loop3A_1353#0, %parallel_loop3A_1353#4 : vector<16xf32>
      %max3A_1355 = arith.maximumf %parallel_loop3A_1353#1, %parallel_loop3A_1353#5 : vector<16xf32>
      %min3A_1356 = arith.minimumf %parallel_loop3A_1353#0, %parallel_loop3A_1353#4 : vector<16xf32>
      %max3A_1357 = arith.maximumf %max3A_1355, %min3A_1356 : vector<16xf32>
      %max3A_1358 = arith.maximumf %parallel_loop3A_1353#2, %parallel_loop3A_1353#6 : vector<16xf32>
      %min3A_1359 = arith.minimumf %parallel_loop3A_1353#1, %parallel_loop3A_1353#4 : vector<16xf32>
      %min3A_1360 = arith.minimumf %parallel_loop3A_1353#0, %parallel_loop3A_1353#5 : vector<16xf32>
      %max3A_1361 = arith.maximumf %min3A_1359, %min3A_1360 : vector<16xf32>
      %max3A_1362 = arith.maximumf %max3A_1358, %max3A_1361 : vector<16xf32>
      %max3A_1363 = arith.maximumf %parallel_loop3A_1353#3, %parallel_loop3A_1353#7 : vector<16xf32>
      %min3A_1364 = arith.minimumf %parallel_loop3A_1353#2, %parallel_loop3A_1353#4 : vector<16xf32>
      %min3A_1365 = arith.minimumf %parallel_loop3A_1353#1, %parallel_loop3A_1353#5 : vector<16xf32>
      %min3A_1366 = arith.minimumf %parallel_loop3A_1353#0, %parallel_loop3A_1353#6 : vector<16xf32>
      %max3A_1367 = arith.maximumf %min3A_1365, %min3A_1366 : vector<16xf32>
      %max3A_1368 = arith.maximumf %min3A_1364, %max3A_1367 : vector<16xf32>
      %max3A_1369 = arith.maximumf %max3A_1363, %max3A_1368 : vector<16xf32>
      %max3A_1370 = arith.maximumf %parallel_loop3A_1353#8, %parallel_loop3A_1353#12 : vector<16xf32>
      %max3A_1371 = arith.maximumf %parallel_loop3A_1353#9, %parallel_loop3A_1353#13 : vector<16xf32>
      %min3A_1372 = arith.minimumf %parallel_loop3A_1353#8, %parallel_loop3A_1353#12 : vector<16xf32>
      %max3A_1373 = arith.maximumf %max3A_1371, %min3A_1372 : vector<16xf32>
      %max3A_1374 = arith.maximumf %parallel_loop3A_1353#10, %parallel_loop3A_1353#14 : vector<16xf32>
      %min3A_1375 = arith.minimumf %parallel_loop3A_1353#9, %parallel_loop3A_1353#12 : vector<16xf32>
      %min3A_1376 = arith.minimumf %parallel_loop3A_1353#8, %parallel_loop3A_1353#13 : vector<16xf32>
      %max3A_1377 = arith.maximumf %min3A_1375, %min3A_1376 : vector<16xf32>
      %max3A_1378 = arith.maximumf %max3A_1374, %max3A_1377 : vector<16xf32>
      %max3A_1379 = arith.maximumf %parallel_loop3A_1353#11, %parallel_loop3A_1353#15 : vector<16xf32>
      %min3A_1380 = arith.minimumf %parallel_loop3A_1353#10, %parallel_loop3A_1353#12 : vector<16xf32>
      %min3A_1381 = arith.minimumf %parallel_loop3A_1353#9, %parallel_loop3A_1353#13 : vector<16xf32>
      %min3A_1382 = arith.minimumf %parallel_loop3A_1353#8, %parallel_loop3A_1353#14 : vector<16xf32>
      %max3A_1383 = arith.maximumf %min3A_1381, %min3A_1382 : vector<16xf32>
      %max3A_1384 = arith.maximumf %min3A_1380, %max3A_1383 : vector<16xf32>
      %max3A_1385 = arith.maximumf %max3A_1379, %max3A_1384 : vector<16xf32>
      %max3A_1386 = arith.maximumf %max3A_1354, %max3A_1370 : vector<16xf32>
      %max3A_1387 = arith.maximumf %max3A_1357, %max3A_1373 : vector<16xf32>
      %min3A_1388 = arith.minimumf %max3A_1354, %max3A_1370 : vector<16xf32>
      %max3A_1389 = arith.maximumf %max3A_1387, %min3A_1388 : vector<16xf32>
      %max3A_1390 = arith.maximumf %max3A_1362, %max3A_1378 : vector<16xf32>
      %min3A_1391 = arith.minimumf %max3A_1357, %max3A_1370 : vector<16xf32>
      %min3A_1392 = arith.minimumf %max3A_1354, %max3A_1373 : vector<16xf32>
      %max3A_1393 = arith.maximumf %min3A_1391, %min3A_1392 : vector<16xf32>
      %max3A_1394 = arith.maximumf %max3A_1390, %max3A_1393 : vector<16xf32>
      %max3A_1395 = arith.maximumf %max3A_1369, %max3A_1385 : vector<16xf32>
      %min3A_1396 = arith.minimumf %max3A_1362, %max3A_1370 : vector<16xf32>
      %min3A_1397 = arith.minimumf %max3A_1357, %max3A_1373 : vector<16xf32>
      %min3A_1398 = arith.minimumf %max3A_1354, %max3A_1378 : vector<16xf32>
      %max3A_1399 = arith.maximumf %min3A_1397, %min3A_1398 : vector<16xf32>
      %max3A_1400 = arith.maximumf %min3A_1396, %max3A_1399 : vector<16xf32>
      %max3A_1401 = arith.maximumf %max3A_1395, %max3A_1400 : vector<16xf32>
      %add3A_1402 = vector.broadcast %mul3A_761 : i32 to vector<16xi32>
      %add3A_1403 = arith.addi %iota3A, %add3A_1402 : vector<16xi32>
      %mul3A_1404 = arith.constant 32 : i32
      %mul3A_1405 = vector.broadcast %mul3A_1404 : i32 to vector<16xi32>
      %mul3A_1406 = arith.muli %add3A_1403, %mul3A_1405 : vector<16xi32>
      %add3A_1407 = arith.constant 28 : i32
      %add3A_1408 = vector.broadcast %add3A_1407 : i32 to vector<16xi32>
      %add3A_1409 = arith.addi %mul3A_1406, %add3A_1408 : vector<16xi32>
      tpu.vector_store_idx %arg6[%add3A_1409], %max3A_1386 : memref<16384xf32, #tpu.memory_space<vmem>>[vector<16xi32>], vector<16xf32>,
      %add3A_1410 = vector.broadcast %mul3A_761 : i32 to vector<16xi32>
      %add3A_1411 = arith.addi %iota3A, %add3A_1410 : vector<16xi32>
      %mul3A_1412 = arith.constant 32 : i32
      %mul3A_1413 = vector.broadcast %mul3A_1412 : i32 to vector<16xi32>
      %mul3A_1414 = arith.muli %add3A_1411, %mul3A_1413 : vector<16xi32>
      %add3A_1415 = arith.constant 29 : i32
      %add3A_1416 = vector.broadcast %add3A_1415 : i32 to vector<16xi32>
      %add3A_1417 = arith.addi %mul3A_1414, %add3A_1416 : vector<16xi32>
      tpu.vector_store_idx %arg6[%add3A_1417], %max3A_1389 : memref<16384xf32, #tpu.memory_space<vmem>>[vector<16xi32>], vector<16xf32>,
      %add3A_1418 = vector.broadcast %mul3A_761 : i32 to vector<16xi32>
      %add3A_1419 = arith.addi %iota3A, %add3A_1418 : vector<16xi32>
      %mul3A_1420 = arith.constant 32 : i32
      %mul3A_1421 = vector.broadcast %mul3A_1420 : i32 to vector<16xi32>
      %mul3A_1422 = arith.muli %add3A_1419, %mul3A_1421 : vector<16xi32>
      %add3A_1423 = arith.constant 30 : i32
      %add3A_1424 = vector.broadcast %add3A_1423 : i32 to vector<16xi32>
      %add3A_1425 = arith.addi %mul3A_1422, %add3A_1424 : vector<16xi32>
      tpu.vector_store_idx %arg6[%add3A_1425], %max3A_1394 : memref<16384xf32, #tpu.memory_space<vmem>>[vector<16xi32>], vector<16xf32>,
      %add3A_1426 = vector.broadcast %mul3A_761 : i32 to vector<16xi32>
      %add3A_1427 = arith.addi %iota3A, %add3A_1426 : vector<16xi32>
      %mul3A_1428 = arith.constant 32 : i32
      %mul3A_1429 = vector.broadcast %mul3A_1428 : i32 to vector<16xi32>
      %mul3A_1430 = arith.muli %add3A_1427, %mul3A_1429 : vector<16xi32>
      %add3A_1431 = arith.constant 31 : i32
      %add3A_1432 = vector.broadcast %add3A_1431 : i32 to vector<16xi32>
      %add3A_1433 = arith.addi %mul3A_1430, %add3A_1432 : vector<16xi32>
      tpu.vector_store_idx %arg6[%add3A_1433], %max3A_1401 : memref<16384xf32, #tpu.memory_space<vmem>>[vector<16xi32>], vector<16xf32>,
    }
    %scan3A_45 = arith.constant 16 : i32
    %mul3A_46 = arith.constant 2048 : i32
    %mul3A_47 = arith.muli %select_n3A, %mul3A_46 : i32
    %add3A_48 = arith.addi %mul3A_47, %mul3A_32 : i32
    %mul3A_49 = arith.constant 32 : i32
    %mul3A_50 = arith.muli %add3A_48, %mul3A_49 : i32
    "tpu.region"() ({
      %run_scoped3A = tpu.sem_alloc : memref<!tpu.dma_semaphore, #tpu.memory_space<semaphore_mem>>
      %dma_start3A_51 = tpu.memref_slice %arg3[%mul3A_50] : memref<524288xf32, #tpu.memory_space<hbm>> -> memref<16384xf32, #tpu.memory_space<hbm>>
      %dma_start3A_52 = tpu.memref_slice %arg3[%mul3A_50] : memref<524288xf32, #tpu.memory_space<hbm>> -> memref<16384xf32, #tpu.memory_space<hbm>>
      tpu.enqueue_dma source(%arg6 : memref<16384xf32, #tpu.memory_space<vmem>>) target(%dma_start3A_52 : memref<16384xf32, #tpu.memory_space<hbm>>) target_semaphore(%run_scoped3A : memref<!tpu.dma_semaphore, #tpu.memory_space<semaphore_mem>>)
      %dma_wait3A = tpu.memref_slice %arg3[%mul3A_50] : memref<524288xf32, #tpu.memory_space<hbm>> -> memref<16384xf32, #tpu.memory_space<hbm>>
      %dma_wait3A_53 = tpu.memref_slice %arg3[%mul3A_50] : memref<524288xf32, #tpu.memory_space<hbm>> -> memref<16384xf32, #tpu.memory_space<hbm>>
      tpu.wait_dma2 semaphore(%run_scoped3A : memref<!tpu.dma_semaphore, #tpu.memory_space<semaphore_mem>>) src(%arg6 : memref<16384xf32, #tpu.memory_space<vmem>>) dst(%dma_wait3A_53 : memref<16384xf32, #tpu.memory_space<hbm>>)
      tpu.yield
    }) : () -> ()
    return
  }
}

</mosaic_0001>

<sc_bundles>
// kernel: kernel.3.cloned.1.call-start
scs
__scs_entry_jumppad:
0x0: {  	(pc) =	sbr.rel $0x88, $3  }
0x1: {  	(tag) =	ssettag $0x0;
	lr =	simm.s32 $0x1  }
0x2: {  	[smem:$0x3FA0] =	sst lr;
	_ =	strace $0xD0000000  }
0x3: {  	_ = 	snop  }
0x4: {  	_ = 	snop  }
0x5: {  	_ = 	snop  }
0x6: {  	_ = 	snop  }
0x7: {  	_ = 	snop  }
__scs_overlays_trampoline_lowered:
0x8: {  	[smem:$0x3FAF] =	sst s0  }
0x9: {  	[smem:$0x3FB0] =	sst s1  }
0xa: {  	[smem:$0x3FB1] =	sst s2  }
0xb: {  	[smem:$0x3FB2] =	sst s3  }
0xc: {  	[smem:$0x3FB3] =	sst s4  }
0xd: {  	[smem:$0x3FB4] =	sst s5  }
0xe: {  	[smem:$0x3FB5] =	sst s6  }
0xf: {  	[smem:$0x3FB6] =	sst s7  }
0x10: {  	[smem:$0x3FB7] =	sst s8  }
0x11: {  	[smem:$0x3FB8] =	sst s9;
	s0 =	simm.s32 @!p0 $0x0  }
0x12: {  	s1 =	sld [smem:$0x3F9E];
	s0 =	simm.s32 @p0 $0x1  }
0x13: {  	[smem:$0x3FB9] =	sst s0;
	s0 =	simm.s32 @!p1 $0x0  }
0x14: {  	s2 =	sld [smem:$0x3F9D];
	s0 =	simm.s32 @p1 $0x1  }
0x15: {  	[smem:$0x3FBA] =	sst s0;
	s0 =	simm.s32 @!p2 $0x0  }
0x16: {  	s3 =	sld [smem:$0x3FDB];
	s0 =	simm.s32 @p2 $0x1  }
0x17: {  	s4 =	simm.s32 $0x1BF5;
	[smem:$0x3FBC] =	sst s0  }
0x18: {  	s0 =	sld [smem:$0x3F9F];
	_ =	swait.ge [sflag:s4], $0x0  }
0x19: {  	s7 =	sld [smem:$0x3FA0]  }
0x1a: {  	s8 =	sadd.s32 $0xFFFFE003, lr  }
0x1b: {  	s9 =	sadd.s32 $0xFFFFFEF7, lr;
	s5 =	simm.s32 $0xFFFFFFFF;
	p2 =	slt.u32 s8, $0xFFFFF086  }
0x1c: {  	p1 =	slt.u32 s9, $0xF7A;
	s5 =	simm.s32 @!p2 $0x0  }
0x1d: {  	s5 =	simm.s32 @p1 $0x1;
	p0 =	seq.s32 s7, s2  }
0x1e: {  	s7 =	smul.u32 @!p0 $0xF7A, s2;
	p2 =	seq.s32 @!p0 s5, $0x0  }
0x1f: {  	s9 =	smul.u32 $0xF7A, s1;
	s8 =	simm.s32 @!p0 $0x1BF5;
	p2 =	por !p2, p0  }
0x20: {  	[sflag:s8] =	ssyncset.s32 @!p0 $0xFFFFF086;
	s6 =	sadd.s32 @!p0 s3, s7;
	s7 =	simm.s32 @!p0 $0x108  }
0x21: {  	s3 =	sadd.s32 s3, s9;
	s6 =	sadd.s32 @!p0 $0x88, s6;
	s7 =	simm.s32 @p2 $0x1082  }
0x22: {  	[simem:s7], [sflag:s8] =	dma.local @!p0 [hbm:s6], $0xF7A  }
0x23: {  	s9 =	sor.u32 $0xD0000000, s2;
	s6 =	simm.s32 $0x108;
	_ =	swait.ge @!p0 [sflag:s8], $0x0  }
0x24: {  	s3 =	sadd.s32 $0x88, s3;
	s6 =	simm.s32 @!p1 $0x1082;
	[sflag:s4] =	ssyncset.s32 $0xFFFFF086  }
0x25: {  	[simem:s6], [sflag:s4] =	dma.local [hbm:s3], $0xF7A  }
0x26: {  	[smem:$0x3FA0] =	sst s1;
	(tag) =	ssettag s2;
	_ =	strace s9  }
0x27: {  	s1 =	sld [smem:$0x3FB0]  }
0x28: {  	s2 =	sld [smem:$0x3FB1]  }
0x29: {  	s4 =	sld [smem:$0x3FB3]  }
0x2a: {  	p0 =	seq.s32 s5, $0x0;
	s5 =	sld [smem:$0x3FB4]  }
0x2b: {  	s6 =	sld [smem:$0x3FB5]  }
0x2c: {  	s7 =	sld [smem:$0x3FB6]  }
0x2d: {  	s3 =	simm.s32 $0x108;
	s8 =	sld [smem:$0x3FB7]  }
0x2e: {  	s3 =	simm.s32 @!p0 $0x1082;
	s9 =	sld [smem:$0x3FB8]  }
0x2f: {  	lr =	sadd.s32 s0, s3;
	s0 =	sld [smem:$0x3FAF]  }
0x30: {  	s3 =	sld [smem:$0x3FB2]  }
0x31: {  	[smem:$0x3FBB] =	sst s10  }
0x32: {  	s10 =	sld [smem:$0x3FB9];
	_ =	sdelay $0x3  }
0x33: {  	p0 =	seq.s32 s10, $0x1;
	s10 =	sld [smem:$0x3FBB];
	_ =	sdelay $0x3  }
0x34: {  	[smem:$0x3FBB] =	sst s10  }
0x35: {  	s10 =	sld [smem:$0x3FBA];
	_ =	sdelay $0x3  }
0x36: {  	p1 =	seq.s32 s10, $0x1;
	s10 =	sld [smem:$0x3FBB];
	_ =	sdelay $0x3  }
0x37: {  	[smem:$0x3FBB] =	sst s10  }
0x38: {  	s10 =	sld [smem:$0x3FBC]  }
0x39: {  	_ = 	snop;
	(pc) =	sbr.ind lr, $3  }
0x3a: {  	_ = 	snop  }
0x3b: {  	_ = 	snop  }
0x3c: {  	p2 =	seq.s32 s10, $0x1;
	s10 =	sld [smem:$0x3FBB]  }
0x3d: {  	_ =	shalt  }
0x3e: {  	_ =	shalt  }
0x3f: {  	_ =	shalt  }
0x40: {  	_ =	shalt  }
0x41: {  	_ =	shalt  }
0x42: {  	_ =	shalt  }
0x43: {  	_ =	shalt  }
0x44: {  	_ =	shalt  }
0x45: {  	_ =	shalt  }
0x46: {  	_ =	shalt  }
0x47: {  	_ =	shalt  }
0x48: {  	_ =	shalt  }
0x49: {  	_ =	shalt  }
0x4a: {  	_ =	shalt  }
0x4b: {  	_ =	shalt  }
0x4c: {  	_ =	shalt  }
0x4d: {  	_ =	shalt  }
0x4e: {  	_ =	shalt  }
0x4f: {  	_ =	shalt  }
0x50: {  	_ =	shalt  }
0x51: {  	_ =	shalt  }
0x52: {  	_ =	shalt  }
0x53: {  	_ =	shalt  }
0x54: {  	_ =	shalt  }
0x55: {  	_ =	shalt  }
0x56: {  	_ =	shalt  }
0x57: {  	_ =	shalt  }
0x58: {  	_ =	shalt  }
0x59: {  	_ =	shalt  }
0x5a: {  	_ =	shalt  }
0x5b: {  	_ =	shalt  }
0x5c: {  	_ =	shalt  }
0x5d: {  	_ =	shalt  }
0x5e: {  	_ =	shalt  }
0x5f: {  	_ =	shalt  }
0x60: {  	_ =	shalt  }
0x61: {  	_ =	shalt  }
0x62: {  	_ =	shalt  }
0x63: {  	_ =	shalt  }
0x64: {  	_ =	shalt  }
0x65: {  	_ =	shalt  }
0x66: {  	_ =	shalt  }
0x67: {  	_ =	shalt  }
0x68: {  	_ =	shalt  }
0x69: {  	_ =	shalt  }
0x6a: {  	_ =	shalt  }
0x6b: {  	_ =	shalt  }
0x6c: {  	_ =	shalt  }
0x6d: {  	_ =	shalt  }
0x6e: {  	_ =	shalt  }
0x6f: {  	_ =	shalt  }
0x70: {  	_ =	shalt  }
0x71: {  	_ =	shalt  }
0x72: {  	_ =	shalt  }
0x73: {  	_ =	shalt  }
0x74: {  	_ =	shalt  }
0x75: {  	_ =	shalt  }
0x76: {  	_ =	shalt  }
0x77: {  	_ =	shalt  }
0x78: {  	_ =	shalt  }
0x79: {  	_ =	shalt  }
0x7a: {  	_ =	shalt  }
0x7b: {  	_ =	shalt  }
0x7c: {  	_ =	shalt  }
0x7d: {  	_ =	shalt  }
0x7e: {  	_ =	shalt  }
0x7f: {  	_ =	shalt  }
0x80: {  	_ =	shalt  }
0x81: {  	_ =	shalt  }
0x82: {  	_ =	shalt  }
0x83: {  	_ =	shalt  }
0x84: {  	_ =	shalt  }
0x85: {  	_ =	shalt  }
0x86: {  	_ =	shalt  }
0x87: {  	_ =	shalt  }
.Lfunc_end0:
.L_simem_size_0:
called_computation_lowered:
.L_overlay_start_0:
0x88: {  	s2 =	sld [smem:$0x3FD9]  }
0x89: {  	s3 =	sld [smem:$0x3FFE];
	_ =	sdelay $0x1  }
0x8a: {  	s1 =	srdreg.scid  }
0x8b: {  	s0 =	sand.u32 $0x1, s1  }
0x8c: {  	s18 =	sshll.u32 s0, $0xA;
	s2 =	sadd.s32 s3, s2  }
0x8d: {  	s2 =	sadd.s32 s2, s18  }
0x8e: {  	[smem:$0x3FC7] =	sst s2  }
0x8f: {  	_ = 	snop  }
0x90: {  	s2 =	sld [smem:$0x3FC9]  }
0x91: {  	s19 =	sld [smem:$0x3FD0];
	(tm) =	ssettm $0x1  }
0x92: {  	s4 =	sld [smem:$0x3FFB];
	_ =	sdelay $0x3  }
0x93: {  	_ =	strace s4  }
0x94: {  	s4 =	sld [smem:$0x3FFC];
	_ =	sdelay $0x3  }
0x95: {  	_ =	strace s4  }
0x96: {  	s4 =	sld [smem:$0x3FFD];
	_ =	sdelay $0x3  }
0x97: {  	_ =	strace s4  }
0x98: {  	_ =	strace $0x8FFFFFFF  }
0x99: {  	s20 =	sld [smem:$0x3FDB];
	_ =	sdelay $0x1  }
0x9a: {  	s5 =	simm.s32 $_scs_section_size  }
0x9b: {  	s6 =	simm.s32 $_size__tile_overlayer_lowered;
	s7 =	simm.s32 $_tile_overlayer_lowered  }
0x9c: {  	s23 =	simm.s32 $0x1BFF;
	s22 =	sshll.u32 s7, $0x1;
	s4 =	sadd.s32 s5, s20  }
0x9d: {  	s8 =	simm.s32 $0x0;
	s21 =	sshll.u32 s6, $0x1;
	s6 =	sadd.s32 s22, s4  }
0x9e: {  	[timem:s8], [sflag:s23] =	dma.local [hbm:s6], s21  }
0x9f: {  	_ =	swait.ge [sflag:s23], s21  }
0xa0: {  	s5 =	ssub.s32 $0x0, s21;
	[sflag:s23] =	ssyncset.done $0x0  }
0xa1: {  	[sflag:s23] =	ssyncadd.s32 s5;
	_ =	sdelay $0x1  }
0xa2: {  	s24 =	simm.s32 $0x1B8B  }
0xa3: {  	_ =	swait.ge [sflag:s24], $0x1  }
0xa4: {  	[sflag:s24] =	ssyncset.done $0x0  }
0xa5: {  	s25 =	simm.s32 $0x1B8E;
	[sflag:s24] =	ssyncadd.s32 $0xFFFFFFFF  }
0xa6: {  	s26 =	simm.s32 $execute0_lowered;
	[smem:$0x3FD2] =	sst s25  }
0xa7: {  	s5 =	sshll.u32 s26, $0x1;
	_ =	strace $0x80000046;
	[dreg:$0x1] =	wrdreg $0xFFFFFFFF  }
0xa8: {  	s28 =	simm.s32 $_size_execute0_lowered;
	s4 =	sadd.s32 s4, s5;
	[dreg:$0x0] =	wrdreg $0x0  }
0xa9: {  	s5 =	sshll.u32 s28, $0x1;
	[dreg:$0x2] =	wrdreg s4  }
0xaa: {  	[dreg:$0x3] =	wrdreg s5  }
0xab: {  	[dreg:$0x4] =	wrdreg $0xC0  }
0xac: {  	_ =	task [dreg:s8], $0x5FFFF  }
0xad: {  	[dreg:$0x1] =	wrdreg $0xFFFFFFFF  }
0xae: {  	[dreg:$0x0] =	wrdreg $0x60  }
0xaf: {  	[dreg:$0x2] =	wrdreg s2  }
0xb0: {  	[dreg:$0x3] =	wrdreg s19  }
0xb1: {  	[dreg:$0x4] =	wrdreg $0x9  }
0xb2: {  	_ =	task.clear_ibuf [dreg:s8], $0x5FFFF;
	_ =	strace $0x90000046  }
0xb3: {  	s29 =	simm.s32 $0x9;
	_ =	strace $0x80000048  }
0xb4: {  	_ =	swait.ge [sflag:s29], $0x1  }
0xb5: {  	[sflag:s29] =	ssyncadd.s32 $0xFFFFFFFF  }
0xb6: {  	_ =	strace $0x90000048  }
0xb7: {  	_ =	sfence  }
0xb8: {  	s30 =	sld [smem:$0x0];
	_ =	sdelay $0x2  }
0xb9: {  	s31 =	sshll.u32 s1, $0xD;
	s1 =	sshrl.u32 s1, $0x2  }
0xba: {  	s3 =	sand.u32 $0x4000, s31;
	s1 =	sadd.s32 s1, s30  }
0xbb: {  	s0 =	sor.u32 s3, s0;
	s1 =	sshll.u32 s1, $0x11  }
0xbc: {  	s0 =	sor.u32 s1, s0  }
0xbd: {  	s0 =	sadd.s32 $0x8F2B, s0  }
0xbe: {  	[sflag:s0] =	ssyncadd.remote.s32 $0x1  }
0xbf: {  	_ =	sfence.sel $0xFFFF  }
0xc0: {  	[dreg:$0x0] =	wrdreg $0xFFFFFFFF;
	(pc) =	sbr.abs _section_cstart, $3  }
0xc1: {  	[dreg:$0x1] =	wrdreg $0xFFFFFFFF  }
0xc2: {  	_ =	task.clear_ibuf [dreg:s8], $0x2FFFF;
	_ =	strace $0x9FFFFFFF  }
0xc3: {  	(tm) =	ssettm $0x7FFFFFFF  }
tec
execute0_lowered:
.L_overlay_start_1:
0x0: {  	(tag) =	ssettag $0x1  }
0x1: {  	v0 =	vimm.s32 $0x4380;
	vm13 =	vcmask $0x300;
	v1 =	vimm.s32 $0x43C0  }
0x2: {  	vm14 =	vcmask $0x704;
	vm12 =	vcmask $0xB08;
	vm11 =	vcmask $0xF0C  }
0x3: {  	vm10 =	vcmask $0x1310;
	vm9 =	vcmask $0x1714;
	vm8 =	vcmask $0x1B18  }
0x4: {  	vm7 =	vcmask $0x1F1C;
	vm6 =	vcmask $0x2320;
	vm5 =	vcmask $0x2724  }
0x5: {  	vm4 =	vcmask $0x2B28;
	vm3 =	vcmask $0x2F2C;
	vm2 =	vcmask $0x3330  }
0x6: {  	vm0 =	vcmask $0x3734;
	vm1 =	vcmask $0x3B38;
	v3 =	vimm.s32 $0x4B80  }
0x7: {  	v6 =	vimm.s32 $0x4FC0;
	v9 =	vimm.s32 $0x5780;
	v12 =	vimm.s32 $0x5BC0  }
0x8: {  	v15 =	vimm.s32 $0x6380;
	v18 =	vimm.s32 $0x67C0;
	v1 =	vsel vm13, $0x40, v1  }
0x9: {  	v21 =	vimm.s32 $0x6F80;
	v24 =	vimm.s32 $0x73C0;
	v1 =	vsel vm14, $0xC0, v1  }
0xa: {  	v27 =	vimm.s32 $0x7B80;
	v0 =	vsel vm13, $0x0, v0;
	v1 =	vsel vm12, $0x140, v1  }
0xb: {  	v30 =	vimm.s32 $0x7FC0;
	v0 =	vsel vm14, $0x80, v0;
	v1 =	vsel vm11, $0x1C0, v1  }
0xc: {  	v3 =	vsel vm13, $0x800, v3;
	v0 =	vsel vm12, $0x100, v0;
	v1 =	vsel vm10, $0x240, v1  }
0xd: {  	v6 =	vsel vm13, $0xC40, v6;
	v0 =	vsel vm11, $0x180, v0;
	v1 =	vsel vm9, $0x2C0, v1  }
0xe: {  	v9 =	vsel vm13, $0x1400, v9;
	v0 =	vsel vm10, $0x200, v0;
	v1 =	vsel vm8, $0x340, v1  }
0xf: {  	v12 =	vsel vm13, $0x1840, v12;
	v0 =	vsel vm9, $0x280, v0;
	v1 =	vsel vm7, $0x3C0, v1  }
0x10: {  	v15 =	vsel vm13, $0x2000, v15;
	v0 =	vsel vm8, $0x300, v0;
	v1 =	vsel vm6, $0x4040, v1  }
0x11: {  	v18 =	vsel vm13, $0x2440, v18;
	v0 =	vsel vm7, $0x380, v0;
	v1 =	vsel vm5, $0x40C0, v1  }
0x12: {  	v21 =	vsel vm13, $0x2C00, v21;
	v0 =	vsel vm6, $0x4000, v0;
	v1 =	vsel vm4, $0x4140, v1  }
0x13: {  	v24 =	vsel vm13, $0x3040, v24;
	v0 =	vsel vm5, $0x4080, v0;
	v1 =	vsel vm3, $0x41C0, v1  }
0x14: {  	v27 =	vsel vm13, $0x3800, v27;
	v0 =	vsel vm4, $0x4100, v0;
	v1 =	vsel vm2, $0x4240, v1  }
0x15: {  	v30 =	vsel vm13, $0x3C40, v30;
	v0 =	vsel vm3, $0x4180, v0;
	v1 =	vsel vm0, $0x42C0, v1  }
0x16: {  	v0 =	vsel vm2, $0x4200, v0;
	v7 =	vsel vm1, $0x4340, v1;
	v1 =	vimm.s32 $0x4780  }
0x17: {  	v3 =	vsel vm14, $0x880, v3;
	v2 =	vsel vm0, $0x4280, v0;
	v1 =	vsel vm13, $0x400, v1  }
0x18: {  	v4 =	vsel vm1, $0x4300, v2;
	v2 =	vimm.s32 $0x47C0;
	v1 =	vsel vm14, $0x480, v1  }
0x19: {  	v3 =	vsel vm12, $0x900, v3;
	v2 =	vsel vm13, $0x440, v2;
	v1 =	vsel vm12, $0x500, v1  }
0x1a: {  	v3 =	vsel vm11, $0x980, v3;
	v2 =	vsel vm14, $0x4C0, v2;
	v1 =	vsel vm11, $0x580, v1  }
0x1b: {  	v3 =	vsel vm10, $0xA00, v3;
	v2 =	vsel vm12, $0x540, v2;
	v1 =	vsel vm10, $0x600, v1  }
0x1c: {  	v3 =	vsel vm9, $0xA80, v3;
	v2 =	vsel vm11, $0x5C0, v2;
	v1 =	vsel vm9, $0x680, v1  }
0x1d: {  	v3 =	vsel vm8, $0xB00, v3;
	v2 =	vsel vm10, $0x640, v2;
	v1 =	vsel vm8, $0x700, v1  }
0x1e: {  	v3 =	vsel vm7, $0xB80, v3;
	v2 =	vsel vm9, $0x6C0, v2;
	v1 =	vsel vm7, $0x780, v1  }
0x1f: {  	v3 =	vsel vm6, $0x4800, v3;
	v2 =	vsel vm8, $0x740, v2;
	v1 =	vsel vm6, $0x4400, v1  }
0x20: {  	v3 =	vsel vm5, $0x4880, v3;
	v2 =	vsel vm7, $0x7C0, v2;
	v1 =	vsel vm5, $0x4480, v1  }
0x21: {  	v3 =	vsel vm4, $0x4900, v3;
	v2 =	vsel vm6, $0x4440, v2;
	v1 =	vsel vm4, $0x4500, v1  }
0x22: {  	v3 =	vsel vm3, $0x4980, v3;
	v2 =	vsel vm5, $0x44C0, v2;
	v1 =	vsel vm3, $0x4580, v1  }
0x23: {  	v3 =	vsel vm2, $0x4A00, v3;
	v2 =	vsel vm4, $0x4540, v2;
	v1 =	vsel vm2, $0x4600, v1  }
0x24: {  	v5 =	vsel vm0, $0x4A80, v3;
	v2 =	vsel vm3, $0x45C0, v2;
	v1 =	vsel vm0, $0x4680, v1  }
0x25: {  	v2 =	vsel vm2, $0x4640, v2;
	v3 =	vsel vm1, $0x4700, v1;
	v1 =	vsel vm1, $0x4B00, v5  }
0x26: {  	v6 =	vsel vm14, $0xCC0, v6;
	v2 =	vsel vm0, $0x46C0, v2;
	[tilespmem:$0x1FF50] =	vst v1;
	v1 =	vimm.s32 $0x4BC0  }
0x27: {  	v10 =	vsel vm1, $0x4740, v2;
	v2 =	vimm.s32 $0x4F80;
	v1 =	vsel vm13, $0x840, v1  }
0x28: {  	v9 =	vsel vm14, $0x1480, v9;
	v2 =	vsel vm13, $0xC00, v2;
	v1 =	vsel vm14, $0x8C0, v1  }
0x29: {  	v12 =	vsel vm14, $0x18C0, v12;
	v2 =	vsel vm14, $0xC80, v2;
	v1 =	vsel vm12, $0x940, v1  }
0x2a: {  	v15 =	vsel vm14, $0x2080, v15;
	v2 =	vsel vm12, $0xD00, v2;
	v1 =	vsel vm11, $0x9C0, v1  }
0x2b: {  	v18 =	vsel vm14, $0x24C0, v18;
	v2 =	vsel vm11, $0xD80, v2;
	v1 =	vsel vm10, $0xA40, v1  }
0x2c: {  	v21 =	vsel vm14, $0x2C80, v21;
	v2 =	vsel vm10, $0xE00, v2;
	v1 =	vsel vm9, $0xAC0, v1  }
0x2d: {  	v6 =	vsel vm12, $0xD40, v6;
	v2 =	vsel vm9, $0xE80, v2;
	v1 =	vsel vm8, $0xB40, v1  }
0x2e: {  	v9 =	vsel vm12, $0x1500, v9;
	v2 =	vsel vm8, $0xF00, v2;
	v1 =	vsel vm7, $0xBC0, v1  }
0x2f: {  	v6 =	vsel vm11, $0xDC0, v6;
	v2 =	vsel vm7, $0xF80, v2;
	v1 =	vsel vm6, $0x4840, v1  }
0x30: {  	v9 =	vsel vm11, $0x1580, v9;
	v2 =	vsel vm6, $0x4C00, v2;
	v1 =	vsel vm5, $0x48C0, v1  }
0x31: {  	v6 =	vsel vm10, $0xE40, v6;
	v2 =	vsel vm5, $0x4C80, v2;
	v1 =	vsel vm4, $0x4940, v1  }
0x32: {  	v9 =	vsel vm10, $0x1600, v9;
	v2 =	vsel vm4, $0x4D00, v2;
	v1 =	vsel vm3, $0x49C0, v1  }
0x33: {  	v6 =	vsel vm9, $0xEC0, v6;
	v2 =	vsel vm3, $0x4D80, v2;
	v1 =	vsel vm2, $0x4A40, v1  }
0x34: {  	v9 =	vsel vm9, $0x1680, v9;
	v2 =	vsel vm2, $0x4E00, v2;
	v1 =	vsel vm0, $0x4AC0, v1  }
0x35: {  	v6 =	vsel vm8, $0xF40, v6;
	v2 =	vsel vm0, $0x4E80, v2;
	v1 =	vsel vm1, $0x4B40, v1  }
0x36: {  	v9 =	vsel vm8, $0x1700, v9;
	[tilespmem:$0x1FF60] =	vst v1;
	v1 =	vsel vm1, $0x4F00, v2;
	v2 =	vimm.s32 $0x53C0  }
0x37: {  	v6 =	vsel vm7, $0xFC0, v6;
	[tilespmem:$0x1FF70] =	vst v1;
	v1 =	vimm.s32 $0x5380;
	v2 =	vsel vm13, $0x1040, v2  }
0x38: {  	v9 =	vsel vm7, $0x1780, v9;
	v1 =	vsel vm13, $0x1000, v1;
	v2 =	vsel vm14, $0x10C0, v2  }
0x39: {  	v6 =	vsel vm6, $0x4C40, v6;
	v1 =	vsel vm14, $0x1080, v1;
	v2 =	vsel vm12, $0x1140, v2  }
0x3a: {  	v9 =	vsel vm6, $0x5400, v9;
	v1 =	vsel vm12, $0x1100, v1;
	v2 =	vsel vm11, $0x11C0, v2  }
0x3b: {  	v6 =	vsel vm5, $0x4CC0, v6;
	v1 =	vsel vm11, $0x1180, v1;
	v2 =	vsel vm10, $0x1240, v2  }
0x3c: {  	v9 =	vsel vm5, $0x5480, v9;
	v1 =	vsel vm10, $0x1200, v1;
	v2 =	vsel vm9, $0x12C0, v2  }
0x3d: {  	v6 =	vsel vm4, $0x4D40, v6;
	v1 =	vsel vm9, $0x1280, v1;
	v2 =	vsel vm8, $0x1340, v2  }
0x3e: {  	v9 =	vsel vm4, $0x5500, v9;
	v1 =	vsel vm8, $0x1300, v1;
	v2 =	vsel vm7, $0x13C0, v2  }
0x3f: {  	v6 =	vsel vm3, $0x4DC0, v6;
	v1 =	vsel vm7, $0x1380, v1;
	v2 =	vsel vm6, $0x5040, v2  }
0x40: {  	v9 =	vsel vm3, $0x5580, v9;
	v1 =	vsel vm6, $0x5000, v1;
	v2 =	vsel vm5, $0x50C0, v2  }
0x41: {  	v6 =	vsel vm2, $0x4E40, v6;
	v1 =	vsel vm5, $0x5080, v1;
	v2 =	vsel vm4, $0x5140, v2  }
0x42: {  	v9 =	vsel vm2, $0x5600, v9;
	v1 =	vsel vm4, $0x5100, v1;
	v2 =	vsel vm3, $0x51C0, v2  }
0x43: {  	v8 =	vsel vm0, $0x4EC0, v6;
	v1 =	vsel vm3, $0x5180, v1;
	v2 =	vsel vm2, $0x5240, v2  }
0x44: {  	v11 =	vsel vm0, $0x5680, v9;
	v1 =	vsel vm2, $0x5200, v1;
	v2 =	vsel vm0, $0x52C0, v2  }
0x45: {  	v5 =	vsel vm1, $0x4F40, v8;
	v1 =	vsel vm0, $0x5280, v1;
	v9 =	vsel vm1, $0x5340, v2  }
0x46: {  	v2 =	vimm.s32 $0x5B80;
	v8 =	vsel vm1, $0x5300, v1;
	v1 =	vsel vm1, $0x5700, v11  }
0x47: {  	v24 =	vsel vm14, $0x30C0, v24;
	v2 =	vsel vm13, $0x1800, v2;
	[tilespmem:$0x1FF80] =	vst v1;
	v1 =	vimm.s32 $0x57C0  }
0x48: {  	v27 =	vsel vm14, $0x3880, v27;
	v2 =	vsel vm14, $0x1880, v2;
	v1 =	vsel vm13, $0x1440, v1  }
0x49: {  	v12 =	vsel vm12, $0x1940, v12;
	v2 =	vsel vm12, $0x1900, v2;
	v1 =	vsel vm14, $0x14C0, v1  }
0x4a: {  	v12 =	vsel vm11, $0x19C0, v12;
	v2 =	vsel vm11, $0x1980, v2;
	v1 =	vsel vm12, $0x1540, v1  }
0x4b: {  	v12 =	vsel vm10, $0x1A40, v12;
	v2 =	vsel vm10, $0x1A00, v2;
	v1 =	vsel vm11, $0x15C0, v1  }
0x4c: {  	v12 =	vsel vm9, $0x1AC0, v12;
	v2 =	vsel vm9, $0x1A80, v2;
	v1 =	vsel vm10, $0x1640, v1  }
0x4d: {  	v12 =	vsel vm8, $0x1B40, v12;
	v2 =	vsel vm8, $0x1B00, v2;
	v1 =	vsel vm9, $0x16C0, v1  }
0x4e: {  	v12 =	vsel vm7, $0x1BC0, v12;
	v2 =	vsel vm7, $0x1B80, v2;
	v1 =	vsel vm8, $0x1740, v1  }
0x4f: {  	v12 =	vsel vm6, $0x5840, v12;
	v2 =	vsel vm6, $0x5800, v2;
	v1 =	vsel vm7, $0x17C0, v1  }
0x50: {  	v12 =	vsel vm5, $0x58C0, v12;
	v2 =	vsel vm5, $0x5880, v2;
	v1 =	vsel vm6, $0x5440, v1  }
0x51: {  	v12 =	vsel vm4, $0x5940, v12;
	v2 =	vsel vm4, $0x5900, v2;
	v1 =	vsel vm5, $0x54C0, v1  }
0x52: {  	v12 =	vsel vm3, $0x59C0, v12;
	v2 =	vsel vm3, $0x5980, v2;
	v1 =	vsel vm4, $0x5540, v1  }
0x53: {  	v12 =	vsel vm2, $0x5A40, v12;
	v2 =	vsel vm2, $0x5A00, v2;
	v1 =	vsel vm3, $0x55C0, v1  }
0x54: {  	v14 =	vsel vm0, $0x5AC0, v12;
	v2 =	vsel vm0, $0x5A80, v2;
	v1 =	vsel vm2, $0x5640, v1  }
0x55: {  	v13 =	vsel vm1, $0x5B00, v2;
	v2 =	vimm.s32 $0x5FC0;
	v1 =	vsel vm0, $0x56C0, v1  }
0x56: {  	v2 =	vsel vm13, $0x1C40, v2;
	v12 =	vsel vm1, $0x5740, v1;
	v1 =	vimm.s32 $0x5F80  }
0x57: {  	v30 =	vsel vm14, $0x3CC0, v30;
	v2 =	vsel vm14, $0x1CC0, v2;
	v1 =	vsel vm13, $0x1C00, v1  }
0x58: {  	v15 =	vsel vm12, $0x2100, v15;
	v2 =	vsel vm12, $0x1D40, v2;
	v1 =	vsel vm14, $0x1C80, v1  }
0x59: {  	v15 =	vsel vm11, $0x2180, v15;
	v2 =	vsel vm11, $0x1DC0, v2;
	v1 =	vsel vm12, $0x1D00, v1  }
0x5a: {  	v15 =	vsel vm10, $0x2200, v15;
	v2 =	vsel vm10, $0x1E40, v2;
	v1 =	vsel vm11, $0x1D80, v1  }
0x5b: {  	v15 =	vsel vm9, $0x2280, v15;
	v2 =	vsel vm9, $0x1EC0, v2;
	v1 =	vsel vm10, $0x1E00, v1  }
0x5c: {  	v15 =	vsel vm8, $0x2300, v15;
	v2 =	vsel vm8, $0x1F40, v2;
	v1 =	vsel vm9, $0x1E80, v1  }
0x5d: {  	v15 =	vsel vm7, $0x2380, v15;
	v2 =	vsel vm7, $0x1FC0, v2;
	v1 =	vsel vm8, $0x1F00, v1  }
0x5e: {  	v15 =	vsel vm6, $0x6000, v15;
	v2 =	vsel vm6, $0x5C40, v2;
	v1 =	vsel vm7, $0x1F80, v1  }
0x5f: {  	v15 =	vsel vm5, $0x6080, v15;
	v2 =	vsel vm5, $0x5CC0, v2;
	v1 =	vsel vm6, $0x5C00, v1  }
0x60: {  	v15 =	vsel vm4, $0x6100, v15;
	v2 =	vsel vm4, $0x5D40, v2;
	v1 =	vsel vm5, $0x5C80, v1  }
0x61: {  	v15 =	vsel vm3, $0x6180, v15;
	v2 =	vsel vm3, $0x5DC0, v2;
	v1 =	vsel vm4, $0x5D00, v1  }
0x62: {  	v15 =	vsel vm2, $0x6200, v15;
	v2 =	vsel vm2, $0x5E40, v2;
	v1 =	vsel vm3, $0x5D80, v1  }
0x63: {  	v17 =	vsel vm0, $0x6280, v15;
	v2 =	vsel vm0, $0x5EC0, v2;
	v1 =	vsel vm2, $0x5E00, v1  }
0x64: {  	v16 =	vsel vm1, $0x5F40, v2;
	v2 =	vimm.s32 $0x6780;
	v1 =	vsel vm0, $0x5E80, v1  }
0x65: {  	v2 =	vsel vm13, $0x2400, v2;
	v15 =	vsel vm1, $0x5F00, v1;
	v1 =	vimm.s32 $0x63C0  }
0x66: {  	v18 =	vsel vm12, $0x2540, v18;
	v2 =	vsel vm14, $0x2480, v2;
	v1 =	vsel vm13, $0x2040, v1  }
0x67: {  	v21 =	vsel vm12, $0x2D00, v21;
	v2 =	vsel vm12, $0x2500, v2;
	v1 =	vsel vm14, $0x20C0, v1  }
0x68: {  	v18 =	vsel vm11, $0x25C0, v18;
	v2 =	vsel vm11, $0x2580, v2;
	v1 =	vsel vm12, $0x2140, v1  }
0x69: {  	v18 =	vsel vm10, $0x2640, v18;
	v2 =	vsel vm10, $0x2600, v2;
	v1 =	vsel vm11, $0x21C0, v1  }
0x6a: {  	v18 =	vsel vm9, $0x26C0, v18;
	v2 =	vsel vm9, $0x2680, v2;
	v1 =	vsel vm10, $0x2240, v1  }
0x6b: {  	v18 =	vsel vm8, $0x2740, v18;
	v2 =	vsel vm8, $0x2700, v2;
	v1 =	vsel vm9, $0x22C0, v1  }
0x6c: {  	v18 =	vsel vm7, $0x27C0, v18;
	v2 =	vsel vm7, $0x2780, v2;
	v1 =	vsel vm8, $0x2340, v1  }
0x6d: {  	v18 =	vsel vm6, $0x6440, v18;
	v2 =	vsel vm6, $0x6400, v2;
	v1 =	vsel vm7, $0x23C0, v1  }
0x6e: {  	v18 =	vsel vm5, $0x64C0, v18;
	v2 =	vsel vm5, $0x6480, v2;
	v1 =	vsel vm6, $0x6040, v1  }
0x6f: {  	v18 =	vsel vm4, $0x6540, v18;
	v2 =	vsel vm4, $0x6500, v2;
	v1 =	vsel vm5, $0x60C0, v1  }
0x70: {  	v18 =	vsel vm3, $0x65C0, v18;
	v2 =	vsel vm3, $0x6580, v2;
	v1 =	vsel vm4, $0x6140, v1  }
0x71: {  	v18 =	vsel vm2, $0x6640, v18;
	v2 =	vsel vm2, $0x6600, v2;
	v1 =	vsel vm3, $0x61C0, v1  }
0x72: {  	v20 =	vsel vm0, $0x66C0, v18;
	v2 =	vsel vm0, $0x6680, v2;
	v1 =	vsel vm2, $0x6240, v1  }
0x73: {  	v19 =	vsel vm1, $0x6700, v2;
	v2 =	vimm.s32 $0x6BC0;
	v1 =	vsel vm0, $0x62C0, v1  }
0x74: {  	v2 =	vsel vm13, $0x2840, v2;
	v18 =	vsel vm1, $0x6340, v1;
	v1 =	vimm.s32 $0x6B80  }
0x75: {  	v24 =	vsel vm12, $0x3140, v24;
	v2 =	vsel vm14, $0x28C0, v2;
	v1 =	vsel vm13, $0x2800, v1  }
0x76: {  	v27 =	vsel vm12, $0x3900, v27;
	v2 =	vsel vm12, $0x2940, v2;
	v1 =	vsel vm14, $0x2880, v1  }
0x77: {  	v21 =	vsel vm11, $0x2D80, v21;
	v2 =	vsel vm11, $0x29C0, v2;
	v1 =	vsel vm12, $0x2900, v1  }
0x78: {  	v21 =	vsel vm10, $0x2E00, v21;
	v2 =	vsel vm10, $0x2A40, v2;
	v1 =	vsel vm11, $0x2980, v1  }
0x79: {  	v21 =	vsel vm9, $0x2E80, v21;
	v2 =	vsel vm9, $0x2AC0, v2;
	v1 =	vsel vm10, $0x2A00, v1  }
0x7a: {  	v21 =	vsel vm8, $0x2F00, v21;
	v2 =	vsel vm8, $0x2B40, v2;
	v1 =	vsel vm9, $0x2A80, v1  }
0x7b: {  	v21 =	vsel vm7, $0x2F80, v21;
	v2 =	vsel vm7, $0x2BC0, v2;
	v1 =	vsel vm8, $0x2B00, v1  }
0x7c: {  	v21 =	vsel vm6, $0x6C00, v21;
	v2 =	vsel vm6, $0x6840, v2;
	v1 =	vsel vm7, $0x2B80, v1  }
0x7d: {  	v21 =	vsel vm5, $0x6C80, v21;
	v2 =	vsel vm5, $0x68C0, v2;
	v1 =	vsel vm6, $0x6800, v1  }
0x7e: {  	v21 =	vsel vm4, $0x6D00, v21;
	v2 =	vsel vm4, $0x6940, v2;
	v1 =	vsel vm5, $0x6880, v1  }
0x7f: {  	v21 =	vsel vm3, $0x6D80, v21;
	v2 =	vsel vm3, $0x69C0, v2;
	v1 =	vsel vm4, $0x6900, v1  }
0x80: {  	v21 =	vsel vm2, $0x6E00, v21;
	v2 =	vsel vm2, $0x6A40, v2;
	v1 =	vsel vm3, $0x6980, v1  }
0x81: {  	v23 =	vsel vm0, $0x6E80, v21;
	v2 =	vsel vm0, $0x6AC0, v2;
	v1 =	vsel vm2, $0x6A00, v1  }
0x82: {  	v22 =	vsel vm1, $0x6B40, v2;
	v2 =	vimm.s32 $0x7380;
	v1 =	vsel vm0, $0x6A80, v1  }
0x83: {  	v2 =	vsel vm13, $0x3000, v2;
	v21 =	vsel vm1, $0x6B00, v1;
	v1 =	vimm.s32 $0x6FC0  }
0x84: {  	v30 =	vsel vm12, $0x3D40, v30;
	v2 =	vsel vm14, $0x3080, v2;
	v1 =	vsel vm13, $0x2C40, v1  }
0x85: {  	v24 =	vsel vm11, $0x31C0, v24;
	v2 =	vsel vm12, $0x3100, v2;
	v1 =	vsel vm14, $0x2CC0, v1  }
0x86: {  	v27 =	vsel vm11, $0x3980, v27;
	v2 =	vsel vm11, $0x3180, v2;
	v1 =	vsel vm12, $0x2D40, v1  }
0x87: {  	v24 =	vsel vm10, $0x3240, v24;
	v2 =	vsel vm10, $0x3200, v2;
	v1 =	vsel vm11, $0x2DC0, v1  }
0x88: {  	v24 =	vsel vm9, $0x32C0, v24;
	v2 =	vsel vm9, $0x3280, v2;
	v1 =	vsel vm10, $0x2E40, v1  }
0x89: {  	v24 =	vsel vm8, $0x3340, v24;
	v2 =	vsel vm8, $0x3300, v2;
	v1 =	vsel vm9, $0x2EC0, v1  }
0x8a: {  	v24 =	vsel vm7, $0x33C0, v24;
	v2 =	vsel vm7, $0x3380, v2;
	v1 =	vsel vm8, $0x2F40, v1  }
0x8b: {  	v24 =	vsel vm6, $0x7040, v24;
	v2 =	vsel vm6, $0x7000, v2;
	v1 =	vsel vm7, $0x2FC0, v1  }
0x8c: {  	v24 =	vsel vm5, $0x70C0, v24;
	v2 =	vsel vm5, $0x7080, v2;
	v1 =	vsel vm6, $0x6C40, v1  }
0x8d: {  	v24 =	vsel vm4, $0x7140, v24;
	v2 =	vsel vm4, $0x7100, v2;
	v1 =	vsel vm5, $0x6CC0, v1  }
0x8e: {  	v24 =	vsel vm3, $0x71C0, v24;
	v2 =	vsel vm3, $0x7180, v2;
	v1 =	vsel vm4, $0x6D40, v1  }
0x8f: {  	v24 =	vsel vm2, $0x7240, v24;
	v2 =	vsel vm2, $0x7200, v2;
	v1 =	vsel vm3, $0x6DC0, v1  }
0x90: {  	v26 =	vsel vm0, $0x72C0, v24;
	v2 =	vsel vm0, $0x7280, v2;
	v1 =	vsel vm2, $0x6E40, v1  }
0x91: {  	v25 =	vsel vm1, $0x7300, v2;
	v2 =	vimm.s32 $0x77C0;
	v1 =	vsel vm0, $0x6EC0, v1  }
0x92: {  	v2 =	vsel vm13, $0x3440, v2;
	v24 =	vsel vm1, $0x6F40, v1;
	v1 =	vimm.s32 $0x7780  }
0x93: {  	v30 =	vsel vm11, $0x3DC0, v30;
	v2 =	vsel vm14, $0x34C0, v2;
	v1 =	vsel vm13, $0x3400, v1  }
0x94: {  	v27 =	vsel vm10, $0x3A00, v27;
	v2 =	vsel vm12, $0x3540, v2;
	v1 =	vsel vm14, $0x3480, v1  }
0x95: {  	v30 =	vsel vm10, $0x3E40, v30;
	v2 =	vsel vm11, $0x35C0, v2;
	v1 =	vsel vm12, $0x3500, v1  }
0x96: {  	v27 =	vsel vm9, $0x3A80, v27;
	v2 =	vsel vm10, $0x3640, v2;
	v1 =	vsel vm11, $0x3580, v1  }
0x97: {  	v30 =	vsel vm9, $0x3EC0, v30;
	v2 =	vsel vm9, $0x36C0, v2;
	v1 =	vsel vm10, $0x3600, v1  }
0x98: {  	v27 =	vsel vm8, $0x3B00, v27;
	v2 =	vsel vm8, $0x3740, v2;
	v1 =	vsel vm9, $0x3680, v1  }
0x99: {  	v30 =	vsel vm8, $0x3F40, v30;
	v2 =	vsel vm7, $0x37C0, v2;
	v1 =	vsel vm8, $0x3700, v1  }
0x9a: {  	v27 =	vsel vm7, $0x3B80, v27;
	v2 =	vsel vm6, $0x7440, v2;
	v1 =	vsel vm7, $0x3780, v1  }
0x9b: {  	v27 =	vsel vm6, $0x7800, v27;
	v2 =	vsel vm5, $0x74C0, v2;
	v1 =	vsel vm6, $0x7400, v1  }
0x9c: {  	v27 =	vsel vm5, $0x7880, v27;
	v2 =	vsel vm4, $0x7540, v2;
	v1 =	vsel vm5, $0x7480, v1  }
0x9d: {  	v27 =	vsel vm4, $0x7900, v27;
	v2 =	vsel vm3, $0x75C0, v2;
	v1 =	vsel vm4, $0x7500, v1  }
0x9e: {  	v27 =	vsel vm3, $0x7980, v27;
	v2 =	vsel vm2, $0x7640, v2;
	v1 =	vsel vm3, $0x7580, v1  }
0x9f: {  	v27 =	vsel vm2, $0x7A00, v27;
	v2 =	vsel vm0, $0x76C0, v2;
	v1 =	vsel vm2, $0x7600, v1  }
0xa0: {  	v29 =	vsel vm0, $0x7A80, v27;
	v28 =	vsel vm1, $0x7740, v2;
	v1 =	vsel vm0, $0x7680, v1  }
0xa1: {  	v2 =	vimm.s32 $0x7F80;
	v27 =	vsel vm1, $0x7700, v1;
	v1 =	vimm.s32 $0x7BC0  }
0xa2: {  	v30 =	vsel vm7, $0x3FC0, v30;
	v2 =	vsel vm13, $0x3C00, v2;
	v1 =	vsel vm13, $0x3840, v1  }
0xa3: {  	v30 =	vsel vm6, $0x7C40, v30;
	v2 =	vsel vm14, $0x3C80, v2;
	v1 =	vsel vm14, $0x38C0, v1  }
0xa4: {  	s0 =	rddreg [dreg:$0x0];
	v30 =	vsel vm5, $0x7CC0, v30;
	v2 =	vsel vm12, $0x3D00, v2;
	v1 =	vsel vm12, $0x3940, v1  }
0xa5: {  	s7 =	rddreg [dreg:$0x1];
	v30 =	vsel vm4, $0x7D40, v30;
	v2 =	vsel vm11, $0x3D80, v2;
	v1 =	vsel vm11, $0x39C0, v1  }
0xa6: {  	s1 =	rddreg [dreg:$0x2];
	s2 =	stileid.u32;
	v30 =	vsel vm3, $0x7DC0, v30;
	v2 =	vsel vm10, $0x3E00, v2;
	v1 =	vsel vm10, $0x3A40, v1  }
0xa7: {  	s3 =	simm.s32 $0x0;
	s4 =	srdreg.scid;
	s12 =	simm.s32 $0x10000;
	v30 =	vsel vm2, $0x7E40, v30;
	v2 =	vsel vm9, $0x3E80, v2;
	v1 =	vsel vm9, $0x3AC0, v1  }
0xa8: {  	s13 =	simm.s32 $0x2;
	s14 =	simm.s32 $0x3;
	s15 =	simm.s32 $0x0;
	v0 =	vlaneseq.u32;
	v2 =	vsel vm8, $0x3F00, v2;
	v1 =	vsel vm8, $0x3B40, v1  }
0xa9: {  	s5 =	sshll.u32 s2, $0x1;
	[smem:$0x7FF] =	sst s3;
	s4 =	sand.u32 $0x1, s4;
	v32 =	vsel vm0, $0x7EC0, v30;
	v2 =	vsel vm7, $0x3F80, v2;
	v1 =	vsel vm7, $0x3BC0, v1  }
0xaa: {  	s8 =	sshrl.u32 s2, $0x1;
	s5 =	sand.u32 $0x2, s5;
	v14 =	vsel vm1, $0x5B40, v14;
	_ =	strace $0x80000047;
	[tilespmem:$0x1FF90] =	vst v4;
	v2 =	vsel vm6, $0x7C00, v2;
	v1 =	vsel vm6, $0x7840, v1  }
0xab: {  	s6 =	ssub.s32 $0x2, s4;
	s9 =	sor.u32 s4, s5;
	s4 =	sshll.u32 s8, $0x16;
	v17 =	vsel vm1, $0x6300, v17;
	[tilespmem:$0x1FFA0] =	vst v7;
	v2 =	vsel vm5, $0x7C80, v2;
	v1 =	vsel vm5, $0x78C0, v1  }
0xac: {  	s30 =	sshrl.u32 s6, $0x1;
	s8 =	sshll.u32 s8, $0xD;
	s10 =	sshll.u32 s9, $0x14;
	v20 =	vsel vm1, $0x6740, v20;
	[tilespmem:$0x1FFB0] =	vst v3;
	v2 =	vsel vm4, $0x7D00, v2;
	v1 =	vsel vm4, $0x7940, v1  }
0xad: {  	s11 =	ssub.s32 s6, s30;
	s5 =	sshll.u32 s9, $0x9;
	s9 =	sshll.u32 s9, $0xB;
	v23 =	vsel vm1, $0x6F00, v23;
	[tilespmem:$0x1FFC0] =	vst v10;
	v2 =	vsel vm3, $0x7D80, v2;
	v1 =	vsel vm3, $0x79C0, v1  }
0xae: {  	s8 =	sadd.s32 s7, s8;
	s31 =	sor.u32 s4, s10;
	s7 =	sor.u32 $0x20, s5;
	v26 =	vsel vm1, $0x7340, v26;
	[tilespmem:$0x1FFD0] =	vst v5;
	v2 =	vsel vm2, $0x7E00, v2;
	v1 =	vsel vm2, $0x7A40, v1  }
0xaf: {  	s8 =	sadd.s32 s9, s8;
	s9 =	smax.u32 s11, $0x1;
	s6 =	sshrl.u32 s31, $0x3;
	v29 =	vsel vm1, $0x7B00, v29;
	[tilespmem:$0x1FFE0] =	vst v8;
	v2 =	vsel vm0, $0x7E80, v2;
	v1 =	vsel vm0, $0x7AC0, v1  }
0xb0: {  	s10 =	simm.s32 $0x8000;
	s11 =	simm.s32 $0x1;
	s6 =	sadd.s32 s0, s6;
	v32 =	vsel vm1, $0x7F40, v32;
	[tilespmem:$0x1FFF0] =	vst v9;
	v31 =	vsel vm1, $0x7F00, v2;
	v30 =	vsel vm1, $0x7B40, v1  }
.LBB2_1:
0xb1: {  	[tilespmem:s3], [sflag:$0x1] =	stream.linear.gather [hbm4b:s6+s3], $0x8000, $0x38;
	[tilespmem:$0x14000] =	vst v63  }
0xb2: {  	s16 =	simm.s32 $0x0  }
.LBB2_2:
0xb3: {  	s18 =	sshll.u32 s16, $0x5  }
0xb4: {  	s17 =	sor.u32 $0x10, s18  }
0xb5: {  	s19 =	sadd.s32 s5, s17  }
0xb6: {  	s19 =	sshll.u32 s19, $0xB  }
0xb7: {  	s20 =	simm.s32 $0x0;
	s19 =	sadd.s32 s4, s19  }
0xb8: {  	s21 =	simm.s32 $0x1;
	v1 =	vxor.u32 s20, v0;
	s19 =	sshrl.u32 s19, $0x3  }
0xb9: {  	v33 =	vxor.u32 s21, v0;
	v2 =	vor.u32 v4, v1;
	s19 =	sadd.s32 s0, s19  }
0xba: {  	v34 =	vor.u32 v4, v33;
	[tilespmem:s10], [sflag:$0x2] =	stream.linear.gather [hbm4b:s19+s20], $0x8000, $0x38;
	[tilespmem:$0x14000] =	vst v63  }
0xbb: {  	v35 =	vor.u32 v7, v1;
	_ =	swait.ge [sflag:s11], $0x8000  }
0xbc: {  	v36 =	vor.u32 v10, v1;
	[sflag:s11] =	ssyncset.done $0x0  }
0xbd: {  	s30 =	simm.s32 $0x2;
	v37 =	vor.u32 v7, v33;
	[sflag:s11] =	ssyncadd.s32 $0xFFFF8000  }
0xbe: {  	v39 =	vimm.f32 $-Inf;
	v38 =	vxor.u32 s30, v0;
	v46 =	vor.u32 v10, v33;
	v2 =	vld.idx.msk [tilespmem:v2+s3+$0x0], $0xffff  }
0xbf: {  	s31 =	simm.s32 $0x3;
	v54 =	vimm.f32 $-Inf;
	v55 =	vor.u32 v3, v33;
	v33 =	vor.u32 v7, v38;
	v40 =	vld.idx.msk [tilespmem:v34+s3+$0x0], $0xffff  }
0xc0: {  	v49 =	vimm.f32 $-Inf;
	v50 =	vimm.f32 $-Inf;
	v62 =	vxor.u32 s31, v0;
	v41 =	vld.idx.msk [tilespmem:v35+s3+$0x0], $0xffff  }
0xc1: {  	v56 =	vimm.f32 $-Inf;
	v1 =	vor.u32 v3, v1;
	v51 =	vor.u32 v4, v62;
	v53 =	vld.idx.msk [tilespmem:v36+s3+$0x0], $0xffff  }
0xc2: {  	v58 =	vor.u32 v7, v62;
	v35 =	vor.u32 v3, v62;
	v34 =	vor.u32 v10, v62;
	v62 =	vld.idx.msk [tilespmem:v37+s3+$0x0], $0xffff  }
0xc3: {  	v45 =	vor.u32 v10, v38;
	v42 =	vor.u32 v4, v38;
	v43 =	vor.u32 v3, v38;
	v57 =	vld.idx.msk [tilespmem:v46+s3+$0x0], $0xffff  }
0xc4: {  	v38 =	vimm.f32 $-Inf;
	v46 =	vld.idx.msk [tilespmem:v33+s3+$0x0], $0xffff;
	v33 =	vimm.f32 $-Inf;
	v37 =	vimm.f32 $-Inf  }
0xc5: {  	v63 =	vmin.f32 v39, v2;
	v47 =	vmax.f32 v39, v2;
	v61 =	vmax.f32 v39, v41  }
0xc6: {  	v2 =	vmin.f32 v39, v63;
	v36 =	vmax.f32 v39, v63;
	v5 =	vmin.f32 v47, v40  }
0xc7: {  	v11 =	vmovc v10;
	v63 =	vmin.f32 v39, v53;
	v44 =	vmin.f32 v39, v2;
	v60 =	vmax.f32 v39, v2  }
0xc8: {  	v52 =	vld.idx.msk [tilespmem:v1+s3+$0x0], $0xffff;
	v2 =	vmin.f32 v39, v41;
	v41 =	vmax.f32 v36, v5;
	v1 =	vmin.f32 v36, v5  }
0xc9: {  	v8 =	vmovc v4;
	v9 =	vmovc v7;
	v36 =	vimm.f32 $-Inf;
	v59 =	vmax.f32 v39, v44;
	v48 =	vmin.f32 v39, v2  }
0xca: {  	s19 =	simm.s32 $0x4;
	v10 =	vmovc v3;
	v44 =	vmax.f32 v39, v2;
	v2 =	vmin.f32 v39, v48;
	v48 =	vmax.f32 v39, v48  }
.LBB2_3:
0xcb: {  	s21 =	sadd.s32 $0x1, s19  }
0xcc: {  	p0 =	slt.u32 s19, $0x3C;
	v2 =	vmax.f32 v39, v2;
	v3 =	vmax.f32 v54, v63;
	v39 =	vmin.f32 v60, v1;
	v4 =	vld.idx.msk [tilespmem:v42+s3+$0x0], $0xffff;
	s20 =	smov.u32 s19;
	s19 =	sadd.s32 $0x4, s19  }
0xcd: {  	v54 =	vmin.f32 v54, v63;
	v63 =	vmin.f32 v61, v62;
	v42 =	vxor.u32 s21, v0;
	v55 =	vld.idx.msk [tilespmem:v55+s3+$0x0], $0xffff  }
0xce: {  	v1 =	vmax.f32 v60, v1;
	v60 =	vmax.f32 v61, v62;
	v5 =	vmax.f32 v49, v54;
	v58 =	vld.idx.msk [tilespmem:v58+s3+$0x0], $0xffff  }
0xcf: {  	v61 =	vmin.f32 v50, v52;
	v53 =	vmax.f32 v56, v53;
	v56 =	vmax.f32 v59, v39  }
0xd0: {  	v39 =	vmax.f32 v50, v52;
	v59 =	vor.u32 v8, v42;
	v50 =	vmax.f32 v60, v46;
	v51 =	vld.idx.msk [tilespmem:v51+s3+$0x0], $0xffff  }
0xd1: {  	v49 =	vmin.f32 v49, v54;
	v52 =	vmax.f32 v44, v63;
	v46 =	vmin.f32 v60, v46  }
0xd2: {  	v54 =	vmax.f32 v53, v57;
	v60 =	vmin.f32 v52, v46;
	v46 =	vmax.f32 v52, v46;
	v45 =	vld.idx.msk [tilespmem:v45+s3+$0x0], $0xffff  }
0xd3: {  	v40 =	vmax.f32 v47, v40;
	v47 =	vmin.f32 v44, v63;
	v52 =	vmin.f32 v39, v55  }
0xd4: {  	v53 =	vmin.f32 v53, v57;
	v57 =	vmin.f32 v40, v4;
	v44 =	vmax.f32 v50, v58;
	v43 =	vld.idx.msk [tilespmem:v43+s3+$0x0], $0xffff  }
0xd5: {  	v62 =	vmax.f32 v38, v61;
	v63 =	vmin.f32 v48, v47;
	v4 =	vmax.f32 v40, v4  }
0xd6: {  	v2 =	vmax.f32 v2, v63;
	v50 =	vmin.f32 v50, v58;
	v40 =	vmin.f32 v4, v51  }
0xd7: {  	v38 =	vmin.f32 v38, v61;
	v58 =	vmin.f32 v46, v50;
	v46 =	vmax.f32 v46, v50  }
0xd8: {  	v47 =	vmax.f32 v48, v47;
	v48 =	vmax.f32 v62, v52;
	v50 =	vmin.f32 v54, v45  }
0xd9: {  	v39 =	vmax.f32 v39, v55;
	v55 =	vmin.f32 v47, v60;
	v47 =	vmax.f32 v47, v60  }
0xda: {  	v60 =	vmin.f32 v3, v53;
	v2 =	vmax.f32 v2, v55;
	v55 =	vmin.f32 v39, v43  }
0xdb: {  	v6 =	vmax.f32 v47, v58;
	v43 =	vmax.f32 v39, v43;
	v39 =	vmin.f32 v47, v58  }
0xdc: {  	v36 =	vmax.f32 v36, v49;
	v47 =	vmin.f32 v41, v57;
	v39 =	vmax.f32 v2, v39  }
0xdd: {  	v41 =	vmax.f32 v41, v57;
	v2 =	vmin.f32 v5, v60;
	v57 =	vmin.f32 v48, v55;
	v35 =	vld.idx.msk [tilespmem:v35+s3+$0x0], $0xffff  }
0xde: {  	v49 =	vmin.f32 v33, v38;
	v5 =	vmax.f32 v5, v60;
	v58 =	vmax.f32 v1, v47  }
0xdf: {  	v37 =	vmax.f32 v37, v49;
	v3 =	vmax.f32 v3, v53;
	v4 =	vmax.f32 v4, v51;
	v34 =	vld.idx.msk [tilespmem:v34+s3+$0x0], $0xffff  }
0xe0: {  	v49 =	vmax.f32 v3, v50;
	v51 =	vmin.f32 v41, v40;
	v41 =	vmax.f32 v41, v40  }
0xe1: {  	v33 =	vmax.f32 v33, v38;
	v3 =	vmin.f32 v3, v50;
	v40 =	vmin.f32 v58, v51  }
0xe2: {  	v45 =	vmax.f32 v54, v45;
	v50 =	vmin.f32 v62, v52;
	v2 =	vmax.f32 v36, v2  }
0xe3: {  	v36 =	vmax.f32 v48, v55;
	v48 =	vmin.f32 v5, v3;
	v38 =	vmin.f32 v43, v35  }
0xe4: {  	v3 =	vmax.f32 v5, v3;
	v5 =	vmin.f32 v36, v38;
	v38 =	vmax.f32 v36, v38  }
0xe5: {  	v2 =	vmax.f32 v2, v48;
	v48 =	vmax.f32 v58, v51;
	v36 =	vmin.f32 v45, v34  }
0xe6: {  	v51 =	vxor.u32 s20, v0;
	v52 =	vmin.f32 v49, v36;
	v54 =	vmax.f32 v49, v36  }
0xe7: {  	v1 =	vmin.f32 v1, v47;
	v53 =	vor.u32 v8, v51;
	v55 =	vor.u32 v9, v51  }
0xe8: {  	v47 =	vor.u32 v10, v51;
	v51 =	vor.u32 v11, v51;
	v36 =	vmin.f32 v3, v52  }
0xe9: {  	v1 =	vmax.f32 v56, v1;
	v49 =	vmin.f32 v33, v50;
	v33 =	vmax.f32 v33, v50  }
0xea: {  	v1 =	vmax.f32 v1, v40;
	v50 =	vmax.f32 v43, v35;
	v36 =	vmax.f32 v2, v36  }
0xeb: {  	v35 =	vmin.f32 v33, v57;
	v2 =	vmax.f32 v37, v49;
	v49 =	vmax.f32 v3, v52;
	v40 =	vld.idx.msk [tilespmem:v59+s3+$0x0], $0xffff  }
0xec: {  	v56 =	vmax.f32 v45, v34;
	v33 =	vmax.f32 v33, v57;
	v2 =	vmax.f32 v2, v35;
	v3 =	vld.idx.msk [tilespmem:v53+s3+$0x0], $0xffff  }
0xed: {  	s21 =	sadd.s32 $0x2, s20;
	v57 =	vor.u32 v9, v42;
	v34 =	vmin.f32 v33, v5;
	v33 =	vmax.f32 v33, v5;
	v52 =	vld.idx.msk [tilespmem:v47+s3+$0x0], $0xffff  }
0xee: {  	v35 =	vxor.u32 s21, v0;
	v37 =	vmax.f32 v2, v34;
	v59 =	vor.u32 v11, v42;
	v5 =	vld.idx.msk [tilespmem:v55+s3+$0x0], $0xffff  }
0xef: {  	s20 =	sadd.s32 $0x3, s20;
	v2 =	vor.u32 v9, v35;
	v45 =	vor.u32 v11, v35;
	v55 =	vor.u32 v10, v42;
	v53 =	vld.idx.msk [tilespmem:v51+s3+$0x0], $0xffff  }
0xf0: {  	v43 =	vor.u32 v10, v35;
	v34 =	vxor.u32 s20, v0;
	v42 =	vor.u32 v8, v35  }
0xf1: {  	v58 =	vor.u32 v9, v34;
	v35 =	vor.u32 v10, v34;
	v51 =	vor.u32 v8, v34  }
0xf2: {  	v34 =	vor.u32 v11, v34;
	v60 =	vmin.f32 v4, v3;
	v47 =	vmax.f32 v4, v3  }
.Ltmp0:
0xf3: {  	v3 =	vmin.f32 v41, v60;
	v4 =	vmax.f32 v41, v60;
	v7 =	vmin.f32 v47, v40;
	v62 =	vld.idx.msk [tilespmem:v57+s3+$0x0], $0xffff;
	(pc) =	sbr.rel @p0 .LBB2_3-.Ltmp0, $4  }
0xf4: {  	v41 =	vmin.f32 v48, v3;
	v60 =	vmax.f32 v48, v3;
	v3 =	vmin.f32 v44, v5;
	v57 =	vld.idx.msk [tilespmem:v59+s3+$0x0], $0xffff  }
0xf5: {  	v61 =	vmax.f32 v44, v5;
	v59 =	vmax.f32 v1, v41;
	v41 =	vmax.f32 v4, v7  }
0xf6: {  	v1 =	vmin.f32 v46, v3;
	v44 =	vmax.f32 v46, v3;
	v63 =	vmin.f32 v56, v53;
	v46 =	vld.idx.msk [tilespmem:v2+s3+$0x0], $0xffff  }
0xf7: {  	v48 =	vmax.f32 v6, v1;
	v2 =	vmin.f32 v6, v1;
	v1 =	vmin.f32 v4, v7  }
0xf8: {  	_ =	sdelay $0x1  }
0xf9: {  	v2 =	vmax.f32 v39, v2  }
0xfa: {  	v3 =	vmax.f32 v54, v63;
	v4 =	vmin.f32 v60, v1;
	v6 =	vmin.f32 v54, v63  }
0xfb: {  	v7 =	vmin.f32 v61, v62;
	v39 =	vld.idx.msk [tilespmem:v55+s3+$0x0], $0xffff;
	v1 =	vmax.f32 v60, v1;
	v60 =	vmax.f32 v61, v62  }
0xfc: {  	v55 =	vld.idx.msk [tilespmem:v58+s3+$0x0], $0xffff;
	v58 =	vmin.f32 v50, v52;
	v53 =	vmax.f32 v56, v53;
	v50 =	vmax.f32 v50, v52  }
0xfd: {  	v5 =	vld.idx.msk [tilespmem:v42+s3+$0x0], $0xffff;
	v40 =	vmax.f32 v47, v40;
	v8 =	vmul.u32 $0x20, v0;
	v42 =	vmax.f32 v49, v6  }
0xfe: {  	v4 =	vmax.f32 v59, v4;
	v6 =	vmin.f32 v49, v6;
	v61 =	vmax.f32 v44, v7  }
0xff: {  	v54 =	vmax.f32 v53, v57;
	v7 =	vmin.f32 v44, v7;
	v47 =	vmin.f32 v53, v57  }
0x100: {  	v57 =	vmax.f32 v38, v58;
	v38 =	vmin.f32 v38, v58;
	v62 =	vmin.f32 v60, v46  }
0x101: {  	v6 =	vmax.f32 v36, v6;
	v52 =	vmax.f32 v60, v46;
	v63 =	vmin.f32 v61, v62  }
0x102: {  	v51 =	vld.idx.msk [tilespmem:v51+s3+$0x0], $0xffff;
	v46 =	vmax.f32 v61, v62;
	v61 =	vmin.f32 v48, v7;
	v7 =	vmax.f32 v48, v7  }
0x103: {  	v45 =	vld.idx.msk [tilespmem:v45+s3+$0x0], $0xffff;
	v44 =	vmin.f32 v50, v39;
	v60 =	vmin.f32 v40, v5;
	v53 =	vmax.f32 v52, v55  }
0x104: {  	v43 =	vld.idx.msk [tilespmem:v43+s3+$0x0], $0xffff;
	v5 =	vmax.f32 v40, v5;
	v2 =	vmax.f32 v2, v61;
	v52 =	vmin.f32 v52, v55  }
0x105: {  	v39 =	vmax.f32 v50, v39;
	v62 =	vmin.f32 v7, v63;
	v7 =	vmax.f32 v7, v63  }
0x106: {  	v63 =	vmin.f32 v3, v47;
	v61 =	vmin.f32 v33, v38;
	v3 =	vmax.f32 v3, v47  }
0x107: {  	v33 =	vmax.f32 v33, v38;
	v40 =	vmin.f32 v5, v51;
	v55 =	vmin.f32 v46, v52  }
0x108: {  	v46 =	vmax.f32 v46, v52;
	v48 =	vmax.f32 v57, v44;
	v52 =	vmin.f32 v54, v45  }
0x109: {  	v2 =	vmax.f32 v2, v62;
	v50 =	vmin.f32 v39, v43;
	v39 =	vmax.f32 v39, v43  }
0x10a: {  	v36 =	vmin.f32 v41, v60;
	v43 =	vmin.f32 v42, v63;
	v60 =	vmax.f32 v41, v60  }
0x10b: {  	v35 =	vld.idx.msk [tilespmem:v35+s3+$0x0], $0xffff;
	v42 =	vmax.f32 v42, v63;
	v37 =	vmax.f32 v37, v61;
	v5 =	vmax.f32 v5, v51  }
0x10c: {  	v41 =	vmin.f32 v57, v44;
	v59 =	vmin.f32 v7, v55;
	v7 =	vmax.f32 v7, v55  }
0x10d: {  	v49 =	vmin.f32 v48, v50;
	v62 =	vmax.f32 v1, v36;
	v47 =	vmax.f32 v3, v52  }
0x10e: {  	v34 =	vld.idx.msk [tilespmem:v34+s3+$0x0], $0xffff;
	v63 =	vmin.f32 v60, v40;
	v40 =	vmax.f32 v60, v40;
	v3 =	vmin.f32 v3, v52  }
0x10f: {  	v6 =	vmax.f32 v6, v43;
	v52 =	vmax.f32 v54, v45;
	v54 =	vmax.f32 v48, v50  }
0x110: {  	v57 =	vmin.f32 v39, v35;
	v1 =	vmin.f32 v1, v36;
	v56 =	vmax.f32 v5, v53  }
0x111: {  	v43 =	vmov s18;
	v2 =	vmax.f32 v2, v59;
	v38 =	vmin.f32 v62, v63  }
0x112: {  	v55 =	vmin.f32 v42, v3;
	v3 =	vmax.f32 v42, v3;
	v58 =	vmin.f32 v54, v57  }
0x113: {  	v44 =	vmax.f32 v54, v57;
	v59 =	vmax.f32 v62, v63;
	v60 =	vmin.f32 v52, v34  }
0x114: {  	v63 =	vmin.f32 v33, v41;
	v1 =	vmax.f32 v4, v1;
	v41 =	vmax.f32 v33, v41  }
0x115: {  	v33 =	vmax.f32 v39, v35;
	v34 =	vmax.f32 v52, v34;
	v54 =	vmax.f32 v40, v46  }
0x116: {  	v6 =	vmax.f32 v6, v55;
	v61 =	vmin.f32 v47, v60;
	v47 =	vmax.f32 v47, v60  }
0x117: {  	v1 =	vmax.f32 v1, v38;
	v48 =	vmax.f32 v37, v63;
	v51 =	vmin.f32 v41, v49  }
0x118: {  	v4 =	vmax.f32 v41, v49;
	v55 =	vmin.f32 v5, v53;
	v57 =	vmax.f32 v59, v7  }
0x119: {  	v7 =	vmin.f32 v5, v7;
	v5 =	vmin.f32 v5, v46;
	v59 =	vmin.f32 v59, v53  }
0x11a: {  	v60 =	vmin.f32 v33, v34;
	v62 =	vmin.f32 v3, v61;
	v3 =	vmax.f32 v3, v61  }
0x11b: {  	v35 =	vmax.f32 v48, v51;
	v52 =	vmin.f32 v4, v58;
	v4 =	vmax.f32 v4, v58  }
0x11c: {  	s19 =	simm.s32 $0x0;
	v36 =	vmax.f32 v54, v55;
	v58 =	vmin.f32 v40, v53;
	v40 =	vmin.f32 v40, v46  }
0x11d: {  	v1 =	vmax.f32 v1, v2;
	v63 =	vmin.f32 v44, v47;
	v51 =	vxor.u32 s19, v0  }
0x11e: {  	v6 =	vmax.f32 v6, v62;
	v35 =	vmax.f32 v35, v52;
	v7 =	vmax.f32 v40, v7  }
0x11f: {  	v5 =	vmax.f32 v58, v5;
	v61 =	vmax.f32 v4, v3;
	v62 =	vmin.f32 v44, v34  }
0x120: {  	v3 =	vmin.f32 v33, v3;
	v4 =	vmin.f32 v4, v34;
	v2 =	vmax.f32 v59, v7  }
0x121: {  	v1 =	vmax.f32 v1, v2;
	v2 =	vmax.f32 v33, v34;
	v33 =	vmin.f32 v33, v47  }
0x122: {  	v7 =	vmax.f32 v44, v47;
	v3 =	vmax.f32 v63, v3;
	v33 =	vmax.f32 v62, v33  }
0x123: {  	v42 =	vmax.f32 v7, v60;
	v7 =	vmax.f32 v61, v33;
	v33 =	vshll.u32 v43, $0x5  }
0x124: {  	s29 =	simm.s32 $0x1;
	v6 =	vmax.f32 v35, v6;
	v3 =	vmax.f32 v4, v3;
	v9 =	vor.u32 v8, v33  }
0x125: {  	[tilespmem:$0x1FF30] =	vst v8;
	v53 =	vxor.u32 s29, v0;
	v5 =	vmax.f32 v57, v5;
	v3 =	vmax.f32 v6, v3;
	v8 =	vld [tilespmem:$0x1FF50]  }
0x126: {  	v6 =	vmax.f32 v56, v2;
	v44 =	vmax.f32 v36, v42;
	v45 =	vmin.f32 v56, v2  }
0x127: {  	v46 =	vmin.f32 v36, v2;
	v47 =	vmin.f32 v56, v42;
	v49 =	vor.u32 $0x1, v9  }
0x128: {  	v10 =	vld [tilespmem:$0x1FF70];
	v4 =	vmin.f32 v36, v42;
	v2 =	vmin.f32 v5, v2;
	v50 =	vor.u32 $0x2, v9;
	[tilespmem:$0x1FF40] =	vst v9  }
0x129: {  	v37 =	vmax.f32 v46, v47;
	v1 =	vmax.f32 v1, v3;
	v3 =	vor.u32 $0x3, v9;
	[tilespmem:v9+s12+$0x0] =	vst.idx.msk $0xffff, v6;
	v9 =	vld [tilespmem:$0x1FF60]  }
0x12a: {  	v11 =	vld [tilespmem:$0x1FFD0];
	v48 =	vmax.f32 v5, v7;
	v7 =	vmin.f32 v56, v7;
	v52 =	vor.u32 v8, v51  }
0x12b: {  	v34 =	vmax.f32 v44, v45;
	v33 =	vmax.f32 v48, v37;
	v4 =	vmax.f32 v4, v7  }
0x12c: {  	s30 =	simm.s32 $0x2;
	v41 =	vimm.f32 $-Inf;
	v2 =	vmax.f32 v2, v4;
	v54 =	vor.u32 v8, v53;
	[tilespmem:v49+s12+$0x0] =	vst.idx.msk $0xffff, v34  }
0x12d: {  	v38 =	vimm.f32 $-Inf;
	v55 =	vxor.u32 s30, v0;
	v1 =	vmax.f32 v1, v2;
	[tilespmem:v50+s12+$0x0] =	vst.idx.msk $0xffff, v33  }
0x12e: {  	s31 =	simm.s32 $0x3;
	v40 =	vimm.f32 $-Inf;
	v57 =	vor.u32 v10, v53;
	[tilespmem:v3+s12+$0x0] =	vst.idx.msk $0xffff, v1;
	v2 =	vor.u32 v9, v51  }
0x12f: {  	v59 =	vxor.u32 s31, v0;
	v35 =	vimm.f32 $-Inf;
	v1 =	vor.u32 v11, v51;
	v3 =	vld.idx.msk [tilespmem:v52+s3+$0x0], $0xffff  }
0x130: {  	v36 =	vor.u32 v11, v59;
	v47 =	vor.u32 v11, v55;
	v45 =	vor.u32 v10, v55  }
0x131: {  	v56 =	vimm.f32 $-Inf;
	v37 =	vor.u32 v10, v59;
	v4 =	vor.u32 v11, v53;
	v42 =	vld.idx.msk [tilespmem:v54+s3+$0x0], $0xffff  }
0x132: {  	v6 =	vor.u32 v10, v51;
	v44 =	vor.u32 v8, v55;
	v7 =	vor.u32 v9, v53  }
0x133: {  	v5 =	vor.u32 v9, v55;
	v53 =	vor.u32 v8, v59;
	v60 =	vor.u32 v9, v59;
	v2 =	vld.idx.msk [tilespmem:v2+s3+$0x0], $0xffff  }
0x134: {  	v51 =	vimm.f32 $-Inf;
	v52 =	vimm.f32 $-Inf;
	v55 =	vld.idx.msk [tilespmem:v1+s3+$0x0], $0xffff;
	v1 =	vmin.f32 v41, v3  }
0x135: {  	v49 =	vmax.f32 v41, v3;
	v3 =	vmin.f32 v41, v1;
	v39 =	vmax.f32 v41, v1  }
0x136: {  	v58 =	vmin.f32 v49, v42;
	v1 =	vmin.f32 v41, v3;
	v62 =	vmax.f32 v41, v3  }
0x137: {  	v54 =	vld.idx.msk [tilespmem:v6+s3+$0x0], $0xffff;
	v43 =	vmax.f32 v39, v58;
	v34 =	vmin.f32 v39, v58;
	v58 =	vimm.f32 $-Inf  }
0x138: {  	v33 =	vld.idx.msk [tilespmem:v7+s3+$0x0], $0xffff;
	v39 =	vimm.f32 $-Inf;
	v61 =	vmax.f32 v41, v1;
	v3 =	vmin.f32 v41, v2  }
0x139: {  	v48 =	vld.idx.msk [tilespmem:v5+s3+$0x0], $0xffff;
	v1 =	vmin.f32 v41, v55;
	v63 =	vmax.f32 v41, v2;
	v59 =	vmin.f32 v41, v3  }
0x13a: {  	s19 =	simm.s32 $0x4;
	v46 =	vmax.f32 v41, v3;
	v2 =	vmin.f32 v41, v59;
	v50 =	vmax.f32 v41, v59;
	v59 =	vld.idx.msk [tilespmem:v4+s3+$0x0], $0xffff  }
.LBB2_5:
0x13b: {  	s21 =	sadd.s32 $0x1, s19  }
0x13c: {  	p0 =	slt.u32 s19, $0x3C;
	v2 =	vmax.f32 v41, v2;
	v3 =	vmax.f32 v56, v1;
	v4 =	vmin.f32 v62, v34;
	v5 =	vld.idx.msk [tilespmem:v44+s3+$0x0], $0xffff;
	s20 =	smov.u32 s19;
	s19 =	sadd.s32 $0x4, s19  }
0x13d: {  	v1 =	vmin.f32 v56, v1;
	v6 =	vmin.f32 v63, v33;
	v44 =	vxor.u32 s21, v0;
	v7 =	vld.idx.msk [tilespmem:v57+s3+$0x0], $0xffff  }
0x13e: {  	v34 =	vmax.f32 v62, v34;
	v33 =	vmax.f32 v63, v33;
	v56 =	vmax.f32 v51, v1;
	v41 =	vld.idx.msk [tilespmem:v60+s3+$0x0], $0xffff  }
0x13f: {  	v55 =	vmax.f32 v58, v55;
	v57 =	vmin.f32 v52, v54;
	v4 =	vmax.f32 v61, v4  }
0x140: {  	v52 =	vmax.f32 v52, v54;
	v58 =	vor.u32 v8, v44;
	v54 =	vmax.f32 v33, v48;
	v53 =	vld.idx.msk [tilespmem:v53+s3+$0x0], $0xffff  }
0x141: {  	v1 =	vmin.f32 v51, v1;
	v51 =	vmax.f32 v46, v6;
	v33 =	vmin.f32 v33, v48  }
0x142: {  	v60 =	vmax.f32 v55, v59;
	v61 =	vmin.f32 v51, v33;
	v33 =	vmax.f32 v51, v33;
	v47 =	vld.idx.msk [tilespmem:v47+s3+$0x0], $0xffff  }
0x143: {  	v42 =	vmax.f32 v49, v42;
	v6 =	vmin.f32 v46, v6;
	v49 =	vmin.f32 v52, v7  }
0x144: {  	v51 =	vmin.f32 v55, v59;
	v55 =	vmin.f32 v42, v5;
	v46 =	vmax.f32 v54, v41;
	v45 =	vld.idx.msk [tilespmem:v45+s3+$0x0], $0xffff  }
0x145: {  	v48 =	vmin.f32 v50, v6;
	v59 =	vmax.f32 v40, v57;
	v5 =	vmax.f32 v42, v5  }
0x146: {  	v2 =	vmax.f32 v2, v48;
	v41 =	vmin.f32 v54, v41;
	v42 =	vmin.f32 v5, v53  }
0x147: {  	v40 =	vmin.f32 v40, v57;
	v54 =	vmin.f32 v33, v41;
	v48 =	vmax.f32 v33, v41  }
0x148: {  	v6 =	vmax.f32 v50, v6;
	v33 =	vmax.f32 v59, v49;
	v50 =	vmin.f32 v60, v47  }
0x149: {  	v7 =	vmax.f32 v52, v7;
	v41 =	vmin.f32 v6, v61;
	v6 =	vmax.f32 v6, v61  }
0x14a: {  	v52 =	vmin.f32 v3, v51;
	v2 =	vmax.f32 v2, v41;
	v57 =	vmin.f32 v7, v45  }
0x14b: {  	v41 =	vmin.f32 v6, v54;
	v6 =	vmax.f32 v6, v54;
	v7 =	vmax.f32 v7, v45  }
0x14c: {  	v1 =	vmax.f32 v38, v1;
	v38 =	vmin.f32 v43, v55;
	v41 =	vmax.f32 v2, v41  }
0x14d: {  	v43 =	vmax.f32 v43, v55;
	v2 =	vmin.f32 v56, v52;
	v45 =	vmin.f32 v33, v57;
	v37 =	vld.idx.msk [tilespmem:v37+s3+$0x0], $0xffff  }
0x14e: {  	v55 =	vmax.f32 v34, v38;
	v54 =	vmin.f32 v35, v40;
	v52 =	vmax.f32 v56, v52  }
0x14f: {  	v3 =	vmax.f32 v3, v51;
	v5 =	vmax.f32 v5, v53;
	v39 =	vmax.f32 v39, v54;
	v36 =	vld.idx.msk [tilespmem:v36+s3+$0x0], $0xffff  }
0x150: {  	v53 =	vmin.f32 v43, v42;
	v43 =	vmax.f32 v43, v42;
	v51 =	vmax.f32 v3, v50  }
0x151: {  	v35 =	vmax.f32 v35, v40;
	v42 =	vmin.f32 v55, v53;
	v3 =	vmin.f32 v3, v50  }
0x152: {  	v49 =	vmin.f32 v59, v49;
	v1 =	vmax.f32 v1, v2;
	v2 =	vmax.f32 v60, v47  }
0x153: {  	v47 =	vmin.f32 v52, v3;
	v33 =	vmax.f32 v33, v57;
	v40 =	vmin.f32 v7, v37  }
0x154: {  	v3 =	vmax.f32 v52, v3;
	v50 =	vmin.f32 v33, v40;
	v40 =	vmax.f32 v33, v40  }
0x155: {  	v59 =	vmax.f32 v55, v53;
	v1 =	vmax.f32 v1, v47;
	v33 =	vmin.f32 v2, v36  }
0x156: {  	v47 =	vxor.u32 s20, v0;
	v53 =	vmin.f32 v51, v33;
	v56 =	vmax.f32 v51, v33  }
0x157: {  	v34 =	vmin.f32 v34, v38;
	v55 =	vor.u32 v9, v47;
	v33 =	vor.u32 v8, v47  }
0x158: {  	v54 =	vor.u32 v10, v47;
	v47 =	vor.u32 v11, v47;
	v38 =	vmin.f32 v3, v53  }
0x159: {  	v4 =	vmax.f32 v4, v34;
	v51 =	vmin.f32 v35, v49;
	v35 =	vmax.f32 v35, v49  }
0x15a: {  	v4 =	vmax.f32 v4, v42;
	v52 =	vmax.f32 v7, v37;
	v38 =	vmax.f32 v1, v38  }
0x15b: {  	v7 =	vmin.f32 v35, v45;
	v1 =	vmax.f32 v39, v51;
	v51 =	vmax.f32 v3, v53;
	v42 =	vld.idx.msk [tilespmem:v58+s3+$0x0], $0xffff  }
0x15c: {  	v1 =	vmax.f32 v1, v7;
	v58 =	vmax.f32 v2, v36;
	v3 =	vld.idx.msk [tilespmem:v33+s3+$0x0], $0xffff;
	v33 =	vmax.f32 v35, v45  }
0x15d: {  	s21 =	sadd.s32 $0x2, s20;
	v2 =	vor.u32 v9, v44;
	v54 =	vld.idx.msk [tilespmem:v54+s3+$0x0], $0xffff;
	v7 =	vmin.f32 v33, v50;
	v35 =	vmax.f32 v33, v50  }
0x15e: {  	v50 =	vor.u32 v11, v44;
	v33 =	vxor.u32 s21, v0;
	v34 =	vld.idx.msk [tilespmem:v55+s3+$0x0], $0xffff;
	v39 =	vmax.f32 v1, v7  }
0x15f: {  	v57 =	vor.u32 v10, v44;
	s20 =	sadd.s32 $0x3, s20;
	v7 =	vor.u32 v9, v33;
	v55 =	vld.idx.msk [tilespmem:v47+s3+$0x0], $0xffff;
	v47 =	vor.u32 v11, v33  }
0x160: {  	v44 =	vor.u32 v8, v33;
	v45 =	vor.u32 v10, v33;
	v1 =	vxor.u32 s20, v0  }
0x161: {  	v53 =	vor.u32 v8, v1;
	v60 =	vor.u32 v9, v1;
	v37 =	vor.u32 v10, v1  }
0x162: {  	v36 =	vor.u32 v11, v1;
	v33 =	vmin.f32 v5, v3;
	v49 =	vmax.f32 v5, v3  }
.Ltmp1:
0x163: {  	v1 =	vmin.f32 v43, v33;
	v3 =	vmax.f32 v43, v33;
	v5 =	vmin.f32 v49, v42;
	v33 =	vld.idx.msk [tilespmem:v2+s3+$0x0], $0xffff;
	(pc) =	sbr.rel @p0 .LBB2_5-.Ltmp1, $4  }
0x164: {  	v2 =	vmin.f32 v59, v1;
	v62 =	vmax.f32 v59, v1;
	v1 =	vmin.f32 v46, v34;
	v59 =	vld.idx.msk [tilespmem:v50+s3+$0x0], $0xffff  }
0x165: {  	v63 =	vmax.f32 v46, v34;
	v43 =	vmax.f32 v3, v5;
	v61 =	vmax.f32 v4, v2  }
0x166: {  	v4 =	vmin.f32 v48, v1;
	v46 =	vmax.f32 v48, v1;
	v1 =	vmin.f32 v58, v55;
	v48 =	vld.idx.msk [tilespmem:v7+s3+$0x0], $0xffff  }
0x167: {  	v34 =	vmin.f32 v3, v5;
	v2 =	vmin.f32 v6, v4;
	v50 =	vmax.f32 v6, v4  }
0x168: {  	v2 =	vmax.f32 v41, v2  }
0x169: {  	v3 =	vmax.f32 v56, v1;
	v4 =	vmin.f32 v62, v34;
	v1 =	vmin.f32 v56, v1  }
0x16a: {  	v6 =	vmin.f32 v63, v33;
	v34 =	vmax.f32 v62, v34;
	v63 =	vmax.f32 v63, v33  }
0x16b: {  	v56 =	vmin.f32 v52, v54;
	v55 =	vmax.f32 v58, v55;
	v52 =	vmax.f32 v52, v54  }
0x16c: {  	v5 =	vld.idx.msk [tilespmem:v44+s3+$0x0], $0xffff;
	v42 =	vmax.f32 v49, v42;
	v41 =	vmax.f32 v51, v1;
	v4 =	vmax.f32 v61, v4  }
0x16d: {  	v7 =	vld.idx.msk [tilespmem:v57+s3+$0x0], $0xffff;
	v1 =	vmin.f32 v51, v1;
	v62 =	vmax.f32 v46, v6;
	v6 =	vmin.f32 v46, v6  }
0x16e: {  	v44 =	vld.idx.msk [tilespmem:v60+s3+$0x0], $0xffff;
	v49 =	vmin.f32 v55, v59;
	v58 =	vmax.f32 v40, v56;
	v40 =	vmin.f32 v40, v56  }
0x16f: {  	v47 =	vld.idx.msk [tilespmem:v47+s3+$0x0], $0xffff;
	v61 =	vmin.f32 v50, v6;
	v6 =	vmax.f32 v50, v6;
	v1 =	vmax.f32 v38, v1  }
0x170: {  	v54 =	vmax.f32 v63, v48;
	v33 =	vmin.f32 v63, v48;
	v48 =	vmax.f32 v55, v59  }
0x171: {  	v53 =	vld.idx.msk [tilespmem:v53+s3+$0x0], $0xffff;
	v2 =	vmax.f32 v2, v61;
	v61 =	vmin.f32 v35, v40;
	v63 =	vmin.f32 v62, v33  }
0x172: {  	v33 =	vmax.f32 v62, v33;
	v39 =	vmax.f32 v39, v61;
	v46 =	vmin.f32 v52, v7  }
0x173: {  	v45 =	vld.idx.msk [tilespmem:v45+s3+$0x0], $0xffff;
	v60 =	vmin.f32 v42, v5;
	v55 =	vmax.f32 v54, v44;
	v5 =	vmax.f32 v42, v5  }
0x174: {  	v44 =	vmin.f32 v54, v44;
	v50 =	vmin.f32 v48, v47;
	v7 =	vmax.f32 v52, v7  }
0x175: {  	v62 =	vmin.f32 v6, v63;
	v6 =	vmax.f32 v6, v63;
	v63 =	vmin.f32 v3, v49  }
0x176: {  	v3 =	vmax.f32 v3, v49;
	v42 =	vmin.f32 v5, v53;
	v54 =	vmin.f32 v33, v44  }
0x177: {  	v33 =	vmax.f32 v33, v44;
	v44 =	vmax.f32 v58, v46;
	v2 =	vmax.f32 v2, v62  }
0x178: {  	v52 =	vmin.f32 v7, v45;
	v7 =	vmax.f32 v7, v45;
	v38 =	vmin.f32 v43, v60  }
0x179: {  	v37 =	vld.idx.msk [tilespmem:v37+s3+$0x0], $0xffff;
	v45 =	vmin.f32 v41, v63;
	v60 =	vmax.f32 v43, v60;
	v41 =	vmax.f32 v41, v63  }
0x17a: {  	v5 =	vmax.f32 v5, v53;
	v49 =	vmax.f32 v3, v50;
	v3 =	vmin.f32 v3, v50  }
0x17b: {  	v57 =	vmin.f32 v58, v46;
	v58 =	vmax.f32 v48, v47;
	v59 =	vmin.f32 v6, v54  }
0x17c: {  	v6 =	vmax.f32 v6, v54;
	v51 =	vmin.f32 v44, v52;
	v62 =	vmax.f32 v34, v38  }
0x17d: {  	v36 =	vld.idx.msk [tilespmem:v36+s3+$0x0], $0xffff;
	v63 =	vmin.f32 v60, v42;
	v42 =	vmax.f32 v60, v42;
	v54 =	vmax.f32 v35, v40  }
0x17e: {  	v1 =	vmax.f32 v1, v45;
	v44 =	vmax.f32 v44, v52;
	v60 =	vmin.f32 v7, v37  }
0x17f: {  	v34 =	vmin.f32 v34, v38;
	v7 =	vmax.f32 v7, v37;
	v2 =	vmax.f32 v2, v59  }
0x180: {  	v40 =	vmin.f32 v62, v63;
	v59 =	vmin.f32 v41, v3;
	v3 =	vmax.f32 v41, v3  }
0x181: {  	v61 =	vmin.f32 v44, v60;
	v44 =	vmax.f32 v44, v60;
	v46 =	vmax.f32 v62, v63  }
0x182: {  	v62 =	vmin.f32 v58, v36;
	v53 =	vmin.f32 v54, v57;
	v4 =	vmax.f32 v4, v34  }
0x183: {  	v54 =	vmax.f32 v54, v57;
	v36 =	vmax.f32 v58, v36;
	v60 =	vmin.f32 v5, v55  }
0x184: {  	v1 =	vmax.f32 v1, v59;
	v63 =	vmin.f32 v49, v62;
	v47 =	vmax.f32 v49, v62  }
0x185: {  	v4 =	vmax.f32 v4, v40;
	v56 =	vmax.f32 v39, v53;
	v57 =	vmin.f32 v54, v51  }
0x186: {  	v34 =	vmax.f32 v54, v51;
	v59 =	vmax.f32 v42, v33;
	v39 =	vmax.f32 v5, v55  }
0x187: {  	v11 =	vld [tilespmem:$0x1FF40];
	v62 =	vmin.f32 v42, v55;
	v45 =	vmin.f32 v46, v55;
	v48 =	vmax.f32 v7, v36  }
0x188: {  	v49 =	vmin.f32 v7, v36;
	v51 =	vmin.f32 v44, v36;
	v52 =	vmin.f32 v3, v63  }
0x189: {  	v3 =	vmax.f32 v3, v63;
	v35 =	vmax.f32 v56, v57;
	v58 =	vmin.f32 v34, v61  }
0x18a: {  	v34 =	vmax.f32 v34, v61;
	v37 =	vmax.f32 v59, v60;
	v61 =	vmax.f32 v46, v6  }
0x18b: {  	v63 =	vmin.f32 v42, v33;
	v6 =	vmin.f32 v5, v6;
	v5 =	vmin.f32 v5, v33  }
0x18c: {  	v2 =	vmax.f32 v4, v2;
	v53 =	vmin.f32 v39, v48;
	v56 =	vor.u32 $0x4, v11  }
0x18d: {  	v60 =	vor.u32 $0x6, v11;
	v1 =	vmax.f32 v1, v52;
	v35 =	vmax.f32 v35, v58  }
0x18e: {  	v6 =	vmax.f32 v63, v6;
	v5 =	vmax.f32 v62, v5;
	v50 =	vmax.f32 v34, v3  }
0x18f: {  	v8 =	vld [tilespmem:$0x1FFE0];
	v52 =	vmin.f32 v44, v47;
	v3 =	vmin.f32 v7, v3;
	v7 =	vmin.f32 v7, v47  }
0x190: {  	v9 =	vld [tilespmem:$0x1FFF0];
	v34 =	vmin.f32 v34, v36;
	v54 =	vmin.f32 v37, v48;
	v58 =	vor.u32 $0x5, v11  }
0x191: {  	v46 =	vmax.f32 v45, v6;
	v5 =	vmax.f32 v61, v5;
	v6 =	vmax.f32 v44, v47  }
0x192: {  	s19 =	simm.s32 $0x0;
	v3 =	vmax.f32 v52, v3;
	v7 =	vmax.f32 v51, v7;
	v1 =	vmax.f32 v35, v1  }
0x193: {  	v61 =	vxor.u32 s19, v0;
	v2 =	vmax.f32 v2, v46;
	v3 =	vmax.f32 v34, v3  }
0x194: {  	v6 =	vmax.f32 v6, v49;
	v7 =	vmax.f32 v50, v7;
	v62 =	vor.u32 v8, v61  }
0x195: {  	v4 =	vmin.f32 v5, v48;
	v38 =	vor.u32 v9, v61;
	v1 =	vmax.f32 v1, v3  }
0x196: {  	v3 =	vmax.f32 v39, v48;
	v33 =	vmax.f32 v37, v6;
	v55 =	vmin.f32 v39, v6  }
0x197: {  	v57 =	vmax.f32 v5, v7;
	v1 =	vmax.f32 v2, v1;
	v2 =	vor.u32 $0x7, v11  }
0x198: {  	v10 =	vld [tilespmem:$0x1FF80];
	s31 =	simm.s32 $0x3;
	v6 =	vmin.f32 v37, v6;
	v7 =	vmin.f32 v39, v7;
	v35 =	vmax.f32 v54, v55  }
0x199: {  	s29 =	simm.s32 $0x1;
	v43 =	vxor.u32 s31, v0;
	v33 =	vmax.f32 v33, v53;
	v63 =	vmax.f32 v6, v7;
	[tilespmem:v56+s12+$0x0] =	vst.idx.msk $0xffff, v3  }
0x19a: {  	v3 =	vxor.u32 s29, v0;
	v59 =	vmax.f32 v57, v35;
	v4 =	vmax.f32 v4, v63;
	[tilespmem:v58+s12+$0x0] =	vst.idx.msk $0xffff, v33  }
0x19b: {  	v41 =	vimm.f32 $-Inf;
	v36 =	vor.u32 v8, v3;
	v1 =	vmax.f32 v1, v4;
	[tilespmem:v60+s12+$0x0] =	vst.idx.msk $0xffff, v59  }
0x19c: {  	s30 =	simm.s32 $0x2;
	v40 =	vimm.f32 $-Inf;
	v51 =	vimm.f32 $-Inf;
	v52 =	vimm.f32 $-Inf;
	[tilespmem:v2+s12+$0x0] =	vst.idx.msk $0xffff, v1  }
0x19d: {  	v39 =	vxor.u32 s30, v0;
	v37 =	vor.u32 v10, v43;
	v1 =	vor.u32 v12, v61;
	v2 =	vld.idx.msk [tilespmem:v62+s3+$0x0], $0xffff  }
0x19e: {  	v6 =	vor.u32 v10, v61;
	v47 =	vor.u32 v12, v39;
	v44 =	vor.u32 v8, v39  }
0x19f: {  	v45 =	vor.u32 v10, v39;
	v53 =	vor.u32 v8, v43;
	v56 =	vimm.f32 $-Inf;
	v4 =	vld.idx.msk [tilespmem:v38+s3+$0x0], $0xffff  }
0x1a0: {  	v7 =	vor.u32 v9, v3;
	v5 =	vor.u32 v12, v3;
	v57 =	vor.u32 v10, v3;
	v42 =	vld.idx.msk [tilespmem:v36+s3+$0x0], $0xffff  }
0x1a1: {  	v3 =	vor.u32 v9, v39;
	v35 =	vimm.f32 $-Inf;
	v39 =	vimm.f32 $-Inf  }
0x1a2: {  	v60 =	vor.u32 v9, v43;
	v36 =	vor.u32 v12, v43;
	v55 =	vld.idx.msk [tilespmem:v1+s3+$0x0], $0xffff;
	v1 =	vmin.f32 v41, v2  }
0x1a3: {  	v49 =	vmax.f32 v41, v2;
	v2 =	vmin.f32 v41, v1;
	v58 =	vmax.f32 v41, v1  }
0x1a4: {  	v1 =	vmin.f32 v41, v2;
	v62 =	vmax.f32 v41, v2;
	v2 =	vmin.f32 v41, v4  }
0x1a5: {  	v54 =	vld.idx.msk [tilespmem:v6+s3+$0x0], $0xffff;
	v38 =	vimm.f32 $-Inf;
	v59 =	vmin.f32 v49, v42;
	v63 =	vmin.f32 v41, v2  }
0x1a6: {  	v46 =	vmax.f32 v41, v2;
	v2 =	vmin.f32 v41, v63;
	v50 =	vmax.f32 v41, v63;
	v63 =	vld.idx.msk [tilespmem:v7+s3+$0x0], $0xffff  }
0x1a7: {  	v48 =	vld.idx.msk [tilespmem:v3+s3+$0x0], $0xffff;
	v33 =	vmax.f32 v41, v4;
	v43 =	vmax.f32 v58, v59;
	v34 =	vmin.f32 v58, v59  }
0x1a8: {  	s19 =	simm.s32 $0x4;
	v59 =	vld.idx.msk [tilespmem:v5+s3+$0x0], $0xffff;
	v58 =	vimm.f32 $-Inf;
	v61 =	vmax.f32 v41, v1;
	v1 =	vmin.f32 v41, v55  }
.LBB2_7:
0x1a9: {  	s21 =	sadd.s32 $0x1, s19  }
0x1aa: {  	p0 =	slt.u32 s19, $0x3C;
	v2 =	vmax.f32 v41, v2;
	v3 =	vmax.f32 v56, v1;
	v4 =	vmin.f32 v62, v34;
	v5 =	vld.idx.msk [tilespmem:v44+s3+$0x0], $0xffff;
	s20 =	smov.u32 s19;
	s19 =	sadd.s32 $0x4, s19  }
0x1ab: {  	v1 =	vmin.f32 v56, v1;
	v6 =	vmin.f32 v33, v63;
	v44 =	vxor.u32 s21, v0;
	v7 =	vld.idx.msk [tilespmem:v57+s3+$0x0], $0xffff  }
0x1ac: {  	v34 =	vmax.f32 v62, v34;
	v33 =	vmax.f32 v33, v63;
	v56 =	vmax.f32 v51, v1;
	v41 =	vld.idx.msk [tilespmem:v60+s3+$0x0], $0xffff  }
0x1ad: {  	v55 =	vmax.f32 v58, v55;
	v57 =	vmin.f32 v52, v54;
	v4 =	vmax.f32 v61, v4  }
0x1ae: {  	v52 =	vmax.f32 v52, v54;
	v58 =	vor.u32 v8, v44;
	v54 =	vmax.f32 v33, v48;
	v53 =	vld.idx.msk [tilespmem:v53+s3+$0x0], $0xffff  }
0x1af: {  	v1 =	vmin.f32 v51, v1;
	v51 =	vmax.f32 v46, v6;
	v33 =	vmin.f32 v33, v48  }
0x1b0: {  	v60 =	vmax.f32 v55, v59;
	v61 =	vmin.f32 v51, v33;
	v33 =	vmax.f32 v51, v33;
	v47 =	vld.idx.msk [tilespmem:v47+s3+$0x0], $0xffff  }
0x1b1: {  	v42 =	vmax.f32 v49, v42;
	v6 =	vmin.f32 v46, v6;
	v49 =	vmin.f32 v52, v7  }
0x1b2: {  	v51 =	vmin.f32 v55, v59;
	v55 =	vmin.f32 v42, v5;
	v46 =	vmax.f32 v54, v41;
	v45 =	vld.idx.msk [tilespmem:v45+s3+$0x0], $0xffff  }
0x1b3: {  	v48 =	vmin.f32 v50, v6;
	v59 =	vmax.f32 v40, v57;
	v5 =	vmax.f32 v42, v5  }
0x1b4: {  	v2 =	vmax.f32 v2, v48;
	v41 =	vmin.f32 v54, v41;
	v42 =	vmin.f32 v5, v53  }
0x1b5: {  	v40 =	vmin.f32 v40, v57;
	v54 =	vmin.f32 v33, v41;
	v48 =	vmax.f32 v33, v41  }
0x1b6: {  	v6 =	vmax.f32 v50, v6;
	v33 =	vmax.f32 v59, v49;
	v50 =	vmin.f32 v60, v47  }
0x1b7: {  	v7 =	vmax.f32 v52, v7;
	v41 =	vmin.f32 v6, v61;
	v6 =	vmax.f32 v6, v61  }
0x1b8: {  	v52 =	vmin.f32 v3, v51;
	v2 =	vmax.f32 v2, v41;
	v57 =	vmin.f32 v7, v45  }
0x1b9: {  	v41 =	vmin.f32 v6, v54;
	v6 =	vmax.f32 v6, v54;
	v7 =	vmax.f32 v7, v45  }
0x1ba: {  	v1 =	vmax.f32 v38, v1;
	v38 =	vmin.f32 v43, v55;
	v41 =	vmax.f32 v2, v41  }
0x1bb: {  	v43 =	vmax.f32 v43, v55;
	v2 =	vmin.f32 v56, v52;
	v45 =	vmin.f32 v33, v57;
	v37 =	vld.idx.msk [tilespmem:v37+s3+$0x0], $0xffff  }
0x1bc: {  	v55 =	vmax.f32 v34, v38;
	v54 =	vmin.f32 v35, v40;
	v52 =	vmax.f32 v56, v52  }
0x1bd: {  	v3 =	vmax.f32 v3, v51;
	v5 =	vmax.f32 v5, v53;
	v39 =	vmax.f32 v39, v54;
	v36 =	vld.idx.msk [tilespmem:v36+s3+$0x0], $0xffff  }
0x1be: {  	v53 =	vmin.f32 v43, v42;
	v43 =	vmax.f32 v43, v42;
	v51 =	vmax.f32 v3, v50  }
0x1bf: {  	v35 =	vmax.f32 v35, v40;
	v42 =	vmin.f32 v55, v53;
	v3 =	vmin.f32 v3, v50  }
0x1c0: {  	v49 =	vmin.f32 v59, v49;
	v1 =	vmax.f32 v1, v2;
	v2 =	vmax.f32 v60, v47  }
0x1c1: {  	v47 =	vmin.f32 v52, v3;
	v33 =	vmax.f32 v33, v57;
	v40 =	vmin.f32 v7, v37  }
0x1c2: {  	v3 =	vmax.f32 v52, v3;
	v50 =	vmin.f32 v33, v40;
	v40 =	vmax.f32 v33, v40  }
0x1c3: {  	v1 =	vmax.f32 v1, v47;
	v33 =	vmax.f32 v55, v53;
	v47 =	vmin.f32 v2, v36  }
0x1c4: {  	v52 =	vxor.u32 s20, v0;
	v53 =	vmin.f32 v51, v47;
	v56 =	vmax.f32 v51, v47  }
0x1c5: {  	v34 =	vmin.f32 v34, v38;
	v55 =	vor.u32 v9, v52;
	v47 =	vor.u32 v8, v52  }
0x1c6: {  	v54 =	vor.u32 v10, v52;
	v57 =	vor.u32 v12, v52;
	v38 =	vmin.f32 v3, v53  }
0x1c7: {  	v4 =	vmax.f32 v4, v34;
	v51 =	vmin.f32 v35, v49;
	v35 =	vmax.f32 v35, v49  }
0x1c8: {  	v4 =	vmax.f32 v4, v42;
	v52 =	vmax.f32 v7, v37;
	v38 =	vmax.f32 v1, v38  }
0x1c9: {  	v7 =	vmin.f32 v35, v45;
	v1 =	vmax.f32 v39, v51;
	v51 =	vmax.f32 v3, v53;
	v42 =	vld.idx.msk [tilespmem:v58+s3+$0x0], $0xffff  }
0x1ca: {  	v34 =	vmax.f32 v35, v45;
	v1 =	vmax.f32 v1, v7;
	v58 =	vmax.f32 v2, v36;
	v3 =	vld.idx.msk [tilespmem:v47+s3+$0x0], $0xffff  }
0x1cb: {  	s21 =	sadd.s32 $0x2, s20;
	v35 =	vmax.f32 v34, v50;
	v7 =	vmin.f32 v34, v50;
	v2 =	vor.u32 v9, v44;
	v54 =	vld.idx.msk [tilespmem:v54+s3+$0x0], $0xffff  }
0x1cc: {  	v50 =	vor.u32 v12, v44;
	v39 =	vmax.f32 v1, v7;
	v36 =	vxor.u32 s21, v0;
	v34 =	vld.idx.msk [tilespmem:v55+s3+$0x0], $0xffff  }
0x1cd: {  	s20 =	sadd.s32 $0x3, s20;
	v7 =	vor.u32 v9, v36;
	v47 =	vor.u32 v12, v36;
	v55 =	vld.idx.msk [tilespmem:v57+s3+$0x0], $0xffff;
	v57 =	vor.u32 v10, v44  }
0x1ce: {  	v1 =	vxor.u32 s20, v0;
	v45 =	vor.u32 v10, v36;
	v44 =	vor.u32 v8, v36  }
0x1cf: {  	v53 =	vor.u32 v8, v1;
	v60 =	vor.u32 v9, v1;
	v37 =	vor.u32 v10, v1  }
0x1d0: {  	v36 =	vor.u32 v12, v1;
	v59 =	vmin.f32 v5, v3;
	v49 =	vmax.f32 v5, v3  }
.Ltmp2:
0x1d1: {  	v1 =	vmin.f32 v43, v59;
	v3 =	vmax.f32 v43, v59;
	v5 =	vmin.f32 v49, v42;
	v63 =	vld.idx.msk [tilespmem:v2+s3+$0x0], $0xffff;
	(pc) =	sbr.rel @p0 .LBB2_7-.Ltmp2, $4  }
0x1d2: {  	v2 =	vmin.f32 v33, v1;
	v62 =	vmax.f32 v33, v1;
	v1 =	vmin.f32 v46, v34;
	v59 =	vld.idx.msk [tilespmem:v50+s3+$0x0], $0xffff  }
0x1d3: {  	v33 =	vmax.f32 v46, v34;
	v43 =	vmax.f32 v3, v5;
	v61 =	vmax.f32 v4, v2  }
0x1d4: {  	v4 =	vmin.f32 v48, v1;
	v46 =	vmax.f32 v48, v1;
	v1 =	vmin.f32 v58, v55;
	v48 =	vld.idx.msk [tilespmem:v7+s3+$0x0], $0xffff  }
0x1d5: {  	v34 =	vmin.f32 v3, v5;
	v2 =	vmin.f32 v6, v4;
	v50 =	vmax.f32 v6, v4  }
0x1d6: {  	v2 =	vmax.f32 v41, v2  }
0x1d7: {  	v3 =	vmax.f32 v56, v1;
	v4 =	vmin.f32 v62, v34;
	v1 =	vmin.f32 v56, v1  }
0x1d8: {  	v6 =	vmin.f32 v33, v63;
	v34 =	vmax.f32 v62, v34;
	v63 =	vmax.f32 v33, v63  }
0x1d9: {  	v56 =	vmin.f32 v52, v54;
	v55 =	vmax.f32 v58, v55;
	v52 =	vmax.f32 v52, v54  }
0x1da: {  	v5 =	vld.idx.msk [tilespmem:v44+s3+$0x0], $0xffff;
	v42 =	vmax.f32 v49, v42;
	v41 =	vmax.f32 v51, v1;
	v4 =	vmax.f32 v61, v4  }
0x1db: {  	v7 =	vld.idx.msk [tilespmem:v57+s3+$0x0], $0xffff;
	v1 =	vmin.f32 v51, v1;
	v62 =	vmax.f32 v46, v6;
	v6 =	vmin.f32 v46, v6  }
0x1dc: {  	v44 =	vld.idx.msk [tilespmem:v60+s3+$0x0], $0xffff;
	v49 =	vmin.f32 v55, v59;
	v58 =	vmax.f32 v40, v56;
	v40 =	vmin.f32 v40, v56  }
0x1dd: {  	v47 =	vld.idx.msk [tilespmem:v47+s3+$0x0], $0xffff;
	v61 =	vmin.f32 v50, v6;
	v6 =	vmax.f32 v50, v6;
	v1 =	vmax.f32 v38, v1  }
0x1de: {  	v54 =	vmax.f32 v63, v48;
	v33 =	vmin.f32 v63, v48;
	v48 =	vmax.f32 v55, v59  }
0x1df: {  	v53 =	vld.idx.msk [tilespmem:v53+s3+$0x0], $0xffff;
	v2 =	vmax.f32 v2, v61;
	v61 =	vmin.f32 v35, v40;
	v63 =	vmin.f32 v62, v33  }
0x1e0: {  	v33 =	vmax.f32 v62, v33;
	v39 =	vmax.f32 v39, v61;
	v46 =	vmin.f32 v52, v7  }
0x1e1: {  	v45 =	vld.idx.msk [tilespmem:v45+s3+$0x0], $0xffff;
	v60 =	vmin.f32 v42, v5;
	v55 =	vmax.f32 v54, v44;
	v5 =	vmax.f32 v42, v5  }
0x1e2: {  	v44 =	vmin.f32 v54, v44;
	v50 =	vmin.f32 v48, v47;
	v7 =	vmax.f32 v52, v7  }
0x1e3: {  	v62 =	vmin.f32 v6, v63;
	v6 =	vmax.f32 v6, v63;
	v63 =	vmin.f32 v3, v49  }
0x1e4: {  	v3 =	vmax.f32 v3, v49;
	v42 =	vmin.f32 v5, v53;
	v54 =	vmin.f32 v33, v44  }
0x1e5: {  	v33 =	vmax.f32 v33, v44;
	v44 =	vmax.f32 v58, v46;
	v2 =	vmax.f32 v2, v62  }
0x1e6: {  	v52 =	vmin.f32 v7, v45;
	v7 =	vmax.f32 v7, v45;
	v38 =	vmin.f32 v43, v60  }
0x1e7: {  	v37 =	vld.idx.msk [tilespmem:v37+s3+$0x0], $0xffff;
	v45 =	vmin.f32 v41, v63;
	v60 =	vmax.f32 v43, v60;
	v41 =	vmax.f32 v41, v63  }
0x1e8: {  	v5 =	vmax.f32 v5, v53;
	v49 =	vmax.f32 v3, v50;
	v3 =	vmin.f32 v3, v50  }
0x1e9: {  	v57 =	vmin.f32 v58, v46;
	v58 =	vmax.f32 v48, v47;
	v59 =	vmin.f32 v6, v54  }
0x1ea: {  	v6 =	vmax.f32 v6, v54;
	v51 =	vmin.f32 v44, v52;
	v62 =	vmax.f32 v34, v38  }
0x1eb: {  	v36 =	vld.idx.msk [tilespmem:v36+s3+$0x0], $0xffff;
	v63 =	vmin.f32 v60, v42;
	v42 =	vmax.f32 v60, v42;
	v54 =	vmax.f32 v35, v40  }
0x1ec: {  	v1 =	vmax.f32 v1, v45;
	v44 =	vmax.f32 v44, v52;
	v60 =	vmin.f32 v7, v37  }
0x1ed: {  	v34 =	vmin.f32 v34, v38;
	v7 =	vmax.f32 v7, v37;
	v2 =	vmax.f32 v2, v59  }
0x1ee: {  	v40 =	vmin.f32 v62, v63;
	v59 =	vmin.f32 v41, v3;
	v3 =	vmax.f32 v41, v3  }
0x1ef: {  	v61 =	vmin.f32 v44, v60;
	v44 =	vmax.f32 v44, v60;
	v46 =	vmax.f32 v62, v63  }
0x1f0: {  	v62 =	vmin.f32 v58, v36;
	v53 =	vmin.f32 v54, v57;
	v4 =	vmax.f32 v4, v34  }
0x1f1: {  	v54 =	vmax.f32 v54, v57;
	v36 =	vmax.f32 v58, v36;
	v60 =	vmin.f32 v5, v55  }
0x1f2: {  	v1 =	vmax.f32 v1, v59;
	v63 =	vmin.f32 v49, v62;
	v47 =	vmax.f32 v49, v62  }
0x1f3: {  	v4 =	vmax.f32 v4, v40;
	v56 =	vmax.f32 v39, v53;
	v57 =	vmin.f32 v54, v51  }
0x1f4: {  	v34 =	vmax.f32 v54, v51;
	v59 =	vmax.f32 v42, v33;
	v39 =	vmax.f32 v5, v55  }
0x1f5: {  	v62 =	vmin.f32 v42, v55;
	v43 =	vmin.f32 v46, v55;
	v49 =	vmin.f32 v7, v36  }
0x1f6: {  	v51 =	vmin.f32 v44, v36;
	v52 =	vmin.f32 v3, v63;
	v3 =	vmax.f32 v3, v63  }
0x1f7: {  	v35 =	vmax.f32 v56, v57;
	v58 =	vmin.f32 v34, v61;
	v34 =	vmax.f32 v34, v61  }
0x1f8: {  	v37 =	vmax.f32 v59, v60;
	v61 =	vmax.f32 v46, v6;
	v63 =	vmin.f32 v42, v33  }
0x1f9: {  	v6 =	vmin.f32 v5, v6;
	v5 =	vmin.f32 v5, v33;
	v2 =	vmax.f32 v4, v2  }
0x1fa: {  	v46 =	vmax.f32 v7, v36;
	v48 =	vmax.f32 v44, v47;
	v56 =	vor.u32 $0x8, v11  }
0x1fb: {  	v60 =	vor.u32 $0xA, v11;
	v1 =	vmax.f32 v1, v52;
	v35 =	vmax.f32 v35, v58  }
0x1fc: {  	v6 =	vmax.f32 v63, v6;
	v5 =	vmax.f32 v62, v5;
	v50 =	vmax.f32 v34, v3  }
0x1fd: {  	v52 =	vmin.f32 v44, v47;
	v3 =	vmin.f32 v7, v3;
	v7 =	vmin.f32 v7, v47  }
0x1fe: {  	v34 =	vmin.f32 v34, v36;
	v53 =	vmin.f32 v39, v46;
	v54 =	vmin.f32 v37, v46  }
0x1ff: {  	v58 =	vor.u32 $0x9, v11;
	v45 =	vmax.f32 v43, v6;
	v5 =	vmax.f32 v61, v5  }
0x200: {  	s19 =	simm.s32 $0x0;
	v3 =	vmax.f32 v52, v3;
	v7 =	vmax.f32 v51, v7;
	v1 =	vmax.f32 v35, v1  }
0x201: {  	v6 =	vmax.f32 v48, v49;
	v61 =	vxor.u32 s19, v0;
	v2 =	vmax.f32 v2, v45  }
0x202: {  	v3 =	vmax.f32 v34, v3;
	v7 =	vmax.f32 v50, v7;
	v33 =	vmax.f32 v37, v6  }
0x203: {  	v55 =	vmin.f32 v39, v6;
	v6 =	vmin.f32 v37, v6;
	v62 =	vor.u32 v13, v61  }
0x204: {  	v4 =	vmin.f32 v5, v46;
	v38 =	vor.u32 v14, v61;
	v1 =	vmax.f32 v1, v3  }
0x205: {  	v3 =	vmax.f32 v39, v46;
	v1 =	vmax.f32 v2, v1;
	v2 =	vor.u32 $0xB, v11  }
0x206: {  	v57 =	vmax.f32 v5, v7;
	v35 =	vmax.f32 v54, v55;
	v7 =	vmin.f32 v39, v7  }
0x207: {  	s29 =	simm.s32 $0x1;
	v41 =	vimm.f32 $-Inf;
	v33 =	vmax.f32 v33, v53;
	v63 =	vmax.f32 v6, v7;
	[tilespmem:v56+s12+$0x0] =	vst.idx.msk $0xffff, v3  }
0x208: {  	v59 =	vmax.f32 v57, v35;
	v3 =	vxor.u32 s29, v0;
	v4 =	vmax.f32 v4, v63;
	[tilespmem:v58+s12+$0x0] =	vst.idx.msk $0xffff, v33  }
0x209: {  	s31 =	simm.s32 $0x3;
	v40 =	vimm.f32 $-Inf;
	v36 =	vor.u32 v13, v3;
	v1 =	vmax.f32 v1, v4;
	[tilespmem:v60+s12+$0x0] =	vst.idx.msk $0xffff, v59  }
0x20a: {  	s30 =	simm.s32 $0x2;
	v43 =	vxor.u32 s31, v0;
	v51 =	vimm.f32 $-Inf;
	v52 =	vimm.f32 $-Inf;
	[tilespmem:v2+s12+$0x0] =	vst.idx.msk $0xffff, v1  }
0x20b: {  	v37 =	vor.u32 v15, v43;
	v39 =	vxor.u32 s30, v0;
	v1 =	vor.u32 v16, v61;
	v2 =	vld.idx.msk [tilespmem:v62+s3+$0x0], $0xffff  }
0x20c: {  	v53 =	vor.u32 v13, v43;
	v6 =	vor.u32 v15, v61;
	v47 =	vor.u32 v16, v39  }
0x20d: {  	v44 =	vor.u32 v13, v39;
	v45 =	vor.u32 v15, v39;
	v56 =	vimm.f32 $-Inf;
	v4 =	vld.idx.msk [tilespmem:v38+s3+$0x0], $0xffff  }
0x20e: {  	v35 =	vimm.f32 $-Inf;
	v7 =	vor.u32 v14, v3;
	v5 =	vor.u32 v16, v3;
	v42 =	vld.idx.msk [tilespmem:v36+s3+$0x0], $0xffff  }
0x20f: {  	v57 =	vor.u32 v15, v3;
	v3 =	vor.u32 v14, v39;
	v39 =	vimm.f32 $-Inf  }
0x210: {  	v60 =	vor.u32 v14, v43;
	v36 =	vor.u32 v16, v43;
	v55 =	vld.idx.msk [tilespmem:v1+s3+$0x0], $0xffff;
	v1 =	vmin.f32 v41, v2  }
0x211: {  	v49 =	vmax.f32 v41, v2;
	v2 =	vmin.f32 v41, v1;
	v58 =	vmax.f32 v41, v1  }
0x212: {  	v1 =	vmin.f32 v41, v2;
	v62 =	vmax.f32 v41, v2;
	v2 =	vmin.f32 v41, v4  }
0x213: {  	v54 =	vld.idx.msk [tilespmem:v6+s3+$0x0], $0xffff;
	v38 =	vimm.f32 $-Inf;
	v59 =	vmin.f32 v49, v42;
	v63 =	vmin.f32 v41, v2  }
0x214: {  	v46 =	vmax.f32 v41, v2;
	v2 =	vmin.f32 v41, v63;
	v50 =	vmax.f32 v41, v63;
	v63 =	vld.idx.msk [tilespmem:v7+s3+$0x0], $0xffff  }
0x215: {  	v48 =	vld.idx.msk [tilespmem:v3+s3+$0x0], $0xffff;
	v33 =	vmax.f32 v41, v4;
	v43 =	vmax.f32 v58, v59;
	v34 =	vmin.f32 v58, v59  }
0x216: {  	s19 =	simm.s32 $0x4;
	v59 =	vld.idx.msk [tilespmem:v5+s3+$0x0], $0xffff;
	v58 =	vimm.f32 $-Inf;
	v61 =	vmax.f32 v41, v1;
	v1 =	vmin.f32 v41, v55  }
.LBB2_9:
0x217: {  	s21 =	sadd.s32 $0x1, s19  }
0x218: {  	p0 =	slt.u32 s19, $0x3C;
	v2 =	vmax.f32 v41, v2;
	v3 =	vmax.f32 v56, v1;
	v4 =	vmin.f32 v62, v34;
	v5 =	vld.idx.msk [tilespmem:v44+s3+$0x0], $0xffff;
	s20 =	smov.u32 s19;
	s19 =	sadd.s32 $0x4, s19  }
0x219: {  	v1 =	vmin.f32 v56, v1;
	v6 =	vmin.f32 v33, v63;
	v44 =	vxor.u32 s21, v0;
	v7 =	vld.idx.msk [tilespmem:v57+s3+$0x0], $0xffff  }
0x21a: {  	v34 =	vmax.f32 v62, v34;
	v33 =	vmax.f32 v33, v63;
	v56 =	vmax.f32 v51, v1;
	v41 =	vld.idx.msk [tilespmem:v60+s3+$0x0], $0xffff  }
0x21b: {  	v55 =	vmax.f32 v58, v55;
	v57 =	vmin.f32 v52, v54;
	v4 =	vmax.f32 v61, v4  }
0x21c: {  	v52 =	vmax.f32 v52, v54;
	v58 =	vor.u32 v13, v44;
	v54 =	vmax.f32 v33, v48;
	v53 =	vld.idx.msk [tilespmem:v53+s3+$0x0], $0xffff  }
0x21d: {  	v1 =	vmin.f32 v51, v1;
	v51 =	vmax.f32 v46, v6;
	v33 =	vmin.f32 v33, v48  }
0x21e: {  	v60 =	vmax.f32 v55, v59;
	v61 =	vmin.f32 v51, v33;
	v33 =	vmax.f32 v51, v33;
	v47 =	vld.idx.msk [tilespmem:v47+s3+$0x0], $0xffff  }
0x21f: {  	v42 =	vmax.f32 v49, v42;
	v6 =	vmin.f32 v46, v6;
	v49 =	vmin.f32 v52, v7  }
0x220: {  	v51 =	vmin.f32 v55, v59;
	v55 =	vmin.f32 v42, v5;
	v46 =	vmax.f32 v54, v41;
	v45 =	vld.idx.msk [tilespmem:v45+s3+$0x0], $0xffff  }
0x221: {  	v48 =	vmin.f32 v50, v6;
	v59 =	vmax.f32 v40, v57;
	v5 =	vmax.f32 v42, v5  }
0x222: {  	v2 =	vmax.f32 v2, v48;
	v41 =	vmin.f32 v54, v41;
	v42 =	vmin.f32 v5, v53  }
0x223: {  	v40 =	vmin.f32 v40, v57;
	v54 =	vmin.f32 v33, v41;
	v48 =	vmax.f32 v33, v41  }
0x224: {  	v6 =	vmax.f32 v50, v6;
	v33 =	vmax.f32 v59, v49;
	v50 =	vmin.f32 v60, v47  }
0x225: {  	v7 =	vmax.f32 v52, v7;
	v41 =	vmin.f32 v6, v61;
	v6 =	vmax.f32 v6, v61  }
0x226: {  	v52 =	vmin.f32 v3, v51;
	v2 =	vmax.f32 v2, v41;
	v57 =	vmin.f32 v7, v45  }
0x227: {  	v41 =	vmin.f32 v6, v54;
	v6 =	vmax.f32 v6, v54;
	v7 =	vmax.f32 v7, v45  }
0x228: {  	v1 =	vmax.f32 v38, v1;
	v38 =	vmin.f32 v43, v55;
	v41 =	vmax.f32 v2, v41  }
0x229: {  	v43 =	vmax.f32 v43, v55;
	v2 =	vmin.f32 v56, v52;
	v45 =	vmin.f32 v33, v57;
	v37 =	vld.idx.msk [tilespmem:v37+s3+$0x0], $0xffff  }
0x22a: {  	v55 =	vmax.f32 v34, v38;
	v54 =	vmin.f32 v35, v40;
	v52 =	vmax.f32 v56, v52  }
0x22b: {  	v3 =	vmax.f32 v3, v51;
	v5 =	vmax.f32 v5, v53;
	v39 =	vmax.f32 v39, v54;
	v36 =	vld.idx.msk [tilespmem:v36+s3+$0x0], $0xffff  }
0x22c: {  	v53 =	vmin.f32 v43, v42;
	v43 =	vmax.f32 v43, v42;
	v51 =	vmax.f32 v3, v50  }
0x22d: {  	v35 =	vmax.f32 v35, v40;
	v42 =	vmin.f32 v55, v53;
	v3 =	vmin.f32 v3, v50  }
0x22e: {  	v49 =	vmin.f32 v59, v49;
	v1 =	vmax.f32 v1, v2;
	v2 =	vmax.f32 v60, v47  }
0x22f: {  	v47 =	vmin.f32 v52, v3;
	v33 =	vmax.f32 v33, v57;
	v40 =	vmin.f32 v7, v37  }
0x230: {  	v3 =	vmax.f32 v52, v3;
	v50 =	vmin.f32 v33, v40;
	v40 =	vmax.f32 v33, v40  }
0x231: {  	v1 =	vmax.f32 v1, v47;
	v33 =	vmax.f32 v55, v53;
	v47 =	vmin.f32 v2, v36  }
0x232: {  	v52 =	vxor.u32 s20, v0;
	v53 =	vmin.f32 v51, v47;
	v56 =	vmax.f32 v51, v47  }
0x233: {  	v34 =	vmin.f32 v34, v38;
	v55 =	vor.u32 v14, v52;
	v47 =	vor.u32 v13, v52  }
0x234: {  	v54 =	vor.u32 v15, v52;
	v57 =	vor.u32 v16, v52;
	v38 =	vmin.f32 v3, v53  }
0x235: {  	v4 =	vmax.f32 v4, v34;
	v51 =	vmin.f32 v35, v49;
	v35 =	vmax.f32 v35, v49  }
0x236: {  	v4 =	vmax.f32 v4, v42;
	v52 =	vmax.f32 v7, v37;
	v38 =	vmax.f32 v1, v38  }
0x237: {  	v7 =	vmin.f32 v35, v45;
	v1 =	vmax.f32 v39, v51;
	v51 =	vmax.f32 v3, v53;
	v42 =	vld.idx.msk [tilespmem:v58+s3+$0x0], $0xffff  }
0x238: {  	v34 =	vmax.f32 v35, v45;
	v1 =	vmax.f32 v1, v7;
	v58 =	vmax.f32 v2, v36;
	v3 =	vld.idx.msk [tilespmem:v47+s3+$0x0], $0xffff  }
0x239: {  	s21 =	sadd.s32 $0x2, s20;
	v35 =	vmax.f32 v34, v50;
	v7 =	vmin.f32 v34, v50;
	v2 =	vor.u32 v14, v44;
	v54 =	vld.idx.msk [tilespmem:v54+s3+$0x0], $0xffff  }
0x23a: {  	v50 =	vor.u32 v16, v44;
	v39 =	vmax.f32 v1, v7;
	v36 =	vxor.u32 s21, v0;
	v34 =	vld.idx.msk [tilespmem:v55+s3+$0x0], $0xffff  }
0x23b: {  	s20 =	sadd.s32 $0x3, s20;
	v7 =	vor.u32 v14, v36;
	v47 =	vor.u32 v16, v36;
	v55 =	vld.idx.msk [tilespmem:v57+s3+$0x0], $0xffff;
	v57 =	vor.u32 v15, v44  }
0x23c: {  	v1 =	vxor.u32 s20, v0;
	v45 =	vor.u32 v15, v36;
	v44 =	vor.u32 v13, v36  }
0x23d: {  	v53 =	vor.u32 v13, v1;
	v60 =	vor.u32 v14, v1;
	v37 =	vor.u32 v15, v1  }
0x23e: {  	v36 =	vor.u32 v16, v1;
	v59 =	vmin.f32 v5, v3;
	v49 =	vmax.f32 v5, v3  }
.Ltmp3:
0x23f: {  	v1 =	vmin.f32 v43, v59;
	v3 =	vmax.f32 v43, v59;
	v5 =	vmin.f32 v49, v42;
	v63 =	vld.idx.msk [tilespmem:v2+s3+$0x0], $0xffff;
	(pc) =	sbr.rel @p0 .LBB2_9-.Ltmp3, $4  }
0x240: {  	v2 =	vmin.f32 v33, v1;
	v62 =	vmax.f32 v33, v1;
	v1 =	vmin.f32 v46, v34;
	v59 =	vld.idx.msk [tilespmem:v50+s3+$0x0], $0xffff  }
0x241: {  	v33 =	vmax.f32 v46, v34;
	v43 =	vmax.f32 v3, v5;
	v61 =	vmax.f32 v4, v2  }
0x242: {  	v4 =	vmin.f32 v48, v1;
	v46 =	vmax.f32 v48, v1;
	v1 =	vmin.f32 v58, v55;
	v48 =	vld.idx.msk [tilespmem:v7+s3+$0x0], $0xffff  }
0x243: {  	v34 =	vmin.f32 v3, v5;
	v2 =	vmin.f32 v6, v4;
	v50 =	vmax.f32 v6, v4  }
0x244: {  	v2 =	vmax.f32 v41, v2  }
0x245: {  	v3 =	vmax.f32 v56, v1;
	v4 =	vmin.f32 v62, v34;
	v1 =	vmin.f32 v56, v1  }
0x246: {  	v6 =	vmin.f32 v33, v63;
	v34 =	vmax.f32 v62, v34;
	v63 =	vmax.f32 v33, v63  }
0x247: {  	v56 =	vmin.f32 v52, v54;
	v55 =	vmax.f32 v58, v55;
	v52 =	vmax.f32 v52, v54  }
0x248: {  	v5 =	vld.idx.msk [tilespmem:v44+s3+$0x0], $0xffff;
	v42 =	vmax.f32 v49, v42;
	v41 =	vmax.f32 v51, v1;
	v4 =	vmax.f32 v61, v4  }
0x249: {  	v7 =	vld.idx.msk [tilespmem:v57+s3+$0x0], $0xffff;
	v1 =	vmin.f32 v51, v1;
	v62 =	vmax.f32 v46, v6;
	v6 =	vmin.f32 v46, v6  }
0x24a: {  	v44 =	vld.idx.msk [tilespmem:v60+s3+$0x0], $0xffff;
	v49 =	vmin.f32 v55, v59;
	v58 =	vmax.f32 v40, v56;
	v40 =	vmin.f32 v40, v56  }
0x24b: {  	v47 =	vld.idx.msk [tilespmem:v47+s3+$0x0], $0xffff;
	v61 =	vmin.f32 v50, v6;
	v6 =	vmax.f32 v50, v6;
	v1 =	vmax.f32 v38, v1  }
0x24c: {  	v54 =	vmax.f32 v63, v48;
	v33 =	vmin.f32 v63, v48;
	v48 =	vmax.f32 v55, v59  }
0x24d: {  	v53 =	vld.idx.msk [tilespmem:v53+s3+$0x0], $0xffff;
	v2 =	vmax.f32 v2, v61;
	v61 =	vmin.f32 v35, v40;
	v63 =	vmin.f32 v62, v33  }
0x24e: {  	v33 =	vmax.f32 v62, v33;
	v39 =	vmax.f32 v39, v61;
	v46 =	vmin.f32 v52, v7  }
0x24f: {  	v45 =	vld.idx.msk [tilespmem:v45+s3+$0x0], $0xffff;
	v60 =	vmin.f32 v42, v5;
	v55 =	vmax.f32 v54, v44;
	v5 =	vmax.f32 v42, v5  }
0x250: {  	v44 =	vmin.f32 v54, v44;
	v50 =	vmin.f32 v48, v47;
	v7 =	vmax.f32 v52, v7  }
0x251: {  	v62 =	vmin.f32 v6, v63;
	v6 =	vmax.f32 v6, v63;
	v63 =	vmin.f32 v3, v49  }
0x252: {  	v3 =	vmax.f32 v3, v49;
	v42 =	vmin.f32 v5, v53;
	v54 =	vmin.f32 v33, v44  }
0x253: {  	v33 =	vmax.f32 v33, v44;
	v44 =	vmax.f32 v58, v46;
	v2 =	vmax.f32 v2, v62  }
0x254: {  	v52 =	vmin.f32 v7, v45;
	v7 =	vmax.f32 v7, v45;
	v38 =	vmin.f32 v43, v60  }
0x255: {  	v37 =	vld.idx.msk [tilespmem:v37+s3+$0x0], $0xffff;
	v45 =	vmin.f32 v41, v63;
	v60 =	vmax.f32 v43, v60;
	v41 =	vmax.f32 v41, v63  }
0x256: {  	v5 =	vmax.f32 v5, v53;
	v49 =	vmax.f32 v3, v50;
	v3 =	vmin.f32 v3, v50  }
0x257: {  	v57 =	vmin.f32 v58, v46;
	v58 =	vmax.f32 v48, v47;
	v59 =	vmin.f32 v6, v54  }
0x258: {  	v6 =	vmax.f32 v6, v54;
	v51 =	vmin.f32 v44, v52;
	v62 =	vmax.f32 v34, v38  }
0x259: {  	v36 =	vld.idx.msk [tilespmem:v36+s3+$0x0], $0xffff;
	v63 =	vmin.f32 v60, v42;
	v42 =	vmax.f32 v60, v42;
	v54 =	vmax.f32 v35, v40  }
0x25a: {  	v1 =	vmax.f32 v1, v45;
	v44 =	vmax.f32 v44, v52;
	v60 =	vmin.f32 v7, v37  }
0x25b: {  	v34 =	vmin.f32 v34, v38;
	v7 =	vmax.f32 v7, v37;
	v2 =	vmax.f32 v2, v59  }
0x25c: {  	v40 =	vmin.f32 v62, v63;
	v59 =	vmin.f32 v41, v3;
	v3 =	vmax.f32 v41, v3  }
0x25d: {  	v61 =	vmin.f32 v44, v60;
	v44 =	vmax.f32 v44, v60;
	v46 =	vmax.f32 v62, v63  }
0x25e: {  	v62 =	vmin.f32 v58, v36;
	v53 =	vmin.f32 v54, v57;
	v4 =	vmax.f32 v4, v34  }
0x25f: {  	v54 =	vmax.f32 v54, v57;
	v36 =	vmax.f32 v58, v36;
	v60 =	vmin.f32 v5, v55  }
0x260: {  	v1 =	vmax.f32 v1, v59;
	v63 =	vmin.f32 v49, v62;
	v47 =	vmax.f32 v49, v62  }
0x261: {  	v4 =	vmax.f32 v4, v40;
	v56 =	vmax.f32 v39, v53;
	v57 =	vmin.f32 v54, v51  }
0x262: {  	v34 =	vmax.f32 v54, v51;
	v59 =	vmax.f32 v42, v33;
	v39 =	vmax.f32 v5, v55  }
0x263: {  	v62 =	vmin.f32 v42, v55;
	v43 =	vmin.f32 v46, v55;
	v49 =	vmin.f32 v7, v36  }
0x264: {  	v51 =	vmin.f32 v44, v36;
	v52 =	vmin.f32 v3, v63;
	v3 =	vmax.f32 v3, v63  }
0x265: {  	v35 =	vmax.f32 v56, v57;
	v58 =	vmin.f32 v34, v61;
	v34 =	vmax.f32 v34, v61  }
0x266: {  	v37 =	vmax.f32 v59, v60;
	v61 =	vmax.f32 v46, v6;
	v63 =	vmin.f32 v42, v33  }
0x267: {  	v6 =	vmin.f32 v5, v6;
	v5 =	vmin.f32 v5, v33;
	v2 =	vmax.f32 v4, v2  }
0x268: {  	v46 =	vmax.f32 v7, v36;
	v48 =	vmax.f32 v44, v47;
	v56 =	vor.u32 $0xC, v11  }
0x269: {  	v60 =	vor.u32 $0xE, v11;
	v1 =	vmax.f32 v1, v52;
	v35 =	vmax.f32 v35, v58  }
0x26a: {  	v6 =	vmax.f32 v63, v6;
	v5 =	vmax.f32 v62, v5;
	v50 =	vmax.f32 v34, v3  }
0x26b: {  	v52 =	vmin.f32 v44, v47;
	v3 =	vmin.f32 v7, v3;
	v7 =	vmin.f32 v7, v47  }
0x26c: {  	v34 =	vmin.f32 v34, v36;
	v53 =	vmin.f32 v39, v46;
	v54 =	vmin.f32 v37, v46  }
0x26d: {  	v58 =	vor.u32 $0xD, v11;
	v45 =	vmax.f32 v43, v6;
	v5 =	vmax.f32 v61, v5  }
0x26e: {  	s19 =	simm.s32 $0x0;
	v3 =	vmax.f32 v52, v3;
	v7 =	vmax.f32 v51, v7;
	v1 =	vmax.f32 v35, v1  }
0x26f: {  	v6 =	vmax.f32 v48, v49;
	v61 =	vxor.u32 s19, v0;
	v2 =	vmax.f32 v2, v45  }
0x270: {  	v3 =	vmax.f32 v34, v3;
	v7 =	vmax.f32 v50, v7;
	v33 =	vmax.f32 v37, v6  }
0x271: {  	v55 =	vmin.f32 v39, v6;
	v6 =	vmin.f32 v37, v6;
	v62 =	vor.u32 v17, v61  }
0x272: {  	v4 =	vmin.f32 v5, v46;
	v38 =	vor.u32 v18, v61;
	v1 =	vmax.f32 v1, v3  }
0x273: {  	v3 =	vmax.f32 v39, v46;
	v1 =	vmax.f32 v2, v1;
	v2 =	vor.u32 $0xF, v11  }
0x274: {  	v57 =	vmax.f32 v5, v7;
	v35 =	vmax.f32 v54, v55;
	v7 =	vmin.f32 v39, v7  }
0x275: {  	s29 =	simm.s32 $0x1;
	v41 =	vimm.f32 $-Inf;
	v33 =	vmax.f32 v33, v53;
	v63 =	vmax.f32 v6, v7;
	[tilespmem:v56+s12+$0x0] =	vst.idx.msk $0xffff, v3  }
0x276: {  	v59 =	vmax.f32 v57, v35;
	v3 =	vxor.u32 s29, v0;
	v4 =	vmax.f32 v4, v63;
	[tilespmem:v58+s12+$0x0] =	vst.idx.msk $0xffff, v33  }
0x277: {  	s31 =	simm.s32 $0x3;
	v40 =	vimm.f32 $-Inf;
	v36 =	vor.u32 v17, v3;
	v1 =	vmax.f32 v1, v4;
	[tilespmem:v60+s12+$0x0] =	vst.idx.msk $0xffff, v59  }
0x278: {  	s30 =	simm.s32 $0x2;
	v43 =	vxor.u32 s31, v0;
	v51 =	vimm.f32 $-Inf;
	v52 =	vimm.f32 $-Inf;
	[tilespmem:v2+s12+$0x0] =	vst.idx.msk $0xffff, v1  }
0x279: {  	v37 =	vor.u32 v19, v43;
	v39 =	vxor.u32 s30, v0;
	v1 =	vor.u32 v20, v61;
	v2 =	vld.idx.msk [tilespmem:v62+s3+$0x0], $0xffff  }
0x27a: {  	v53 =	vor.u32 v17, v43;
	v6 =	vor.u32 v19, v61;
	v47 =	vor.u32 v20, v39  }
0x27b: {  	v44 =	vor.u32 v17, v39;
	v45 =	vor.u32 v19, v39;
	v56 =	vimm.f32 $-Inf;
	v4 =	vld.idx.msk [tilespmem:v38+s3+$0x0], $0xffff  }
0x27c: {  	v35 =	vimm.f32 $-Inf;
	v7 =	vor.u32 v18, v3;
	v5 =	vor.u32 v20, v3;
	v42 =	vld.idx.msk [tilespmem:v36+s3+$0x0], $0xffff  }
0x27d: {  	v57 =	vor.u32 v19, v3;
	v3 =	vor.u32 v18, v39;
	v39 =	vimm.f32 $-Inf  }
0x27e: {  	v60 =	vor.u32 v18, v43;
	v36 =	vor.u32 v20, v43;
	v55 =	vld.idx.msk [tilespmem:v1+s3+$0x0], $0xffff;
	v1 =	vmin.f32 v41, v2  }
0x27f: {  	v49 =	vmax.f32 v41, v2;
	v2 =	vmin.f32 v41, v1;
	v58 =	vmax.f32 v41, v1  }
0x280: {  	v1 =	vmin.f32 v41, v2;
	v62 =	vmax.f32 v41, v2;
	v2 =	vmin.f32 v41, v4  }
0x281: {  	v54 =	vld.idx.msk [tilespmem:v6+s3+$0x0], $0xffff;
	v38 =	vimm.f32 $-Inf;
	v59 =	vmin.f32 v49, v42;
	v63 =	vmin.f32 v41, v2  }
0x282: {  	v46 =	vmax.f32 v41, v2;
	v2 =	vmin.f32 v41, v63;
	v50 =	vmax.f32 v41, v63;
	v63 =	vld.idx.msk [tilespmem:v7+s3+$0x0], $0xffff  }
0x283: {  	v48 =	vld.idx.msk [tilespmem:v3+s3+$0x0], $0xffff;
	v33 =	vmax.f32 v41, v4;
	v43 =	vmax.f32 v58, v59;
	v34 =	vmin.f32 v58, v59  }
0x284: {  	s19 =	simm.s32 $0x4;
	v59 =	vld.idx.msk [tilespmem:v5+s3+$0x0], $0xffff;
	v58 =	vimm.f32 $-Inf;
	v61 =	vmax.f32 v41, v1;
	v1 =	vmin.f32 v41, v55  }
.LBB2_11:
0x285: {  	s21 =	sadd.s32 $0x1, s19  }
0x286: {  	p0 =	slt.u32 s19, $0x3C;
	v2 =	vmax.f32 v41, v2;
	v3 =	vmax.f32 v56, v1;
	v4 =	vmin.f32 v62, v34;
	v5 =	vld.idx.msk [tilespmem:v44+s3+$0x0], $0xffff;
	s20 =	smov.u32 s19;
	s19 =	sadd.s32 $0x4, s19  }
0x287: {  	v1 =	vmin.f32 v56, v1;
	v6 =	vmin.f32 v33, v63;
	v44 =	vxor.u32 s21, v0;
	v7 =	vld.idx.msk [tilespmem:v57+s3+$0x0], $0xffff  }
0x288: {  	v34 =	vmax.f32 v62, v34;
	v33 =	vmax.f32 v33, v63;
	v56 =	vmax.f32 v51, v1;
	v41 =	vld.idx.msk [tilespmem:v60+s3+$0x0], $0xffff  }
0x289: {  	v55 =	vmax.f32 v58, v55;
	v57 =	vmin.f32 v52, v54;
	v4 =	vmax.f32 v61, v4  }
0x28a: {  	v52 =	vmax.f32 v52, v54;
	v58 =	vor.u32 v17, v44;
	v54 =	vmax.f32 v33, v48;
	v53 =	vld.idx.msk [tilespmem:v53+s3+$0x0], $0xffff  }
0x28b: {  	v1 =	vmin.f32 v51, v1;
	v51 =	vmax.f32 v46, v6;
	v33 =	vmin.f32 v33, v48  }
0x28c: {  	v60 =	vmax.f32 v55, v59;
	v61 =	vmin.f32 v51, v33;
	v33 =	vmax.f32 v51, v33;
	v47 =	vld.idx.msk [tilespmem:v47+s3+$0x0], $0xffff  }
0x28d: {  	v42 =	vmax.f32 v49, v42;
	v6 =	vmin.f32 v46, v6;
	v49 =	vmin.f32 v52, v7  }
0x28e: {  	v51 =	vmin.f32 v55, v59;
	v55 =	vmin.f32 v42, v5;
	v46 =	vmax.f32 v54, v41;
	v45 =	vld.idx.msk [tilespmem:v45+s3+$0x0], $0xffff  }
0x28f: {  	v48 =	vmin.f32 v50, v6;
	v59 =	vmax.f32 v40, v57;
	v5 =	vmax.f32 v42, v5  }
0x290: {  	v2 =	vmax.f32 v2, v48;
	v41 =	vmin.f32 v54, v41;
	v42 =	vmin.f32 v5, v53  }
0x291: {  	v40 =	vmin.f32 v40, v57;
	v54 =	vmin.f32 v33, v41;
	v48 =	vmax.f32 v33, v41  }
0x292: {  	v6 =	vmax.f32 v50, v6;
	v33 =	vmax.f32 v59, v49;
	v50 =	vmin.f32 v60, v47  }
0x293: {  	v7 =	vmax.f32 v52, v7;
	v41 =	vmin.f32 v6, v61;
	v6 =	vmax.f32 v6, v61  }
0x294: {  	v52 =	vmin.f32 v3, v51;
	v2 =	vmax.f32 v2, v41;
	v57 =	vmin.f32 v7, v45  }
0x295: {  	v41 =	vmin.f32 v6, v54;
	v6 =	vmax.f32 v6, v54;
	v7 =	vmax.f32 v7, v45  }
0x296: {  	v1 =	vmax.f32 v38, v1;
	v38 =	vmin.f32 v43, v55;
	v41 =	vmax.f32 v2, v41  }
0x297: {  	v43 =	vmax.f32 v43, v55;
	v2 =	vmin.f32 v56, v52;
	v45 =	vmin.f32 v33, v57;
	v37 =	vld.idx.msk [tilespmem:v37+s3+$0x0], $0xffff  }
0x298: {  	v55 =	vmax.f32 v34, v38;
	v54 =	vmin.f32 v35, v40;
	v52 =	vmax.f32 v56, v52  }
0x299: {  	v3 =	vmax.f32 v3, v51;
	v5 =	vmax.f32 v5, v53;
	v39 =	vmax.f32 v39, v54;
	v36 =	vld.idx.msk [tilespmem:v36+s3+$0x0], $0xffff  }
0x29a: {  	v53 =	vmin.f32 v43, v42;
	v43 =	vmax.f32 v43, v42;
	v51 =	vmax.f32 v3, v50  }
0x29b: {  	v35 =	vmax.f32 v35, v40;
	v42 =	vmin.f32 v55, v53;
	v3 =	vmin.f32 v3, v50  }
0x29c: {  	v49 =	vmin.f32 v59, v49;
	v1 =	vmax.f32 v1, v2;
	v2 =	vmax.f32 v60, v47  }
0x29d: {  	v47 =	vmin.f32 v52, v3;
	v33 =	vmax.f32 v33, v57;
	v40 =	vmin.f32 v7, v37  }
0x29e: {  	v3 =	vmax.f32 v52, v3;
	v50 =	vmin.f32 v33, v40;
	v40 =	vmax.f32 v33, v40  }
0x29f: {  	v1 =	vmax.f32 v1, v47;
	v33 =	vmax.f32 v55, v53;
	v47 =	vmin.f32 v2, v36  }
0x2a0: {  	v52 =	vxor.u32 s20, v0;
	v53 =	vmin.f32 v51, v47;
	v56 =	vmax.f32 v51, v47  }
0x2a1: {  	v34 =	vmin.f32 v34, v38;
	v55 =	vor.u32 v18, v52;
	v47 =	vor.u32 v17, v52  }
0x2a2: {  	v54 =	vor.u32 v19, v52;
	v57 =	vor.u32 v20, v52;
	v38 =	vmin.f32 v3, v53  }
0x2a3: {  	v4 =	vmax.f32 v4, v34;
	v51 =	vmin.f32 v35, v49;
	v35 =	vmax.f32 v35, v49  }
0x2a4: {  	v4 =	vmax.f32 v4, v42;
	v52 =	vmax.f32 v7, v37;
	v38 =	vmax.f32 v1, v38  }
0x2a5: {  	v7 =	vmin.f32 v35, v45;
	v1 =	vmax.f32 v39, v51;
	v51 =	vmax.f32 v3, v53;
	v42 =	vld.idx.msk [tilespmem:v58+s3+$0x0], $0xffff  }
0x2a6: {  	v34 =	vmax.f32 v35, v45;
	v1 =	vmax.f32 v1, v7;
	v58 =	vmax.f32 v2, v36;
	v3 =	vld.idx.msk [tilespmem:v47+s3+$0x0], $0xffff  }
0x2a7: {  	s21 =	sadd.s32 $0x2, s20;
	v35 =	vmax.f32 v34, v50;
	v7 =	vmin.f32 v34, v50;
	v2 =	vor.u32 v18, v44;
	v54 =	vld.idx.msk [tilespmem:v54+s3+$0x0], $0xffff  }
0x2a8: {  	v50 =	vor.u32 v20, v44;
	v39 =	vmax.f32 v1, v7;
	v36 =	vxor.u32 s21, v0;
	v34 =	vld.idx.msk [tilespmem:v55+s3+$0x0], $0xffff  }
0x2a9: {  	s20 =	sadd.s32 $0x3, s20;
	v7 =	vor.u32 v18, v36;
	v47 =	vor.u32 v20, v36;
	v55 =	vld.idx.msk [tilespmem:v57+s3+$0x0], $0xffff;
	v57 =	vor.u32 v19, v44  }
0x2aa: {  	v1 =	vxor.u32 s20, v0;
	v45 =	vor.u32 v19, v36;
	v44 =	vor.u32 v17, v36  }
0x2ab: {  	v53 =	vor.u32 v17, v1;
	v60 =	vor.u32 v18, v1;
	v37 =	vor.u32 v19, v1  }
0x2ac: {  	v36 =	vor.u32 v20, v1;
	v59 =	vmin.f32 v5, v3;
	v49 =	vmax.f32 v5, v3  }
.Ltmp4:
0x2ad: {  	v1 =	vmin.f32 v43, v59;
	v3 =	vmax.f32 v43, v59;
	v5 =	vmin.f32 v49, v42;
	v63 =	vld.idx.msk [tilespmem:v2+s3+$0x0], $0xffff;
	(pc) =	sbr.rel @p0 .LBB2_11-.Ltmp4, $4  }
0x2ae: {  	v2 =	vmin.f32 v33, v1;
	v62 =	vmax.f32 v33, v1;
	v1 =	vmin.f32 v46, v34;
	v59 =	vld.idx.msk [tilespmem:v50+s3+$0x0], $0xffff  }
0x2af: {  	v33 =	vmax.f32 v46, v34;
	v43 =	vmax.f32 v3, v5;
	v61 =	vmax.f32 v4, v2  }
0x2b0: {  	v4 =	vmin.f32 v48, v1;
	v46 =	vmax.f32 v48, v1;
	v1 =	vmin.f32 v58, v55;
	v48 =	vld.idx.msk [tilespmem:v7+s3+$0x0], $0xffff  }
0x2b1: {  	v34 =	vmin.f32 v3, v5;
	v2 =	vmin.f32 v6, v4;
	v50 =	vmax.f32 v6, v4  }
0x2b2: {  	v2 =	vmax.f32 v41, v2  }
0x2b3: {  	v3 =	vmax.f32 v56, v1;
	v4 =	vmin.f32 v62, v34;
	v1 =	vmin.f32 v56, v1  }
0x2b4: {  	v6 =	vmin.f32 v33, v63;
	v34 =	vmax.f32 v62, v34;
	v63 =	vmax.f32 v33, v63  }
0x2b5: {  	v56 =	vmin.f32 v52, v54;
	v55 =	vmax.f32 v58, v55;
	v52 =	vmax.f32 v52, v54  }
0x2b6: {  	v5 =	vld.idx.msk [tilespmem:v44+s3+$0x0], $0xffff;
	v42 =	vmax.f32 v49, v42;
	v41 =	vmax.f32 v51, v1;
	v4 =	vmax.f32 v61, v4  }
0x2b7: {  	v7 =	vld.idx.msk [tilespmem:v57+s3+$0x0], $0xffff;
	v1 =	vmin.f32 v51, v1;
	v62 =	vmax.f32 v46, v6;
	v6 =	vmin.f32 v46, v6  }
0x2b8: {  	v44 =	vld.idx.msk [tilespmem:v60+s3+$0x0], $0xffff;
	v49 =	vmin.f32 v55, v59;
	v58 =	vmax.f32 v40, v56;
	v40 =	vmin.f32 v40, v56  }
0x2b9: {  	v47 =	vld.idx.msk [tilespmem:v47+s3+$0x0], $0xffff;
	v61 =	vmin.f32 v50, v6;
	v6 =	vmax.f32 v50, v6;
	v1 =	vmax.f32 v38, v1  }
0x2ba: {  	v54 =	vmax.f32 v63, v48;
	v33 =	vmin.f32 v63, v48;
	v48 =	vmax.f32 v55, v59  }
0x2bb: {  	v53 =	vld.idx.msk [tilespmem:v53+s3+$0x0], $0xffff;
	v2 =	vmax.f32 v2, v61;
	v61 =	vmin.f32 v35, v40;
	v63 =	vmin.f32 v62, v33  }
0x2bc: {  	v33 =	vmax.f32 v62, v33;
	v39 =	vmax.f32 v39, v61;
	v46 =	vmin.f32 v52, v7  }
0x2bd: {  	v45 =	vld.idx.msk [tilespmem:v45+s3+$0x0], $0xffff;
	v60 =	vmin.f32 v42, v5;
	v55 =	vmax.f32 v54, v44;
	v5 =	vmax.f32 v42, v5  }
0x2be: {  	v44 =	vmin.f32 v54, v44;
	v50 =	vmin.f32 v48, v47;
	v7 =	vmax.f32 v52, v7  }
0x2bf: {  	v62 =	vmin.f32 v6, v63;
	v6 =	vmax.f32 v6, v63;
	v63 =	vmin.f32 v3, v49  }
0x2c0: {  	v3 =	vmax.f32 v3, v49;
	v42 =	vmin.f32 v5, v53;
	v54 =	vmin.f32 v33, v44  }
0x2c1: {  	v33 =	vmax.f32 v33, v44;
	v44 =	vmax.f32 v58, v46;
	v2 =	vmax.f32 v2, v62  }
0x2c2: {  	v52 =	vmin.f32 v7, v45;
	v7 =	vmax.f32 v7, v45;
	v38 =	vmin.f32 v43, v60  }
0x2c3: {  	v37 =	vld.idx.msk [tilespmem:v37+s3+$0x0], $0xffff;
	v45 =	vmin.f32 v41, v63;
	v60 =	vmax.f32 v43, v60;
	v41 =	vmax.f32 v41, v63  }
0x2c4: {  	v5 =	vmax.f32 v5, v53;
	v49 =	vmax.f32 v3, v50;
	v3 =	vmin.f32 v3, v50  }
0x2c5: {  	v57 =	vmin.f32 v58, v46;
	v58 =	vmax.f32 v48, v47;
	v59 =	vmin.f32 v6, v54  }
0x2c6: {  	v6 =	vmax.f32 v6, v54;
	v51 =	vmin.f32 v44, v52;
	v62 =	vmax.f32 v34, v38  }
0x2c7: {  	v36 =	vld.idx.msk [tilespmem:v36+s3+$0x0], $0xffff;
	v63 =	vmin.f32 v60, v42;
	v42 =	vmax.f32 v60, v42;
	v54 =	vmax.f32 v35, v40  }
0x2c8: {  	v1 =	vmax.f32 v1, v45;
	v44 =	vmax.f32 v44, v52;
	v60 =	vmin.f32 v7, v37  }
0x2c9: {  	v34 =	vmin.f32 v34, v38;
	v7 =	vmax.f32 v7, v37;
	v2 =	vmax.f32 v2, v59  }
0x2ca: {  	v40 =	vmin.f32 v62, v63;
	v59 =	vmin.f32 v41, v3;
	v3 =	vmax.f32 v41, v3  }
0x2cb: {  	v61 =	vmin.f32 v44, v60;
	v44 =	vmax.f32 v44, v60;
	v46 =	vmax.f32 v62, v63  }
0x2cc: {  	v62 =	vmin.f32 v58, v36;
	v53 =	vmin.f32 v54, v57;
	v4 =	vmax.f32 v4, v34  }
0x2cd: {  	v54 =	vmax.f32 v54, v57;
	v36 =	vmax.f32 v58, v36;
	v60 =	vmin.f32 v5, v55  }
0x2ce: {  	v1 =	vmax.f32 v1, v59;
	v63 =	vmin.f32 v49, v62;
	v47 =	vmax.f32 v49, v62  }
0x2cf: {  	v4 =	vmax.f32 v4, v40;
	v56 =	vmax.f32 v39, v53;
	v57 =	vmin.f32 v54, v51  }
0x2d0: {  	v34 =	vmax.f32 v54, v51;
	v59 =	vmax.f32 v42, v33;
	v39 =	vmax.f32 v5, v55  }
0x2d1: {  	v62 =	vmin.f32 v42, v55;
	v43 =	vmin.f32 v46, v55;
	v49 =	vmin.f32 v7, v36  }
0x2d2: {  	v51 =	vmin.f32 v44, v36;
	v52 =	vmin.f32 v3, v63;
	v3 =	vmax.f32 v3, v63  }
0x2d3: {  	v35 =	vmax.f32 v56, v57;
	v58 =	vmin.f32 v34, v61;
	v34 =	vmax.f32 v34, v61  }
0x2d4: {  	v37 =	vmax.f32 v59, v60;
	v61 =	vmax.f32 v46, v6;
	v63 =	vmin.f32 v42, v33  }
0x2d5: {  	v6 =	vmin.f32 v5, v6;
	v5 =	vmin.f32 v5, v33;
	v2 =	vmax.f32 v4, v2  }
0x2d6: {  	v46 =	vmax.f32 v7, v36;
	v48 =	vmax.f32 v44, v47;
	v56 =	vor.u32 $0x10, v11  }
0x2d7: {  	v60 =	vor.u32 $0x12, v11;
	v1 =	vmax.f32 v1, v52;
	v35 =	vmax.f32 v35, v58  }
0x2d8: {  	v6 =	vmax.f32 v63, v6;
	v5 =	vmax.f32 v62, v5;
	v50 =	vmax.f32 v34, v3  }
0x2d9: {  	v52 =	vmin.f32 v44, v47;
	v3 =	vmin.f32 v7, v3;
	v7 =	vmin.f32 v7, v47  }
0x2da: {  	v34 =	vmin.f32 v34, v36;
	v53 =	vmin.f32 v39, v46;
	v54 =	vmin.f32 v37, v46  }
0x2db: {  	v58 =	vor.u32 $0x11, v11;
	v45 =	vmax.f32 v43, v6;
	v5 =	vmax.f32 v61, v5  }
0x2dc: {  	s19 =	simm.s32 $0x0;
	v3 =	vmax.f32 v52, v3;
	v7 =	vmax.f32 v51, v7;
	v1 =	vmax.f32 v35, v1  }
0x2dd: {  	v6 =	vmax.f32 v48, v49;
	v61 =	vxor.u32 s19, v0;
	v2 =	vmax.f32 v2, v45  }
0x2de: {  	v3 =	vmax.f32 v34, v3;
	v7 =	vmax.f32 v50, v7;
	v33 =	vmax.f32 v37, v6  }
0x2df: {  	v55 =	vmin.f32 v39, v6;
	v6 =	vmin.f32 v37, v6;
	v62 =	vor.u32 v21, v61  }
0x2e0: {  	v4 =	vmin.f32 v5, v46;
	v38 =	vor.u32 v22, v61;
	v1 =	vmax.f32 v1, v3  }
0x2e1: {  	v3 =	vmax.f32 v39, v46;
	v1 =	vmax.f32 v2, v1;
	v2 =	vor.u32 $0x13, v11  }
0x2e2: {  	v57 =	vmax.f32 v5, v7;
	v35 =	vmax.f32 v54, v55;
	v7 =	vmin.f32 v39, v7  }
0x2e3: {  	s29 =	simm.s32 $0x1;
	v41 =	vimm.f32 $-Inf;
	v33 =	vmax.f32 v33, v53;
	v63 =	vmax.f32 v6, v7;
	[tilespmem:v56+s12+$0x0] =	vst.idx.msk $0xffff, v3  }
0x2e4: {  	v59 =	vmax.f32 v57, v35;
	v3 =	vxor.u32 s29, v0;
	v4 =	vmax.f32 v4, v63;
	[tilespmem:v58+s12+$0x0] =	vst.idx.msk $0xffff, v33  }
0x2e5: {  	s31 =	simm.s32 $0x3;
	v40 =	vimm.f32 $-Inf;
	v36 =	vor.u32 v21, v3;
	v1 =	vmax.f32 v1, v4;
	[tilespmem:v60+s12+$0x0] =	vst.idx.msk $0xffff, v59  }
0x2e6: {  	s30 =	simm.s32 $0x2;
	v43 =	vxor.u32 s31, v0;
	v51 =	vimm.f32 $-Inf;
	v52 =	vimm.f32 $-Inf;
	[tilespmem:v2+s12+$0x0] =	vst.idx.msk $0xffff, v1  }
0x2e7: {  	v37 =	vor.u32 v23, v43;
	v39 =	vxor.u32 s30, v0;
	v1 =	vor.u32 v24, v61;
	v2 =	vld.idx.msk [tilespmem:v62+s3+$0x0], $0xffff  }
0x2e8: {  	v53 =	vor.u32 v21, v43;
	v6 =	vor.u32 v23, v61;
	v47 =	vor.u32 v24, v39  }
0x2e9: {  	v44 =	vor.u32 v21, v39;
	v45 =	vor.u32 v23, v39;
	v56 =	vimm.f32 $-Inf;
	v4 =	vld.idx.msk [tilespmem:v38+s3+$0x0], $0xffff  }
0x2ea: {  	v35 =	vimm.f32 $-Inf;
	v7 =	vor.u32 v22, v3;
	v5 =	vor.u32 v24, v3;
	v42 =	vld.idx.msk [tilespmem:v36+s3+$0x0], $0xffff  }
0x2eb: {  	v57 =	vor.u32 v23, v3;
	v3 =	vor.u32 v22, v39;
	v39 =	vimm.f32 $-Inf  }
0x2ec: {  	v60 =	vor.u32 v22, v43;
	v36 =	vor.u32 v24, v43;
	v55 =	vld.idx.msk [tilespmem:v1+s3+$0x0], $0xffff;
	v1 =	vmin.f32 v41, v2  }
0x2ed: {  	v49 =	vmax.f32 v41, v2;
	v2 =	vmin.f32 v41, v1;
	v58 =	vmax.f32 v41, v1  }
0x2ee: {  	v1 =	vmin.f32 v41, v2;
	v62 =	vmax.f32 v41, v2;
	v2 =	vmin.f32 v41, v4  }
0x2ef: {  	v54 =	vld.idx.msk [tilespmem:v6+s3+$0x0], $0xffff;
	v38 =	vimm.f32 $-Inf;
	v59 =	vmin.f32 v49, v42;
	v63 =	vmin.f32 v41, v2  }
0x2f0: {  	v46 =	vmax.f32 v41, v2;
	v2 =	vmin.f32 v41, v63;
	v50 =	vmax.f32 v41, v63;
	v63 =	vld.idx.msk [tilespmem:v7+s3+$0x0], $0xffff  }
0x2f1: {  	v48 =	vld.idx.msk [tilespmem:v3+s3+$0x0], $0xffff;
	v33 =	vmax.f32 v41, v4;
	v43 =	vmax.f32 v58, v59;
	v34 =	vmin.f32 v58, v59  }
0x2f2: {  	s19 =	simm.s32 $0x4;
	v59 =	vld.idx.msk [tilespmem:v5+s3+$0x0], $0xffff;
	v58 =	vimm.f32 $-Inf;
	v61 =	vmax.f32 v41, v1;
	v1 =	vmin.f32 v41, v55  }
.LBB2_13:
0x2f3: {  	s21 =	sadd.s32 $0x1, s19  }
0x2f4: {  	p0 =	slt.u32 s19, $0x3C;
	v2 =	vmax.f32 v41, v2;
	v3 =	vmax.f32 v56, v1;
	v4 =	vmin.f32 v62, v34;
	v5 =	vld.idx.msk [tilespmem:v44+s3+$0x0], $0xffff;
	s20 =	smov.u32 s19;
	s19 =	sadd.s32 $0x4, s19  }
0x2f5: {  	v1 =	vmin.f32 v56, v1;
	v6 =	vmin.f32 v33, v63;
	v44 =	vxor.u32 s21, v0;
	v7 =	vld.idx.msk [tilespmem:v57+s3+$0x0], $0xffff  }
0x2f6: {  	v34 =	vmax.f32 v62, v34;
	v33 =	vmax.f32 v33, v63;
	v56 =	vmax.f32 v51, v1;
	v41 =	vld.idx.msk [tilespmem:v60+s3+$0x0], $0xffff  }
0x2f7: {  	v55 =	vmax.f32 v58, v55;
	v57 =	vmin.f32 v52, v54;
	v4 =	vmax.f32 v61, v4  }
0x2f8: {  	v52 =	vmax.f32 v52, v54;
	v58 =	vor.u32 v21, v44;
	v54 =	vmax.f32 v33, v48;
	v53 =	vld.idx.msk [tilespmem:v53+s3+$0x0], $0xffff  }
0x2f9: {  	v1 =	vmin.f32 v51, v1;
	v51 =	vmax.f32 v46, v6;
	v33 =	vmin.f32 v33, v48  }
0x2fa: {  	v60 =	vmax.f32 v55, v59;
	v61 =	vmin.f32 v51, v33;
	v33 =	vmax.f32 v51, v33;
	v47 =	vld.idx.msk [tilespmem:v47+s3+$0x0], $0xffff  }
0x2fb: {  	v42 =	vmax.f32 v49, v42;
	v6 =	vmin.f32 v46, v6;
	v49 =	vmin.f32 v52, v7  }
0x2fc: {  	v51 =	vmin.f32 v55, v59;
	v55 =	vmin.f32 v42, v5;
	v46 =	vmax.f32 v54, v41;
	v45 =	vld.idx.msk [tilespmem:v45+s3+$0x0], $0xffff  }
0x2fd: {  	v48 =	vmin.f32 v50, v6;
	v59 =	vmax.f32 v40, v57;
	v5 =	vmax.f32 v42, v5  }
0x2fe: {  	v2 =	vmax.f32 v2, v48;
	v41 =	vmin.f32 v54, v41;
	v42 =	vmin.f32 v5, v53  }
0x2ff: {  	v40 =	vmin.f32 v40, v57;
	v54 =	vmin.f32 v33, v41;
	v48 =	vmax.f32 v33, v41  }
0x300: {  	v6 =	vmax.f32 v50, v6;
	v33 =	vmax.f32 v59, v49;
	v50 =	vmin.f32 v60, v47  }
0x301: {  	v7 =	vmax.f32 v52, v7;
	v41 =	vmin.f32 v6, v61;
	v6 =	vmax.f32 v6, v61  }
0x302: {  	v52 =	vmin.f32 v3, v51;
	v2 =	vmax.f32 v2, v41;
	v57 =	vmin.f32 v7, v45  }
0x303: {  	v41 =	vmin.f32 v6, v54;
	v6 =	vmax.f32 v6, v54;
	v7 =	vmax.f32 v7, v45  }
0x304: {  	v1 =	vmax.f32 v38, v1;
	v38 =	vmin.f32 v43, v55;
	v41 =	vmax.f32 v2, v41  }
0x305: {  	v43 =	vmax.f32 v43, v55;
	v2 =	vmin.f32 v56, v52;
	v45 =	vmin.f32 v33, v57;
	v37 =	vld.idx.msk [tilespmem:v37+s3+$0x0], $0xffff  }
0x306: {  	v55 =	vmax.f32 v34, v38;
	v54 =	vmin.f32 v35, v40;
	v52 =	vmax.f32 v56, v52  }
0x307: {  	v3 =	vmax.f32 v3, v51;
	v5 =	vmax.f32 v5, v53;
	v39 =	vmax.f32 v39, v54;
	v36 =	vld.idx.msk [tilespmem:v36+s3+$0x0], $0xffff  }
0x308: {  	v53 =	vmin.f32 v43, v42;
	v43 =	vmax.f32 v43, v42;
	v51 =	vmax.f32 v3, v50  }
0x309: {  	v35 =	vmax.f32 v35, v40;
	v42 =	vmin.f32 v55, v53;
	v3 =	vmin.f32 v3, v50  }
0x30a: {  	v49 =	vmin.f32 v59, v49;
	v1 =	vmax.f32 v1, v2;
	v2 =	vmax.f32 v60, v47  }
0x30b: {  	v47 =	vmin.f32 v52, v3;
	v33 =	vmax.f32 v33, v57;
	v40 =	vmin.f32 v7, v37  }
0x30c: {  	v3 =	vmax.f32 v52, v3;
	v50 =	vmin.f32 v33, v40;
	v40 =	vmax.f32 v33, v40  }
0x30d: {  	v1 =	vmax.f32 v1, v47;
	v33 =	vmax.f32 v55, v53;
	v47 =	vmin.f32 v2, v36  }
0x30e: {  	v52 =	vxor.u32 s20, v0;
	v53 =	vmin.f32 v51, v47;
	v56 =	vmax.f32 v51, v47  }
0x30f: {  	v34 =	vmin.f32 v34, v38;
	v55 =	vor.u32 v22, v52;
	v47 =	vor.u32 v21, v52  }
0x310: {  	v54 =	vor.u32 v23, v52;
	v57 =	vor.u32 v24, v52;
	v38 =	vmin.f32 v3, v53  }
0x311: {  	v4 =	vmax.f32 v4, v34;
	v51 =	vmin.f32 v35, v49;
	v35 =	vmax.f32 v35, v49  }
0x312: {  	v4 =	vmax.f32 v4, v42;
	v52 =	vmax.f32 v7, v37;
	v38 =	vmax.f32 v1, v38  }
0x313: {  	v7 =	vmin.f32 v35, v45;
	v1 =	vmax.f32 v39, v51;
	v51 =	vmax.f32 v3, v53;
	v42 =	vld.idx.msk [tilespmem:v58+s3+$0x0], $0xffff  }
0x314: {  	v34 =	vmax.f32 v35, v45;
	v1 =	vmax.f32 v1, v7;
	v58 =	vmax.f32 v2, v36;
	v3 =	vld.idx.msk [tilespmem:v47+s3+$0x0], $0xffff  }
0x315: {  	s21 =	sadd.s32 $0x2, s20;
	v35 =	vmax.f32 v34, v50;
	v7 =	vmin.f32 v34, v50;
	v2 =	vor.u32 v22, v44;
	v54 =	vld.idx.msk [tilespmem:v54+s3+$0x0], $0xffff  }
0x316: {  	v50 =	vor.u32 v24, v44;
	v39 =	vmax.f32 v1, v7;
	v36 =	vxor.u32 s21, v0;
	v34 =	vld.idx.msk [tilespmem:v55+s3+$0x0], $0xffff  }
0x317: {  	s20 =	sadd.s32 $0x3, s20;
	v7 =	vor.u32 v22, v36;
	v47 =	vor.u32 v24, v36;
	v55 =	vld.idx.msk [tilespmem:v57+s3+$0x0], $0xffff;
	v57 =	vor.u32 v23, v44  }
0x318: {  	v1 =	vxor.u32 s20, v0;
	v45 =	vor.u32 v23, v36;
	v44 =	vor.u32 v21, v36  }
0x319: {  	v53 =	vor.u32 v21, v1;
	v60 =	vor.u32 v22, v1;
	v37 =	vor.u32 v23, v1  }
0x31a: {  	v36 =	vor.u32 v24, v1;
	v59 =	vmin.f32 v5, v3;
	v49 =	vmax.f32 v5, v3  }
.Ltmp5:
0x31b: {  	v1 =	vmin.f32 v43, v59;
	v3 =	vmax.f32 v43, v59;
	v5 =	vmin.f32 v49, v42;
	v63 =	vld.idx.msk [tilespmem:v2+s3+$0x0], $0xffff;
	(pc) =	sbr.rel @p0 .LBB2_13-.Ltmp5, $4  }
0x31c: {  	v2 =	vmin.f32 v33, v1;
	v62 =	vmax.f32 v33, v1;
	v1 =	vmin.f32 v46, v34;
	v59 =	vld.idx.msk [tilespmem:v50+s3+$0x0], $0xffff  }
0x31d: {  	v33 =	vmax.f32 v46, v34;
	v43 =	vmax.f32 v3, v5;
	v61 =	vmax.f32 v4, v2  }
0x31e: {  	v4 =	vmin.f32 v48, v1;
	v46 =	vmax.f32 v48, v1;
	v1 =	vmin.f32 v58, v55;
	v48 =	vld.idx.msk [tilespmem:v7+s3+$0x0], $0xffff  }
0x31f: {  	v34 =	vmin.f32 v3, v5;
	v2 =	vmin.f32 v6, v4;
	v50 =	vmax.f32 v6, v4  }
0x320: {  	v2 =	vmax.f32 v41, v2  }
0x321: {  	v3 =	vmax.f32 v56, v1;
	v4 =	vmin.f32 v62, v34;
	v1 =	vmin.f32 v56, v1  }
0x322: {  	v6 =	vmin.f32 v33, v63;
	v34 =	vmax.f32 v62, v34;
	v63 =	vmax.f32 v33, v63  }
0x323: {  	v56 =	vmin.f32 v52, v54;
	v55 =	vmax.f32 v58, v55;
	v52 =	vmax.f32 v52, v54  }
0x324: {  	v5 =	vld.idx.msk [tilespmem:v44+s3+$0x0], $0xffff;
	v42 =	vmax.f32 v49, v42;
	v41 =	vmax.f32 v51, v1;
	v4 =	vmax.f32 v61, v4  }
0x325: {  	v7 =	vld.idx.msk [tilespmem:v57+s3+$0x0], $0xffff;
	v1 =	vmin.f32 v51, v1;
	v62 =	vmax.f32 v46, v6;
	v6 =	vmin.f32 v46, v6  }
0x326: {  	v44 =	vld.idx.msk [tilespmem:v60+s3+$0x0], $0xffff;
	v49 =	vmin.f32 v55, v59;
	v58 =	vmax.f32 v40, v56;
	v40 =	vmin.f32 v40, v56  }
0x327: {  	v47 =	vld.idx.msk [tilespmem:v47+s3+$0x0], $0xffff;
	v61 =	vmin.f32 v50, v6;
	v6 =	vmax.f32 v50, v6;
	v1 =	vmax.f32 v38, v1  }
0x328: {  	v54 =	vmax.f32 v63, v48;
	v33 =	vmin.f32 v63, v48;
	v48 =	vmax.f32 v55, v59  }
0x329: {  	v53 =	vld.idx.msk [tilespmem:v53+s3+$0x0], $0xffff;
	v2 =	vmax.f32 v2, v61;
	v61 =	vmin.f32 v35, v40;
	v63 =	vmin.f32 v62, v33  }
0x32a: {  	v33 =	vmax.f32 v62, v33;
	v39 =	vmax.f32 v39, v61;
	v46 =	vmin.f32 v52, v7  }
0x32b: {  	v45 =	vld.idx.msk [tilespmem:v45+s3+$0x0], $0xffff;
	v60 =	vmin.f32 v42, v5;
	v55 =	vmax.f32 v54, v44;
	v5 =	vmax.f32 v42, v5  }
0x32c: {  	v44 =	vmin.f32 v54, v44;
	v50 =	vmin.f32 v48, v47;
	v7 =	vmax.f32 v52, v7  }
0x32d: {  	v62 =	vmin.f32 v6, v63;
	v6 =	vmax.f32 v6, v63;
	v63 =	vmin.f32 v3, v49  }
0x32e: {  	v3 =	vmax.f32 v3, v49;
	v42 =	vmin.f32 v5, v53;
	v54 =	vmin.f32 v33, v44  }
0x32f: {  	v33 =	vmax.f32 v33, v44;
	v44 =	vmax.f32 v58, v46;
	v2 =	vmax.f32 v2, v62  }
0x330: {  	v52 =	vmin.f32 v7, v45;
	v7 =	vmax.f32 v7, v45;
	v38 =	vmin.f32 v43, v60  }
0x331: {  	v37 =	vld.idx.msk [tilespmem:v37+s3+$0x0], $0xffff;
	v45 =	vmin.f32 v41, v63;
	v60 =	vmax.f32 v43, v60;
	v41 =	vmax.f32 v41, v63  }
0x332: {  	v5 =	vmax.f32 v5, v53;
	v49 =	vmax.f32 v3, v50;
	v3 =	vmin.f32 v3, v50  }
0x333: {  	v57 =	vmin.f32 v58, v46;
	v58 =	vmax.f32 v48, v47;
	v59 =	vmin.f32 v6, v54  }
0x334: {  	v6 =	vmax.f32 v6, v54;
	v51 =	vmin.f32 v44, v52;
	v62 =	vmax.f32 v34, v38  }
0x335: {  	v36 =	vld.idx.msk [tilespmem:v36+s3+$0x0], $0xffff;
	v63 =	vmin.f32 v60, v42;
	v42 =	vmax.f32 v60, v42;
	v54 =	vmax.f32 v35, v40  }
0x336: {  	v1 =	vmax.f32 v1, v45;
	v44 =	vmax.f32 v44, v52;
	v60 =	vmin.f32 v7, v37  }
0x337: {  	v34 =	vmin.f32 v34, v38;
	v7 =	vmax.f32 v7, v37;
	v2 =	vmax.f32 v2, v59  }
0x338: {  	v40 =	vmin.f32 v62, v63;
	v59 =	vmin.f32 v41, v3;
	v3 =	vmax.f32 v41, v3  }
0x339: {  	v61 =	vmin.f32 v44, v60;
	v44 =	vmax.f32 v44, v60;
	v46 =	vmax.f32 v62, v63  }
0x33a: {  	v62 =	vmin.f32 v58, v36;
	v53 =	vmin.f32 v54, v57;
	v4 =	vmax.f32 v4, v34  }
0x33b: {  	v54 =	vmax.f32 v54, v57;
	v36 =	vmax.f32 v58, v36;
	v60 =	vmin.f32 v5, v55  }
0x33c: {  	v1 =	vmax.f32 v1, v59;
	v63 =	vmin.f32 v49, v62;
	v47 =	vmax.f32 v49, v62  }
0x33d: {  	v4 =	vmax.f32 v4, v40;
	v56 =	vmax.f32 v39, v53;
	v57 =	vmin.f32 v54, v51  }
0x33e: {  	v34 =	vmax.f32 v54, v51;
	v59 =	vmax.f32 v42, v33;
	v39 =	vmax.f32 v5, v55  }
0x33f: {  	v62 =	vmin.f32 v42, v55;
	v43 =	vmin.f32 v46, v55;
	v49 =	vmin.f32 v7, v36  }
0x340: {  	v51 =	vmin.f32 v44, v36;
	v52 =	vmin.f32 v3, v63;
	v3 =	vmax.f32 v3, v63  }
0x341: {  	v35 =	vmax.f32 v56, v57;
	v58 =	vmin.f32 v34, v61;
	v34 =	vmax.f32 v34, v61  }
0x342: {  	v37 =	vmax.f32 v59, v60;
	v61 =	vmax.f32 v46, v6;
	v63 =	vmin.f32 v42, v33  }
0x343: {  	v6 =	vmin.f32 v5, v6;
	v5 =	vmin.f32 v5, v33;
	v2 =	vmax.f32 v4, v2  }
0x344: {  	v46 =	vmax.f32 v7, v36;
	v48 =	vmax.f32 v44, v47;
	v56 =	vor.u32 $0x14, v11  }
0x345: {  	v60 =	vor.u32 $0x16, v11;
	v1 =	vmax.f32 v1, v52;
	v35 =	vmax.f32 v35, v58  }
0x346: {  	v6 =	vmax.f32 v63, v6;
	v5 =	vmax.f32 v62, v5;
	v50 =	vmax.f32 v34, v3  }
0x347: {  	v52 =	vmin.f32 v44, v47;
	v3 =	vmin.f32 v7, v3;
	v7 =	vmin.f32 v7, v47  }
0x348: {  	v34 =	vmin.f32 v34, v36;
	v53 =	vmin.f32 v39, v46;
	v54 =	vmin.f32 v37, v46  }
0x349: {  	v58 =	vor.u32 $0x15, v11;
	v45 =	vmax.f32 v43, v6;
	v5 =	vmax.f32 v61, v5  }
0x34a: {  	s19 =	simm.s32 $0x0;
	v3 =	vmax.f32 v52, v3;
	v7 =	vmax.f32 v51, v7;
	v1 =	vmax.f32 v35, v1  }
0x34b: {  	v6 =	vmax.f32 v48, v49;
	v61 =	vxor.u32 s19, v0;
	v2 =	vmax.f32 v2, v45  }
0x34c: {  	v3 =	vmax.f32 v34, v3;
	v7 =	vmax.f32 v50, v7;
	v33 =	vmax.f32 v37, v6  }
0x34d: {  	v55 =	vmin.f32 v39, v6;
	v6 =	vmin.f32 v37, v6;
	v62 =	vor.u32 v25, v61  }
0x34e: {  	v4 =	vmin.f32 v5, v46;
	v38 =	vor.u32 v26, v61;
	v1 =	vmax.f32 v1, v3  }
0x34f: {  	v3 =	vmax.f32 v39, v46;
	v1 =	vmax.f32 v2, v1;
	v2 =	vor.u32 $0x17, v11  }
0x350: {  	v57 =	vmax.f32 v5, v7;
	v35 =	vmax.f32 v54, v55;
	v7 =	vmin.f32 v39, v7  }
0x351: {  	s29 =	simm.s32 $0x1;
	v41 =	vimm.f32 $-Inf;
	v33 =	vmax.f32 v33, v53;
	v63 =	vmax.f32 v6, v7;
	[tilespmem:v56+s12+$0x0] =	vst.idx.msk $0xffff, v3  }
0x352: {  	v59 =	vmax.f32 v57, v35;
	v3 =	vxor.u32 s29, v0;
	v4 =	vmax.f32 v4, v63;
	[tilespmem:v58+s12+$0x0] =	vst.idx.msk $0xffff, v33  }
0x353: {  	s31 =	simm.s32 $0x3;
	v40 =	vimm.f32 $-Inf;
	v36 =	vor.u32 v25, v3;
	v1 =	vmax.f32 v1, v4;
	[tilespmem:v60+s12+$0x0] =	vst.idx.msk $0xffff, v59  }
0x354: {  	s30 =	simm.s32 $0x2;
	v43 =	vxor.u32 s31, v0;
	v51 =	vimm.f32 $-Inf;
	v52 =	vimm.f32 $-Inf;
	[tilespmem:v2+s12+$0x0] =	vst.idx.msk $0xffff, v1  }
0x355: {  	v37 =	vor.u32 v27, v43;
	v39 =	vxor.u32 s30, v0;
	v1 =	vor.u32 v28, v61;
	v2 =	vld.idx.msk [tilespmem:v62+s3+$0x0], $0xffff  }
0x356: {  	v53 =	vor.u32 v25, v43;
	v6 =	vor.u32 v27, v61;
	v47 =	vor.u32 v28, v39  }
0x357: {  	v44 =	vor.u32 v25, v39;
	v45 =	vor.u32 v27, v39;
	v56 =	vimm.f32 $-Inf;
	v4 =	vld.idx.msk [tilespmem:v38+s3+$0x0], $0xffff  }
0x358: {  	v35 =	vimm.f32 $-Inf;
	v7 =	vor.u32 v26, v3;
	v5 =	vor.u32 v28, v3;
	v42 =	vld.idx.msk [tilespmem:v36+s3+$0x0], $0xffff  }
0x359: {  	v57 =	vor.u32 v27, v3;
	v3 =	vor.u32 v26, v39;
	v39 =	vimm.f32 $-Inf  }
0x35a: {  	v60 =	vor.u32 v26, v43;
	v36 =	vor.u32 v28, v43;
	v55 =	vld.idx.msk [tilespmem:v1+s3+$0x0], $0xffff;
	v1 =	vmin.f32 v41, v2  }
0x35b: {  	v49 =	vmax.f32 v41, v2;
	v2 =	vmin.f32 v41, v1;
	v58 =	vmax.f32 v41, v1  }
0x35c: {  	v1 =	vmin.f32 v41, v2;
	v62 =	vmax.f32 v41, v2;
	v2 =	vmin.f32 v41, v4  }
0x35d: {  	v54 =	vld.idx.msk [tilespmem:v6+s3+$0x0], $0xffff;
	v38 =	vimm.f32 $-Inf;
	v59 =	vmin.f32 v49, v42;
	v63 =	vmin.f32 v41, v2  }
0x35e: {  	v46 =	vmax.f32 v41, v2;
	v2 =	vmin.f32 v41, v63;
	v50 =	vmax.f32 v41, v63;
	v63 =	vld.idx.msk [tilespmem:v7+s3+$0x0], $0xffff  }
0x35f: {  	v48 =	vld.idx.msk [tilespmem:v3+s3+$0x0], $0xffff;
	v33 =	vmax.f32 v41, v4;
	v43 =	vmax.f32 v58, v59;
	v34 =	vmin.f32 v58, v59  }
0x360: {  	s19 =	simm.s32 $0x4;
	v59 =	vld.idx.msk [tilespmem:v5+s3+$0x0], $0xffff;
	v58 =	vimm.f32 $-Inf;
	v61 =	vmax.f32 v41, v1;
	v1 =	vmin.f32 v41, v55  }
.LBB2_15:
0x361: {  	s21 =	sadd.s32 $0x1, s19  }
0x362: {  	p0 =	slt.u32 s19, $0x3C;
	v2 =	vmax.f32 v41, v2;
	v3 =	vmax.f32 v56, v1;
	v4 =	vmin.f32 v62, v34;
	v5 =	vld.idx.msk [tilespmem:v44+s3+$0x0], $0xffff;
	s20 =	smov.u32 s19;
	s19 =	sadd.s32 $0x4, s19  }
0x363: {  	v1 =	vmin.f32 v56, v1;
	v6 =	vmin.f32 v33, v63;
	v44 =	vxor.u32 s21, v0;
	v7 =	vld.idx.msk [tilespmem:v57+s3+$0x0], $0xffff  }
0x364: {  	v34 =	vmax.f32 v62, v34;
	v33 =	vmax.f32 v33, v63;
	v56 =	vmax.f32 v51, v1;
	v41 =	vld.idx.msk [tilespmem:v60+s3+$0x0], $0xffff  }
0x365: {  	v55 =	vmax.f32 v58, v55;
	v57 =	vmin.f32 v52, v54;
	v4 =	vmax.f32 v61, v4  }
0x366: {  	v52 =	vmax.f32 v52, v54;
	v58 =	vor.u32 v25, v44;
	v54 =	vmax.f32 v33, v48;
	v53 =	vld.idx.msk [tilespmem:v53+s3+$0x0], $0xffff  }
0x367: {  	v1 =	vmin.f32 v51, v1;
	v51 =	vmax.f32 v46, v6;
	v33 =	vmin.f32 v33, v48  }
0x368: {  	v60 =	vmax.f32 v55, v59;
	v61 =	vmin.f32 v51, v33;
	v33 =	vmax.f32 v51, v33;
	v47 =	vld.idx.msk [tilespmem:v47+s3+$0x0], $0xffff  }
0x369: {  	v42 =	vmax.f32 v49, v42;
	v6 =	vmin.f32 v46, v6;
	v49 =	vmin.f32 v52, v7  }
0x36a: {  	v51 =	vmin.f32 v55, v59;
	v55 =	vmin.f32 v42, v5;
	v46 =	vmax.f32 v54, v41;
	v45 =	vld.idx.msk [tilespmem:v45+s3+$0x0], $0xffff  }
0x36b: {  	v48 =	vmin.f32 v50, v6;
	v59 =	vmax.f32 v40, v57;
	v5 =	vmax.f32 v42, v5  }
0x36c: {  	v2 =	vmax.f32 v2, v48;
	v41 =	vmin.f32 v54, v41;
	v42 =	vmin.f32 v5, v53  }
0x36d: {  	v40 =	vmin.f32 v40, v57;
	v54 =	vmin.f32 v33, v41;
	v48 =	vmax.f32 v33, v41  }
0x36e: {  	v6 =	vmax.f32 v50, v6;
	v33 =	vmax.f32 v59, v49;
	v50 =	vmin.f32 v60, v47  }
0x36f: {  	v7 =	vmax.f32 v52, v7;
	v41 =	vmin.f32 v6, v61;
	v6 =	vmax.f32 v6, v61  }
0x370: {  	v52 =	vmin.f32 v3, v51;
	v2 =	vmax.f32 v2, v41;
	v57 =	vmin.f32 v7, v45  }
0x371: {  	v41 =	vmin.f32 v6, v54;
	v6 =	vmax.f32 v6, v54;
	v7 =	vmax.f32 v7, v45  }
0x372: {  	v1 =	vmax.f32 v38, v1;
	v38 =	vmin.f32 v43, v55;
	v41 =	vmax.f32 v2, v41  }
0x373: {  	v43 =	vmax.f32 v43, v55;
	v2 =	vmin.f32 v56, v52;
	v45 =	vmin.f32 v33, v57;
	v37 =	vld.idx.msk [tilespmem:v37+s3+$0x0], $0xffff  }
0x374: {  	v55 =	vmax.f32 v34, v38;
	v54 =	vmin.f32 v35, v40;
	v52 =	vmax.f32 v56, v52  }
0x375: {  	v3 =	vmax.f32 v3, v51;
	v5 =	vmax.f32 v5, v53;
	v39 =	vmax.f32 v39, v54;
	v36 =	vld.idx.msk [tilespmem:v36+s3+$0x0], $0xffff  }
0x376: {  	v53 =	vmin.f32 v43, v42;
	v43 =	vmax.f32 v43, v42;
	v51 =	vmax.f32 v3, v50  }
0x377: {  	v35 =	vmax.f32 v35, v40;
	v42 =	vmin.f32 v55, v53;
	v3 =	vmin.f32 v3, v50  }
0x378: {  	v49 =	vmin.f32 v59, v49;
	v1 =	vmax.f32 v1, v2;
	v2 =	vmax.f32 v60, v47  }
0x379: {  	v47 =	vmin.f32 v52, v3;
	v33 =	vmax.f32 v33, v57;
	v40 =	vmin.f32 v7, v37  }
0x37a: {  	v3 =	vmax.f32 v52, v3;
	v50 =	vmin.f32 v33, v40;
	v40 =	vmax.f32 v33, v40  }
0x37b: {  	v1 =	vmax.f32 v1, v47;
	v33 =	vmax.f32 v55, v53;
	v47 =	vmin.f32 v2, v36  }
0x37c: {  	v52 =	vxor.u32 s20, v0;
	v53 =	vmin.f32 v51, v47;
	v56 =	vmax.f32 v51, v47  }
0x37d: {  	v34 =	vmin.f32 v34, v38;
	v55 =	vor.u32 v26, v52;
	v47 =	vor.u32 v25, v52  }
0x37e: {  	v54 =	vor.u32 v27, v52;
	v57 =	vor.u32 v28, v52;
	v38 =	vmin.f32 v3, v53  }
0x37f: {  	v4 =	vmax.f32 v4, v34;
	v51 =	vmin.f32 v35, v49;
	v35 =	vmax.f32 v35, v49  }
0x380: {  	v4 =	vmax.f32 v4, v42;
	v52 =	vmax.f32 v7, v37;
	v38 =	vmax.f32 v1, v38  }
0x381: {  	v7 =	vmin.f32 v35, v45;
	v1 =	vmax.f32 v39, v51;
	v51 =	vmax.f32 v3, v53;
	v42 =	vld.idx.msk [tilespmem:v58+s3+$0x0], $0xffff  }
0x382: {  	v34 =	vmax.f32 v35, v45;
	v1 =	vmax.f32 v1, v7;
	v58 =	vmax.f32 v2, v36;
	v3 =	vld.idx.msk [tilespmem:v47+s3+$0x0], $0xffff  }
0x383: {  	s21 =	sadd.s32 $0x2, s20;
	v35 =	vmax.f32 v34, v50;
	v7 =	vmin.f32 v34, v50;
	v2 =	vor.u32 v26, v44;
	v54 =	vld.idx.msk [tilespmem:v54+s3+$0x0], $0xffff  }
0x384: {  	v50 =	vor.u32 v28, v44;
	v39 =	vmax.f32 v1, v7;
	v36 =	vxor.u32 s21, v0;
	v34 =	vld.idx.msk [tilespmem:v55+s3+$0x0], $0xffff  }
0x385: {  	s20 =	sadd.s32 $0x3, s20;
	v7 =	vor.u32 v26, v36;
	v47 =	vor.u32 v28, v36;
	v55 =	vld.idx.msk [tilespmem:v57+s3+$0x0], $0xffff;
	v57 =	vor.u32 v27, v44  }
0x386: {  	v1 =	vxor.u32 s20, v0;
	v45 =	vor.u32 v27, v36;
	v44 =	vor.u32 v25, v36  }
0x387: {  	v53 =	vor.u32 v25, v1;
	v60 =	vor.u32 v26, v1;
	v37 =	vor.u32 v27, v1  }
0x388: {  	v36 =	vor.u32 v28, v1;
	v59 =	vmin.f32 v5, v3;
	v49 =	vmax.f32 v5, v3  }
.Ltmp6:
0x389: {  	v1 =	vmin.f32 v43, v59;
	v3 =	vmax.f32 v43, v59;
	v5 =	vmin.f32 v49, v42;
	v63 =	vld.idx.msk [tilespmem:v2+s3+$0x0], $0xffff;
	(pc) =	sbr.rel @p0 .LBB2_15-.Ltmp6, $4  }
0x38a: {  	v2 =	vmin.f32 v33, v1;
	v62 =	vmax.f32 v33, v1;
	v1 =	vmin.f32 v46, v34;
	v59 =	vld.idx.msk [tilespmem:v50+s3+$0x0], $0xffff  }
0x38b: {  	v33 =	vmax.f32 v46, v34;
	v43 =	vmax.f32 v3, v5;
	v61 =	vmax.f32 v4, v2  }
0x38c: {  	v4 =	vmin.f32 v48, v1;
	v46 =	vmax.f32 v48, v1;
	v1 =	vmin.f32 v58, v55;
	v48 =	vld.idx.msk [tilespmem:v7+s3+$0x0], $0xffff  }
0x38d: {  	v34 =	vmin.f32 v3, v5;
	v2 =	vmin.f32 v6, v4;
	v50 =	vmax.f32 v6, v4  }
0x38e: {  	v2 =	vmax.f32 v41, v2  }
0x38f: {  	v3 =	vmax.f32 v56, v1;
	v4 =	vmin.f32 v62, v34;
	v1 =	vmin.f32 v56, v1  }
0x390: {  	v6 =	vmin.f32 v33, v63;
	v34 =	vmax.f32 v62, v34;
	v63 =	vmax.f32 v33, v63  }
0x391: {  	v56 =	vmin.f32 v52, v54;
	v55 =	vmax.f32 v58, v55;
	v52 =	vmax.f32 v52, v54  }
0x392: {  	v5 =	vld.idx.msk [tilespmem:v44+s3+$0x0], $0xffff;
	v42 =	vmax.f32 v49, v42;
	v41 =	vmax.f32 v51, v1;
	v4 =	vmax.f32 v61, v4  }
0x393: {  	v7 =	vld.idx.msk [tilespmem:v57+s3+$0x0], $0xffff;
	v1 =	vmin.f32 v51, v1;
	v62 =	vmax.f32 v46, v6;
	v6 =	vmin.f32 v46, v6  }
0x394: {  	v44 =	vld.idx.msk [tilespmem:v60+s3+$0x0], $0xffff;
	v49 =	vmin.f32 v55, v59;
	v58 =	vmax.f32 v40, v56;
	v40 =	vmin.f32 v40, v56  }
0x395: {  	v47 =	vld.idx.msk [tilespmem:v47+s3+$0x0], $0xffff;
	v61 =	vmin.f32 v50, v6;
	v6 =	vmax.f32 v50, v6;
	v1 =	vmax.f32 v38, v1  }
0x396: {  	v54 =	vmax.f32 v63, v48;
	v33 =	vmin.f32 v63, v48;
	v48 =	vmax.f32 v55, v59  }
0x397: {  	v53 =	vld.idx.msk [tilespmem:v53+s3+$0x0], $0xffff;
	v2 =	vmax.f32 v2, v61;
	v61 =	vmin.f32 v35, v40;
	v63 =	vmin.f32 v62, v33  }
0x398: {  	v33 =	vmax.f32 v62, v33;
	v39 =	vmax.f32 v39, v61;
	v46 =	vmin.f32 v52, v7  }
0x399: {  	v45 =	vld.idx.msk [tilespmem:v45+s3+$0x0], $0xffff;
	v60 =	vmin.f32 v42, v5;
	v55 =	vmax.f32 v54, v44;
	v5 =	vmax.f32 v42, v5  }
0x39a: {  	v44 =	vmin.f32 v54, v44;
	v50 =	vmin.f32 v48, v47;
	v7 =	vmax.f32 v52, v7  }
0x39b: {  	v62 =	vmin.f32 v6, v63;
	v6 =	vmax.f32 v6, v63;
	v63 =	vmin.f32 v3, v49  }
0x39c: {  	v3 =	vmax.f32 v3, v49;
	v42 =	vmin.f32 v5, v53;
	v54 =	vmin.f32 v33, v44  }
0x39d: {  	v33 =	vmax.f32 v33, v44;
	v44 =	vmax.f32 v58, v46;
	v2 =	vmax.f32 v2, v62  }
0x39e: {  	v52 =	vmin.f32 v7, v45;
	v7 =	vmax.f32 v7, v45;
	v38 =	vmin.f32 v43, v60  }
0x39f: {  	v37 =	vld.idx.msk [tilespmem:v37+s3+$0x0], $0xffff;
	v45 =	vmin.f32 v41, v63;
	v60 =	vmax.f32 v43, v60;
	v41 =	vmax.f32 v41, v63  }
0x3a0: {  	v5 =	vmax.f32 v5, v53;
	v49 =	vmax.f32 v3, v50;
	v3 =	vmin.f32 v3, v50  }
0x3a1: {  	v57 =	vmin.f32 v58, v46;
	v58 =	vmax.f32 v48, v47;
	v59 =	vmin.f32 v6, v54  }
0x3a2: {  	v6 =	vmax.f32 v6, v54;
	v51 =	vmin.f32 v44, v52;
	v62 =	vmax.f32 v34, v38  }
0x3a3: {  	v36 =	vld.idx.msk [tilespmem:v36+s3+$0x0], $0xffff;
	v63 =	vmin.f32 v60, v42;
	v42 =	vmax.f32 v60, v42;
	v54 =	vmax.f32 v35, v40  }
0x3a4: {  	v1 =	vmax.f32 v1, v45;
	v44 =	vmax.f32 v44, v52;
	v60 =	vmin.f32 v7, v37  }
0x3a5: {  	v34 =	vmin.f32 v34, v38;
	v7 =	vmax.f32 v7, v37;
	v2 =	vmax.f32 v2, v59  }
0x3a6: {  	v40 =	vmin.f32 v62, v63;
	v59 =	vmin.f32 v41, v3;
	v3 =	vmax.f32 v41, v3  }
0x3a7: {  	v61 =	vmin.f32 v44, v60;
	v44 =	vmax.f32 v44, v60;
	v46 =	vmax.f32 v62, v63  }
0x3a8: {  	v62 =	vmin.f32 v58, v36;
	v53 =	vmin.f32 v54, v57;
	v4 =	vmax.f32 v4, v34  }
0x3a9: {  	v54 =	vmax.f32 v54, v57;
	v36 =	vmax.f32 v58, v36;
	v60 =	vmin.f32 v5, v55  }
0x3aa: {  	v1 =	vmax.f32 v1, v59;
	v63 =	vmin.f32 v49, v62;
	v47 =	vmax.f32 v49, v62  }
0x3ab: {  	v4 =	vmax.f32 v4, v40;
	v56 =	vmax.f32 v39, v53;
	v57 =	vmin.f32 v54, v51  }
0x3ac: {  	v34 =	vmax.f32 v54, v51;
	v59 =	vmax.f32 v42, v33;
	v39 =	vmax.f32 v5, v55  }
0x3ad: {  	v62 =	vmin.f32 v42, v55;
	v43 =	vmin.f32 v46, v55;
	v49 =	vmin.f32 v7, v36  }
0x3ae: {  	v51 =	vmin.f32 v44, v36;
	v52 =	vmin.f32 v3, v63;
	v3 =	vmax.f32 v3, v63  }
0x3af: {  	v35 =	vmax.f32 v56, v57;
	v58 =	vmin.f32 v34, v61;
	v34 =	vmax.f32 v34, v61  }
0x3b0: {  	v37 =	vmax.f32 v59, v60;
	v61 =	vmax.f32 v46, v6;
	v63 =	vmin.f32 v42, v33  }
0x3b1: {  	v6 =	vmin.f32 v5, v6;
	v5 =	vmin.f32 v5, v33;
	v2 =	vmax.f32 v4, v2  }
0x3b2: {  	v46 =	vmax.f32 v7, v36;
	v48 =	vmax.f32 v44, v47;
	v56 =	vor.u32 $0x18, v11  }
0x3b3: {  	v60 =	vor.u32 $0x1A, v11;
	v1 =	vmax.f32 v1, v52;
	v35 =	vmax.f32 v35, v58  }
0x3b4: {  	v6 =	vmax.f32 v63, v6;
	v5 =	vmax.f32 v62, v5;
	v50 =	vmax.f32 v34, v3  }
0x3b5: {  	v52 =	vmin.f32 v44, v47;
	v3 =	vmin.f32 v7, v3;
	v7 =	vmin.f32 v7, v47  }
0x3b6: {  	v34 =	vmin.f32 v34, v36;
	v53 =	vmin.f32 v39, v46;
	v54 =	vmin.f32 v37, v46  }
0x3b7: {  	v58 =	vor.u32 $0x19, v11;
	v45 =	vmax.f32 v43, v6;
	v5 =	vmax.f32 v61, v5  }
0x3b8: {  	s19 =	simm.s32 $0x0;
	v3 =	vmax.f32 v52, v3;
	v7 =	vmax.f32 v51, v7;
	v1 =	vmax.f32 v35, v1  }
0x3b9: {  	v6 =	vmax.f32 v48, v49;
	v61 =	vxor.u32 s19, v0;
	v2 =	vmax.f32 v2, v45  }
0x3ba: {  	v3 =	vmax.f32 v34, v3;
	v7 =	vmax.f32 v50, v7;
	v33 =	vmax.f32 v37, v6  }
0x3bb: {  	v55 =	vmin.f32 v39, v6;
	v6 =	vmin.f32 v37, v6;
	v62 =	vor.u32 v29, v61  }
0x3bc: {  	v4 =	vmin.f32 v5, v46;
	v38 =	vor.u32 v30, v61;
	v1 =	vmax.f32 v1, v3  }
0x3bd: {  	v3 =	vmax.f32 v39, v46;
	v1 =	vmax.f32 v2, v1;
	v2 =	vor.u32 $0x1B, v11  }
0x3be: {  	v57 =	vmax.f32 v5, v7;
	v35 =	vmax.f32 v54, v55;
	v7 =	vmin.f32 v39, v7  }
0x3bf: {  	s29 =	simm.s32 $0x1;
	v41 =	vimm.f32 $-Inf;
	v33 =	vmax.f32 v33, v53;
	v63 =	vmax.f32 v6, v7;
	[tilespmem:v56+s12+$0x0] =	vst.idx.msk $0xffff, v3  }
0x3c0: {  	v59 =	vmax.f32 v57, v35;
	v3 =	vxor.u32 s29, v0;
	v4 =	vmax.f32 v4, v63;
	[tilespmem:v58+s12+$0x0] =	vst.idx.msk $0xffff, v33  }
0x3c1: {  	s31 =	simm.s32 $0x3;
	v40 =	vimm.f32 $-Inf;
	v36 =	vor.u32 v29, v3;
	v1 =	vmax.f32 v1, v4;
	[tilespmem:v60+s12+$0x0] =	vst.idx.msk $0xffff, v59  }
0x3c2: {  	s30 =	simm.s32 $0x2;
	v43 =	vxor.u32 s31, v0;
	v51 =	vimm.f32 $-Inf;
	v52 =	vimm.f32 $-Inf;
	[tilespmem:v2+s12+$0x0] =	vst.idx.msk $0xffff, v1  }
0x3c3: {  	v37 =	vor.u32 v31, v43;
	v39 =	vxor.u32 s30, v0;
	v1 =	vor.u32 v32, v61;
	v2 =	vld.idx.msk [tilespmem:v62+s3+$0x0], $0xffff  }
0x3c4: {  	v53 =	vor.u32 v29, v43;
	v6 =	vor.u32 v31, v61;
	v47 =	vor.u32 v32, v39  }
0x3c5: {  	v44 =	vor.u32 v29, v39;
	v45 =	vor.u32 v31, v39;
	v56 =	vimm.f32 $-Inf;
	v4 =	vld.idx.msk [tilespmem:v38+s3+$0x0], $0xffff  }
0x3c6: {  	v35 =	vimm.f32 $-Inf;
	v7 =	vor.u32 v30, v3;
	v5 =	vor.u32 v32, v3;
	v42 =	vld.idx.msk [tilespmem:v36+s3+$0x0], $0xffff  }
0x3c7: {  	v57 =	vor.u32 v31, v3;
	v3 =	vor.u32 v30, v39;
	v39 =	vimm.f32 $-Inf  }
0x3c8: {  	v60 =	vor.u32 v30, v43;
	v36 =	vor.u32 v32, v43;
	v55 =	vld.idx.msk [tilespmem:v1+s3+$0x0], $0xffff;
	v1 =	vmin.f32 v41, v2  }
0x3c9: {  	v49 =	vmax.f32 v41, v2;
	v2 =	vmin.f32 v41, v1;
	v58 =	vmax.f32 v41, v1  }
0x3ca: {  	v1 =	vmin.f32 v41, v2;
	v62 =	vmax.f32 v41, v2;
	v2 =	vmin.f32 v41, v4  }
0x3cb: {  	v54 =	vld.idx.msk [tilespmem:v6+s3+$0x0], $0xffff;
	v38 =	vimm.f32 $-Inf;
	v59 =	vmin.f32 v49, v42;
	v63 =	vmin.f32 v41, v2  }
0x3cc: {  	v46 =	vmax.f32 v41, v2;
	v2 =	vmin.f32 v41, v63;
	v50 =	vmax.f32 v41, v63;
	v63 =	vld.idx.msk [tilespmem:v7+s3+$0x0], $0xffff  }
0x3cd: {  	v48 =	vld.idx.msk [tilespmem:v3+s3+$0x0], $0xffff;
	v33 =	vmax.f32 v41, v4;
	v43 =	vmax.f32 v58, v59;
	v34 =	vmin.f32 v58, v59  }
0x3ce: {  	s19 =	simm.s32 $0x4;
	v59 =	vld.idx.msk [tilespmem:v5+s3+$0x0], $0xffff;
	v58 =	vimm.f32 $-Inf;
	v61 =	vmax.f32 v41, v1;
	v1 =	vmin.f32 v41, v55  }
.LBB2_17:
0x3cf: {  	s21 =	sadd.s32 $0x1, s19  }
0x3d0: {  	p0 =	slt.u32 s19, $0x3C;
	v2 =	vmax.f32 v41, v2;
	v3 =	vmax.f32 v56, v1;
	v4 =	vmin.f32 v62, v34;
	v5 =	vld.idx.msk [tilespmem:v44+s3+$0x0], $0xffff;
	s20 =	smov.u32 s19;
	s19 =	sadd.s32 $0x4, s19  }
0x3d1: {  	v1 =	vmin.f32 v56, v1;
	v6 =	vmin.f32 v33, v63;
	v44 =	vxor.u32 s21, v0;
	v7 =	vld.idx.msk [tilespmem:v57+s3+$0x0], $0xffff  }
0x3d2: {  	v34 =	vmax.f32 v62, v34;
	v33 =	vmax.f32 v33, v63;
	v56 =	vmax.f32 v51, v1;
	v41 =	vld.idx.msk [tilespmem:v60+s3+$0x0], $0xffff  }
0x3d3: {  	v55 =	vmax.f32 v58, v55;
	v57 =	vmin.f32 v52, v54;
	v4 =	vmax.f32 v61, v4  }
0x3d4: {  	v52 =	vmax.f32 v52, v54;
	v58 =	vor.u32 v29, v44;
	v54 =	vmax.f32 v33, v48;
	v53 =	vld.idx.msk [tilespmem:v53+s3+$0x0], $0xffff  }
0x3d5: {  	v1 =	vmin.f32 v51, v1;
	v51 =	vmax.f32 v46, v6;
	v33 =	vmin.f32 v33, v48  }
0x3d6: {  	v60 =	vmax.f32 v55, v59;
	v61 =	vmin.f32 v51, v33;
	v33 =	vmax.f32 v51, v33;
	v47 =	vld.idx.msk [tilespmem:v47+s3+$0x0], $0xffff  }
0x3d7: {  	v42 =	vmax.f32 v49, v42;
	v6 =	vmin.f32 v46, v6;
	v49 =	vmin.f32 v52, v7  }
0x3d8: {  	v51 =	vmin.f32 v55, v59;
	v55 =	vmin.f32 v42, v5;
	v46 =	vmax.f32 v54, v41;
	v45 =	vld.idx.msk [tilespmem:v45+s3+$0x0], $0xffff  }
0x3d9: {  	v48 =	vmin.f32 v50, v6;
	v59 =	vmax.f32 v40, v57;
	v5 =	vmax.f32 v42, v5  }
0x3da: {  	v2 =	vmax.f32 v2, v48;
	v41 =	vmin.f32 v54, v41;
	v42 =	vmin.f32 v5, v53  }
0x3db: {  	v40 =	vmin.f32 v40, v57;
	v54 =	vmin.f32 v33, v41;
	v48 =	vmax.f32 v33, v41  }
0x3dc: {  	v6 =	vmax.f32 v50, v6;
	v33 =	vmax.f32 v59, v49;
	v50 =	vmin.f32 v60, v47  }
0x3dd: {  	v7 =	vmax.f32 v52, v7;
	v41 =	vmin.f32 v6, v61;
	v6 =	vmax.f32 v6, v61  }
0x3de: {  	v52 =	vmin.f32 v3, v51;
	v2 =	vmax.f32 v2, v41;
	v57 =	vmin.f32 v7, v45  }
0x3df: {  	v41 =	vmin.f32 v6, v54;
	v6 =	vmax.f32 v6, v54;
	v7 =	vmax.f32 v7, v45  }
0x3e0: {  	v1 =	vmax.f32 v38, v1;
	v38 =	vmin.f32 v43, v55;
	v41 =	vmax.f32 v2, v41  }
0x3e1: {  	v43 =	vmax.f32 v43, v55;
	v2 =	vmin.f32 v56, v52;
	v45 =	vmin.f32 v33, v57;
	v37 =	vld.idx.msk [tilespmem:v37+s3+$0x0], $0xffff  }
0x3e2: {  	v55 =	vmax.f32 v34, v38;
	v54 =	vmin.f32 v35, v40;
	v52 =	vmax.f32 v56, v52  }
0x3e3: {  	v3 =	vmax.f32 v3, v51;
	v5 =	vmax.f32 v5, v53;
	v39 =	vmax.f32 v39, v54;
	v36 =	vld.idx.msk [tilespmem:v36+s3+$0x0], $0xffff  }
0x3e4: {  	v53 =	vmin.f32 v43, v42;
	v43 =	vmax.f32 v43, v42;
	v51 =	vmax.f32 v3, v50  }
0x3e5: {  	v35 =	vmax.f32 v35, v40;
	v42 =	vmin.f32 v55, v53;
	v3 =	vmin.f32 v3, v50  }
0x3e6: {  	v49 =	vmin.f32 v59, v49;
	v1 =	vmax.f32 v1, v2;
	v2 =	vmax.f32 v60, v47  }
0x3e7: {  	v47 =	vmin.f32 v52, v3;
	v33 =	vmax.f32 v33, v57;
	v40 =	vmin.f32 v7, v37  }
0x3e8: {  	v3 =	vmax.f32 v52, v3;
	v50 =	vmin.f32 v33, v40;
	v40 =	vmax.f32 v33, v40  }
0x3e9: {  	v1 =	vmax.f32 v1, v47;
	v33 =	vmax.f32 v55, v53;
	v47 =	vmin.f32 v2, v36  }
0x3ea: {  	v52 =	vxor.u32 s20, v0;
	v53 =	vmin.f32 v51, v47;
	v56 =	vmax.f32 v51, v47  }
0x3eb: {  	v34 =	vmin.f32 v34, v38;
	v55 =	vor.u32 v30, v52;
	v47 =	vor.u32 v29, v52  }
0x3ec: {  	v54 =	vor.u32 v31, v52;
	v57 =	vor.u32 v32, v52;
	v38 =	vmin.f32 v3, v53  }
0x3ed: {  	v4 =	vmax.f32 v4, v34;
	v51 =	vmin.f32 v35, v49;
	v35 =	vmax.f32 v35, v49  }
0x3ee: {  	v4 =	vmax.f32 v4, v42;
	v52 =	vmax.f32 v7, v37;
	v38 =	vmax.f32 v1, v38  }
0x3ef: {  	v7 =	vmin.f32 v35, v45;
	v1 =	vmax.f32 v39, v51;
	v51 =	vmax.f32 v3, v53;
	v42 =	vld.idx.msk [tilespmem:v58+s3+$0x0], $0xffff  }
0x3f0: {  	v34 =	vmax.f32 v35, v45;
	v1 =	vmax.f32 v1, v7;
	v58 =	vmax.f32 v2, v36;
	v3 =	vld.idx.msk [tilespmem:v47+s3+$0x0], $0xffff  }
0x3f1: {  	s21 =	sadd.s32 $0x2, s20;
	v35 =	vmax.f32 v34, v50;
	v7 =	vmin.f32 v34, v50;
	v2 =	vor.u32 v30, v44;
	v54 =	vld.idx.msk [tilespmem:v54+s3+$0x0], $0xffff  }
0x3f2: {  	v50 =	vor.u32 v32, v44;
	v39 =	vmax.f32 v1, v7;
	v36 =	vxor.u32 s21, v0;
	v34 =	vld.idx.msk [tilespmem:v55+s3+$0x0], $0xffff  }
0x3f3: {  	s20 =	sadd.s32 $0x3, s20;
	v7 =	vor.u32 v30, v36;
	v47 =	vor.u32 v32, v36;
	v55 =	vld.idx.msk [tilespmem:v57+s3+$0x0], $0xffff;
	v57 =	vor.u32 v31, v44  }
0x3f4: {  	v1 =	vxor.u32 s20, v0;
	v45 =	vor.u32 v31, v36;
	v44 =	vor.u32 v29, v36  }
0x3f5: {  	v53 =	vor.u32 v29, v1;
	v60 =	vor.u32 v30, v1;
	v37 =	vor.u32 v31, v1  }
0x3f6: {  	v36 =	vor.u32 v32, v1;
	v59 =	vmin.f32 v5, v3;
	v49 =	vmax.f32 v5, v3  }
.Ltmp7:
0x3f7: {  	v1 =	vmin.f32 v43, v59;
	v3 =	vmax.f32 v43, v59;
	v5 =	vmin.f32 v49, v42;
	v63 =	vld.idx.msk [tilespmem:v2+s3+$0x0], $0xffff;
	(pc) =	sbr.rel @p0 .LBB2_17-.Ltmp7, $4  }
0x3f8: {  	v2 =	vmin.f32 v33, v1;
	v62 =	vmax.f32 v33, v1;
	v1 =	vmin.f32 v46, v34;
	v59 =	vld.idx.msk [tilespmem:v50+s3+$0x0], $0xffff  }
0x3f9: {  	v33 =	vmax.f32 v46, v34;
	v43 =	vmax.f32 v3, v5;
	v61 =	vmax.f32 v4, v2  }
0x3fa: {  	v4 =	vmin.f32 v48, v1;
	v46 =	vmax.f32 v48, v1;
	v1 =	vmin.f32 v58, v55;
	v48 =	vld.idx.msk [tilespmem:v7+s3+$0x0], $0xffff  }
0x3fb: {  	v34 =	vmin.f32 v3, v5;
	v2 =	vmin.f32 v6, v4;
	v50 =	vmax.f32 v6, v4  }
0x3fc: {  	v2 =	vmax.f32 v41, v2;
	v3 =	vmax.f32 v56, v1;
	v4 =	vmin.f32 v62, v34  }
0x3fd: {  	v1 =	vmin.f32 v56, v1;
	v6 =	vmin.f32 v33, v63;
	v34 =	vmax.f32 v62, v34  }
0x3fe: {  	v63 =	vmax.f32 v33, v63;
	v56 =	vmin.f32 v52, v54;
	v55 =	vmax.f32 v58, v55  }
0x3ff: {  	v52 =	vmax.f32 v52, v54;
	v42 =	vmax.f32 v49, v42;
	v41 =	vmax.f32 v51, v1  }
0x400: {  	v5 =	vld.idx.msk [tilespmem:v44+s3+$0x0], $0xffff;
	v4 =	vmax.f32 v61, v4;
	v1 =	vmin.f32 v51, v1;
	v62 =	vmax.f32 v46, v6  }
0x401: {  	v7 =	vld.idx.msk [tilespmem:v57+s3+$0x0], $0xffff;
	v6 =	vmin.f32 v46, v6;
	v49 =	vmin.f32 v55, v59;
	v58 =	vmax.f32 v40, v56  }
0x402: {  	v44 =	vld.idx.msk [tilespmem:v60+s3+$0x0], $0xffff;
	v40 =	vmin.f32 v40, v56;
	v61 =	vmin.f32 v50, v6;
	v6 =	vmax.f32 v50, v6  }
0x403: {  	v47 =	vld.idx.msk [tilespmem:v47+s3+$0x0], $0xffff;
	v1 =	vmax.f32 v38, v1;
	v54 =	vmax.f32 v63, v48;
	v33 =	vmin.f32 v63, v48  }
0x404: {  	v48 =	vmax.f32 v55, v59;
	v2 =	vmax.f32 v2, v61;
	v61 =	vmin.f32 v35, v40  }
0x405: {  	v53 =	vld.idx.msk [tilespmem:v53+s3+$0x0], $0xffff;
	v35 =	vmax.f32 v35, v40;
	v63 =	vmin.f32 v62, v33;
	v33 =	vmax.f32 v62, v33  }
0x406: {  	v45 =	vld.idx.msk [tilespmem:v45+s3+$0x0], $0xffff;
	v39 =	vmax.f32 v39, v61;
	v46 =	vmin.f32 v52, v7;
	v60 =	vmin.f32 v42, v5  }
0x407: {  	v55 =	vmax.f32 v54, v44;
	v5 =	vmax.f32 v42, v5;
	v44 =	vmin.f32 v54, v44  }
0x408: {  	v50 =	vmin.f32 v48, v47;
	v7 =	vmax.f32 v52, v7;
	v62 =	vmin.f32 v6, v63  }
0x409: {  	v6 =	vmax.f32 v6, v63;
	v63 =	vmin.f32 v3, v49;
	v3 =	vmax.f32 v3, v49  }
0x40a: {  	v42 =	vmin.f32 v5, v53;
	v54 =	vmin.f32 v33, v44;
	v33 =	vmax.f32 v33, v44  }
0x40b: {  	v44 =	vmax.f32 v58, v46;
	v2 =	vmax.f32 v2, v62;
	v52 =	vmin.f32 v7, v45  }
0x40c: {  	v7 =	vmax.f32 v7, v45;
	v38 =	vmin.f32 v43, v60;
	v45 =	vmin.f32 v41, v63  }
0x40d: {  	v37 =	vld.idx.msk [tilespmem:v37+s3+$0x0], $0xffff;
	v60 =	vmax.f32 v43, v60;
	v41 =	vmax.f32 v41, v63;
	v5 =	vmax.f32 v5, v53  }
0x40e: {  	v49 =	vmax.f32 v3, v50;
	v3 =	vmin.f32 v3, v50;
	v43 =	vmin.f32 v58, v46  }
0x40f: {  	v59 =	vmin.f32 v6, v54;
	v6 =	vmax.f32 v6, v54;
	v51 =	vmin.f32 v44, v52  }
0x410: {  	v62 =	vmax.f32 v34, v38;
	v63 =	vmin.f32 v60, v42;
	v42 =	vmax.f32 v60, v42  }
0x411: {  	v36 =	vld.idx.msk [tilespmem:v36+s3+$0x0], $0xffff;
	v1 =	vmax.f32 v1, v45;
	v54 =	vmax.f32 v48, v47;
	v44 =	vmax.f32 v44, v52  }
0x412: {  	v57 =	vmin.f32 v41, v3;
	v58 =	vmin.f32 v7, v37;
	v3 =	vmax.f32 v41, v3  }
0x413: {  	v34 =	vmin.f32 v34, v38;
	v50 =	vmax.f32 v35, v43;
	v7 =	vmax.f32 v7, v37  }
0x414: {  	v2 =	vmax.f32 v2, v59;
	v40 =	vmin.f32 v62, v63;
	v59 =	vmin.f32 v44, v58  }
0x415: {  	v44 =	vmax.f32 v44, v58;
	v1 =	vmax.f32 v1, v57;
	v46 =	vmax.f32 v62, v63  }
0x416: {  	v60 =	vmin.f32 v54, v36;
	v63 =	vmin.f32 v35, v43;
	v4 =	vmax.f32 v4, v34  }
0x417: {  	v53 =	vmin.f32 v50, v51;
	v34 =	vmax.f32 v50, v51;
	v36 =	vmax.f32 v54, v36  }
0x418: {  	v56 =	vmax.f32 v42, v33;
	v57 =	vmin.f32 v5, v55;
	v51 =	vor.u32 $0x1C, v11  }
0x419: {  	v61 =	vmin.f32 v49, v60;
	v47 =	vmax.f32 v49, v60;
	v4 =	vmax.f32 v4, v40  }
0x41a: {  	v52 =	vmax.f32 v39, v63;
	v54 =	vmin.f32 v34, v59;
	v34 =	vmax.f32 v34, v59  }
0x41b: {  	v39 =	vmax.f32 v5, v55;
	v37 =	vmax.f32 v56, v57;
	v58 =	vmax.f32 v46, v6  }
0x41c: {  	v59 =	vmin.f32 v42, v55;
	v60 =	vmin.f32 v42, v33;
	v6 =	vmin.f32 v5, v6  }
0x41d: {  	v5 =	vmin.f32 v5, v33;
	v63 =	vmax.f32 v7, v36;
	v45 =	vmin.f32 v7, v36  }
0x41e: {  	v48 =	vmin.f32 v44, v36;
	v56 =	vor.u32 $0x1E, v11;
	v62 =	vmin.f32 v3, v61  }
0x41f: {  	v3 =	vmax.f32 v3, v61;
	v35 =	vmax.f32 v52, v53;
	v61 =	vmin.f32 v46, v55  }
0x420: {  	v6 =	vmax.f32 v60, v6;
	v5 =	vmax.f32 v59, v5;
	v2 =	vmax.f32 v4, v2  }
0x421: {  	v49 =	vmin.f32 v44, v47;
	v50 =	vmin.f32 v39, v63;
	v52 =	vmax.f32 v39, v63  }
0x422: {  	v53 =	vor.u32 $0x1D, v11;
	v1 =	vmax.f32 v1, v62;
	v35 =	vmax.f32 v35, v54  }
0x423: {  	v62 =	vmax.f32 v61, v6;
	v5 =	vmax.f32 v58, v5;
	v6 =	vmax.f32 v44, v47  }
0x424: {  	v46 =	vmax.f32 v34, v3;
	v3 =	vmin.f32 v7, v3;
	v7 =	vmin.f32 v7, v47  }
0x425: {  	v34 =	vmin.f32 v34, v36;
	v54 =	vmin.f32 v37, v63;
	v2 =	vmax.f32 v2, v62  }
0x426: {  	v3 =	vmax.f32 v49, v3;
	v7 =	vmax.f32 v48, v7;
	v1 =	vmax.f32 v35, v1  }
0x427: {  	v6 =	vmax.f32 v6, v45;
	v4 =	vmin.f32 v5, v63;
	v3 =	vmax.f32 v34, v3  }
0x428: {  	v58 =	vor.u32 $0x1F, v11;
	v7 =	vmax.f32 v46, v7;
	v55 =	vmin.f32 v39, v6;
	[tilespmem:v51+s12+$0x0] =	vst.idx.msk $0xffff, v52  }
0x429: {  	p0 =	seq.s32 s16, $0xF;
	v1 =	vmax.f32 v1, v3;
	v3 =	vmax.f32 v37, v6;
	v57 =	vmax.f32 v5, v7  }
0x42a: {  	s18 =	sadd.s32 @!p0 s18, s7;
	v36 =	vmax.f32 v54, v55;
	v6 =	vmin.f32 v37, v6;
	v7 =	vmin.f32 v39, v7  }
0x42b: {  	s18 =	sshll.u32 @!p0 s18, $0xB;
	v3 =	vmax.f32 v3, v50;
	v36 =	vmax.f32 v57, v36;
	v59 =	vmax.f32 v6, v7  }
0x42c: {  	s18 =	sadd.s32 @!p0 s4, s18;
	v1 =	vmax.f32 v2, v1;
	v2 =	vmax.f32 v4, v59;
	[tilespmem:v53+s12+$0x0] =	vst.idx.msk $0xffff, v3  }
0x42d: {  	s19 =	simm.s32 $0x0;
	s18 =	sshrl.u32 @!p0 s18, $0x3;
	v1 =	vmax.f32 v1, v2;
	[tilespmem:v56+s12+$0x0] =	vst.idx.msk $0xffff, v36  }
0x42e: {  	v8 =	vld [tilespmem:$0x1FF90];
	s18 =	sadd.s32 @!p0 s0, s18;
	v2 =	vxor.u32 s19, v0;
	s19 =	simm.s32 @!p0 $0x0;
	[tilespmem:v58+s12+$0x0] =	vst.idx.msk $0xffff, v1  }
0x42f: {  	[tilespmem:s19], [sflag:$0x1] =	stream.linear.gather @!p0 [hbm4b:s18+s19], $0x8000, $0x38;
	[tilespmem:$0x14000] =	vst v63  }
0x430: {  	_ =	swait.ge [sflag:s13], $0x8000  }
0x431: {  	v9 =	vld [tilespmem:$0x1FFA0]  }
0x432: {  	s20 =	simm.s32 $0x1;
	v11 =	vld [tilespmem:$0x1FFC0]  }
0x433: {  	v3 =	vxor.u32 s20, v0;
	v1 =	vor.u32 v8, v2  }
0x434: {  	v60 =	vor.u32 v8, v3  }
0x435: {  	v10 =	vld [tilespmem:$0x1FFB0]  }
0x436: {  	s30 =	simm.s32 $0x2;
	s31 =	simm.s32 $0x3;
	v38 =	vimm.f32 $-Inf;
	v40 =	vimm.f32 $-Inf;
	[sflag:s13] =	ssyncset.done $0x0;
	v61 =	vor.u32 v9, v2  }
0x437: {  	v62 =	vxor.u32 s30, v0;
	v63 =	vxor.u32 s31, v0;
	[sflag:s13] =	ssyncadd.s32 $0xFFFF8000;
	v6 =	vor.u32 v11, v2  }
0x438: {  	v48 =	vimm.f32 $-Inf;
	v43 =	vor.u32 v8, v62;
	v52 =	vor.u32 v8, v63;
	v1 =	vld.idx.msk [tilespmem:v1+s10+$0x0], $0xffff  }
0x439: {  	v51 =	vimm.f32 $-Inf;
	v34 =	vimm.f32 $-Inf;
	v55 =	vimm.f32 $-Inf;
	v41 =	vld.idx.msk [tilespmem:v60+s10+$0x0], $0xffff  }
0x43a: {  	v37 =	vimm.f32 $-Inf;
	v2 =	vor.u32 v10, v2;
	v7 =	vor.u32 v9, v3  }
0x43b: {  	v4 =	vor.u32 v11, v3;
	v56 =	vor.u32 v10, v3;
	v3 =	vor.u32 v9, v62;
	v5 =	vld.idx.msk [tilespmem:v61+s10+$0x0], $0xffff  }
0x43c: {  	v46 =	vor.u32 v11, v62;
	v44 =	vor.u32 v10, v62;
	v58 =	vor.u32 v9, v63;
	v54 =	vld.idx.msk [tilespmem:v6+s10+$0x0], $0xffff  }
0x43d: {  	v36 =	vor.u32 v10, v63;
	v49 =	vmax.f32 v40, v1;
	v6 =	vmin.f32 v40, v1  }
0x43e: {  	v35 =	vor.u32 v11, v63;
	v39 =	vmin.f32 v49, v41;
	v1 =	vmin.f32 v40, v6  }
0x43f: {  	v6 =	vmax.f32 v40, v6;
	v57 =	vmin.f32 v40, v1;
	v61 =	vmax.f32 v40, v1  }
0x440: {  	v53 =	vld.idx.msk [tilespmem:v2+s10+$0x0], $0xffff;
	v42 =	vmax.f32 v6, v39;
	v60 =	vmax.f32 v40, v57;
	v57 =	vimm.f32 $-Inf  }
0x441: {  	v62 =	vld.idx.msk [tilespmem:v7+s10+$0x0], $0xffff;
	v1 =	vmin.f32 v40, v5;
	v33 =	vmax.f32 v40, v5;
	v63 =	vmin.f32 v40, v54  }
0x442: {  	v47 =	vld.idx.msk [tilespmem:v3+s10+$0x0], $0xffff;
	v59 =	vmin.f32 v40, v1;
	v45 =	vmax.f32 v40, v1;
	v1 =	vmin.f32 v6, v39  }
0x443: {  	s18 =	simm.s32 $0x4;
	v39 =	vimm.f32 $-Inf;
	v2 =	vmin.f32 v40, v59;
	v50 =	vmax.f32 v40, v59;
	v59 =	vld.idx.msk [tilespmem:v4+s10+$0x0], $0xffff  }
.LBB2_19:
0x444: {  	s20 =	sadd.s32 $0x1, s18  }
0x445: {  	p0 =	slt.u32 s18, $0x3C;
	v2 =	vmax.f32 v40, v2;
	v3 =	vmax.f32 v55, v63;
	v4 =	vmin.f32 v61, v1;
	v5 =	vld.idx.msk [tilespmem:v43+s10+$0x0], $0xffff;
	s19 =	smov.u32 s18;
	s18 =	sadd.s32 $0x4, s18  }
0x446: {  	v6 =	vmin.f32 v55, v63;
	v7 =	vmin.f32 v33, v62;
	v43 =	vxor.u32 s20, v0;
	v40 =	vld.idx.msk [tilespmem:v56+s10+$0x0], $0xffff  }
0x447: {  	v1 =	vmax.f32 v61, v1;
	v33 =	vmax.f32 v33, v62;
	v55 =	vmax.f32 v48, v6;
	v56 =	vld.idx.msk [tilespmem:v58+s10+$0x0], $0xffff  }
0x448: {  	v54 =	vmax.f32 v57, v54;
	v4 =	vmax.f32 v60, v4;
	v58 =	vmin.f32 v51, v53  }
0x449: {  	v57 =	vor.u32 v8, v43;
	v51 =	vmax.f32 v51, v53;
	v53 =	vmax.f32 v33, v47;
	v52 =	vld.idx.msk [tilespmem:v52+s10+$0x0], $0xffff  }
0x44a: {  	v6 =	vmin.f32 v48, v6;
	v48 =	vmax.f32 v45, v7;
	v33 =	vmin.f32 v33, v47  }
0x44b: {  	v60 =	vmax.f32 v54, v59;
	v61 =	vmin.f32 v48, v33;
	v33 =	vmax.f32 v48, v33;
	v46 =	vld.idx.msk [tilespmem:v46+s10+$0x0], $0xffff  }
0x44c: {  	v41 =	vmax.f32 v49, v41;
	v7 =	vmin.f32 v45, v7;
	v48 =	vmin.f32 v51, v40  }
0x44d: {  	v49 =	vmin.f32 v54, v59;
	v54 =	vmin.f32 v41, v5;
	v45 =	vmax.f32 v53, v56;
	v44 =	vld.idx.msk [tilespmem:v44+s10+$0x0], $0xffff  }
0x44e: {  	v59 =	vmax.f32 v39, v58;
	v47 =	vmin.f32 v50, v7;
	v5 =	vmax.f32 v41, v5  }
0x44f: {  	v2 =	vmax.f32 v2, v47;
	v47 =	vmin.f32 v53, v56;
	v41 =	vmin.f32 v5, v52  }
0x450: {  	v39 =	vmin.f32 v39, v58;
	v53 =	vmin.f32 v33, v47;
	v47 =	vmax.f32 v33, v47  }
0x451: {  	v7 =	vmax.f32 v50, v7;
	v33 =	vmax.f32 v59, v48;
	v50 =	vmin.f32 v60, v46  }
0x452: {  	v40 =	vmax.f32 v51, v40;
	v51 =	vmin.f32 v7, v61;
	v7 =	vmax.f32 v7, v61  }
0x453: {  	v56 =	vmin.f32 v3, v49;
	v2 =	vmax.f32 v2, v51;
	v51 =	vmin.f32 v40, v44  }
0x454: {  	v44 =	vmax.f32 v40, v44;
	v40 =	vmin.f32 v7, v53;
	v7 =	vmax.f32 v7, v53  }
0x455: {  	v6 =	vmax.f32 v37, v6;
	v37 =	vmin.f32 v42, v54;
	v40 =	vmax.f32 v2, v40  }
0x456: {  	v42 =	vmax.f32 v42, v54;
	v2 =	vmin.f32 v55, v56;
	v53 =	vmin.f32 v33, v51;
	v36 =	vld.idx.msk [tilespmem:v36+s10+$0x0], $0xffff  }
0x457: {  	v54 =	vmin.f32 v34, v39;
	v55 =	vmax.f32 v55, v56;
	v56 =	vmax.f32 v1, v37  }
0x458: {  	v38 =	vmax.f32 v38, v54;
	v3 =	vmax.f32 v3, v49;
	v5 =	vmax.f32 v5, v52;
	v35 =	vld.idx.msk [tilespmem:v35+s10+$0x0], $0xffff  }
0x459: {  	v52 =	vmin.f32 v42, v41;
	v42 =	vmax.f32 v42, v41;
	v49 =	vmax.f32 v3, v50  }
0x45a: {  	v34 =	vmax.f32 v34, v39;
	v3 =	vmin.f32 v3, v50;
	v41 =	vmin.f32 v56, v52  }
0x45b: {  	v48 =	vmin.f32 v59, v48;
	v2 =	vmax.f32 v6, v2;
	v6 =	vmax.f32 v60, v46  }
0x45c: {  	v33 =	vmax.f32 v33, v51;
	v46 =	vmin.f32 v55, v3;
	v39 =	vmin.f32 v44, v36  }
0x45d: {  	v3 =	vmax.f32 v55, v3;
	v50 =	vmin.f32 v33, v39;
	v39 =	vmax.f32 v33, v39  }
0x45e: {  	v2 =	vmax.f32 v2, v46;
	v33 =	vmax.f32 v56, v52;
	v46 =	vmin.f32 v6, v35  }
0x45f: {  	v51 =	vxor.u32 s19, v0;
	v52 =	vmin.f32 v49, v46;
	v55 =	vmax.f32 v49, v46  }
0x460: {  	v1 =	vmin.f32 v1, v37;
	v46 =	vor.u32 v8, v51;
	v49 =	vor.u32 v9, v51  }
0x461: {  	v54 =	vor.u32 v10, v51;
	v56 =	vor.u32 v11, v51;
	v37 =	vmin.f32 v3, v52  }
0x462: {  	v58 =	vmin.f32 v34, v48;
	v34 =	vmax.f32 v34, v48;
	v1 =	vmax.f32 v4, v1  }
0x463: {  	v1 =	vmax.f32 v1, v41;
	v51 =	vmax.f32 v44, v36;
	v37 =	vmax.f32 v2, v37  }
0x464: {  	v4 =	vmin.f32 v34, v53;
	v48 =	vmax.f32 v3, v52;
	v2 =	vmax.f32 v38, v58;
	v41 =	vld.idx.msk [tilespmem:v57+s10+$0x0], $0xffff  }
0x465: {  	v34 =	vmax.f32 v34, v53;
	v2 =	vmax.f32 v2, v4;
	v57 =	vmax.f32 v6, v35;
	v3 =	vld.idx.msk [tilespmem:v46+s10+$0x0], $0xffff  }
0x466: {  	s20 =	sadd.s32 $0x2, s19;
	v4 =	vor.u32 v9, v43;
	v6 =	vmin.f32 v34, v50;
	v34 =	vmax.f32 v34, v50;
	v53 =	vld.idx.msk [tilespmem:v54+s10+$0x0], $0xffff  }
0x467: {  	v59 =	vor.u32 v11, v43;
	v35 =	vxor.u32 s20, v0;
	v38 =	vmax.f32 v2, v6;
	v50 =	vld.idx.msk [tilespmem:v49+s10+$0x0], $0xffff  }
0x468: {  	s19 =	sadd.s32 $0x3, s19;
	v2 =	vor.u32 v9, v35;
	v46 =	vor.u32 v11, v35;
	v54 =	vld.idx.msk [tilespmem:v56+s10+$0x0], $0xffff;
	v56 =	vor.u32 v10, v43  }
0x469: {  	v44 =	vor.u32 v10, v35;
	v6 =	vxor.u32 s19, v0;
	v43 =	vor.u32 v8, v35  }
0x46a: {  	v52 =	vor.u32 v8, v6;
	v58 =	vor.u32 v9, v6;
	v36 =	vor.u32 v10, v6  }
0x46b: {  	v35 =	vor.u32 v11, v6;
	v60 =	vmin.f32 v5, v3;
	v49 =	vmax.f32 v5, v3  }
.Ltmp8:
0x46c: {  	v3 =	vmin.f32 v42, v60;
	v5 =	vmax.f32 v42, v60;
	v6 =	vmin.f32 v49, v41;
	v62 =	vld.idx.msk [tilespmem:v4+s10+$0x0], $0xffff;
	(pc) =	sbr.rel @p0 .LBB2_19-.Ltmp8, $4  }
0x46d: {  	v4 =	vmin.f32 v33, v3;
	v61 =	vmax.f32 v33, v3;
	v3 =	vmin.f32 v45, v50;
	v59 =	vld.idx.msk [tilespmem:v59+s10+$0x0], $0xffff  }
0x46e: {  	v33 =	vmax.f32 v45, v50;
	v42 =	vmax.f32 v5, v6;
	v60 =	vmax.f32 v1, v4  }
0x46f: {  	v1 =	vmin.f32 v47, v3;
	v45 =	vmax.f32 v47, v3;
	v63 =	vmin.f32 v57, v54;
	v47 =	vld.idx.msk [tilespmem:v2+s10+$0x0], $0xffff  }
0x470: {  	v50 =	vmax.f32 v7, v1;
	v2 =	vmin.f32 v7, v1;
	v1 =	vmin.f32 v5, v6  }
0x471: {  	_ = 	snop  }
0x472: {  	v2 =	vmax.f32 v40, v2;
	v3 =	vmax.f32 v55, v63;
	v4 =	vmin.f32 v55, v63  }
0x473: {  	v5 =	vmin.f32 v61, v1;
	v7 =	vmin.f32 v33, v62;
	v1 =	vmax.f32 v61, v1  }
0x474: {  	v63 =	vmax.f32 v33, v62;
	v55 =	vmin.f32 v51, v53;
	v54 =	vmax.f32 v57, v54  }
0x475: {  	v6 =	vld.idx.msk [tilespmem:v43+s10+$0x0], $0xffff;
	v51 =	vmax.f32 v51, v53;
	v41 =	vmax.f32 v49, v41;
	v40 =	vmax.f32 v48, v4  }
0x476: {  	v43 =	vld.idx.msk [tilespmem:v56+s10+$0x0], $0xffff;
	v5 =	vmax.f32 v60, v5;
	v62 =	vmax.f32 v45, v7;
	v4 =	vmin.f32 v48, v4  }
0x477: {  	v56 =	vld.idx.msk [tilespmem:v58+s10+$0x0], $0xffff;
	v48 =	vmax.f32 v54, v59;
	v7 =	vmin.f32 v45, v7;
	v49 =	vmin.f32 v54, v59  }
0x478: {  	v58 =	vmax.f32 v39, v55;
	v39 =	vmin.f32 v39, v55;
	v4 =	vmax.f32 v37, v4  }
0x479: {  	v61 =	vmax.f32 v63, v47;
	v33 =	vmin.f32 v63, v47;
	v63 =	vmin.f32 v50, v7  }
0x47a: {  	v47 =	vld.idx.msk [tilespmem:v52+s10+$0x0], $0xffff;
	v7 =	vmax.f32 v50, v7;
	v52 =	vmin.f32 v62, v33;
	v33 =	vmax.f32 v62, v33  }
0x47b: {  	v45 =	vld.idx.msk [tilespmem:v46+s10+$0x0], $0xffff;
	v2 =	vmax.f32 v2, v63;
	v63 =	vmin.f32 v3, v49;
	v3 =	vmax.f32 v3, v49  }
0x47c: {  	v44 =	vld.idx.msk [tilespmem:v44+s10+$0x0], $0xffff;
	v46 =	vmin.f32 v51, v43;
	v54 =	vmin.f32 v41, v6;
	v57 =	vmax.f32 v61, v56  }
0x47d: {  	v6 =	vmax.f32 v41, v6;
	v60 =	vmin.f32 v61, v56;
	v43 =	vmax.f32 v51, v43  }
0x47e: {  	v62 =	vmin.f32 v7, v52;
	v7 =	vmax.f32 v7, v52;
	v59 =	vmin.f32 v40, v63  }
0x47f: {  	v40 =	vmax.f32 v40, v63;
	v61 =	vmin.f32 v33, v60;
	v33 =	vmax.f32 v33, v60  }
0x480: {  	v36 =	vld.idx.msk [tilespmem:v36+s10+$0x0], $0xffff;
	v41 =	vmax.f32 v58, v46;
	v50 =	vmin.f32 v48, v45;
	v2 =	vmax.f32 v2, v62  }
0x481: {  	v51 =	vmin.f32 v43, v44;
	v43 =	vmax.f32 v43, v44;
	v37 =	vmin.f32 v42, v54  }
0x482: {  	v60 =	vmax.f32 v42, v54;
	v46 =	vmin.f32 v58, v46;
	v4 =	vmax.f32 v4, v59  }
0x483: {  	v56 =	vmin.f32 v7, v61;
	v7 =	vmax.f32 v7, v61;
	v54 =	vmin.f32 v41, v51  }
0x484: {  	v61 =	vmin.f32 v34, v39;
	v62 =	vmax.f32 v1, v37;
	v41 =	vmax.f32 v41, v51  }
0x485: {  	v58 =	vmin.f32 v43, v36;
	v1 =	vmin.f32 v1, v37;
	v36 =	vmax.f32 v43, v36  }
0x486: {  	v35 =	vld.idx.msk [tilespmem:v35+s10+$0x0], $0xffff;
	v53 =	vmin.f32 v6, v47;
	v2 =	vmax.f32 v2, v56;
	v38 =	vmax.f32 v38, v61  }
0x487: {  	v6 =	vmax.f32 v6, v47;
	v47 =	vmax.f32 v3, v50;
	v3 =	vmin.f32 v3, v50  }
0x488: {  	v56 =	vmax.f32 v48, v45;
	v1 =	vmax.f32 v5, v1;
	v63 =	vmin.f32 v60, v53  }
0x489: {  	v42 =	vmax.f32 v60, v53;
	v53 =	vmax.f32 v34, v39;
	v59 =	vmin.f32 v40, v3  }
0x48a: {  	v3 =	vmax.f32 v40, v3;
	v60 =	vmin.f32 v41, v58;
	v41 =	vmax.f32 v41, v58  }
0x48b: {  	v61 =	vmin.f32 v56, v35;
	v35 =	vmax.f32 v56, v35;
	v56 =	vmin.f32 v6, v57  }
0x48c: {  	v55 =	vmin.f32 v62, v63;
	v4 =	vmax.f32 v4, v59;
	v62 =	vmax.f32 v62, v63  }
0x48d: {  	v63 =	vmin.f32 v47, v61;
	v50 =	vmax.f32 v47, v61;
	v52 =	vmin.f32 v53, v46  }
0x48e: {  	v34 =	vmax.f32 v53, v46;
	v59 =	vmin.f32 v42, v57;
	v45 =	vmin.f32 v41, v35  }
0x48f: {  	v51 =	vmin.f32 v3, v63;
	v1 =	vmax.f32 v1, v55;
	v5 =	vmax.f32 v38, v52  }
0x490: {  	v53 =	vmin.f32 v34, v54;
	v3 =	vmax.f32 v3, v63;
	v34 =	vmax.f32 v34, v54  }
0x491: {  	v38 =	vmax.f32 v6, v57;
	v55 =	vmax.f32 v42, v33;
	v58 =	vmax.f32 v62, v7  }
0x492: {  	v42 =	vmin.f32 v42, v33;
	v7 =	vmin.f32 v6, v7;
	v6 =	vmin.f32 v6, v33  }
0x493: {  	v61 =	vmax.f32 v41, v50;
	v46 =	vmin.f32 v36, v50;
	v37 =	vmin.f32 v41, v50  }
0x494: {  	v50 =	vmov s17;
	v4 =	vmax.f32 v4, v51;
	v5 =	vmax.f32 v5, v53  }
0x495: {  	v8 =	vld [tilespmem:$0x1FF30];
	v54 =	vmin.f32 v34, v60;
	v34 =	vmax.f32 v34, v60;
	v60 =	vmin.f32 v62, v57  }
0x496: {  	v7 =	vmax.f32 v42, v7;
	v6 =	vmax.f32 v59, v6;
	v1 =	vmax.f32 v1, v2  }
0x497: {  	v62 =	vmin.f32 v36, v35;
	v47 =	vmax.f32 v45, v46;
	v5 =	vmax.f32 v5, v54  }
0x498: {  	v2 =	vmax.f32 v60, v7;
	v7 =	vmax.f32 v55, v56;
	v6 =	vmax.f32 v58, v6  }
0x499: {  	v33 =	vmax.f32 v61, v62;
	v4 =	vmax.f32 v5, v4;
	v5 =	vshll.u32 v50, $0x5  }
0x49a: {  	s28 =	simm.s32 $0x0;
	v63 =	vmax.f32 v34, v3;
	v3 =	vmin.f32 v36, v3;
	v9 =	vor.u32 v8, v5  }
0x49b: {  	v34 =	vmin.f32 v34, v35;
	v58 =	vxor.u32 s28, v0;
	v1 =	vmax.f32 v1, v2  }
0x49c: {  	v2 =	vmax.f32 v36, v35;
	v3 =	vmax.f32 v37, v3;
	v48 =	vmax.f32 v63, v47  }
0x49d: {  	v51 =	vmax.f32 v7, v33;
	v54 =	vmin.f32 v38, v33;
	v3 =	vmax.f32 v34, v3;
	v8 =	vld [tilespmem:$0x1FF50]  }
0x49e: {  	v49 =	vmax.f32 v38, v2;
	v3 =	vmax.f32 v4, v3;
	v56 =	vor.u32 $0x1, v9;
	[tilespmem:$0x1FF20] =	vst v9  }
0x49f: {  	v57 =	vor.u32 $0x2, v9;
	v1 =	vmax.f32 v1, v3;
	v3 =	vor.u32 $0x3, v9;
	[tilespmem:v9+s12+$0x0] =	vst.idx.msk $0xffff, v49;
	v9 =	vld [tilespmem:$0x1FF60]  }
0x4a0: {  	v52 =	vmin.f32 v38, v2;
	v53 =	vmin.f32 v7, v2;
	v55 =	vmax.f32 v6, v48  }
0x4a1: {  	v11 =	vld [tilespmem:$0x1FFD0];
	v7 =	vmin.f32 v7, v33;
	v59 =	vmin.f32 v38, v48;
	v2 =	vmin.f32 v6, v2  }
0x4a2: {  	v10 =	vld [tilespmem:$0x1FF70];
	v37 =	vmax.f32 v53, v54;
	v6 =	vmax.f32 v7, v59;
	v60 =	vor.u32 v8, v58  }
0x4a3: {  	s29 =	simm.s32 $0x1;
	v34 =	vmax.f32 v51, v52;
	v5 =	vmax.f32 v55, v37;
	v2 =	vmax.f32 v2, v6  }
0x4a4: {  	s30 =	simm.s32 $0x2;
	v61 =	vxor.u32 s29, v0;
	v1 =	vmax.f32 v1, v2;
	[tilespmem:v56+s12+$0x0] =	vst.idx.msk $0xffff, v34;
	v2 =	vor.u32 v9, v58  }
0x4a5: {  	s31 =	simm.s32 $0x3;
	v40 =	vimm.f32 $-Inf;
	v62 =	vxor.u32 s30, v0;
	v6 =	vor.u32 v8, v61;
	[tilespmem:v57+s12+$0x0] =	vst.idx.msk $0xffff, v5  }
0x4a6: {  	v39 =	vimm.f32 $-Inf;
	v46 =	vor.u32 v11, v62;
	v63 =	vxor.u32 s31, v0;
	[tilespmem:v3+s12+$0x0] =	vst.idx.msk $0xffff, v1  }
0x4a7: {  	v44 =	vor.u32 v10, v62;
	v50 =	vimm.f32 $-Inf;
	v1 =	vor.u32 v11, v58;
	v3 =	vld.idx.msk [tilespmem:v60+s10+$0x0], $0xffff  }
0x4a8: {  	v36 =	vor.u32 v10, v63;
	v35 =	vor.u32 v11, v63;
	v38 =	vimm.f32 $-Inf  }
0x4a9: {  	v51 =	vimm.f32 $-Inf;
	v55 =	vimm.f32 $-Inf;
	v37 =	vimm.f32 $-Inf;
	v2 =	vld.idx.msk [tilespmem:v2+s10+$0x0], $0xffff  }
0x4aa: {  	v43 =	vor.u32 v8, v62;
	v52 =	vor.u32 v8, v63;
	v5 =	vor.u32 v10, v58;
	v41 =	vld.idx.msk [tilespmem:v6+s10+$0x0], $0xffff  }
0x4ab: {  	v56 =	vor.u32 v10, v61;
	v34 =	vimm.f32 $-Inf;
	v7 =	vor.u32 v9, v61  }
0x4ac: {  	v6 =	vor.u32 v11, v61;
	v4 =	vor.u32 v9, v62;
	v54 =	vld.idx.msk [tilespmem:v1+s10+$0x0], $0xffff;
	v1 =	vmin.f32 v40, v3  }
0x4ad: {  	v48 =	vmax.f32 v40, v3;
	v3 =	vmin.f32 v40, v1;
	v57 =	vmax.f32 v40, v1  }
0x4ae: {  	v1 =	vmin.f32 v40, v3;
	v61 =	vmax.f32 v40, v3;
	v3 =	vmin.f32 v40, v2  }
0x4af: {  	v59 =	vor.u32 v9, v63;
	v53 =	vld.idx.msk [tilespmem:v5+s10+$0x0], $0xffff;
	v58 =	vmin.f32 v48, v41;
	v63 =	vmin.f32 v40, v3  }
0x4b0: {  	v62 =	vmax.f32 v40, v2;
	v2 =	vmin.f32 v40, v63;
	v49 =	vmax.f32 v40, v63;
	v63 =	vld.idx.msk [tilespmem:v7+s10+$0x0], $0xffff  }
0x4b1: {  	v47 =	vld.idx.msk [tilespmem:v4+s10+$0x0], $0xffff;
	v42 =	vmax.f32 v57, v58;
	v33 =	vmin.f32 v57, v58;
	v57 =	vimm.f32 $-Inf  }
0x4b2: {  	s17 =	simm.s32 $0x4;
	v58 =	vld.idx.msk [tilespmem:v6+s10+$0x0], $0xffff;
	v60 =	vmax.f32 v40, v1;
	v1 =	vmin.f32 v40, v54;
	v45 =	vmax.f32 v40, v3  }
.LBB2_21:
0x4b3: {  	s19 =	sadd.s32 $0x1, s17  }
0x4b4: {  	p0 =	slt.u32 s17, $0x3C;
	v2 =	vmax.f32 v40, v2;
	v3 =	vmax.f32 v55, v1;
	v4 =	vmin.f32 v61, v33;
	v5 =	vld.idx.msk [tilespmem:v43+s10+$0x0], $0xffff;
	s18 =	smov.u32 s17;
	s17 =	sadd.s32 $0x4, s17  }
0x4b5: {  	v1 =	vmin.f32 v55, v1;
	v6 =	vmin.f32 v62, v63;
	v43 =	vxor.u32 s19, v0;
	v7 =	vld.idx.msk [tilespmem:v56+s10+$0x0], $0xffff  }
0x4b6: {  	v33 =	vmax.f32 v61, v33;
	v40 =	vmax.f32 v62, v63;
	v55 =	vmax.f32 v50, v1;
	v56 =	vld.idx.msk [tilespmem:v59+s10+$0x0], $0xffff  }
0x4b7: {  	v54 =	vmax.f32 v57, v54;
	v4 =	vmax.f32 v60, v4;
	v59 =	vmin.f32 v51, v53  }
0x4b8: {  	v57 =	vor.u32 v8, v43;
	v51 =	vmax.f32 v51, v53;
	v53 =	vmax.f32 v40, v47;
	v52 =	vld.idx.msk [tilespmem:v52+s10+$0x0], $0xffff  }
0x4b9: {  	v1 =	vmin.f32 v50, v1;
	v50 =	vmax.f32 v45, v6;
	v40 =	vmin.f32 v40, v47  }
0x4ba: {  	v60 =	vmax.f32 v54, v58;
	v61 =	vmin.f32 v50, v40;
	v40 =	vmax.f32 v50, v40;
	v46 =	vld.idx.msk [tilespmem:v46+s10+$0x0], $0xffff  }
0x4bb: {  	v41 =	vmax.f32 v48, v41;
	v6 =	vmin.f32 v45, v6;
	v48 =	vmin.f32 v51, v7  }
0x4bc: {  	v50 =	vmin.f32 v54, v58;
	v54 =	vmin.f32 v41, v5;
	v45 =	vmax.f32 v53, v56;
	v44 =	vld.idx.msk [tilespmem:v44+s10+$0x0], $0xffff  }
0x4bd: {  	v47 =	vmin.f32 v49, v6;
	v58 =	vmax.f32 v39, v59;
	v5 =	vmax.f32 v41, v5  }
0x4be: {  	v2 =	vmax.f32 v2, v47;
	v47 =	vmin.f32 v53, v56;
	v41 =	vmin.f32 v5, v52  }
0x4bf: {  	v39 =	vmin.f32 v39, v59;
	v53 =	vmin.f32 v40, v47;
	v47 =	vmax.f32 v40, v47  }
0x4c0: {  	v6 =	vmax.f32 v49, v6;
	v49 =	vmax.f32 v58, v48;
	v56 =	vmin.f32 v60, v46  }
0x4c1: {  	v7 =	vmax.f32 v51, v7;
	v40 =	vmin.f32 v6, v61;
	v6 =	vmax.f32 v6, v61  }
0x4c2: {  	v51 =	vmin.f32 v3, v50;
	v2 =	vmax.f32 v2, v40;
	v59 =	vmin.f32 v7, v44  }
0x4c3: {  	v40 =	vmin.f32 v6, v53;
	v6 =	vmax.f32 v6, v53;
	v7 =	vmax.f32 v7, v44  }
0x4c4: {  	v1 =	vmax.f32 v37, v1;
	v37 =	vmin.f32 v42, v54;
	v40 =	vmax.f32 v2, v40  }
0x4c5: {  	v42 =	vmax.f32 v42, v54;
	v2 =	vmin.f32 v55, v51;
	v44 =	vmin.f32 v49, v59;
	v36 =	vld.idx.msk [tilespmem:v36+s10+$0x0], $0xffff  }
0x4c6: {  	v54 =	vmax.f32 v33, v37;
	v53 =	vmin.f32 v34, v39;
	v51 =	vmax.f32 v55, v51  }
0x4c7: {  	v3 =	vmax.f32 v3, v50;
	v5 =	vmax.f32 v5, v52;
	v38 =	vmax.f32 v38, v53;
	v35 =	vld.idx.msk [tilespmem:v35+s10+$0x0], $0xffff  }
0x4c8: {  	v52 =	vmin.f32 v42, v41;
	v42 =	vmax.f32 v42, v41;
	v50 =	vmax.f32 v3, v56  }
0x4c9: {  	v34 =	vmax.f32 v34, v39;
	v41 =	vmin.f32 v54, v52;
	v3 =	vmin.f32 v3, v56  }
0x4ca: {  	v48 =	vmin.f32 v58, v48;
	v1 =	vmax.f32 v1, v2;
	v2 =	vmax.f32 v60, v46  }
0x4cb: {  	v46 =	vmin.f32 v51, v3;
	v39 =	vmax.f32 v49, v59;
	v49 =	vmin.f32 v7, v36  }
0x4cc: {  	v3 =	vmax.f32 v51, v3;
	v56 =	vmin.f32 v39, v49;
	v39 =	vmax.f32 v39, v49  }
0x4cd: {  	v1 =	vmax.f32 v1, v46;
	v49 =	vmax.f32 v54, v52;
	v46 =	vmin.f32 v2, v35  }
0x4ce: {  	v51 =	vxor.u32 s18, v0;
	v52 =	vmin.f32 v50, v46;
	v55 =	vmax.f32 v50, v46  }
0x4cf: {  	v33 =	vmin.f32 v33, v37;
	v54 =	vor.u32 v9, v51;
	v46 =	vor.u32 v8, v51  }
0x4d0: {  	v53 =	vor.u32 v10, v51;
	v58 =	vor.u32 v11, v51;
	v37 =	vmin.f32 v3, v52  }
0x4d1: {  	v4 =	vmax.f32 v4, v33;
	v50 =	vmin.f32 v34, v48;
	v34 =	vmax.f32 v34, v48  }
0x4d2: {  	v4 =	vmax.f32 v4, v41;
	v51 =	vmax.f32 v7, v36;
	v37 =	vmax.f32 v1, v37  }
0x4d3: {  	v7 =	vmin.f32 v34, v44;
	v1 =	vmax.f32 v38, v50;
	v50 =	vmax.f32 v3, v52;
	v41 =	vld.idx.msk [tilespmem:v57+s10+$0x0], $0xffff  }
0x4d4: {  	v33 =	vmax.f32 v34, v44;
	v1 =	vmax.f32 v1, v7;
	v57 =	vmax.f32 v2, v35;
	v3 =	vld.idx.msk [tilespmem:v46+s10+$0x0], $0xffff  }
0x4d5: {  	s19 =	sadd.s32 $0x2, s18;
	v34 =	vmax.f32 v33, v56;
	v7 =	vmin.f32 v33, v56;
	v2 =	vor.u32 v9, v43;
	v53 =	vld.idx.msk [tilespmem:v53+s10+$0x0], $0xffff  }
0x4d6: {  	v60 =	vor.u32 v11, v43;
	v38 =	vmax.f32 v1, v7;
	v35 =	vxor.u32 s19, v0;
	v33 =	vld.idx.msk [tilespmem:v54+s10+$0x0], $0xffff  }
0x4d7: {  	s18 =	sadd.s32 $0x3, s18;
	v56 =	vor.u32 v10, v43;
	v7 =	vor.u32 v9, v35;
	v46 =	vor.u32 v11, v35;
	v54 =	vld.idx.msk [tilespmem:v58+s10+$0x0], $0xffff  }
0x4d8: {  	v1 =	vxor.u32 s18, v0;
	v43 =	vor.u32 v8, v35;
	v44 =	vor.u32 v10, v35  }
0x4d9: {  	v52 =	vor.u32 v8, v1;
	v59 =	vor.u32 v9, v1;
	v36 =	vor.u32 v10, v1  }
0x4da: {  	v35 =	vor.u32 v11, v1;
	v58 =	vmin.f32 v5, v3;
	v48 =	vmax.f32 v5, v3  }
.Ltmp9:
0x4db: {  	v1 =	vmin.f32 v42, v58;
	v3 =	vmax.f32 v42, v58;
	v5 =	vmin.f32 v48, v41;
	v63 =	vld.idx.msk [tilespmem:v2+s10+$0x0], $0xffff;
	(pc) =	sbr.rel @p0 .LBB2_21-.Ltmp9, $4  }
0x4dc: {  	v2 =	vmin.f32 v49, v1;
	v61 =	vmax.f32 v49, v1;
	v1 =	vmin.f32 v45, v33;
	v58 =	vld.idx.msk [tilespmem:v60+s10+$0x0], $0xffff  }
0x4dd: {  	v62 =	vmax.f32 v45, v33;
	v42 =	vmax.f32 v3, v5;
	v60 =	vmax.f32 v4, v2  }
0x4de: {  	v4 =	vmin.f32 v47, v1;
	v45 =	vmax.f32 v47, v1;
	v1 =	vmin.f32 v57, v54;
	v47 =	vld.idx.msk [tilespmem:v7+s10+$0x0], $0xffff  }
0x4df: {  	v33 =	vmin.f32 v3, v5;
	v2 =	vmin.f32 v6, v4;
	v49 =	vmax.f32 v6, v4  }
0x4e0: {  	_ = 	snop  }
0x4e1: {  	v2 =	vmax.f32 v40, v2  }
0x4e2: {  	v3 =	vmax.f32 v55, v1;
	v4 =	vmin.f32 v61, v33;
	v1 =	vmin.f32 v55, v1  }
0x4e3: {  	v6 =	vmin.f32 v62, v63;
	v33 =	vmax.f32 v61, v33;
	v61 =	vmax.f32 v62, v63  }
0x4e4: {  	v7 =	vld.idx.msk [tilespmem:v56+s10+$0x0], $0xffff;
	v56 =	vmin.f32 v51, v53;
	v54 =	vmax.f32 v57, v54;
	v51 =	vmax.f32 v51, v53  }
0x4e5: {  	v41 =	vmax.f32 v48, v41;
	v40 =	vmax.f32 v50, v1;
	v4 =	vmax.f32 v60, v4  }
0x4e6: {  	v5 =	vld.idx.msk [tilespmem:v43+s10+$0x0], $0xffff;
	v1 =	vmin.f32 v50, v1;
	v62 =	vmax.f32 v45, v6;
	v6 =	vmin.f32 v45, v6  }
0x4e7: {  	v55 =	vld.idx.msk [tilespmem:v59+s10+$0x0], $0xffff;
	v48 =	vmin.f32 v54, v58;
	v1 =	vmax.f32 v37, v1;
	v53 =	vmax.f32 v61, v47  }
0x4e8: {  	v43 =	vmin.f32 v61, v47;
	v47 =	vmax.f32 v54, v58;
	v58 =	vmax.f32 v39, v56  }
0x4e9: {  	v61 =	vmin.f32 v49, v6;
	v39 =	vmin.f32 v39, v56;
	v6 =	vmax.f32 v49, v6  }
0x4ea: {  	v52 =	vld.idx.msk [tilespmem:v52+s10+$0x0], $0xffff;
	v63 =	vmin.f32 v62, v43;
	v43 =	vmax.f32 v62, v43;
	v2 =	vmax.f32 v2, v61  }
0x4eb: {  	v46 =	vld.idx.msk [tilespmem:v46+s10+$0x0], $0xffff;
	v61 =	vmin.f32 v34, v39;
	v34 =	vmax.f32 v34, v39;
	v45 =	vmin.f32 v51, v7  }
0x4ec: {  	v44 =	vld.idx.msk [tilespmem:v44+s10+$0x0], $0xffff;
	v60 =	vmin.f32 v41, v5;
	v54 =	vmax.f32 v53, v55;
	v5 =	vmax.f32 v41, v5  }
0x4ed: {  	v53 =	vmin.f32 v53, v55;
	v7 =	vmax.f32 v51, v7;
	v62 =	vmin.f32 v6, v63  }
0x4ee: {  	v6 =	vmax.f32 v6, v63;
	v63 =	vmin.f32 v3, v48;
	v38 =	vmax.f32 v38, v61  }
0x4ef: {  	v3 =	vmax.f32 v3, v48;
	v41 =	vmin.f32 v5, v52;
	v55 =	vmin.f32 v43, v53  }
0x4f0: {  	v43 =	vmax.f32 v43, v53;
	v49 =	vmax.f32 v58, v45;
	v53 =	vmin.f32 v47, v46  }
0x4f1: {  	v2 =	vmax.f32 v2, v62;
	v51 =	vmin.f32 v7, v44;
	v7 =	vmax.f32 v7, v44  }
0x4f2: {  	v36 =	vld.idx.msk [tilespmem:v36+s10+$0x0], $0xffff;
	v37 =	vmin.f32 v42, v60;
	v44 =	vmin.f32 v40, v63;
	v60 =	vmax.f32 v42, v60  }
0x4f3: {  	v40 =	vmax.f32 v40, v63;
	v5 =	vmax.f32 v5, v52;
	v42 =	vmin.f32 v58, v45  }
0x4f4: {  	v59 =	vmin.f32 v6, v55;
	v6 =	vmax.f32 v6, v55;
	v50 =	vmin.f32 v49, v51  }
0x4f5: {  	v62 =	vmax.f32 v33, v37;
	v48 =	vmax.f32 v3, v53;
	v63 =	vmin.f32 v60, v41  }
0x4f6: {  	v35 =	vld.idx.msk [tilespmem:v35+s10+$0x0], $0xffff;
	v41 =	vmax.f32 v60, v41;
	v3 =	vmin.f32 v3, v53;
	v1 =	vmax.f32 v1, v44  }
0x4f7: {  	v53 =	vmax.f32 v47, v46;
	v55 =	vmax.f32 v49, v51;
	v58 =	vmin.f32 v7, v36  }
0x4f8: {  	v33 =	vmin.f32 v33, v37;
	v7 =	vmax.f32 v7, v36;
	v56 =	vmin.f32 v5, v54  }
0x4f9: {  	v2 =	vmax.f32 v2, v59;
	v39 =	vmin.f32 v62, v63;
	v57 =	vmin.f32 v40, v3  }
0x4fa: {  	v3 =	vmax.f32 v40, v3;
	v59 =	vmin.f32 v55, v58;
	v45 =	vmax.f32 v55, v58  }
0x4fb: {  	v46 =	vmax.f32 v62, v63;
	v60 =	vmin.f32 v53, v35;
	v63 =	vmin.f32 v34, v42  }
0x4fc: {  	v4 =	vmax.f32 v4, v33;
	v42 =	vmax.f32 v34, v42;
	v35 =	vmax.f32 v53, v35  }
0x4fd: {  	v8 =	vld [tilespmem:$0x1FF20];
	v55 =	vmax.f32 v41, v43;
	v58 =	vmin.f32 v41, v54;
	v1 =	vmax.f32 v1, v57  }
0x4fe: {  	v61 =	vmin.f32 v48, v60;
	v47 =	vmax.f32 v48, v60;
	v4 =	vmax.f32 v4, v39  }
0x4ff: {  	v51 =	vmax.f32 v38, v63;
	v52 =	vmin.f32 v42, v50;
	v33 =	vmax.f32 v42, v50  }
0x500: {  	v38 =	vmax.f32 v5, v54;
	v36 =	vmax.f32 v55, v56;
	v57 =	vmax.f32 v46, v6  }
0x501: {  	v6 =	vmin.f32 v5, v6;
	v5 =	vmin.f32 v5, v43;
	v60 =	vmin.f32 v46, v54  }
0x502: {  	v63 =	vmin.f32 v7, v35;
	v46 =	vmin.f32 v45, v35;
	v54 =	vor.u32 $0x5, v8  }
0x503: {  	v56 =	vor.u32 $0x6, v8;
	v62 =	vmin.f32 v3, v61;
	v3 =	vmax.f32 v3, v61  }
0x504: {  	v34 =	vmax.f32 v51, v52;
	v53 =	vmin.f32 v33, v59;
	v33 =	vmax.f32 v33, v59  }
0x505: {  	v59 =	vmin.f32 v41, v43;
	v5 =	vmax.f32 v58, v5;
	v2 =	vmax.f32 v4, v2  }
0x506: {  	v48 =	vmin.f32 v45, v47;
	v52 =	vor.u32 $0x4, v8;
	v1 =	vmax.f32 v1, v62  }
0x507: {  	v34 =	vmax.f32 v34, v53;
	v6 =	vmax.f32 v59, v6;
	v5 =	vmax.f32 v57, v5  }
0x508: {  	v62 =	vmax.f32 v7, v35;
	v44 =	vmax.f32 v33, v3;
	v3 =	vmin.f32 v7, v3  }
0x509: {  	v7 =	vmin.f32 v7, v47;
	v33 =	vmin.f32 v33, v35;
	v3 =	vmax.f32 v48, v3  }
0x50a: {  	s17 =	simm.s32 $0x0;
	v9 =	vld [tilespmem:$0x1FFF0];
	v61 =	vmax.f32 v60, v6;
	v1 =	vmax.f32 v34, v1;
	v3 =	vmax.f32 v33, v3  }
0x50b: {  	v57 =	vxor.u32 s17, v0;
	v2 =	vmax.f32 v2, v61;
	v1 =	vmax.f32 v1, v3  }
0x50c: {  	v6 =	vmax.f32 v45, v47;
	v1 =	vmax.f32 v2, v1;
	v2 =	vor.u32 $0x7, v8;
	v8 =	vld [tilespmem:$0x1FFE0]  }
0x50d: {  	v7 =	vmax.f32 v46, v7;
	v50 =	vmin.f32 v38, v62;
	v51 =	vmin.f32 v36, v62  }
0x50e: {  	v4 =	vmin.f32 v5, v62;
	v6 =	vmax.f32 v6, v63;
	v7 =	vmax.f32 v44, v7  }
0x50f: {  	v61 =	vor.u32 v9, v57;
	v3 =	vmax.f32 v38, v62;
	v49 =	vmax.f32 v36, v6  }
0x510: {  	v37 =	vmin.f32 v38, v6;
	v53 =	vmax.f32 v5, v7;
	v6 =	vmin.f32 v36, v6  }
0x511: {  	v10 =	vld [tilespmem:$0x1FF80];
	v7 =	vmin.f32 v38, v7;
	v35 =	vmax.f32 v51, v37;
	v58 =	vor.u32 v8, v57  }
0x512: {  	s29 =	simm.s32 $0x1;
	v40 =	vimm.f32 $-Inf;
	v33 =	vmax.f32 v49, v50;
	v59 =	vmax.f32 v6, v7;
	[tilespmem:v52+s12+$0x0] =	vst.idx.msk $0xffff, v3  }
0x513: {  	v3 =	vxor.u32 s29, v0;
	v55 =	vmax.f32 v53, v35;
	v4 =	vmax.f32 v4, v59;
	[tilespmem:v54+s12+$0x0] =	vst.idx.msk $0xffff, v33  }
0x514: {  	s30 =	simm.s32 $0x2;
	s31 =	simm.s32 $0x3;
	v39 =	vimm.f32 $-Inf;
	v1 =	vmax.f32 v1, v4;
	[tilespmem:v56+s12+$0x0] =	vst.idx.msk $0xffff, v55;
	v60 =	vor.u32 v8, v3  }
0x515: {  	v34 =	vimm.f32 $-Inf;
	v63 =	vxor.u32 s31, v0;
	v62 =	vxor.u32 s30, v0;
	[tilespmem:v2+s12+$0x0] =	vst.idx.msk $0xffff, v1  }
0x516: {  	v36 =	vor.u32 v10, v63;
	v38 =	vimm.f32 $-Inf;
	v1 =	vor.u32 v12, v57;
	v2 =	vld.idx.msk [tilespmem:v58+s10+$0x0], $0xffff  }
0x517: {  	v6 =	vor.u32 v10, v57;
	v46 =	vor.u32 v12, v62;
	v44 =	vor.u32 v10, v62  }
0x518: {  	v50 =	vimm.f32 $-Inf;
	v51 =	vimm.f32 $-Inf;
	v37 =	vimm.f32 $-Inf;
	v4 =	vld.idx.msk [tilespmem:v61+s10+$0x0], $0xffff  }
0x519: {  	v7 =	vor.u32 v9, v3;
	v5 =	vor.u32 v12, v3;
	v59 =	vor.u32 v9, v63;
	v41 =	vld.idx.msk [tilespmem:v60+s10+$0x0], $0xffff  }
0x51a: {  	v35 =	vor.u32 v12, v63;
	v56 =	vor.u32 v10, v3;
	v55 =	vimm.f32 $-Inf  }
0x51b: {  	v3 =	vor.u32 v9, v62;
	v43 =	vor.u32 v8, v62;
	v54 =	vld.idx.msk [tilespmem:v1+s10+$0x0], $0xffff;
	v1 =	vmin.f32 v40, v2  }
0x51c: {  	v48 =	vmax.f32 v40, v2;
	v2 =	vmin.f32 v40, v1;
	v57 =	vmax.f32 v40, v1  }
0x51d: {  	v1 =	vmin.f32 v40, v2;
	v61 =	vmax.f32 v40, v2;
	v2 =	vmin.f32 v40, v4  }
0x51e: {  	v52 =	vor.u32 v8, v63;
	v53 =	vld.idx.msk [tilespmem:v6+s10+$0x0], $0xffff;
	v58 =	vmin.f32 v48, v41;
	v63 =	vmin.f32 v40, v2  }
0x51f: {  	v45 =	vmax.f32 v40, v2;
	v2 =	vmin.f32 v40, v63;
	v49 =	vmax.f32 v40, v63;
	v63 =	vld.idx.msk [tilespmem:v7+s10+$0x0], $0xffff  }
0x520: {  	v47 =	vld.idx.msk [tilespmem:v3+s10+$0x0], $0xffff;
	v62 =	vmax.f32 v40, v4;
	v42 =	vmax.f32 v57, v58;
	v33 =	vmin.f32 v57, v58  }
0x521: {  	s17 =	simm.s32 $0x4;
	v58 =	vld.idx.msk [tilespmem:v5+s10+$0x0], $0xffff;
	v57 =	vimm.f32 $-Inf;
	v60 =	vmax.f32 v40, v1;
	v1 =	vmin.f32 v40, v54  }
.LBB2_23:
0x522: {  	s19 =	sadd.s32 $0x1, s17  }
0x523: {  	p0 =	slt.u32 s17, $0x3C;
	v2 =	vmax.f32 v40, v2;
	v3 =	vmax.f32 v55, v1;
	v4 =	vmin.f32 v61, v33;
	v5 =	vld.idx.msk [tilespmem:v43+s10+$0x0], $0xffff;
	s18 =	smov.u32 s17;
	s17 =	sadd.s32 $0x4, s17  }
0x524: {  	v1 =	vmin.f32 v55, v1;
	v6 =	vmin.f32 v62, v63;
	v43 =	vxor.u32 s19, v0;
	v7 =	vld.idx.msk [tilespmem:v56+s10+$0x0], $0xffff  }
0x525: {  	v33 =	vmax.f32 v61, v33;
	v40 =	vmax.f32 v62, v63;
	v55 =	vmax.f32 v50, v1;
	v56 =	vld.idx.msk [tilespmem:v59+s10+$0x0], $0xffff  }
0x526: {  	v54 =	vmax.f32 v57, v54;
	v4 =	vmax.f32 v60, v4;
	v59 =	vmin.f32 v51, v53  }
0x527: {  	v57 =	vor.u32 v8, v43;
	v51 =	vmax.f32 v51, v53;
	v53 =	vmax.f32 v40, v47;
	v52 =	vld.idx.msk [tilespmem:v52+s10+$0x0], $0xffff  }
0x528: {  	v1 =	vmin.f32 v50, v1;
	v50 =	vmax.f32 v45, v6;
	v40 =	vmin.f32 v40, v47  }
0x529: {  	v60 =	vmax.f32 v54, v58;
	v61 =	vmin.f32 v50, v40;
	v40 =	vmax.f32 v50, v40;
	v46 =	vld.idx.msk [tilespmem:v46+s10+$0x0], $0xffff  }
0x52a: {  	v41 =	vmax.f32 v48, v41;
	v6 =	vmin.f32 v45, v6;
	v48 =	vmin.f32 v51, v7  }
0x52b: {  	v50 =	vmin.f32 v54, v58;
	v54 =	vmin.f32 v41, v5;
	v45 =	vmax.f32 v53, v56;
	v44 =	vld.idx.msk [tilespmem:v44+s10+$0x0], $0xffff  }
0x52c: {  	v47 =	vmin.f32 v49, v6;
	v58 =	vmax.f32 v39, v59;
	v5 =	vmax.f32 v41, v5  }
0x52d: {  	v2 =	vmax.f32 v2, v47;
	v47 =	vmin.f32 v53, v56;
	v41 =	vmin.f32 v5, v52  }
0x52e: {  	v39 =	vmin.f32 v39, v59;
	v53 =	vmin.f32 v40, v47;
	v47 =	vmax.f32 v40, v47  }
0x52f: {  	v6 =	vmax.f32 v49, v6;
	v49 =	vmax.f32 v58, v48;
	v56 =	vmin.f32 v60, v46  }
0x530: {  	v7 =	vmax.f32 v51, v7;
	v40 =	vmin.f32 v6, v61;
	v6 =	vmax.f32 v6, v61  }
0x531: {  	v51 =	vmin.f32 v3, v50;
	v2 =	vmax.f32 v2, v40;
	v59 =	vmin.f32 v7, v44  }
0x532: {  	v40 =	vmin.f32 v6, v53;
	v6 =	vmax.f32 v6, v53;
	v7 =	vmax.f32 v7, v44  }
0x533: {  	v1 =	vmax.f32 v37, v1;
	v37 =	vmin.f32 v42, v54;
	v40 =	vmax.f32 v2, v40  }
0x534: {  	v42 =	vmax.f32 v42, v54;
	v2 =	vmin.f32 v55, v51;
	v44 =	vmin.f32 v49, v59;
	v36 =	vld.idx.msk [tilespmem:v36+s10+$0x0], $0xffff  }
0x535: {  	v54 =	vmax.f32 v33, v37;
	v53 =	vmin.f32 v34, v39;
	v51 =	vmax.f32 v55, v51  }
0x536: {  	v3 =	vmax.f32 v3, v50;
	v5 =	vmax.f32 v5, v52;
	v38 =	vmax.f32 v38, v53;
	v35 =	vld.idx.msk [tilespmem:v35+s10+$0x0], $0xffff  }
0x537: {  	v52 =	vmin.f32 v42, v41;
	v42 =	vmax.f32 v42, v41;
	v50 =	vmax.f32 v3, v56  }
0x538: {  	v34 =	vmax.f32 v34, v39;
	v41 =	vmin.f32 v54, v52;
	v3 =	vmin.f32 v3, v56  }
0x539: {  	v48 =	vmin.f32 v58, v48;
	v1 =	vmax.f32 v1, v2;
	v2 =	vmax.f32 v60, v46  }
0x53a: {  	v46 =	vmin.f32 v51, v3;
	v39 =	vmax.f32 v49, v59;
	v49 =	vmin.f32 v7, v36  }
0x53b: {  	v3 =	vmax.f32 v51, v3;
	v56 =	vmin.f32 v39, v49;
	v39 =	vmax.f32 v39, v49  }
0x53c: {  	v1 =	vmax.f32 v1, v46;
	v49 =	vmax.f32 v54, v52;
	v46 =	vmin.f32 v2, v35  }
0x53d: {  	v51 =	vxor.u32 s18, v0;
	v52 =	vmin.f32 v50, v46;
	v55 =	vmax.f32 v50, v46  }
0x53e: {  	v33 =	vmin.f32 v33, v37;
	v54 =	vor.u32 v9, v51;
	v46 =	vor.u32 v8, v51  }
0x53f: {  	v53 =	vor.u32 v10, v51;
	v58 =	vor.u32 v12, v51;
	v37 =	vmin.f32 v3, v52  }
0x540: {  	v4 =	vmax.f32 v4, v33;
	v50 =	vmin.f32 v34, v48;
	v34 =	vmax.f32 v34, v48  }
0x541: {  	v4 =	vmax.f32 v4, v41;
	v51 =	vmax.f32 v7, v36;
	v37 =	vmax.f32 v1, v37  }
0x542: {  	v7 =	vmin.f32 v34, v44;
	v1 =	vmax.f32 v38, v50;
	v50 =	vmax.f32 v3, v52;
	v41 =	vld.idx.msk [tilespmem:v57+s10+$0x0], $0xffff  }
0x543: {  	v33 =	vmax.f32 v34, v44;
	v1 =	vmax.f32 v1, v7;
	v57 =	vmax.f32 v2, v35;
	v3 =	vld.idx.msk [tilespmem:v46+s10+$0x0], $0xffff  }
0x544: {  	s19 =	sadd.s32 $0x2, s18;
	v34 =	vmax.f32 v33, v56;
	v7 =	vmin.f32 v33, v56;
	v2 =	vor.u32 v9, v43;
	v53 =	vld.idx.msk [tilespmem:v53+s10+$0x0], $0xffff  }
0x545: {  	v60 =	vor.u32 v12, v43;
	v38 =	vmax.f32 v1, v7;
	v35 =	vxor.u32 s19, v0;
	v33 =	vld.idx.msk [tilespmem:v54+s10+$0x0], $0xffff  }
0x546: {  	s18 =	sadd.s32 $0x3, s18;
	v56 =	vor.u32 v10, v43;
	v7 =	vor.u32 v9, v35;
	v46 =	vor.u32 v12, v35;
	v54 =	vld.idx.msk [tilespmem:v58+s10+$0x0], $0xffff  }
0x547: {  	v1 =	vxor.u32 s18, v0;
	v43 =	vor.u32 v8, v35;
	v44 =	vor.u32 v10, v35  }
0x548: {  	v52 =	vor.u32 v8, v1;
	v59 =	vor.u32 v9, v1;
	v36 =	vor.u32 v10, v1  }
0x549: {  	v35 =	vor.u32 v12, v1;
	v58 =	vmin.f32 v5, v3;
	v48 =	vmax.f32 v5, v3  }
.Ltmp10:
0x54a: {  	v1 =	vmin.f32 v42, v58;
	v3 =	vmax.f32 v42, v58;
	v5 =	vmin.f32 v48, v41;
	v63 =	vld.idx.msk [tilespmem:v2+s10+$0x0], $0xffff;
	(pc) =	sbr.rel @p0 .LBB2_23-.Ltmp10, $4  }
0x54b: {  	v2 =	vmin.f32 v49, v1;
	v61 =	vmax.f32 v49, v1;
	v1 =	vmin.f32 v45, v33;
	v58 =	vld.idx.msk [tilespmem:v60+s10+$0x0], $0xffff  }
0x54c: {  	v62 =	vmax.f32 v45, v33;
	v42 =	vmax.f32 v3, v5;
	v60 =	vmax.f32 v4, v2  }
0x54d: {  	v4 =	vmin.f32 v47, v1;
	v45 =	vmax.f32 v47, v1;
	v1 =	vmin.f32 v57, v54;
	v47 =	vld.idx.msk [tilespmem:v7+s10+$0x0], $0xffff  }
0x54e: {  	v33 =	vmin.f32 v3, v5;
	v2 =	vmin.f32 v6, v4;
	v49 =	vmax.f32 v6, v4  }
0x54f: {  	_ = 	snop  }
0x550: {  	v2 =	vmax.f32 v40, v2  }
0x551: {  	v3 =	vmax.f32 v55, v1;
	v4 =	vmin.f32 v61, v33;
	v1 =	vmin.f32 v55, v1  }
0x552: {  	v6 =	vmin.f32 v62, v63;
	v33 =	vmax.f32 v61, v33;
	v61 =	vmax.f32 v62, v63  }
0x553: {  	v7 =	vld.idx.msk [tilespmem:v56+s10+$0x0], $0xffff;
	v56 =	vmin.f32 v51, v53;
	v54 =	vmax.f32 v57, v54;
	v51 =	vmax.f32 v51, v53  }
0x554: {  	v41 =	vmax.f32 v48, v41;
	v40 =	vmax.f32 v50, v1;
	v4 =	vmax.f32 v60, v4  }
0x555: {  	v5 =	vld.idx.msk [tilespmem:v43+s10+$0x0], $0xffff;
	v1 =	vmin.f32 v50, v1;
	v62 =	vmax.f32 v45, v6;
	v6 =	vmin.f32 v45, v6  }
0x556: {  	v55 =	vld.idx.msk [tilespmem:v59+s10+$0x0], $0xffff;
	v48 =	vmin.f32 v54, v58;
	v1 =	vmax.f32 v37, v1;
	v53 =	vmax.f32 v61, v47  }
0x557: {  	v43 =	vmin.f32 v61, v47;
	v47 =	vmax.f32 v54, v58;
	v58 =	vmax.f32 v39, v56  }
0x558: {  	v61 =	vmin.f32 v49, v6;
	v39 =	vmin.f32 v39, v56;
	v6 =	vmax.f32 v49, v6  }
0x559: {  	v52 =	vld.idx.msk [tilespmem:v52+s10+$0x0], $0xffff;
	v63 =	vmin.f32 v62, v43;
	v43 =	vmax.f32 v62, v43;
	v2 =	vmax.f32 v2, v61  }
0x55a: {  	v46 =	vld.idx.msk [tilespmem:v46+s10+$0x0], $0xffff;
	v61 =	vmin.f32 v34, v39;
	v34 =	vmax.f32 v34, v39;
	v45 =	vmin.f32 v51, v7  }
0x55b: {  	v44 =	vld.idx.msk [tilespmem:v44+s10+$0x0], $0xffff;
	v60 =	vmin.f32 v41, v5;
	v54 =	vmax.f32 v53, v55;
	v5 =	vmax.f32 v41, v5  }
0x55c: {  	v53 =	vmin.f32 v53, v55;
	v7 =	vmax.f32 v51, v7;
	v62 =	vmin.f32 v6, v63  }
0x55d: {  	v6 =	vmax.f32 v6, v63;
	v63 =	vmin.f32 v3, v48;
	v38 =	vmax.f32 v38, v61  }
0x55e: {  	v3 =	vmax.f32 v3, v48;
	v41 =	vmin.f32 v5, v52;
	v55 =	vmin.f32 v43, v53  }
0x55f: {  	v43 =	vmax.f32 v43, v53;
	v49 =	vmax.f32 v58, v45;
	v53 =	vmin.f32 v47, v46  }
0x560: {  	v2 =	vmax.f32 v2, v62;
	v51 =	vmin.f32 v7, v44;
	v7 =	vmax.f32 v7, v44  }
0x561: {  	v36 =	vld.idx.msk [tilespmem:v36+s10+$0x0], $0xffff;
	v37 =	vmin.f32 v42, v60;
	v44 =	vmin.f32 v40, v63;
	v60 =	vmax.f32 v42, v60  }
0x562: {  	v40 =	vmax.f32 v40, v63;
	v5 =	vmax.f32 v5, v52;
	v42 =	vmin.f32 v58, v45  }
0x563: {  	v59 =	vmin.f32 v6, v55;
	v6 =	vmax.f32 v6, v55;
	v50 =	vmin.f32 v49, v51  }
0x564: {  	v62 =	vmax.f32 v33, v37;
	v48 =	vmax.f32 v3, v53;
	v63 =	vmin.f32 v60, v41  }
0x565: {  	v35 =	vld.idx.msk [tilespmem:v35+s10+$0x0], $0xffff;
	v41 =	vmax.f32 v60, v41;
	v3 =	vmin.f32 v3, v53;
	v1 =	vmax.f32 v1, v44  }
0x566: {  	v44 =	vmax.f32 v47, v46;
	v53 =	vmax.f32 v49, v51;
	v57 =	vmin.f32 v7, v36  }
0x567: {  	v33 =	vmin.f32 v33, v37;
	v7 =	vmax.f32 v7, v36;
	v2 =	vmax.f32 v2, v59  }
0x568: {  	v39 =	vmin.f32 v62, v63;
	v55 =	vmin.f32 v40, v3;
	v3 =	vmax.f32 v40, v3  }
0x569: {  	v58 =	vmin.f32 v53, v57;
	v45 =	vmax.f32 v53, v57;
	v59 =	vmax.f32 v62, v63  }
0x56a: {  	v60 =	vmin.f32 v44, v35;
	v63 =	vmin.f32 v34, v42;
	v4 =	vmax.f32 v4, v33  }
0x56b: {  	v42 =	vmax.f32 v34, v42;
	v35 =	vmax.f32 v44, v35;
	v53 =	vmax.f32 v41, v43  }
0x56c: {  	v10 =	vld [tilespmem:$0x1FF20];
	v57 =	vmin.f32 v41, v54;
	v1 =	vmax.f32 v1, v55;
	v61 =	vmin.f32 v48, v60  }
0x56d: {  	v47 =	vmax.f32 v48, v60;
	v4 =	vmax.f32 v4, v39;
	v48 =	vmax.f32 v38, v63  }
0x56e: {  	v51 =	vmin.f32 v42, v50;
	v33 =	vmax.f32 v42, v50;
	v55 =	vmin.f32 v5, v54  }
0x56f: {  	v38 =	vmax.f32 v5, v54;
	v56 =	vmax.f32 v59, v6;
	v6 =	vmin.f32 v5, v6  }
0x570: {  	v5 =	vmin.f32 v5, v43;
	v59 =	vmin.f32 v59, v54;
	v63 =	vmin.f32 v7, v35  }
0x571: {  	v46 =	vmin.f32 v45, v35;
	v54 =	vor.u32 $0x9, v10;
	v62 =	vmin.f32 v3, v61  }
0x572: {  	v3 =	vmax.f32 v3, v61;
	v34 =	vmax.f32 v48, v51;
	v52 =	vmin.f32 v33, v58  }
0x573: {  	v33 =	vmax.f32 v33, v58;
	v36 =	vmax.f32 v53, v55;
	v58 =	vmin.f32 v41, v43  }
0x574: {  	s17 =	simm.s32 $0x0;
	v5 =	vmax.f32 v57, v5;
	v2 =	vmax.f32 v4, v2;
	v61 =	vmax.f32 v7, v35  }
0x575: {  	v48 =	vmin.f32 v45, v47;
	v57 =	vxor.u32 s17, v0;
	v1 =	vmax.f32 v1, v62  }
0x576: {  	v34 =	vmax.f32 v34, v52;
	v6 =	vmax.f32 v58, v6;
	v5 =	vmax.f32 v56, v5  }
0x577: {  	v62 =	vmax.f32 v45, v47;
	v44 =	vmax.f32 v33, v3;
	v3 =	vmin.f32 v7, v3  }
0x578: {  	v7 =	vmin.f32 v7, v47;
	v33 =	vmin.f32 v33, v35;
	v50 =	vmin.f32 v38, v61  }
0x579: {  	v51 =	vmin.f32 v36, v61;
	v52 =	vor.u32 $0x8, v10;
	v56 =	vor.u32 $0xA, v10  }
0x57a: {  	v58 =	vor.u32 v13, v57;
	v60 =	vmax.f32 v59, v6;
	v3 =	vmax.f32 v48, v3  }
0x57b: {  	v7 =	vmax.f32 v46, v7;
	v1 =	vmax.f32 v34, v1;
	v6 =	vmax.f32 v62, v63  }
0x57c: {  	v4 =	vmin.f32 v5, v61;
	v2 =	vmax.f32 v2, v60;
	v3 =	vmax.f32 v33, v3  }
0x57d: {  	v7 =	vmax.f32 v44, v7;
	v49 =	vmax.f32 v36, v6;
	v37 =	vmin.f32 v38, v6  }
0x57e: {  	v6 =	vmin.f32 v36, v6;
	v1 =	vmax.f32 v1, v3;
	v3 =	vmax.f32 v38, v61  }
0x57f: {  	v53 =	vmax.f32 v5, v7;
	v1 =	vmax.f32 v2, v1;
	v2 =	vor.u32 $0xB, v10  }
0x580: {  	v35 =	vmax.f32 v51, v37;
	v33 =	vmax.f32 v49, v50;
	v7 =	vmin.f32 v38, v7  }
0x581: {  	s29 =	simm.s32 $0x1;
	v40 =	vimm.f32 $-Inf;
	v61 =	vor.u32 v14, v57;
	v59 =	vmax.f32 v6, v7;
	[tilespmem:v52+s12+$0x0] =	vst.idx.msk $0xffff, v3  }
0x582: {  	v55 =	vmax.f32 v53, v35;
	v3 =	vxor.u32 s29, v0;
	v4 =	vmax.f32 v4, v59;
	[tilespmem:v54+s12+$0x0] =	vst.idx.msk $0xffff, v33  }
0x583: {  	s30 =	simm.s32 $0x2;
	s31 =	simm.s32 $0x3;
	v39 =	vimm.f32 $-Inf;
	v60 =	vor.u32 v13, v3;
	v1 =	vmax.f32 v1, v4;
	[tilespmem:v56+s12+$0x0] =	vst.idx.msk $0xffff, v55  }
0x584: {  	v62 =	vxor.u32 s30, v0;
	v63 =	vxor.u32 s31, v0;
	v34 =	vimm.f32 $-Inf;
	[tilespmem:v2+s12+$0x0] =	vst.idx.msk $0xffff, v1  }
0x585: {  	v46 =	vor.u32 v16, v62;
	v43 =	vor.u32 v13, v62;
	v1 =	vor.u32 v16, v57;
	v2 =	vld.idx.msk [tilespmem:v58+s10+$0x0], $0xffff  }
0x586: {  	v44 =	vor.u32 v15, v62;
	v36 =	vor.u32 v15, v63;
	v50 =	vimm.f32 $-Inf  }
0x587: {  	v51 =	vimm.f32 $-Inf;
	v37 =	vimm.f32 $-Inf;
	v38 =	vimm.f32 $-Inf;
	v4 =	vld.idx.msk [tilespmem:v61+s10+$0x0], $0xffff  }
0x588: {  	v6 =	vor.u32 v15, v57;
	v35 =	vor.u32 v16, v63;
	v52 =	vor.u32 v13, v63;
	v41 =	vld.idx.msk [tilespmem:v60+s10+$0x0], $0xffff  }
0x589: {  	v59 =	vor.u32 v14, v63;
	v7 =	vor.u32 v14, v3;
	v5 =	vor.u32 v16, v3  }
0x58a: {  	v56 =	vor.u32 v15, v3;
	v3 =	vor.u32 v14, v62;
	v54 =	vld.idx.msk [tilespmem:v1+s10+$0x0], $0xffff;
	v1 =	vmin.f32 v40, v2  }
0x58b: {  	v48 =	vmax.f32 v40, v2;
	v2 =	vmin.f32 v40, v1;
	v57 =	vmax.f32 v40, v1  }
0x58c: {  	v1 =	vmin.f32 v40, v2;
	v61 =	vmax.f32 v40, v2;
	v2 =	vmin.f32 v40, v4  }
0x58d: {  	v55 =	vimm.f32 $-Inf;
	v53 =	vld.idx.msk [tilespmem:v6+s10+$0x0], $0xffff;
	v58 =	vmin.f32 v48, v41;
	v63 =	vmin.f32 v40, v2  }
0x58e: {  	v45 =	vmax.f32 v40, v2;
	v2 =	vmin.f32 v40, v63;
	v49 =	vmax.f32 v40, v63;
	v63 =	vld.idx.msk [tilespmem:v7+s10+$0x0], $0xffff  }
0x58f: {  	v47 =	vld.idx.msk [tilespmem:v3+s10+$0x0], $0xffff;
	v62 =	vmax.f32 v40, v4;
	v42 =	vmax.f32 v57, v58;
	v33 =	vmin.f32 v57, v58  }
0x590: {  	s17 =	simm.s32 $0x4;
	v58 =	vld.idx.msk [tilespmem:v5+s10+$0x0], $0xffff;
	v57 =	vimm.f32 $-Inf;
	v60 =	vmax.f32 v40, v1;
	v1 =	vmin.f32 v40, v54  }
.LBB2_25:
0x591: {  	s19 =	sadd.s32 $0x1, s17  }
0x592: {  	p0 =	slt.u32 s17, $0x3C;
	v2 =	vmax.f32 v40, v2;
	v3 =	vmax.f32 v55, v1;
	v4 =	vmin.f32 v61, v33;
	v5 =	vld.idx.msk [tilespmem:v43+s10+$0x0], $0xffff;
	s18 =	smov.u32 s17;
	s17 =	sadd.s32 $0x4, s17  }
0x593: {  	v1 =	vmin.f32 v55, v1;
	v6 =	vmin.f32 v62, v63;
	v43 =	vxor.u32 s19, v0;
	v7 =	vld.idx.msk [tilespmem:v56+s10+$0x0], $0xffff  }
0x594: {  	v33 =	vmax.f32 v61, v33;
	v40 =	vmax.f32 v62, v63;
	v55 =	vmax.f32 v50, v1;
	v56 =	vld.idx.msk [tilespmem:v59+s10+$0x0], $0xffff  }
0x595: {  	v54 =	vmax.f32 v57, v54;
	v4 =	vmax.f32 v60, v4;
	v59 =	vmin.f32 v51, v53  }
0x596: {  	v57 =	vor.u32 v13, v43;
	v51 =	vmax.f32 v51, v53;
	v53 =	vmax.f32 v40, v47;
	v52 =	vld.idx.msk [tilespmem:v52+s10+$0x0], $0xffff  }
0x597: {  	v1 =	vmin.f32 v50, v1;
	v50 =	vmax.f32 v45, v6;
	v40 =	vmin.f32 v40, v47  }
0x598: {  	v60 =	vmax.f32 v54, v58;
	v61 =	vmin.f32 v50, v40;
	v40 =	vmax.f32 v50, v40;
	v46 =	vld.idx.msk [tilespmem:v46+s10+$0x0], $0xffff  }
0x599: {  	v41 =	vmax.f32 v48, v41;
	v6 =	vmin.f32 v45, v6;
	v48 =	vmin.f32 v51, v7  }
0x59a: {  	v50 =	vmin.f32 v54, v58;
	v54 =	vmin.f32 v41, v5;
	v45 =	vmax.f32 v53, v56;
	v44 =	vld.idx.msk [tilespmem:v44+s10+$0x0], $0xffff  }
0x59b: {  	v47 =	vmin.f32 v49, v6;
	v58 =	vmax.f32 v39, v59;
	v5 =	vmax.f32 v41, v5  }
0x59c: {  	v2 =	vmax.f32 v2, v47;
	v47 =	vmin.f32 v53, v56;
	v41 =	vmin.f32 v5, v52  }
0x59d: {  	v39 =	vmin.f32 v39, v59;
	v53 =	vmin.f32 v40, v47;
	v47 =	vmax.f32 v40, v47  }
0x59e: {  	v6 =	vmax.f32 v49, v6;
	v49 =	vmax.f32 v58, v48;
	v56 =	vmin.f32 v60, v46  }
0x59f: {  	v7 =	vmax.f32 v51, v7;
	v40 =	vmin.f32 v6, v61;
	v6 =	vmax.f32 v6, v61  }
0x5a0: {  	v51 =	vmin.f32 v3, v50;
	v2 =	vmax.f32 v2, v40;
	v59 =	vmin.f32 v7, v44  }
0x5a1: {  	v40 =	vmin.f32 v6, v53;
	v6 =	vmax.f32 v6, v53;
	v7 =	vmax.f32 v7, v44  }
0x5a2: {  	v1 =	vmax.f32 v37, v1;
	v37 =	vmin.f32 v42, v54;
	v40 =	vmax.f32 v2, v40  }
0x5a3: {  	v42 =	vmax.f32 v42, v54;
	v2 =	vmin.f32 v55, v51;
	v44 =	vmin.f32 v49, v59;
	v36 =	vld.idx.msk [tilespmem:v36+s10+$0x0], $0xffff  }
0x5a4: {  	v54 =	vmax.f32 v33, v37;
	v53 =	vmin.f32 v34, v39;
	v51 =	vmax.f32 v55, v51  }
0x5a5: {  	v3 =	vmax.f32 v3, v50;
	v5 =	vmax.f32 v5, v52;
	v38 =	vmax.f32 v38, v53;
	v35 =	vld.idx.msk [tilespmem:v35+s10+$0x0], $0xffff  }
0x5a6: {  	v52 =	vmin.f32 v42, v41;
	v42 =	vmax.f32 v42, v41;
	v50 =	vmax.f32 v3, v56  }
0x5a7: {  	v34 =	vmax.f32 v34, v39;
	v41 =	vmin.f32 v54, v52;
	v3 =	vmin.f32 v3, v56  }
0x5a8: {  	v48 =	vmin.f32 v58, v48;
	v1 =	vmax.f32 v1, v2;
	v2 =	vmax.f32 v60, v46  }
0x5a9: {  	v46 =	vmin.f32 v51, v3;
	v39 =	vmax.f32 v49, v59;
	v49 =	vmin.f32 v7, v36  }
0x5aa: {  	v3 =	vmax.f32 v51, v3;
	v56 =	vmin.f32 v39, v49;
	v39 =	vmax.f32 v39, v49  }
0x5ab: {  	v1 =	vmax.f32 v1, v46;
	v49 =	vmax.f32 v54, v52;
	v46 =	vmin.f32 v2, v35  }
0x5ac: {  	v51 =	vxor.u32 s18, v0;
	v52 =	vmin.f32 v50, v46;
	v55 =	vmax.f32 v50, v46  }
0x5ad: {  	v33 =	vmin.f32 v33, v37;
	v54 =	vor.u32 v14, v51;
	v46 =	vor.u32 v13, v51  }
0x5ae: {  	v53 =	vor.u32 v15, v51;
	v58 =	vor.u32 v16, v51;
	v37 =	vmin.f32 v3, v52  }
0x5af: {  	v4 =	vmax.f32 v4, v33;
	v50 =	vmin.f32 v34, v48;
	v34 =	vmax.f32 v34, v48  }
0x5b0: {  	v4 =	vmax.f32 v4, v41;
	v51 =	vmax.f32 v7, v36;
	v37 =	vmax.f32 v1, v37  }
0x5b1: {  	v7 =	vmin.f32 v34, v44;
	v1 =	vmax.f32 v38, v50;
	v50 =	vmax.f32 v3, v52;
	v41 =	vld.idx.msk [tilespmem:v57+s10+$0x0], $0xffff  }
0x5b2: {  	v33 =	vmax.f32 v34, v44;
	v1 =	vmax.f32 v1, v7;
	v57 =	vmax.f32 v2, v35;
	v3 =	vld.idx.msk [tilespmem:v46+s10+$0x0], $0xffff  }
0x5b3: {  	s19 =	sadd.s32 $0x2, s18;
	v34 =	vmax.f32 v33, v56;
	v7 =	vmin.f32 v33, v56;
	v2 =	vor.u32 v14, v43;
	v53 =	vld.idx.msk [tilespmem:v53+s10+$0x0], $0xffff  }
0x5b4: {  	v60 =	vor.u32 v16, v43;
	v38 =	vmax.f32 v1, v7;
	v35 =	vxor.u32 s19, v0;
	v33 =	vld.idx.msk [tilespmem:v54+s10+$0x0], $0xffff  }
0x5b5: {  	s18 =	sadd.s32 $0x3, s18;
	v56 =	vor.u32 v15, v43;
	v7 =	vor.u32 v14, v35;
	v46 =	vor.u32 v16, v35;
	v54 =	vld.idx.msk [tilespmem:v58+s10+$0x0], $0xffff  }
0x5b6: {  	v1 =	vxor.u32 s18, v0;
	v43 =	vor.u32 v13, v35;
	v44 =	vor.u32 v15, v35  }
0x5b7: {  	v52 =	vor.u32 v13, v1;
	v59 =	vor.u32 v14, v1;
	v36 =	vor.u32 v15, v1  }
0x5b8: {  	v35 =	vor.u32 v16, v1;
	v58 =	vmin.f32 v5, v3;
	v48 =	vmax.f32 v5, v3  }
.Ltmp11:
0x5b9: {  	v1 =	vmin.f32 v42, v58;
	v3 =	vmax.f32 v42, v58;
	v5 =	vmin.f32 v48, v41;
	v63 =	vld.idx.msk [tilespmem:v2+s10+$0x0], $0xffff;
	(pc) =	sbr.rel @p0 .LBB2_25-.Ltmp11, $4  }
0x5ba: {  	v2 =	vmin.f32 v49, v1;
	v61 =	vmax.f32 v49, v1;
	v1 =	vmin.f32 v45, v33;
	v58 =	vld.idx.msk [tilespmem:v60+s10+$0x0], $0xffff  }
0x5bb: {  	v62 =	vmax.f32 v45, v33;
	v42 =	vmax.f32 v3, v5;
	v60 =	vmax.f32 v4, v2  }
0x5bc: {  	v4 =	vmin.f32 v47, v1;
	v45 =	vmax.f32 v47, v1;
	v1 =	vmin.f32 v57, v54;
	v47 =	vld.idx.msk [tilespmem:v7+s10+$0x0], $0xffff  }
0x5bd: {  	v33 =	vmin.f32 v3, v5;
	v2 =	vmin.f32 v6, v4;
	v49 =	vmax.f32 v6, v4  }
0x5be: {  	_ = 	snop  }
0x5bf: {  	v2 =	vmax.f32 v40, v2  }
0x5c0: {  	v3 =	vmax.f32 v55, v1;
	v4 =	vmin.f32 v61, v33;
	v1 =	vmin.f32 v55, v1  }
0x5c1: {  	v6 =	vmin.f32 v62, v63;
	v33 =	vmax.f32 v61, v33;
	v61 =	vmax.f32 v62, v63  }
0x5c2: {  	v7 =	vld.idx.msk [tilespmem:v56+s10+$0x0], $0xffff;
	v56 =	vmin.f32 v51, v53;
	v54 =	vmax.f32 v57, v54;
	v51 =	vmax.f32 v51, v53  }
0x5c3: {  	v41 =	vmax.f32 v48, v41;
	v40 =	vmax.f32 v50, v1;
	v4 =	vmax.f32 v60, v4  }
0x5c4: {  	v5 =	vld.idx.msk [tilespmem:v43+s10+$0x0], $0xffff;
	v1 =	vmin.f32 v50, v1;
	v62 =	vmax.f32 v45, v6;
	v6 =	vmin.f32 v45, v6  }
0x5c5: {  	v55 =	vld.idx.msk [tilespmem:v59+s10+$0x0], $0xffff;
	v48 =	vmin.f32 v54, v58;
	v1 =	vmax.f32 v37, v1;
	v53 =	vmax.f32 v61, v47  }
0x5c6: {  	v43 =	vmin.f32 v61, v47;
	v47 =	vmax.f32 v54, v58;
	v58 =	vmax.f32 v39, v56  }
0x5c7: {  	v61 =	vmin.f32 v49, v6;
	v39 =	vmin.f32 v39, v56;
	v6 =	vmax.f32 v49, v6  }
0x5c8: {  	v52 =	vld.idx.msk [tilespmem:v52+s10+$0x0], $0xffff;
	v63 =	vmin.f32 v62, v43;
	v43 =	vmax.f32 v62, v43;
	v2 =	vmax.f32 v2, v61  }
0x5c9: {  	v46 =	vld.idx.msk [tilespmem:v46+s10+$0x0], $0xffff;
	v61 =	vmin.f32 v34, v39;
	v34 =	vmax.f32 v34, v39;
	v45 =	vmin.f32 v51, v7  }
0x5ca: {  	v44 =	vld.idx.msk [tilespmem:v44+s10+$0x0], $0xffff;
	v60 =	vmin.f32 v41, v5;
	v54 =	vmax.f32 v53, v55;
	v5 =	vmax.f32 v41, v5  }
0x5cb: {  	v53 =	vmin.f32 v53, v55;
	v7 =	vmax.f32 v51, v7;
	v62 =	vmin.f32 v6, v63  }
0x5cc: {  	v6 =	vmax.f32 v6, v63;
	v63 =	vmin.f32 v3, v48;
	v38 =	vmax.f32 v38, v61  }
0x5cd: {  	v3 =	vmax.f32 v3, v48;
	v41 =	vmin.f32 v5, v52;
	v55 =	vmin.f32 v43, v53  }
0x5ce: {  	v43 =	vmax.f32 v43, v53;
	v49 =	vmax.f32 v58, v45;
	v53 =	vmin.f32 v47, v46  }
0x5cf: {  	v2 =	vmax.f32 v2, v62;
	v51 =	vmin.f32 v7, v44;
	v7 =	vmax.f32 v7, v44  }
0x5d0: {  	v36 =	vld.idx.msk [tilespmem:v36+s10+$0x0], $0xffff;
	v37 =	vmin.f32 v42, v60;
	v44 =	vmin.f32 v40, v63;
	v60 =	vmax.f32 v42, v60  }
0x5d1: {  	v40 =	vmax.f32 v40, v63;
	v5 =	vmax.f32 v5, v52;
	v42 =	vmin.f32 v58, v45  }
0x5d2: {  	v59 =	vmin.f32 v6, v55;
	v6 =	vmax.f32 v6, v55;
	v50 =	vmin.f32 v49, v51  }
0x5d3: {  	v62 =	vmax.f32 v33, v37;
	v48 =	vmax.f32 v3, v53;
	v63 =	vmin.f32 v60, v41  }
0x5d4: {  	v35 =	vld.idx.msk [tilespmem:v35+s10+$0x0], $0xffff;
	v41 =	vmax.f32 v60, v41;
	v3 =	vmin.f32 v3, v53;
	v1 =	vmax.f32 v1, v44  }
0x5d5: {  	v44 =	vmax.f32 v47, v46;
	v53 =	vmax.f32 v49, v51;
	v57 =	vmin.f32 v7, v36  }
0x5d6: {  	v33 =	vmin.f32 v33, v37;
	v7 =	vmax.f32 v7, v36;
	v2 =	vmax.f32 v2, v59  }
0x5d7: {  	v39 =	vmin.f32 v62, v63;
	v55 =	vmin.f32 v40, v3;
	v3 =	vmax.f32 v40, v3  }
0x5d8: {  	v58 =	vmin.f32 v53, v57;
	v45 =	vmax.f32 v53, v57;
	v59 =	vmax.f32 v62, v63  }
0x5d9: {  	v60 =	vmin.f32 v44, v35;
	v63 =	vmin.f32 v34, v42;
	v4 =	vmax.f32 v4, v33  }
0x5da: {  	v42 =	vmax.f32 v34, v42;
	v35 =	vmax.f32 v44, v35;
	v53 =	vmax.f32 v41, v43  }
0x5db: {  	v57 =	vmin.f32 v41, v54;
	v1 =	vmax.f32 v1, v55;
	v61 =	vmin.f32 v48, v60  }
0x5dc: {  	v47 =	vmax.f32 v48, v60;
	v4 =	vmax.f32 v4, v39;
	v48 =	vmax.f32 v38, v63  }
0x5dd: {  	v51 =	vmin.f32 v42, v50;
	v33 =	vmax.f32 v42, v50;
	v55 =	vmin.f32 v5, v54  }
0x5de: {  	v38 =	vmax.f32 v5, v54;
	v56 =	vmax.f32 v59, v6;
	v6 =	vmin.f32 v5, v6  }
0x5df: {  	v5 =	vmin.f32 v5, v43;
	v59 =	vmin.f32 v59, v54;
	v63 =	vmin.f32 v7, v35  }
0x5e0: {  	v46 =	vmin.f32 v45, v35;
	v54 =	vor.u32 $0xD, v10;
	v62 =	vmin.f32 v3, v61  }
0x5e1: {  	v3 =	vmax.f32 v3, v61;
	v34 =	vmax.f32 v48, v51;
	v52 =	vmin.f32 v33, v58  }
0x5e2: {  	v33 =	vmax.f32 v33, v58;
	v36 =	vmax.f32 v53, v55;
	v58 =	vmin.f32 v41, v43  }
0x5e3: {  	s17 =	simm.s32 $0x0;
	v5 =	vmax.f32 v57, v5;
	v2 =	vmax.f32 v4, v2;
	v61 =	vmax.f32 v7, v35  }
0x5e4: {  	v48 =	vmin.f32 v45, v47;
	v57 =	vxor.u32 s17, v0;
	v1 =	vmax.f32 v1, v62  }
0x5e5: {  	v34 =	vmax.f32 v34, v52;
	v6 =	vmax.f32 v58, v6;
	v5 =	vmax.f32 v56, v5  }
0x5e6: {  	v62 =	vmax.f32 v45, v47;
	v44 =	vmax.f32 v33, v3;
	v3 =	vmin.f32 v7, v3  }
0x5e7: {  	v7 =	vmin.f32 v7, v47;
	v33 =	vmin.f32 v33, v35;
	v50 =	vmin.f32 v38, v61  }
0x5e8: {  	v51 =	vmin.f32 v36, v61;
	v52 =	vor.u32 $0xC, v10;
	v56 =	vor.u32 $0xE, v10  }
0x5e9: {  	v58 =	vor.u32 v17, v57;
	v60 =	vmax.f32 v59, v6;
	v3 =	vmax.f32 v48, v3  }
0x5ea: {  	v7 =	vmax.f32 v46, v7;
	v1 =	vmax.f32 v34, v1;
	v6 =	vmax.f32 v62, v63  }
0x5eb: {  	v4 =	vmin.f32 v5, v61;
	v2 =	vmax.f32 v2, v60;
	v3 =	vmax.f32 v33, v3  }
0x5ec: {  	v7 =	vmax.f32 v44, v7;
	v49 =	vmax.f32 v36, v6;
	v37 =	vmin.f32 v38, v6  }
0x5ed: {  	v6 =	vmin.f32 v36, v6;
	v1 =	vmax.f32 v1, v3;
	v3 =	vmax.f32 v38, v61  }
0x5ee: {  	v53 =	vmax.f32 v5, v7;
	v1 =	vmax.f32 v2, v1;
	v2 =	vor.u32 $0xF, v10  }
0x5ef: {  	v35 =	vmax.f32 v51, v37;
	v33 =	vmax.f32 v49, v50;
	v7 =	vmin.f32 v38, v7  }
0x5f0: {  	s29 =	simm.s32 $0x1;
	v40 =	vimm.f32 $-Inf;
	v61 =	vor.u32 v18, v57;
	v59 =	vmax.f32 v6, v7;
	[tilespmem:v52+s12+$0x0] =	vst.idx.msk $0xffff, v3  }
0x5f1: {  	v55 =	vmax.f32 v53, v35;
	v3 =	vxor.u32 s29, v0;
	v4 =	vmax.f32 v4, v59;
	[tilespmem:v54+s12+$0x0] =	vst.idx.msk $0xffff, v33  }
0x5f2: {  	s30 =	simm.s32 $0x2;
	s31 =	simm.s32 $0x3;
	v39 =	vimm.f32 $-Inf;
	v60 =	vor.u32 v17, v3;
	v1 =	vmax.f32 v1, v4;
	[tilespmem:v56+s12+$0x0] =	vst.idx.msk $0xffff, v55  }
0x5f3: {  	v62 =	vxor.u32 s30, v0;
	v63 =	vxor.u32 s31, v0;
	v34 =	vimm.f32 $-Inf;
	[tilespmem:v2+s12+$0x0] =	vst.idx.msk $0xffff, v1  }
0x5f4: {  	v46 =	vor.u32 v20, v62;
	v43 =	vor.u32 v17, v62;
	v1 =	vor.u32 v20, v57;
	v2 =	vld.idx.msk [tilespmem:v58+s10+$0x0], $0xffff  }
0x5f5: {  	v44 =	vor.u32 v19, v62;
	v36 =	vor.u32 v19, v63;
	v50 =	vimm.f32 $-Inf  }
0x5f6: {  	v51 =	vimm.f32 $-Inf;
	v37 =	vimm.f32 $-Inf;
	v38 =	vimm.f32 $-Inf;
	v4 =	vld.idx.msk [tilespmem:v61+s10+$0x0], $0xffff  }
0x5f7: {  	v6 =	vor.u32 v19, v57;
	v35 =	vor.u32 v20, v63;
	v52 =	vor.u32 v17, v63;
	v41 =	vld.idx.msk [tilespmem:v60+s10+$0x0], $0xffff  }
0x5f8: {  	v59 =	vor.u32 v18, v63;
	v7 =	vor.u32 v18, v3;
	v5 =	vor.u32 v20, v3  }
0x5f9: {  	v56 =	vor.u32 v19, v3;
	v3 =	vor.u32 v18, v62;
	v54 =	vld.idx.msk [tilespmem:v1+s10+$0x0], $0xffff;
	v1 =	vmin.f32 v40, v2  }
0x5fa: {  	v48 =	vmax.f32 v40, v2;
	v2 =	vmin.f32 v40, v1;
	v57 =	vmax.f32 v40, v1  }
0x5fb: {  	v1 =	vmin.f32 v40, v2;
	v61 =	vmax.f32 v40, v2;
	v2 =	vmin.f32 v40, v4  }
0x5fc: {  	v55 =	vimm.f32 $-Inf;
	v53 =	vld.idx.msk [tilespmem:v6+s10+$0x0], $0xffff;
	v58 =	vmin.f32 v48, v41;
	v63 =	vmin.f32 v40, v2  }
0x5fd: {  	v45 =	vmax.f32 v40, v2;
	v2 =	vmin.f32 v40, v63;
	v49 =	vmax.f32 v40, v63;
	v63 =	vld.idx.msk [tilespmem:v7+s10+$0x0], $0xffff  }
0x5fe: {  	v47 =	vld.idx.msk [tilespmem:v3+s10+$0x0], $0xffff;
	v62 =	vmax.f32 v40, v4;
	v42 =	vmax.f32 v57, v58;
	v33 =	vmin.f32 v57, v58  }
0x5ff: {  	s17 =	simm.s32 $0x4;
	v58 =	vld.idx.msk [tilespmem:v5+s10+$0x0], $0xffff;
	v57 =	vimm.f32 $-Inf;
	v60 =	vmax.f32 v40, v1;
	v1 =	vmin.f32 v40, v54  }
.LBB2_27:
0x600: {  	s19 =	sadd.s32 $0x1, s17  }
0x601: {  	p0 =	slt.u32 s17, $0x3C;
	v2 =	vmax.f32 v40, v2;
	v3 =	vmax.f32 v55, v1;
	v4 =	vmin.f32 v61, v33;
	v5 =	vld.idx.msk [tilespmem:v43+s10+$0x0], $0xffff;
	s18 =	smov.u32 s17;
	s17 =	sadd.s32 $0x4, s17  }
0x602: {  	v1 =	vmin.f32 v55, v1;
	v6 =	vmin.f32 v62, v63;
	v43 =	vxor.u32 s19, v0;
	v7 =	vld.idx.msk [tilespmem:v56+s10+$0x0], $0xffff  }
0x603: {  	v33 =	vmax.f32 v61, v33;
	v40 =	vmax.f32 v62, v63;
	v55 =	vmax.f32 v50, v1;
	v56 =	vld.idx.msk [tilespmem:v59+s10+$0x0], $0xffff  }
0x604: {  	v54 =	vmax.f32 v57, v54;
	v4 =	vmax.f32 v60, v4;
	v59 =	vmin.f32 v51, v53  }
0x605: {  	v57 =	vor.u32 v17, v43;
	v51 =	vmax.f32 v51, v53;
	v53 =	vmax.f32 v40, v47;
	v52 =	vld.idx.msk [tilespmem:v52+s10+$0x0], $0xffff  }
0x606: {  	v1 =	vmin.f32 v50, v1;
	v50 =	vmax.f32 v45, v6;
	v40 =	vmin.f32 v40, v47  }
0x607: {  	v60 =	vmax.f32 v54, v58;
	v61 =	vmin.f32 v50, v40;
	v40 =	vmax.f32 v50, v40;
	v46 =	vld.idx.msk [tilespmem:v46+s10+$0x0], $0xffff  }
0x608: {  	v41 =	vmax.f32 v48, v41;
	v6 =	vmin.f32 v45, v6;
	v48 =	vmin.f32 v51, v7  }
0x609: {  	v50 =	vmin.f32 v54, v58;
	v54 =	vmin.f32 v41, v5;
	v45 =	vmax.f32 v53, v56;
	v44 =	vld.idx.msk [tilespmem:v44+s10+$0x0], $0xffff  }
0x60a: {  	v47 =	vmin.f32 v49, v6;
	v58 =	vmax.f32 v39, v59;
	v5 =	vmax.f32 v41, v5  }
0x60b: {  	v2 =	vmax.f32 v2, v47;
	v47 =	vmin.f32 v53, v56;
	v41 =	vmin.f32 v5, v52  }
0x60c: {  	v39 =	vmin.f32 v39, v59;
	v53 =	vmin.f32 v40, v47;
	v47 =	vmax.f32 v40, v47  }
0x60d: {  	v6 =	vmax.f32 v49, v6;
	v49 =	vmax.f32 v58, v48;
	v56 =	vmin.f32 v60, v46  }
0x60e: {  	v7 =	vmax.f32 v51, v7;
	v40 =	vmin.f32 v6, v61;
	v6 =	vmax.f32 v6, v61  }
0x60f: {  	v51 =	vmin.f32 v3, v50;
	v2 =	vmax.f32 v2, v40;
	v59 =	vmin.f32 v7, v44  }
0x610: {  	v40 =	vmin.f32 v6, v53;
	v6 =	vmax.f32 v6, v53;
	v7 =	vmax.f32 v7, v44  }
0x611: {  	v1 =	vmax.f32 v37, v1;
	v37 =	vmin.f32 v42, v54;
	v40 =	vmax.f32 v2, v40  }
0x612: {  	v42 =	vmax.f32 v42, v54;
	v2 =	vmin.f32 v55, v51;
	v44 =	vmin.f32 v49, v59;
	v36 =	vld.idx.msk [tilespmem:v36+s10+$0x0], $0xffff  }
0x613: {  	v54 =	vmax.f32 v33, v37;
	v53 =	vmin.f32 v34, v39;
	v51 =	vmax.f32 v55, v51  }
0x614: {  	v3 =	vmax.f32 v3, v50;
	v5 =	vmax.f32 v5, v52;
	v38 =	vmax.f32 v38, v53;
	v35 =	vld.idx.msk [tilespmem:v35+s10+$0x0], $0xffff  }
0x615: {  	v52 =	vmin.f32 v42, v41;
	v42 =	vmax.f32 v42, v41;
	v50 =	vmax.f32 v3, v56  }
0x616: {  	v34 =	vmax.f32 v34, v39;
	v41 =	vmin.f32 v54, v52;
	v3 =	vmin.f32 v3, v56  }
0x617: {  	v48 =	vmin.f32 v58, v48;
	v1 =	vmax.f32 v1, v2;
	v2 =	vmax.f32 v60, v46  }
0x618: {  	v46 =	vmin.f32 v51, v3;
	v39 =	vmax.f32 v49, v59;
	v49 =	vmin.f32 v7, v36  }
0x619: {  	v3 =	vmax.f32 v51, v3;
	v56 =	vmin.f32 v39, v49;
	v39 =	vmax.f32 v39, v49  }
0x61a: {  	v1 =	vmax.f32 v1, v46;
	v49 =	vmax.f32 v54, v52;
	v46 =	vmin.f32 v2, v35  }
0x61b: {  	v51 =	vxor.u32 s18, v0;
	v52 =	vmin.f32 v50, v46;
	v55 =	vmax.f32 v50, v46  }
0x61c: {  	v33 =	vmin.f32 v33, v37;
	v54 =	vor.u32 v18, v51;
	v46 =	vor.u32 v17, v51  }
0x61d: {  	v53 =	vor.u32 v19, v51;
	v58 =	vor.u32 v20, v51;
	v37 =	vmin.f32 v3, v52  }
0x61e: {  	v4 =	vmax.f32 v4, v33;
	v50 =	vmin.f32 v34, v48;
	v34 =	vmax.f32 v34, v48  }
0x61f: {  	v4 =	vmax.f32 v4, v41;
	v51 =	vmax.f32 v7, v36;
	v37 =	vmax.f32 v1, v37  }
0x620: {  	v7 =	vmin.f32 v34, v44;
	v1 =	vmax.f32 v38, v50;
	v50 =	vmax.f32 v3, v52;
	v41 =	vld.idx.msk [tilespmem:v57+s10+$0x0], $0xffff  }
0x621: {  	v33 =	vmax.f32 v34, v44;
	v1 =	vmax.f32 v1, v7;
	v57 =	vmax.f32 v2, v35;
	v3 =	vld.idx.msk [tilespmem:v46+s10+$0x0], $0xffff  }
0x622: {  	s19 =	sadd.s32 $0x2, s18;
	v34 =	vmax.f32 v33, v56;
	v7 =	vmin.f32 v33, v56;
	v2 =	vor.u32 v18, v43;
	v53 =	vld.idx.msk [tilespmem:v53+s10+$0x0], $0xffff  }
0x623: {  	v60 =	vor.u32 v20, v43;
	v38 =	vmax.f32 v1, v7;
	v35 =	vxor.u32 s19, v0;
	v33 =	vld.idx.msk [tilespmem:v54+s10+$0x0], $0xffff  }
0x624: {  	s18 =	sadd.s32 $0x3, s18;
	v56 =	vor.u32 v19, v43;
	v7 =	vor.u32 v18, v35;
	v46 =	vor.u32 v20, v35;
	v54 =	vld.idx.msk [tilespmem:v58+s10+$0x0], $0xffff  }
0x625: {  	v1 =	vxor.u32 s18, v0;
	v43 =	vor.u32 v17, v35;
	v44 =	vor.u32 v19, v35  }
0x626: {  	v52 =	vor.u32 v17, v1;
	v59 =	vor.u32 v18, v1;
	v36 =	vor.u32 v19, v1  }
0x627: {  	v35 =	vor.u32 v20, v1;
	v58 =	vmin.f32 v5, v3;
	v48 =	vmax.f32 v5, v3  }
.Ltmp12:
0x628: {  	v1 =	vmin.f32 v42, v58;
	v3 =	vmax.f32 v42, v58;
	v5 =	vmin.f32 v48, v41;
	v63 =	vld.idx.msk [tilespmem:v2+s10+$0x0], $0xffff;
	(pc) =	sbr.rel @p0 .LBB2_27-.Ltmp12, $4  }
0x629: {  	v2 =	vmin.f32 v49, v1;
	v61 =	vmax.f32 v49, v1;
	v1 =	vmin.f32 v45, v33;
	v58 =	vld.idx.msk [tilespmem:v60+s10+$0x0], $0xffff  }
0x62a: {  	v62 =	vmax.f32 v45, v33;
	v42 =	vmax.f32 v3, v5;
	v60 =	vmax.f32 v4, v2  }
0x62b: {  	v4 =	vmin.f32 v47, v1;
	v45 =	vmax.f32 v47, v1;
	v1 =	vmin.f32 v57, v54;
	v47 =	vld.idx.msk [tilespmem:v7+s10+$0x0], $0xffff  }
0x62c: {  	v33 =	vmin.f32 v3, v5;
	v2 =	vmin.f32 v6, v4;
	v49 =	vmax.f32 v6, v4  }
0x62d: {  	_ = 	snop  }
0x62e: {  	v2 =	vmax.f32 v40, v2  }
0x62f: {  	v3 =	vmax.f32 v55, v1;
	v4 =	vmin.f32 v61, v33;
	v1 =	vmin.f32 v55, v1  }
0x630: {  	v6 =	vmin.f32 v62, v63;
	v33 =	vmax.f32 v61, v33;
	v61 =	vmax.f32 v62, v63  }
0x631: {  	v7 =	vld.idx.msk [tilespmem:v56+s10+$0x0], $0xffff;
	v56 =	vmin.f32 v51, v53;
	v54 =	vmax.f32 v57, v54;
	v51 =	vmax.f32 v51, v53  }
0x632: {  	v41 =	vmax.f32 v48, v41;
	v40 =	vmax.f32 v50, v1;
	v4 =	vmax.f32 v60, v4  }
0x633: {  	v5 =	vld.idx.msk [tilespmem:v43+s10+$0x0], $0xffff;
	v1 =	vmin.f32 v50, v1;
	v62 =	vmax.f32 v45, v6;
	v6 =	vmin.f32 v45, v6  }
0x634: {  	v55 =	vld.idx.msk [tilespmem:v59+s10+$0x0], $0xffff;
	v48 =	vmin.f32 v54, v58;
	v1 =	vmax.f32 v37, v1;
	v53 =	vmax.f32 v61, v47  }
0x635: {  	v43 =	vmin.f32 v61, v47;
	v47 =	vmax.f32 v54, v58;
	v58 =	vmax.f32 v39, v56  }
0x636: {  	v61 =	vmin.f32 v49, v6;
	v39 =	vmin.f32 v39, v56;
	v6 =	vmax.f32 v49, v6  }
0x637: {  	v52 =	vld.idx.msk [tilespmem:v52+s10+$0x0], $0xffff;
	v63 =	vmin.f32 v62, v43;
	v43 =	vmax.f32 v62, v43;
	v2 =	vmax.f32 v2, v61  }
0x638: {  	v46 =	vld.idx.msk [tilespmem:v46+s10+$0x0], $0xffff;
	v61 =	vmin.f32 v34, v39;
	v34 =	vmax.f32 v34, v39;
	v45 =	vmin.f32 v51, v7  }
0x639: {  	v44 =	vld.idx.msk [tilespmem:v44+s10+$0x0], $0xffff;
	v60 =	vmin.f32 v41, v5;
	v54 =	vmax.f32 v53, v55;
	v5 =	vmax.f32 v41, v5  }
0x63a: {  	v53 =	vmin.f32 v53, v55;
	v7 =	vmax.f32 v51, v7;
	v62 =	vmin.f32 v6, v63  }
0x63b: {  	v6 =	vmax.f32 v6, v63;
	v63 =	vmin.f32 v3, v48;
	v38 =	vmax.f32 v38, v61  }
0x63c: {  	v3 =	vmax.f32 v3, v48;
	v41 =	vmin.f32 v5, v52;
	v55 =	vmin.f32 v43, v53  }
0x63d: {  	v43 =	vmax.f32 v43, v53;
	v49 =	vmax.f32 v58, v45;
	v53 =	vmin.f32 v47, v46  }
0x63e: {  	v2 =	vmax.f32 v2, v62;
	v51 =	vmin.f32 v7, v44;
	v7 =	vmax.f32 v7, v44  }
0x63f: {  	v36 =	vld.idx.msk [tilespmem:v36+s10+$0x0], $0xffff;
	v37 =	vmin.f32 v42, v60;
	v44 =	vmin.f32 v40, v63;
	v60 =	vmax.f32 v42, v60  }
0x640: {  	v40 =	vmax.f32 v40, v63;
	v5 =	vmax.f32 v5, v52;
	v42 =	vmin.f32 v58, v45  }
0x641: {  	v59 =	vmin.f32 v6, v55;
	v6 =	vmax.f32 v6, v55;
	v50 =	vmin.f32 v49, v51  }
0x642: {  	v62 =	vmax.f32 v33, v37;
	v48 =	vmax.f32 v3, v53;
	v63 =	vmin.f32 v60, v41  }
0x643: {  	v35 =	vld.idx.msk [tilespmem:v35+s10+$0x0], $0xffff;
	v41 =	vmax.f32 v60, v41;
	v3 =	vmin.f32 v3, v53;
	v1 =	vmax.f32 v1, v44  }
0x644: {  	v44 =	vmax.f32 v47, v46;
	v53 =	vmax.f32 v49, v51;
	v57 =	vmin.f32 v7, v36  }
0x645: {  	v33 =	vmin.f32 v33, v37;
	v7 =	vmax.f32 v7, v36;
	v2 =	vmax.f32 v2, v59  }
0x646: {  	v39 =	vmin.f32 v62, v63;
	v55 =	vmin.f32 v40, v3;
	v3 =	vmax.f32 v40, v3  }
0x647: {  	v58 =	vmin.f32 v53, v57;
	v45 =	vmax.f32 v53, v57;
	v59 =	vmax.f32 v62, v63  }
0x648: {  	v60 =	vmin.f32 v44, v35;
	v63 =	vmin.f32 v34, v42;
	v4 =	vmax.f32 v4, v33  }
0x649: {  	v42 =	vmax.f32 v34, v42;
	v35 =	vmax.f32 v44, v35;
	v53 =	vmax.f32 v41, v43  }
0x64a: {  	v57 =	vmin.f32 v41, v54;
	v1 =	vmax.f32 v1, v55;
	v61 =	vmin.f32 v48, v60  }
0x64b: {  	v47 =	vmax.f32 v48, v60;
	v4 =	vmax.f32 v4, v39;
	v48 =	vmax.f32 v38, v63  }
0x64c: {  	v51 =	vmin.f32 v42, v50;
	v33 =	vmax.f32 v42, v50;
	v55 =	vmin.f32 v5, v54  }
0x64d: {  	v38 =	vmax.f32 v5, v54;
	v56 =	vmax.f32 v59, v6;
	v6 =	vmin.f32 v5, v6  }
0x64e: {  	v5 =	vmin.f32 v5, v43;
	v59 =	vmin.f32 v59, v54;
	v63 =	vmin.f32 v7, v35  }
0x64f: {  	v46 =	vmin.f32 v45, v35;
	v54 =	vor.u32 $0x11, v10;
	v62 =	vmin.f32 v3, v61  }
0x650: {  	v3 =	vmax.f32 v3, v61;
	v34 =	vmax.f32 v48, v51;
	v52 =	vmin.f32 v33, v58  }
0x651: {  	v33 =	vmax.f32 v33, v58;
	v36 =	vmax.f32 v53, v55;
	v58 =	vmin.f32 v41, v43  }
0x652: {  	s17 =	simm.s32 $0x0;
	v5 =	vmax.f32 v57, v5;
	v2 =	vmax.f32 v4, v2;
	v61 =	vmax.f32 v7, v35  }
0x653: {  	v48 =	vmin.f32 v45, v47;
	v57 =	vxor.u32 s17, v0;
	v1 =	vmax.f32 v1, v62  }
0x654: {  	v34 =	vmax.f32 v34, v52;
	v6 =	vmax.f32 v58, v6;
	v5 =	vmax.f32 v56, v5  }
0x655: {  	v62 =	vmax.f32 v45, v47;
	v44 =	vmax.f32 v33, v3;
	v3 =	vmin.f32 v7, v3  }
0x656: {  	v7 =	vmin.f32 v7, v47;
	v33 =	vmin.f32 v33, v35;
	v50 =	vmin.f32 v38, v61  }
0x657: {  	v51 =	vmin.f32 v36, v61;
	v52 =	vor.u32 $0x10, v10;
	v56 =	vor.u32 $0x12, v10  }
0x658: {  	v58 =	vor.u32 v21, v57;
	v60 =	vmax.f32 v59, v6;
	v3 =	vmax.f32 v48, v3  }
0x659: {  	v7 =	vmax.f32 v46, v7;
	v1 =	vmax.f32 v34, v1;
	v6 =	vmax.f32 v62, v63  }
0x65a: {  	v4 =	vmin.f32 v5, v61;
	v2 =	vmax.f32 v2, v60;
	v3 =	vmax.f32 v33, v3  }
0x65b: {  	v7 =	vmax.f32 v44, v7;
	v49 =	vmax.f32 v36, v6;
	v37 =	vmin.f32 v38, v6  }
0x65c: {  	v6 =	vmin.f32 v36, v6;
	v1 =	vmax.f32 v1, v3;
	v3 =	vmax.f32 v38, v61  }
0x65d: {  	v53 =	vmax.f32 v5, v7;
	v1 =	vmax.f32 v2, v1;
	v2 =	vor.u32 $0x13, v10  }
0x65e: {  	v35 =	vmax.f32 v51, v37;
	v33 =	vmax.f32 v49, v50;
	v7 =	vmin.f32 v38, v7  }
0x65f: {  	s29 =	simm.s32 $0x1;
	v40 =	vimm.f32 $-Inf;
	v61 =	vor.u32 v22, v57;
	v59 =	vmax.f32 v6, v7;
	[tilespmem:v52+s12+$0x0] =	vst.idx.msk $0xffff, v3  }
0x660: {  	v55 =	vmax.f32 v53, v35;
	v3 =	vxor.u32 s29, v0;
	v4 =	vmax.f32 v4, v59;
	[tilespmem:v54+s12+$0x0] =	vst.idx.msk $0xffff, v33  }
0x661: {  	s30 =	simm.s32 $0x2;
	s31 =	simm.s32 $0x3;
	v39 =	vimm.f32 $-Inf;
	v60 =	vor.u32 v21, v3;
	v1 =	vmax.f32 v1, v4;
	[tilespmem:v56+s12+$0x0] =	vst.idx.msk $0xffff, v55  }
0x662: {  	v62 =	vxor.u32 s30, v0;
	v63 =	vxor.u32 s31, v0;
	v34 =	vimm.f32 $-Inf;
	[tilespmem:v2+s12+$0x0] =	vst.idx.msk $0xffff, v1  }
0x663: {  	v46 =	vor.u32 v24, v62;
	v43 =	vor.u32 v21, v62;
	v1 =	vor.u32 v24, v57;
	v2 =	vld.idx.msk [tilespmem:v58+s10+$0x0], $0xffff  }
0x664: {  	v44 =	vor.u32 v23, v62;
	v36 =	vor.u32 v23, v63;
	v50 =	vimm.f32 $-Inf  }
0x665: {  	v51 =	vimm.f32 $-Inf;
	v37 =	vimm.f32 $-Inf;
	v38 =	vimm.f32 $-Inf;
	v4 =	vld.idx.msk [tilespmem:v61+s10+$0x0], $0xffff  }
0x666: {  	v6 =	vor.u32 v23, v57;
	v35 =	vor.u32 v24, v63;
	v52 =	vor.u32 v21, v63;
	v41 =	vld.idx.msk [tilespmem:v60+s10+$0x0], $0xffff  }
0x667: {  	v59 =	vor.u32 v22, v63;
	v7 =	vor.u32 v22, v3;
	v5 =	vor.u32 v24, v3  }
0x668: {  	v56 =	vor.u32 v23, v3;
	v3 =	vor.u32 v22, v62;
	v54 =	vld.idx.msk [tilespmem:v1+s10+$0x0], $0xffff;
	v1 =	vmin.f32 v40, v2  }
0x669: {  	v48 =	vmax.f32 v40, v2;
	v2 =	vmin.f32 v40, v1;
	v57 =	vmax.f32 v40, v1  }
0x66a: {  	v1 =	vmin.f32 v40, v2;
	v61 =	vmax.f32 v40, v2;
	v2 =	vmin.f32 v40, v4  }
0x66b: {  	v55 =	vimm.f32 $-Inf;
	v53 =	vld.idx.msk [tilespmem:v6+s10+$0x0], $0xffff;
	v58 =	vmin.f32 v48, v41;
	v63 =	vmin.f32 v40, v2  }
0x66c: {  	v45 =	vmax.f32 v40, v2;
	v2 =	vmin.f32 v40, v63;
	v49 =	vmax.f32 v40, v63;
	v63 =	vld.idx.msk [tilespmem:v7+s10+$0x0], $0xffff  }
0x66d: {  	v47 =	vld.idx.msk [tilespmem:v3+s10+$0x0], $0xffff;
	v62 =	vmax.f32 v40, v4;
	v42 =	vmax.f32 v57, v58;
	v33 =	vmin.f32 v57, v58  }
0x66e: {  	s17 =	simm.s32 $0x4;
	v58 =	vld.idx.msk [tilespmem:v5+s10+$0x0], $0xffff;
	v57 =	vimm.f32 $-Inf;
	v60 =	vmax.f32 v40, v1;
	v1 =	vmin.f32 v40, v54  }
.LBB2_29:
0x66f: {  	s19 =	sadd.s32 $0x1, s17  }
0x670: {  	p0 =	slt.u32 s17, $0x3C;
	v2 =	vmax.f32 v40, v2;
	v3 =	vmax.f32 v55, v1;
	v4 =	vmin.f32 v61, v33;
	v5 =	vld.idx.msk [tilespmem:v43+s10+$0x0], $0xffff;
	s18 =	smov.u32 s17;
	s17 =	sadd.s32 $0x4, s17  }
0x671: {  	v1 =	vmin.f32 v55, v1;
	v6 =	vmin.f32 v62, v63;
	v43 =	vxor.u32 s19, v0;
	v7 =	vld.idx.msk [tilespmem:v56+s10+$0x0], $0xffff  }
0x672: {  	v33 =	vmax.f32 v61, v33;
	v40 =	vmax.f32 v62, v63;
	v55 =	vmax.f32 v50, v1;
	v56 =	vld.idx.msk [tilespmem:v59+s10+$0x0], $0xffff  }
0x673: {  	v54 =	vmax.f32 v57, v54;
	v4 =	vmax.f32 v60, v4;
	v59 =	vmin.f32 v51, v53  }
0x674: {  	v57 =	vor.u32 v21, v43;
	v51 =	vmax.f32 v51, v53;
	v53 =	vmax.f32 v40, v47;
	v52 =	vld.idx.msk [tilespmem:v52+s10+$0x0], $0xffff  }
0x675: {  	v1 =	vmin.f32 v50, v1;
	v50 =	vmax.f32 v45, v6;
	v40 =	vmin.f32 v40, v47  }
0x676: {  	v60 =	vmax.f32 v54, v58;
	v61 =	vmin.f32 v50, v40;
	v40 =	vmax.f32 v50, v40;
	v46 =	vld.idx.msk [tilespmem:v46+s10+$0x0], $0xffff  }
0x677: {  	v41 =	vmax.f32 v48, v41;
	v6 =	vmin.f32 v45, v6;
	v48 =	vmin.f32 v51, v7  }
0x678: {  	v50 =	vmin.f32 v54, v58;
	v54 =	vmin.f32 v41, v5;
	v45 =	vmax.f32 v53, v56;
	v44 =	vld.idx.msk [tilespmem:v44+s10+$0x0], $0xffff  }
0x679: {  	v47 =	vmin.f32 v49, v6;
	v58 =	vmax.f32 v39, v59;
	v5 =	vmax.f32 v41, v5  }
0x67a: {  	v2 =	vmax.f32 v2, v47;
	v47 =	vmin.f32 v53, v56;
	v41 =	vmin.f32 v5, v52  }
0x67b: {  	v39 =	vmin.f32 v39, v59;
	v53 =	vmin.f32 v40, v47;
	v47 =	vmax.f32 v40, v47  }
0x67c: {  	v6 =	vmax.f32 v49, v6;
	v49 =	vmax.f32 v58, v48;
	v56 =	vmin.f32 v60, v46  }
0x67d: {  	v7 =	vmax.f32 v51, v7;
	v40 =	vmin.f32 v6, v61;
	v6 =	vmax.f32 v6, v61  }
0x67e: {  	v51 =	vmin.f32 v3, v50;
	v2 =	vmax.f32 v2, v40;
	v59 =	vmin.f32 v7, v44  }
0x67f: {  	v40 =	vmin.f32 v6, v53;
	v6 =	vmax.f32 v6, v53;
	v7 =	vmax.f32 v7, v44  }
0x680: {  	v1 =	vmax.f32 v37, v1;
	v37 =	vmin.f32 v42, v54;
	v40 =	vmax.f32 v2, v40  }
0x681: {  	v42 =	vmax.f32 v42, v54;
	v2 =	vmin.f32 v55, v51;
	v44 =	vmin.f32 v49, v59;
	v36 =	vld.idx.msk [tilespmem:v36+s10+$0x0], $0xffff  }
0x682: {  	v54 =	vmax.f32 v33, v37;
	v53 =	vmin.f32 v34, v39;
	v51 =	vmax.f32 v55, v51  }
0x683: {  	v3 =	vmax.f32 v3, v50;
	v5 =	vmax.f32 v5, v52;
	v38 =	vmax.f32 v38, v53;
	v35 =	vld.idx.msk [tilespmem:v35+s10+$0x0], $0xffff  }
0x684: {  	v52 =	vmin.f32 v42, v41;
	v42 =	vmax.f32 v42, v41;
	v50 =	vmax.f32 v3, v56  }
0x685: {  	v34 =	vmax.f32 v34, v39;
	v41 =	vmin.f32 v54, v52;
	v3 =	vmin.f32 v3, v56  }
0x686: {  	v48 =	vmin.f32 v58, v48;
	v1 =	vmax.f32 v1, v2;
	v2 =	vmax.f32 v60, v46  }
0x687: {  	v46 =	vmin.f32 v51, v3;
	v39 =	vmax.f32 v49, v59;
	v49 =	vmin.f32 v7, v36  }
0x688: {  	v3 =	vmax.f32 v51, v3;
	v56 =	vmin.f32 v39, v49;
	v39 =	vmax.f32 v39, v49  }
0x689: {  	v1 =	vmax.f32 v1, v46;
	v49 =	vmax.f32 v54, v52;
	v46 =	vmin.f32 v2, v35  }
0x68a: {  	v51 =	vxor.u32 s18, v0;
	v52 =	vmin.f32 v50, v46;
	v55 =	vmax.f32 v50, v46  }
0x68b: {  	v33 =	vmin.f32 v33, v37;
	v54 =	vor.u32 v22, v51;
	v46 =	vor.u32 v21, v51  }
0x68c: {  	v53 =	vor.u32 v23, v51;
	v58 =	vor.u32 v24, v51;
	v37 =	vmin.f32 v3, v52  }
0x68d: {  	v4 =	vmax.f32 v4, v33;
	v50 =	vmin.f32 v34, v48;
	v34 =	vmax.f32 v34, v48  }
0x68e: {  	v4 =	vmax.f32 v4, v41;
	v51 =	vmax.f32 v7, v36;
	v37 =	vmax.f32 v1, v37  }
0x68f: {  	v7 =	vmin.f32 v34, v44;
	v1 =	vmax.f32 v38, v50;
	v50 =	vmax.f32 v3, v52;
	v41 =	vld.idx.msk [tilespmem:v57+s10+$0x0], $0xffff  }
0x690: {  	v33 =	vmax.f32 v34, v44;
	v1 =	vmax.f32 v1, v7;
	v57 =	vmax.f32 v2, v35;
	v3 =	vld.idx.msk [tilespmem:v46+s10+$0x0], $0xffff  }
0x691: {  	s19 =	sadd.s32 $0x2, s18;
	v34 =	vmax.f32 v33, v56;
	v7 =	vmin.f32 v33, v56;
	v2 =	vor.u32 v22, v43;
	v53 =	vld.idx.msk [tilespmem:v53+s10+$0x0], $0xffff  }
0x692: {  	v60 =	vor.u32 v24, v43;
	v38 =	vmax.f32 v1, v7;
	v35 =	vxor.u32 s19, v0;
	v33 =	vld.idx.msk [tilespmem:v54+s10+$0x0], $0xffff  }
0x693: {  	s18 =	sadd.s32 $0x3, s18;
	v56 =	vor.u32 v23, v43;
	v7 =	vor.u32 v22, v35;
	v46 =	vor.u32 v24, v35;
	v54 =	vld.idx.msk [tilespmem:v58+s10+$0x0], $0xffff  }
0x694: {  	v1 =	vxor.u32 s18, v0;
	v43 =	vor.u32 v21, v35;
	v44 =	vor.u32 v23, v35  }
0x695: {  	v52 =	vor.u32 v21, v1;
	v59 =	vor.u32 v22, v1;
	v36 =	vor.u32 v23, v1  }
0x696: {  	v35 =	vor.u32 v24, v1;
	v58 =	vmin.f32 v5, v3;
	v48 =	vmax.f32 v5, v3  }
.Ltmp13:
0x697: {  	v1 =	vmin.f32 v42, v58;
	v3 =	vmax.f32 v42, v58;
	v5 =	vmin.f32 v48, v41;
	v63 =	vld.idx.msk [tilespmem:v2+s10+$0x0], $0xffff;
	(pc) =	sbr.rel @p0 .LBB2_29-.Ltmp13, $4  }
0x698: {  	v2 =	vmin.f32 v49, v1;
	v61 =	vmax.f32 v49, v1;
	v1 =	vmin.f32 v45, v33;
	v58 =	vld.idx.msk [tilespmem:v60+s10+$0x0], $0xffff  }
0x699: {  	v62 =	vmax.f32 v45, v33;
	v42 =	vmax.f32 v3, v5;
	v60 =	vmax.f32 v4, v2  }
0x69a: {  	v4 =	vmin.f32 v47, v1;
	v45 =	vmax.f32 v47, v1;
	v1 =	vmin.f32 v57, v54;
	v47 =	vld.idx.msk [tilespmem:v7+s10+$0x0], $0xffff  }
0x69b: {  	v33 =	vmin.f32 v3, v5;
	v2 =	vmin.f32 v6, v4;
	v49 =	vmax.f32 v6, v4  }
0x69c: {  	_ = 	snop  }
0x69d: {  	v2 =	vmax.f32 v40, v2  }
0x69e: {  	v3 =	vmax.f32 v55, v1;
	v4 =	vmin.f32 v61, v33;
	v1 =	vmin.f32 v55, v1  }
0x69f: {  	v6 =	vmin.f32 v62, v63;
	v33 =	vmax.f32 v61, v33;
	v61 =	vmax.f32 v62, v63  }
0x6a0: {  	v7 =	vld.idx.msk [tilespmem:v56+s10+$0x0], $0xffff;
	v56 =	vmin.f32 v51, v53;
	v54 =	vmax.f32 v57, v54;
	v51 =	vmax.f32 v51, v53  }
0x6a1: {  	v41 =	vmax.f32 v48, v41;
	v40 =	vmax.f32 v50, v1;
	v4 =	vmax.f32 v60, v4  }
0x6a2: {  	v5 =	vld.idx.msk [tilespmem:v43+s10+$0x0], $0xffff;
	v1 =	vmin.f32 v50, v1;
	v62 =	vmax.f32 v45, v6;
	v6 =	vmin.f32 v45, v6  }
0x6a3: {  	v55 =	vld.idx.msk [tilespmem:v59+s10+$0x0], $0xffff;
	v48 =	vmin.f32 v54, v58;
	v1 =	vmax.f32 v37, v1;
	v53 =	vmax.f32 v61, v47  }
0x6a4: {  	v43 =	vmin.f32 v61, v47;
	v47 =	vmax.f32 v54, v58;
	v58 =	vmax.f32 v39, v56  }
0x6a5: {  	v61 =	vmin.f32 v49, v6;
	v39 =	vmin.f32 v39, v56;
	v6 =	vmax.f32 v49, v6  }
0x6a6: {  	v52 =	vld.idx.msk [tilespmem:v52+s10+$0x0], $0xffff;
	v63 =	vmin.f32 v62, v43;
	v43 =	vmax.f32 v62, v43;
	v2 =	vmax.f32 v2, v61  }
0x6a7: {  	v46 =	vld.idx.msk [tilespmem:v46+s10+$0x0], $0xffff;
	v61 =	vmin.f32 v34, v39;
	v34 =	vmax.f32 v34, v39;
	v45 =	vmin.f32 v51, v7  }
0x6a8: {  	v44 =	vld.idx.msk [tilespmem:v44+s10+$0x0], $0xffff;
	v60 =	vmin.f32 v41, v5;
	v54 =	vmax.f32 v53, v55;
	v5 =	vmax.f32 v41, v5  }
0x6a9: {  	v53 =	vmin.f32 v53, v55;
	v7 =	vmax.f32 v51, v7;
	v62 =	vmin.f32 v6, v63  }
0x6aa: {  	v6 =	vmax.f32 v6, v63;
	v63 =	vmin.f32 v3, v48;
	v38 =	vmax.f32 v38, v61  }
0x6ab: {  	v3 =	vmax.f32 v3, v48;
	v41 =	vmin.f32 v5, v52;
	v55 =	vmin.f32 v43, v53  }
0x6ac: {  	v43 =	vmax.f32 v43, v53;
	v49 =	vmax.f32 v58, v45;
	v53 =	vmin.f32 v47, v46  }
0x6ad: {  	v2 =	vmax.f32 v2, v62;
	v51 =	vmin.f32 v7, v44;
	v7 =	vmax.f32 v7, v44  }
0x6ae: {  	v36 =	vld.idx.msk [tilespmem:v36+s10+$0x0], $0xffff;
	v37 =	vmin.f32 v42, v60;
	v44 =	vmin.f32 v40, v63;
	v60 =	vmax.f32 v42, v60  }
0x6af: {  	v40 =	vmax.f32 v40, v63;
	v5 =	vmax.f32 v5, v52;
	v42 =	vmin.f32 v58, v45  }
0x6b0: {  	v59 =	vmin.f32 v6, v55;
	v6 =	vmax.f32 v6, v55;
	v50 =	vmin.f32 v49, v51  }
0x6b1: {  	v62 =	vmax.f32 v33, v37;
	v48 =	vmax.f32 v3, v53;
	v63 =	vmin.f32 v60, v41  }
0x6b2: {  	v35 =	vld.idx.msk [tilespmem:v35+s10+$0x0], $0xffff;
	v41 =	vmax.f32 v60, v41;
	v3 =	vmin.f32 v3, v53;
	v1 =	vmax.f32 v1, v44  }
0x6b3: {  	v44 =	vmax.f32 v47, v46;
	v53 =	vmax.f32 v49, v51;
	v57 =	vmin.f32 v7, v36  }
0x6b4: {  	v33 =	vmin.f32 v33, v37;
	v7 =	vmax.f32 v7, v36;
	v2 =	vmax.f32 v2, v59  }
0x6b5: {  	v39 =	vmin.f32 v62, v63;
	v55 =	vmin.f32 v40, v3;
	v3 =	vmax.f32 v40, v3  }
0x6b6: {  	v58 =	vmin.f32 v53, v57;
	v45 =	vmax.f32 v53, v57;
	v59 =	vmax.f32 v62, v63  }
0x6b7: {  	v60 =	vmin.f32 v44, v35;
	v63 =	vmin.f32 v34, v42;
	v4 =	vmax.f32 v4, v33  }
0x6b8: {  	v42 =	vmax.f32 v34, v42;
	v35 =	vmax.f32 v44, v35;
	v53 =	vmax.f32 v41, v43  }
0x6b9: {  	v57 =	vmin.f32 v41, v54;
	v1 =	vmax.f32 v1, v55;
	v61 =	vmin.f32 v48, v60  }
0x6ba: {  	v47 =	vmax.f32 v48, v60;
	v4 =	vmax.f32 v4, v39;
	v48 =	vmax.f32 v38, v63  }
0x6bb: {  	v51 =	vmin.f32 v42, v50;
	v33 =	vmax.f32 v42, v50;
	v55 =	vmin.f32 v5, v54  }
0x6bc: {  	v38 =	vmax.f32 v5, v54;
	v56 =	vmax.f32 v59, v6;
	v6 =	vmin.f32 v5, v6  }
0x6bd: {  	v5 =	vmin.f32 v5, v43;
	v59 =	vmin.f32 v59, v54;
	v63 =	vmin.f32 v7, v35  }
0x6be: {  	v46 =	vmin.f32 v45, v35;
	v54 =	vor.u32 $0x15, v10;
	v62 =	vmin.f32 v3, v61  }
0x6bf: {  	v3 =	vmax.f32 v3, v61;
	v34 =	vmax.f32 v48, v51;
	v52 =	vmin.f32 v33, v58  }
0x6c0: {  	v33 =	vmax.f32 v33, v58;
	v36 =	vmax.f32 v53, v55;
	v58 =	vmin.f32 v41, v43  }
0x6c1: {  	s17 =	simm.s32 $0x0;
	v5 =	vmax.f32 v57, v5;
	v2 =	vmax.f32 v4, v2;
	v61 =	vmax.f32 v7, v35  }
0x6c2: {  	v48 =	vmin.f32 v45, v47;
	v57 =	vxor.u32 s17, v0;
	v1 =	vmax.f32 v1, v62  }
0x6c3: {  	v34 =	vmax.f32 v34, v52;
	v6 =	vmax.f32 v58, v6;
	v5 =	vmax.f32 v56, v5  }
0x6c4: {  	v62 =	vmax.f32 v45, v47;
	v44 =	vmax.f32 v33, v3;
	v3 =	vmin.f32 v7, v3  }
0x6c5: {  	v7 =	vmin.f32 v7, v47;
	v33 =	vmin.f32 v33, v35;
	v50 =	vmin.f32 v38, v61  }
0x6c6: {  	v51 =	vmin.f32 v36, v61;
	v52 =	vor.u32 $0x14, v10;
	v56 =	vor.u32 $0x16, v10  }
0x6c7: {  	v58 =	vor.u32 v25, v57;
	v60 =	vmax.f32 v59, v6;
	v3 =	vmax.f32 v48, v3  }
0x6c8: {  	v7 =	vmax.f32 v46, v7;
	v1 =	vmax.f32 v34, v1;
	v6 =	vmax.f32 v62, v63  }
0x6c9: {  	v4 =	vmin.f32 v5, v61;
	v2 =	vmax.f32 v2, v60;
	v3 =	vmax.f32 v33, v3  }
0x6ca: {  	v7 =	vmax.f32 v44, v7;
	v49 =	vmax.f32 v36, v6;
	v37 =	vmin.f32 v38, v6  }
0x6cb: {  	v6 =	vmin.f32 v36, v6;
	v1 =	vmax.f32 v1, v3;
	v3 =	vmax.f32 v38, v61  }
0x6cc: {  	v53 =	vmax.f32 v5, v7;
	v1 =	vmax.f32 v2, v1;
	v2 =	vor.u32 $0x17, v10  }
0x6cd: {  	v35 =	vmax.f32 v51, v37;
	v33 =	vmax.f32 v49, v50;
	v7 =	vmin.f32 v38, v7  }
0x6ce: {  	s29 =	simm.s32 $0x1;
	v40 =	vimm.f32 $-Inf;
	v61 =	vor.u32 v26, v57;
	v59 =	vmax.f32 v6, v7;
	[tilespmem:v52+s12+$0x0] =	vst.idx.msk $0xffff, v3  }
0x6cf: {  	v55 =	vmax.f32 v53, v35;
	v3 =	vxor.u32 s29, v0;
	v4 =	vmax.f32 v4, v59;
	[tilespmem:v54+s12+$0x0] =	vst.idx.msk $0xffff, v33  }
0x6d0: {  	s30 =	simm.s32 $0x2;
	s31 =	simm.s32 $0x3;
	v39 =	vimm.f32 $-Inf;
	v60 =	vor.u32 v25, v3;
	v1 =	vmax.f32 v1, v4;
	[tilespmem:v56+s12+$0x0] =	vst.idx.msk $0xffff, v55  }
0x6d1: {  	v62 =	vxor.u32 s30, v0;
	v63 =	vxor.u32 s31, v0;
	v34 =	vimm.f32 $-Inf;
	[tilespmem:v2+s12+$0x0] =	vst.idx.msk $0xffff, v1  }
0x6d2: {  	v46 =	vor.u32 v28, v62;
	v43 =	vor.u32 v25, v62;
	v1 =	vor.u32 v28, v57;
	v2 =	vld.idx.msk [tilespmem:v58+s10+$0x0], $0xffff  }
0x6d3: {  	v44 =	vor.u32 v27, v62;
	v36 =	vor.u32 v27, v63;
	v50 =	vimm.f32 $-Inf  }
0x6d4: {  	v51 =	vimm.f32 $-Inf;
	v37 =	vimm.f32 $-Inf;
	v38 =	vimm.f32 $-Inf;
	v4 =	vld.idx.msk [tilespmem:v61+s10+$0x0], $0xffff  }
0x6d5: {  	v6 =	vor.u32 v27, v57;
	v35 =	vor.u32 v28, v63;
	v52 =	vor.u32 v25, v63;
	v41 =	vld.idx.msk [tilespmem:v60+s10+$0x0], $0xffff  }
0x6d6: {  	v59 =	vor.u32 v26, v63;
	v7 =	vor.u32 v26, v3;
	v5 =	vor.u32 v28, v3  }
0x6d7: {  	v56 =	vor.u32 v27, v3;
	v3 =	vor.u32 v26, v62;
	v54 =	vld.idx.msk [tilespmem:v1+s10+$0x0], $0xffff;
	v1 =	vmin.f32 v40, v2  }
0x6d8: {  	v48 =	vmax.f32 v40, v2;
	v2 =	vmin.f32 v40, v1;
	v57 =	vmax.f32 v40, v1  }
0x6d9: {  	v1 =	vmin.f32 v40, v2;
	v61 =	vmax.f32 v40, v2;
	v2 =	vmin.f32 v40, v4  }
0x6da: {  	v55 =	vimm.f32 $-Inf;
	v53 =	vld.idx.msk [tilespmem:v6+s10+$0x0], $0xffff;
	v58 =	vmin.f32 v48, v41;
	v63 =	vmin.f32 v40, v2  }
0x6db: {  	v45 =	vmax.f32 v40, v2;
	v2 =	vmin.f32 v40, v63;
	v49 =	vmax.f32 v40, v63;
	v63 =	vld.idx.msk [tilespmem:v7+s10+$0x0], $0xffff  }
0x6dc: {  	v47 =	vld.idx.msk [tilespmem:v3+s10+$0x0], $0xffff;
	v62 =	vmax.f32 v40, v4;
	v42 =	vmax.f32 v57, v58;
	v33 =	vmin.f32 v57, v58  }
0x6dd: {  	s17 =	simm.s32 $0x4;
	v58 =	vld.idx.msk [tilespmem:v5+s10+$0x0], $0xffff;
	v57 =	vimm.f32 $-Inf;
	v60 =	vmax.f32 v40, v1;
	v1 =	vmin.f32 v40, v54  }
.LBB2_31:
0x6de: {  	s19 =	sadd.s32 $0x1, s17  }
0x6df: {  	p0 =	slt.u32 s17, $0x3C;
	v2 =	vmax.f32 v40, v2;
	v3 =	vmax.f32 v55, v1;
	v4 =	vmin.f32 v61, v33;
	v5 =	vld.idx.msk [tilespmem:v43+s10+$0x0], $0xffff;
	s18 =	smov.u32 s17;
	s17 =	sadd.s32 $0x4, s17  }
0x6e0: {  	v1 =	vmin.f32 v55, v1;
	v6 =	vmin.f32 v62, v63;
	v43 =	vxor.u32 s19, v0;
	v7 =	vld.idx.msk [tilespmem:v56+s10+$0x0], $0xffff  }
0x6e1: {  	v33 =	vmax.f32 v61, v33;
	v40 =	vmax.f32 v62, v63;
	v55 =	vmax.f32 v50, v1;
	v56 =	vld.idx.msk [tilespmem:v59+s10+$0x0], $0xffff  }
0x6e2: {  	v54 =	vmax.f32 v57, v54;
	v4 =	vmax.f32 v60, v4;
	v59 =	vmin.f32 v51, v53  }
0x6e3: {  	v57 =	vor.u32 v25, v43;
	v51 =	vmax.f32 v51, v53;
	v53 =	vmax.f32 v40, v47;
	v52 =	vld.idx.msk [tilespmem:v52+s10+$0x0], $0xffff  }
0x6e4: {  	v1 =	vmin.f32 v50, v1;
	v50 =	vmax.f32 v45, v6;
	v40 =	vmin.f32 v40, v47  }
0x6e5: {  	v60 =	vmax.f32 v54, v58;
	v61 =	vmin.f32 v50, v40;
	v40 =	vmax.f32 v50, v40;
	v46 =	vld.idx.msk [tilespmem:v46+s10+$0x0], $0xffff  }
0x6e6: {  	v41 =	vmax.f32 v48, v41;
	v6 =	vmin.f32 v45, v6;
	v48 =	vmin.f32 v51, v7  }
0x6e7: {  	v50 =	vmin.f32 v54, v58;
	v54 =	vmin.f32 v41, v5;
	v45 =	vmax.f32 v53, v56;
	v44 =	vld.idx.msk [tilespmem:v44+s10+$0x0], $0xffff  }
0x6e8: {  	v47 =	vmin.f32 v49, v6;
	v58 =	vmax.f32 v39, v59;
	v5 =	vmax.f32 v41, v5  }
0x6e9: {  	v2 =	vmax.f32 v2, v47;
	v47 =	vmin.f32 v53, v56;
	v41 =	vmin.f32 v5, v52  }
0x6ea: {  	v39 =	vmin.f32 v39, v59;
	v53 =	vmin.f32 v40, v47;
	v47 =	vmax.f32 v40, v47  }
0x6eb: {  	v6 =	vmax.f32 v49, v6;
	v49 =	vmax.f32 v58, v48;
	v56 =	vmin.f32 v60, v46  }
0x6ec: {  	v7 =	vmax.f32 v51, v7;
	v40 =	vmin.f32 v6, v61;
	v6 =	vmax.f32 v6, v61  }
0x6ed: {  	v51 =	vmin.f32 v3, v50;
	v2 =	vmax.f32 v2, v40;
	v59 =	vmin.f32 v7, v44  }
0x6ee: {  	v40 =	vmin.f32 v6, v53;
	v6 =	vmax.f32 v6, v53;
	v7 =	vmax.f32 v7, v44  }
0x6ef: {  	v1 =	vmax.f32 v37, v1;
	v37 =	vmin.f32 v42, v54;
	v40 =	vmax.f32 v2, v40  }
0x6f0: {  	v42 =	vmax.f32 v42, v54;
	v2 =	vmin.f32 v55, v51;
	v44 =	vmin.f32 v49, v59;
	v36 =	vld.idx.msk [tilespmem:v36+s10+$0x0], $0xffff  }
0x6f1: {  	v54 =	vmax.f32 v33, v37;
	v53 =	vmin.f32 v34, v39;
	v51 =	vmax.f32 v55, v51  }
0x6f2: {  	v3 =	vmax.f32 v3, v50;
	v5 =	vmax.f32 v5, v52;
	v38 =	vmax.f32 v38, v53;
	v35 =	vld.idx.msk [tilespmem:v35+s10+$0x0], $0xffff  }
0x6f3: {  	v52 =	vmin.f32 v42, v41;
	v42 =	vmax.f32 v42, v41;
	v50 =	vmax.f32 v3, v56  }
0x6f4: {  	v34 =	vmax.f32 v34, v39;
	v41 =	vmin.f32 v54, v52;
	v3 =	vmin.f32 v3, v56  }
0x6f5: {  	v48 =	vmin.f32 v58, v48;
	v1 =	vmax.f32 v1, v2;
	v2 =	vmax.f32 v60, v46  }
0x6f6: {  	v46 =	vmin.f32 v51, v3;
	v39 =	vmax.f32 v49, v59;
	v49 =	vmin.f32 v7, v36  }
0x6f7: {  	v3 =	vmax.f32 v51, v3;
	v56 =	vmin.f32 v39, v49;
	v39 =	vmax.f32 v39, v49  }
0x6f8: {  	v1 =	vmax.f32 v1, v46;
	v49 =	vmax.f32 v54, v52;
	v46 =	vmin.f32 v2, v35  }
0x6f9: {  	v51 =	vxor.u32 s18, v0;
	v52 =	vmin.f32 v50, v46;
	v55 =	vmax.f32 v50, v46  }
0x6fa: {  	v33 =	vmin.f32 v33, v37;
	v54 =	vor.u32 v26, v51;
	v46 =	vor.u32 v25, v51  }
0x6fb: {  	v53 =	vor.u32 v27, v51;
	v58 =	vor.u32 v28, v51;
	v37 =	vmin.f32 v3, v52  }
0x6fc: {  	v4 =	vmax.f32 v4, v33;
	v50 =	vmin.f32 v34, v48;
	v34 =	vmax.f32 v34, v48  }
0x6fd: {  	v4 =	vmax.f32 v4, v41;
	v51 =	vmax.f32 v7, v36;
	v37 =	vmax.f32 v1, v37  }
0x6fe: {  	v7 =	vmin.f32 v34, v44;
	v1 =	vmax.f32 v38, v50;
	v50 =	vmax.f32 v3, v52;
	v41 =	vld.idx.msk [tilespmem:v57+s10+$0x0], $0xffff  }
0x6ff: {  	v33 =	vmax.f32 v34, v44;
	v1 =	vmax.f32 v1, v7;
	v57 =	vmax.f32 v2, v35;
	v3 =	vld.idx.msk [tilespmem:v46+s10+$0x0], $0xffff  }
0x700: {  	s19 =	sadd.s32 $0x2, s18;
	v34 =	vmax.f32 v33, v56;
	v7 =	vmin.f32 v33, v56;
	v2 =	vor.u32 v26, v43;
	v53 =	vld.idx.msk [tilespmem:v53+s10+$0x0], $0xffff  }
0x701: {  	v60 =	vor.u32 v28, v43;
	v38 =	vmax.f32 v1, v7;
	v35 =	vxor.u32 s19, v0;
	v33 =	vld.idx.msk [tilespmem:v54+s10+$0x0], $0xffff  }
0x702: {  	s18 =	sadd.s32 $0x3, s18;
	v56 =	vor.u32 v27, v43;
	v7 =	vor.u32 v26, v35;
	v46 =	vor.u32 v28, v35;
	v54 =	vld.idx.msk [tilespmem:v58+s10+$0x0], $0xffff  }
0x703: {  	v1 =	vxor.u32 s18, v0;
	v43 =	vor.u32 v25, v35;
	v44 =	vor.u32 v27, v35  }
0x704: {  	v52 =	vor.u32 v25, v1;
	v59 =	vor.u32 v26, v1;
	v36 =	vor.u32 v27, v1  }
0x705: {  	v35 =	vor.u32 v28, v1;
	v58 =	vmin.f32 v5, v3;
	v48 =	vmax.f32 v5, v3  }
.Ltmp14:
0x706: {  	v1 =	vmin.f32 v42, v58;
	v3 =	vmax.f32 v42, v58;
	v5 =	vmin.f32 v48, v41;
	v63 =	vld.idx.msk [tilespmem:v2+s10+$0x0], $0xffff;
	(pc) =	sbr.rel @p0 .LBB2_31-.Ltmp14, $4  }
0x707: {  	v2 =	vmin.f32 v49, v1;
	v61 =	vmax.f32 v49, v1;
	v1 =	vmin.f32 v45, v33;
	v58 =	vld.idx.msk [tilespmem:v60+s10+$0x0], $0xffff  }
0x708: {  	v62 =	vmax.f32 v45, v33;
	v42 =	vmax.f32 v3, v5;
	v60 =	vmax.f32 v4, v2  }
0x709: {  	v4 =	vmin.f32 v47, v1;
	v45 =	vmax.f32 v47, v1;
	v1 =	vmin.f32 v57, v54;
	v47 =	vld.idx.msk [tilespmem:v7+s10+$0x0], $0xffff  }
0x70a: {  	v33 =	vmin.f32 v3, v5;
	v2 =	vmin.f32 v6, v4;
	v49 =	vmax.f32 v6, v4  }
0x70b: {  	_ = 	snop  }
0x70c: {  	v2 =	vmax.f32 v40, v2  }
0x70d: {  	v3 =	vmax.f32 v55, v1;
	v4 =	vmin.f32 v61, v33;
	v1 =	vmin.f32 v55, v1  }
0x70e: {  	v6 =	vmin.f32 v62, v63;
	v33 =	vmax.f32 v61, v33;
	v61 =	vmax.f32 v62, v63  }
0x70f: {  	v7 =	vld.idx.msk [tilespmem:v56+s10+$0x0], $0xffff;
	v56 =	vmin.f32 v51, v53;
	v54 =	vmax.f32 v57, v54;
	v51 =	vmax.f32 v51, v53  }
0x710: {  	v41 =	vmax.f32 v48, v41;
	v40 =	vmax.f32 v50, v1;
	v4 =	vmax.f32 v60, v4  }
0x711: {  	v5 =	vld.idx.msk [tilespmem:v43+s10+$0x0], $0xffff;
	v1 =	vmin.f32 v50, v1;
	v62 =	vmax.f32 v45, v6;
	v6 =	vmin.f32 v45, v6  }
0x712: {  	v55 =	vld.idx.msk [tilespmem:v59+s10+$0x0], $0xffff;
	v48 =	vmin.f32 v54, v58;
	v1 =	vmax.f32 v37, v1;
	v53 =	vmax.f32 v61, v47  }
0x713: {  	v43 =	vmin.f32 v61, v47;
	v47 =	vmax.f32 v54, v58;
	v58 =	vmax.f32 v39, v56  }
0x714: {  	v61 =	vmin.f32 v49, v6;
	v39 =	vmin.f32 v39, v56;
	v6 =	vmax.f32 v49, v6  }
0x715: {  	v52 =	vld.idx.msk [tilespmem:v52+s10+$0x0], $0xffff;
	v63 =	vmin.f32 v62, v43;
	v43 =	vmax.f32 v62, v43;
	v2 =	vmax.f32 v2, v61  }
0x716: {  	v46 =	vld.idx.msk [tilespmem:v46+s10+$0x0], $0xffff;
	v61 =	vmin.f32 v34, v39;
	v34 =	vmax.f32 v34, v39;
	v45 =	vmin.f32 v51, v7  }
0x717: {  	v44 =	vld.idx.msk [tilespmem:v44+s10+$0x0], $0xffff;
	v60 =	vmin.f32 v41, v5;
	v54 =	vmax.f32 v53, v55;
	v5 =	vmax.f32 v41, v5  }
0x718: {  	v53 =	vmin.f32 v53, v55;
	v7 =	vmax.f32 v51, v7;
	v62 =	vmin.f32 v6, v63  }
0x719: {  	v6 =	vmax.f32 v6, v63;
	v63 =	vmin.f32 v3, v48;
	v38 =	vmax.f32 v38, v61  }
0x71a: {  	v3 =	vmax.f32 v3, v48;
	v41 =	vmin.f32 v5, v52;
	v55 =	vmin.f32 v43, v53  }
0x71b: {  	v43 =	vmax.f32 v43, v53;
	v49 =	vmax.f32 v58, v45;
	v53 =	vmin.f32 v47, v46  }
0x71c: {  	v2 =	vmax.f32 v2, v62;
	v51 =	vmin.f32 v7, v44;
	v7 =	vmax.f32 v7, v44  }
0x71d: {  	v36 =	vld.idx.msk [tilespmem:v36+s10+$0x0], $0xffff;
	v37 =	vmin.f32 v42, v60;
	v44 =	vmin.f32 v40, v63;
	v60 =	vmax.f32 v42, v60  }
0x71e: {  	v40 =	vmax.f32 v40, v63;
	v5 =	vmax.f32 v5, v52;
	v42 =	vmin.f32 v58, v45  }
0x71f: {  	v59 =	vmin.f32 v6, v55;
	v6 =	vmax.f32 v6, v55;
	v50 =	vmin.f32 v49, v51  }
0x720: {  	v62 =	vmax.f32 v33, v37;
	v48 =	vmax.f32 v3, v53;
	v63 =	vmin.f32 v60, v41  }
0x721: {  	v35 =	vld.idx.msk [tilespmem:v35+s10+$0x0], $0xffff;
	v41 =	vmax.f32 v60, v41;
	v3 =	vmin.f32 v3, v53;
	v1 =	vmax.f32 v1, v44  }
0x722: {  	v44 =	vmax.f32 v47, v46;
	v53 =	vmax.f32 v49, v51;
	v57 =	vmin.f32 v7, v36  }
0x723: {  	v33 =	vmin.f32 v33, v37;
	v7 =	vmax.f32 v7, v36;
	v2 =	vmax.f32 v2, v59  }
0x724: {  	v39 =	vmin.f32 v62, v63;
	v55 =	vmin.f32 v40, v3;
	v3 =	vmax.f32 v40, v3  }
0x725: {  	v58 =	vmin.f32 v53, v57;
	v45 =	vmax.f32 v53, v57;
	v59 =	vmax.f32 v62, v63  }
0x726: {  	v60 =	vmin.f32 v44, v35;
	v63 =	vmin.f32 v34, v42;
	v4 =	vmax.f32 v4, v33  }
0x727: {  	v42 =	vmax.f32 v34, v42;
	v35 =	vmax.f32 v44, v35;
	v53 =	vmax.f32 v41, v43  }
0x728: {  	v57 =	vmin.f32 v41, v54;
	v1 =	vmax.f32 v1, v55;
	v61 =	vmin.f32 v48, v60  }
0x729: {  	v47 =	vmax.f32 v48, v60;
	v4 =	vmax.f32 v4, v39;
	v48 =	vmax.f32 v38, v63  }
0x72a: {  	v51 =	vmin.f32 v42, v50;
	v33 =	vmax.f32 v42, v50;
	v55 =	vmin.f32 v5, v54  }
0x72b: {  	v38 =	vmax.f32 v5, v54;
	v56 =	vmax.f32 v59, v6;
	v6 =	vmin.f32 v5, v6  }
0x72c: {  	v5 =	vmin.f32 v5, v43;
	v59 =	vmin.f32 v59, v54;
	v63 =	vmin.f32 v7, v35  }
0x72d: {  	v46 =	vmin.f32 v45, v35;
	v54 =	vor.u32 $0x19, v10;
	v62 =	vmin.f32 v3, v61  }
0x72e: {  	v3 =	vmax.f32 v3, v61;
	v34 =	vmax.f32 v48, v51;
	v52 =	vmin.f32 v33, v58  }
0x72f: {  	v33 =	vmax.f32 v33, v58;
	v36 =	vmax.f32 v53, v55;
	v58 =	vmin.f32 v41, v43  }
0x730: {  	s17 =	simm.s32 $0x0;
	v5 =	vmax.f32 v57, v5;
	v2 =	vmax.f32 v4, v2;
	v61 =	vmax.f32 v7, v35  }
0x731: {  	v48 =	vmin.f32 v45, v47;
	v57 =	vxor.u32 s17, v0;
	v1 =	vmax.f32 v1, v62  }
0x732: {  	v34 =	vmax.f32 v34, v52;
	v6 =	vmax.f32 v58, v6;
	v5 =	vmax.f32 v56, v5  }
0x733: {  	v62 =	vmax.f32 v45, v47;
	v44 =	vmax.f32 v33, v3;
	v3 =	vmin.f32 v7, v3  }
0x734: {  	v7 =	vmin.f32 v7, v47;
	v33 =	vmin.f32 v33, v35;
	v50 =	vmin.f32 v38, v61  }
0x735: {  	v51 =	vmin.f32 v36, v61;
	v52 =	vor.u32 $0x18, v10;
	v56 =	vor.u32 $0x1A, v10  }
0x736: {  	v58 =	vor.u32 v29, v57;
	v60 =	vmax.f32 v59, v6;
	v3 =	vmax.f32 v48, v3  }
0x737: {  	v7 =	vmax.f32 v46, v7;
	v1 =	vmax.f32 v34, v1;
	v6 =	vmax.f32 v62, v63  }
0x738: {  	v4 =	vmin.f32 v5, v61;
	v2 =	vmax.f32 v2, v60;
	v3 =	vmax.f32 v33, v3  }
0x739: {  	v7 =	vmax.f32 v44, v7;
	v49 =	vmax.f32 v36, v6;
	v37 =	vmin.f32 v38, v6  }
0x73a: {  	v6 =	vmin.f32 v36, v6;
	v1 =	vmax.f32 v1, v3;
	v3 =	vmax.f32 v38, v61  }
0x73b: {  	v53 =	vmax.f32 v5, v7;
	v1 =	vmax.f32 v2, v1;
	v2 =	vor.u32 $0x1B, v10  }
0x73c: {  	v35 =	vmax.f32 v51, v37;
	v33 =	vmax.f32 v49, v50;
	v7 =	vmin.f32 v38, v7  }
0x73d: {  	s29 =	simm.s32 $0x1;
	v40 =	vimm.f32 $-Inf;
	v61 =	vor.u32 v30, v57;
	v59 =	vmax.f32 v6, v7;
	[tilespmem:v52+s12+$0x0] =	vst.idx.msk $0xffff, v3  }
0x73e: {  	v55 =	vmax.f32 v53, v35;
	v3 =	vxor.u32 s29, v0;
	v4 =	vmax.f32 v4, v59;
	[tilespmem:v54+s12+$0x0] =	vst.idx.msk $0xffff, v33  }
0x73f: {  	s30 =	simm.s32 $0x2;
	s31 =	simm.s32 $0x3;
	v39 =	vimm.f32 $-Inf;
	v60 =	vor.u32 v29, v3;
	v1 =	vmax.f32 v1, v4;
	[tilespmem:v56+s12+$0x0] =	vst.idx.msk $0xffff, v55  }
0x740: {  	v62 =	vxor.u32 s30, v0;
	v63 =	vxor.u32 s31, v0;
	v34 =	vimm.f32 $-Inf;
	[tilespmem:v2+s12+$0x0] =	vst.idx.msk $0xffff, v1  }
0x741: {  	v46 =	vor.u32 v32, v62;
	v43 =	vor.u32 v29, v62;
	v1 =	vor.u32 v32, v57;
	v2 =	vld.idx.msk [tilespmem:v58+s10+$0x0], $0xffff  }
0x742: {  	v44 =	vor.u32 v31, v62;
	v36 =	vor.u32 v31, v63;
	v50 =	vimm.f32 $-Inf  }
0x743: {  	v51 =	vimm.f32 $-Inf;
	v37 =	vimm.f32 $-Inf;
	v38 =	vimm.f32 $-Inf;
	v4 =	vld.idx.msk [tilespmem:v61+s10+$0x0], $0xffff  }
0x744: {  	v6 =	vor.u32 v31, v57;
	v35 =	vor.u32 v32, v63;
	v52 =	vor.u32 v29, v63;
	v41 =	vld.idx.msk [tilespmem:v60+s10+$0x0], $0xffff  }
0x745: {  	v59 =	vor.u32 v30, v63;
	v7 =	vor.u32 v30, v3;
	v5 =	vor.u32 v32, v3  }
0x746: {  	v56 =	vor.u32 v31, v3;
	v3 =	vor.u32 v30, v62;
	v54 =	vld.idx.msk [tilespmem:v1+s10+$0x0], $0xffff;
	v1 =	vmin.f32 v40, v2  }
0x747: {  	v48 =	vmax.f32 v40, v2;
	v2 =	vmin.f32 v40, v1;
	v57 =	vmax.f32 v40, v1  }
0x748: {  	v1 =	vmin.f32 v40, v2;
	v61 =	vmax.f32 v40, v2;
	v2 =	vmin.f32 v40, v4  }
0x749: {  	v55 =	vimm.f32 $-Inf;
	v53 =	vld.idx.msk [tilespmem:v6+s10+$0x0], $0xffff;
	v58 =	vmin.f32 v48, v41;
	v63 =	vmin.f32 v40, v2  }
0x74a: {  	v45 =	vmax.f32 v40, v2;
	v2 =	vmin.f32 v40, v63;
	v49 =	vmax.f32 v40, v63;
	v63 =	vld.idx.msk [tilespmem:v7+s10+$0x0], $0xffff  }
0x74b: {  	v47 =	vld.idx.msk [tilespmem:v3+s10+$0x0], $0xffff;
	v62 =	vmax.f32 v40, v4;
	v42 =	vmax.f32 v57, v58;
	v33 =	vmin.f32 v57, v58  }
0x74c: {  	s17 =	simm.s32 $0x4;
	v58 =	vld.idx.msk [tilespmem:v5+s10+$0x0], $0xffff;
	v57 =	vimm.f32 $-Inf;
	v60 =	vmax.f32 v40, v1;
	v1 =	vmin.f32 v40, v54  }
.LBB2_33:
0x74d: {  	s19 =	sadd.s32 $0x1, s17  }
0x74e: {  	p0 =	slt.u32 s17, $0x3C;
	v2 =	vmax.f32 v40, v2;
	v3 =	vmax.f32 v55, v1;
	v4 =	vmin.f32 v61, v33;
	v5 =	vld.idx.msk [tilespmem:v43+s10+$0x0], $0xffff;
	s18 =	smov.u32 s17;
	s17 =	sadd.s32 $0x4, s17  }
0x74f: {  	v1 =	vmin.f32 v55, v1;
	v6 =	vmin.f32 v62, v63;
	v43 =	vxor.u32 s19, v0;
	v7 =	vld.idx.msk [tilespmem:v56+s10+$0x0], $0xffff  }
0x750: {  	v33 =	vmax.f32 v61, v33;
	v40 =	vmax.f32 v62, v63;
	v55 =	vmax.f32 v50, v1;
	v56 =	vld.idx.msk [tilespmem:v59+s10+$0x0], $0xffff  }
0x751: {  	v54 =	vmax.f32 v57, v54;
	v4 =	vmax.f32 v60, v4;
	v59 =	vmin.f32 v51, v53  }
0x752: {  	v57 =	vor.u32 v29, v43;
	v51 =	vmax.f32 v51, v53;
	v53 =	vmax.f32 v40, v47;
	v52 =	vld.idx.msk [tilespmem:v52+s10+$0x0], $0xffff  }
0x753: {  	v1 =	vmin.f32 v50, v1;
	v50 =	vmax.f32 v45, v6;
	v40 =	vmin.f32 v40, v47  }
0x754: {  	v60 =	vmax.f32 v54, v58;
	v61 =	vmin.f32 v50, v40;
	v40 =	vmax.f32 v50, v40;
	v46 =	vld.idx.msk [tilespmem:v46+s10+$0x0], $0xffff  }
0x755: {  	v41 =	vmax.f32 v48, v41;
	v6 =	vmin.f32 v45, v6;
	v48 =	vmin.f32 v51, v7  }
0x756: {  	v50 =	vmin.f32 v54, v58;
	v54 =	vmin.f32 v41, v5;
	v45 =	vmax.f32 v53, v56;
	v44 =	vld.idx.msk [tilespmem:v44+s10+$0x0], $0xffff  }
0x757: {  	v47 =	vmin.f32 v49, v6;
	v58 =	vmax.f32 v39, v59;
	v5 =	vmax.f32 v41, v5  }
0x758: {  	v2 =	vmax.f32 v2, v47;
	v47 =	vmin.f32 v53, v56;
	v41 =	vmin.f32 v5, v52  }
0x759: {  	v39 =	vmin.f32 v39, v59;
	v53 =	vmin.f32 v40, v47;
	v47 =	vmax.f32 v40, v47  }
0x75a: {  	v6 =	vmax.f32 v49, v6;
	v49 =	vmax.f32 v58, v48;
	v56 =	vmin.f32 v60, v46  }
0x75b: {  	v7 =	vmax.f32 v51, v7;
	v40 =	vmin.f32 v6, v61;
	v6 =	vmax.f32 v6, v61  }
0x75c: {  	v51 =	vmin.f32 v3, v50;
	v2 =	vmax.f32 v2, v40;
	v59 =	vmin.f32 v7, v44  }
0x75d: {  	v40 =	vmin.f32 v6, v53;
	v6 =	vmax.f32 v6, v53;
	v7 =	vmax.f32 v7, v44  }
0x75e: {  	v1 =	vmax.f32 v37, v1;
	v37 =	vmin.f32 v42, v54;
	v40 =	vmax.f32 v2, v40  }
0x75f: {  	v42 =	vmax.f32 v42, v54;
	v2 =	vmin.f32 v55, v51;
	v44 =	vmin.f32 v49, v59;
	v36 =	vld.idx.msk [tilespmem:v36+s10+$0x0], $0xffff  }
0x760: {  	v54 =	vmax.f32 v33, v37;
	v53 =	vmin.f32 v34, v39;
	v51 =	vmax.f32 v55, v51  }
0x761: {  	v3 =	vmax.f32 v3, v50;
	v5 =	vmax.f32 v5, v52;
	v38 =	vmax.f32 v38, v53;
	v35 =	vld.idx.msk [tilespmem:v35+s10+$0x0], $0xffff  }
0x762: {  	v52 =	vmin.f32 v42, v41;
	v42 =	vmax.f32 v42, v41;
	v50 =	vmax.f32 v3, v56  }
0x763: {  	v34 =	vmax.f32 v34, v39;
	v41 =	vmin.f32 v54, v52;
	v3 =	vmin.f32 v3, v56  }
0x764: {  	v48 =	vmin.f32 v58, v48;
	v1 =	vmax.f32 v1, v2;
	v2 =	vmax.f32 v60, v46  }
0x765: {  	v46 =	vmin.f32 v51, v3;
	v39 =	vmax.f32 v49, v59;
	v49 =	vmin.f32 v7, v36  }
0x766: {  	v3 =	vmax.f32 v51, v3;
	v56 =	vmin.f32 v39, v49;
	v39 =	vmax.f32 v39, v49  }
0x767: {  	v1 =	vmax.f32 v1, v46;
	v49 =	vmax.f32 v54, v52;
	v46 =	vmin.f32 v2, v35  }
0x768: {  	v51 =	vxor.u32 s18, v0;
	v52 =	vmin.f32 v50, v46;
	v55 =	vmax.f32 v50, v46  }
0x769: {  	v33 =	vmin.f32 v33, v37;
	v54 =	vor.u32 v30, v51;
	v46 =	vor.u32 v29, v51  }
0x76a: {  	v53 =	vor.u32 v31, v51;
	v58 =	vor.u32 v32, v51;
	v37 =	vmin.f32 v3, v52  }
0x76b: {  	v4 =	vmax.f32 v4, v33;
	v50 =	vmin.f32 v34, v48;
	v34 =	vmax.f32 v34, v48  }
0x76c: {  	v4 =	vmax.f32 v4, v41;
	v51 =	vmax.f32 v7, v36;
	v37 =	vmax.f32 v1, v37  }
0x76d: {  	v7 =	vmin.f32 v34, v44;
	v1 =	vmax.f32 v38, v50;
	v50 =	vmax.f32 v3, v52;
	v41 =	vld.idx.msk [tilespmem:v57+s10+$0x0], $0xffff  }
0x76e: {  	v33 =	vmax.f32 v34, v44;
	v1 =	vmax.f32 v1, v7;
	v57 =	vmax.f32 v2, v35;
	v3 =	vld.idx.msk [tilespmem:v46+s10+$0x0], $0xffff  }
0x76f: {  	s19 =	sadd.s32 $0x2, s18;
	v34 =	vmax.f32 v33, v56;
	v7 =	vmin.f32 v33, v56;
	v2 =	vor.u32 v30, v43;
	v53 =	vld.idx.msk [tilespmem:v53+s10+$0x0], $0xffff  }
0x770: {  	v60 =	vor.u32 v32, v43;
	v38 =	vmax.f32 v1, v7;
	v35 =	vxor.u32 s19, v0;
	v33 =	vld.idx.msk [tilespmem:v54+s10+$0x0], $0xffff  }
0x771: {  	s18 =	sadd.s32 $0x3, s18;
	v56 =	vor.u32 v31, v43;
	v7 =	vor.u32 v30, v35;
	v46 =	vor.u32 v32, v35;
	v54 =	vld.idx.msk [tilespmem:v58+s10+$0x0], $0xffff  }
0x772: {  	v1 =	vxor.u32 s18, v0;
	v43 =	vor.u32 v29, v35;
	v44 =	vor.u32 v31, v35  }
0x773: {  	v52 =	vor.u32 v29, v1;
	v59 =	vor.u32 v30, v1;
	v36 =	vor.u32 v31, v1  }
0x774: {  	v35 =	vor.u32 v32, v1;
	v58 =	vmin.f32 v5, v3;
	v48 =	vmax.f32 v5, v3  }
.Ltmp15:
0x775: {  	v1 =	vmin.f32 v42, v58;
	v3 =	vmax.f32 v42, v58;
	v5 =	vmin.f32 v48, v41;
	v63 =	vld.idx.msk [tilespmem:v2+s10+$0x0], $0xffff;
	(pc) =	sbr.rel @p0 .LBB2_33-.Ltmp15, $4  }
0x776: {  	v2 =	vmin.f32 v49, v1;
	v61 =	vmax.f32 v49, v1;
	v1 =	vmin.f32 v45, v33;
	v58 =	vld.idx.msk [tilespmem:v60+s10+$0x0], $0xffff  }
0x777: {  	v62 =	vmax.f32 v45, v33;
	v42 =	vmax.f32 v3, v5;
	v60 =	vmax.f32 v4, v2  }
0x778: {  	v4 =	vmin.f32 v47, v1;
	v45 =	vmax.f32 v47, v1;
	v1 =	vmin.f32 v57, v54;
	v47 =	vld.idx.msk [tilespmem:v7+s10+$0x0], $0xffff  }
0x779: {  	v33 =	vmin.f32 v3, v5;
	v2 =	vmin.f32 v6, v4;
	v49 =	vmax.f32 v6, v4  }
0x77a: {  	_ = 	snop  }
0x77b: {  	v2 =	vmax.f32 v40, v2  }
0x77c: {  	v3 =	vmax.f32 v55, v1;
	v4 =	vmin.f32 v61, v33;
	v1 =	vmin.f32 v55, v1  }
0x77d: {  	v6 =	vmin.f32 v62, v63;
	v33 =	vmax.f32 v61, v33;
	v62 =	vmax.f32 v62, v63  }
0x77e: {  	v7 =	vld.idx.msk [tilespmem:v56+s10+$0x0], $0xffff;
	v56 =	vmin.f32 v51, v53;
	v54 =	vmax.f32 v57, v54;
	v51 =	vmax.f32 v51, v53  }
0x77f: {  	v41 =	vmax.f32 v48, v41;
	v40 =	vmax.f32 v50, v1;
	v4 =	vmax.f32 v60, v4  }
0x780: {  	v5 =	vld.idx.msk [tilespmem:v43+s10+$0x0], $0xffff;
	v1 =	vmin.f32 v50, v1;
	v60 =	vmax.f32 v45, v6;
	v6 =	vmin.f32 v45, v6  }
0x781: {  	v55 =	vld.idx.msk [tilespmem:v59+s10+$0x0], $0xffff;
	v48 =	vmin.f32 v54, v58;
	v1 =	vmax.f32 v37, v1;
	v63 =	vmax.f32 v62, v47  }
0x782: {  	v43 =	vmin.f32 v62, v47;
	v47 =	vmax.f32 v54, v58;
	v58 =	vmax.f32 v39, v56  }
0x783: {  	v52 =	vld.idx.msk [tilespmem:v52+s10+$0x0], $0xffff;
	v62 =	vmin.f32 v49, v6;
	v39 =	vmin.f32 v39, v56;
	v6 =	vmax.f32 v49, v6  }
0x784: {  	v46 =	vld.idx.msk [tilespmem:v46+s10+$0x0], $0xffff;
	v61 =	vmin.f32 v60, v43;
	v43 =	vmax.f32 v60, v43;
	v2 =	vmax.f32 v2, v62  }
0x785: {  	v44 =	vld.idx.msk [tilespmem:v44+s10+$0x0], $0xffff;
	v60 =	vmin.f32 v3, v48;
	v3 =	vmax.f32 v3, v48;
	v45 =	vmin.f32 v51, v7  }
0x786: {  	v50 =	vmin.f32 v41, v5;
	v54 =	vmax.f32 v63, v55;
	v5 =	vmax.f32 v41, v5  }
0x787: {  	v53 =	vmin.f32 v63, v55;
	v7 =	vmax.f32 v51, v7;
	v63 =	vmin.f32 v6, v61  }
0x788: {  	v6 =	vmax.f32 v6, v61;
	v41 =	vmin.f32 v5, v52;
	v55 =	vmin.f32 v43, v53  }
0x789: {  	v43 =	vmax.f32 v43, v53;
	v49 =	vmax.f32 v58, v45;
	v53 =	vmin.f32 v47, v46  }
0x78a: {  	v2 =	vmax.f32 v2, v63;
	v51 =	vmin.f32 v7, v44;
	v7 =	vmax.f32 v7, v44  }
0x78b: {  	v37 =	vmin.f32 v42, v50;
	v44 =	vmin.f32 v40, v60;
	v62 =	vmax.f32 v42, v50  }
0x78c: {  	v36 =	vld.idx.msk [tilespmem:v36+s10+$0x0], $0xffff;
	v63 =	vmin.f32 v34, v39;
	v40 =	vmax.f32 v40, v60;
	v5 =	vmax.f32 v5, v52  }
0x78d: {  	v60 =	vmax.f32 v34, v39;
	v61 =	vmin.f32 v6, v55;
	v6 =	vmax.f32 v6, v55  }
0x78e: {  	v50 =	vmin.f32 v49, v51;
	v56 =	vmax.f32 v33, v37;
	v38 =	vmax.f32 v38, v63  }
0x78f: {  	v48 =	vmax.f32 v3, v53;
	v59 =	vmin.f32 v62, v41;
	v41 =	vmax.f32 v62, v41  }
0x790: {  	v35 =	vld.idx.msk [tilespmem:v35+s10+$0x0], $0xffff;
	v3 =	vmin.f32 v3, v53;
	v62 =	vmin.f32 v58, v45;
	v1 =	vmax.f32 v1, v44  }
0x791: {  	v44 =	vmax.f32 v47, v46;
	v63 =	vmax.f32 v49, v51;
	v51 =	vmin.f32 v7, v36  }
0x792: {  	v33 =	vmin.f32 v33, v37;
	v7 =	vmax.f32 v7, v36;
	v42 =	vmin.f32 v5, v54  }
0x793: {  	v2 =	vmax.f32 v2, v61;
	v61 =	vmin.f32 v56, v59;
	v49 =	vmin.f32 v40, v3  }
0x794: {  	v3 =	vmax.f32 v40, v3;
	v53 =	vmin.f32 v63, v51;
	v45 =	vmax.f32 v63, v51  }
0x795: {  	v55 =	vmax.f32 v56, v59;
	v56 =	vmin.f32 v44, v35;
	v59 =	vmin.f32 v60, v62  }
0x796: {  	v4 =	vmax.f32 v4, v33;
	v60 =	vmax.f32 v60, v62;
	v35 =	vmax.f32 v44, v35  }
0x797: {  	v40 =	vmax.f32 v41, v43;
	v1 =	vmax.f32 v1, v49;
	v57 =	vmin.f32 v48, v56  }
0x798: {  	v47 =	vmax.f32 v48, v56;
	v4 =	vmax.f32 v4, v61;
	v61 =	vmax.f32 v38, v59  }
0x799: {  	v62 =	vmin.f32 v60, v50;
	v33 =	vmax.f32 v60, v50;
	v38 =	vmax.f32 v5, v54  }
0x79a: {  	v36 =	vmax.f32 v40, v42;
	v44 =	vmax.f32 v55, v6;
	v48 =	vmin.f32 v41, v54  }
0x79b: {  	v49 =	vmin.f32 v41, v43;
	v6 =	vmin.f32 v5, v6;
	v5 =	vmin.f32 v5, v43  }
0x79c: {  	v50 =	vmin.f32 v55, v54;
	v51 =	vmin.f32 v7, v35;
	v56 =	vor.u32 $0x1C, v10  }
0x79d: {  	v58 =	vmin.f32 v3, v57;
	v3 =	vmax.f32 v3, v57;
	v34 =	vmax.f32 v61, v62  }
0x79e: {  	v63 =	vmin.f32 v33, v53;
	v33 =	vmax.f32 v33, v53;
	v6 =	vmax.f32 v49, v6  }
0x79f: {  	v5 =	vmax.f32 v48, v5;
	v2 =	vmax.f32 v4, v2;
	v53 =	vmin.f32 v45, v35  }
0x7a0: {  	v54 =	vmin.f32 v45, v47;
	v61 =	vor.u32 $0x1E, v10;
	v1 =	vmax.f32 v1, v58  }
0x7a1: {  	v34 =	vmax.f32 v34, v63;
	v4 =	vmax.f32 v50, v6;
	v5 =	vmax.f32 v44, v5  }
0x7a2: {  	v6 =	vmax.f32 v45, v47;
	v52 =	vmax.f32 v33, v3;
	v3 =	vmin.f32 v7, v3  }
0x7a3: {  	v33 =	vmin.f32 v33, v35;
	v58 =	vor.u32 $0x1D, v10;
	v63 =	vor.u32 $0x1F, v10  }
0x7a4: {  	v2 =	vmax.f32 v2, v4;
	v4 =	vmax.f32 v7, v35;
	v7 =	vmin.f32 v7, v47  }
0x7a5: {  	v3 =	vmax.f32 v54, v3;
	v1 =	vmax.f32 v34, v1;
	v6 =	vmax.f32 v6, v51  }
0x7a6: {  	v7 =	vmax.f32 v53, v7;
	v3 =	vmax.f32 v33, v3;
	v55 =	vmin.f32 v38, v4  }
0x7a7: {  	v57 =	vmax.f32 v38, v4;
	v59 =	vmin.f32 v36, v4;
	v60 =	vmin.f32 v38, v6  }
0x7a8: {  	s16 =	sadd.s32 $0x1, s16;
	v4 =	vmin.f32 v5, v4;
	v7 =	vmax.f32 v52, v7;
	v1 =	vmax.f32 v1, v3  }
0x7a9: {  	p0 =	sne.s32 s16, $0x10;
	v3 =	vmax.f32 v36, v6;
	v37 =	vmax.f32 v59, v60;
	v6 =	vmin.f32 v36, v6  }
.Ltmp16:
0x7aa: {  	[tilespmem:v56+s12+$0x0] =	vst.idx.msk $0xffff, v57;
	v62 =	vmax.f32 v5, v7;
	v7 =	vmin.f32 v38, v7;
	(pc) =	sbr.rel @p0 .LBB2_2-.Ltmp16, $4  }
0x7ab: {  	v10 =	vld [tilespmem:$0x1FFC0];
	v3 =	vmax.f32 v3, v55;
	v1 =	vmax.f32 v2, v1;
	v5 =	vmax.f32 v6, v7  }
0x7ac: {  	v37 =	vmax.f32 v62, v37;
	[tilespmem:v58+s12+$0x0] =	vst.idx.msk $0xffff, v3;
	v7 =	vld [tilespmem:$0x1FFA0];
	v2 =	vmax.f32 v4, v5  }
0x7ad: {  	v3 =	vld [tilespmem:$0x1FFB0];
	[tilespmem:v61+s12+$0x0] =	vst.idx.msk $0xffff, v37;
	v1 =	vmax.f32 v1, v2  }
0x7ae: {  	v4 =	vld [tilespmem:$0x1FF90];
	[tilespmem:v63+s12+$0x0] =	vst.idx.msk $0xffff, v1  }
0x7af: {  	s15 =	sadd.s32 $0x1, s15  }
0x7b0: {  	p0 =	sne.s32 s15, s9  }
.Ltmp17:
0x7b1: {  	_ = 	snop;
	(pc) =	sbr.rel @p0 .LBB2_1-.Ltmp17, $4  }
0x7b2: {  	[hbm4b:s8+s3] =	stream.linear.scatter [tilespmem:s12], [sflag:$0x3], $0x4000, $0x38;
	[tilespmem:$0x14000] =	vst v63  }
0x7b3: {  	_ =	swait.ge [sflag:s14], $0x4000  }
0x7b4: {  	[sflag:s14] =	ssyncset.done $0x0  }
0x7b5: {  	[sflag:s14] =	ssyncadd.s32 $0xFFFFC000  }
0x7b6: {  	_ =	sfence.sel $0x180000  }
0x7b7: {  	[bflag:$0x0] =	sbarrier.arrive $0xFFFF  }
0x7b8: {  	p0 =	sne.s32 s2, $0x0;
	_ =	strace $0x90000047  }
0x7b9: {  	s0 =	sadd.s32 @!p0 $0x100000, s1;
	[bflag:$0x2] =	sbarrier.arrive $0xFFFF  }
0x7ba: {  	[sflag:s0] =	ssyncadd.tile.s32 @!p0 $0x1;
	_ =	shalt  }
.Lfunc_end2:
_tile_overlayer_lowered:
.L_overlay_start_2:
0x7bb: {  	(tag) =	ssettag $0x2  }
0x7bc: {  	s0 =	rddreg [dreg:$0x0];
	s2 =	stileid.u32  }
0x7bd: {  	s1 =	rddreg [dreg:$0x1];
	p0 =	sne.s32 s2, $0x0  }
0x7be: {  	s3 =	rddreg [dreg:$0x2];
	[bflag:$0x3] =	sbarrier.arrive $0xFFFF;
	s2 =	simm.s32 @!p0 $0x1C03  }
0x7bf: {  	[timem:s3], [sflag:s2] =	dma.local @!p0 [hbm:s0], s1  }
0x7c0: {  	s0 =	simm.s32 @!p0 $0x3  }
0x7c1: {  	_ =	swait.ge @!p0 [sflag:s0], s1  }
0x7c2: {  	s1 =	ssub.s32 @!p0 $0x0, s1;
	[sflag:s0] =	ssyncset.done @!p0 $0x0  }
0x7c3: {  	[sflag:s0] =	ssyncadd.s32 @!p0 s1  }
0x7c4: {  	[bflag:$0x3] =	sbarrier.arrive $0xFFFF  }
0x7c5: {  	_ =	shalt  }

</sc_bundles>
